<compile_context>
chip_gen: v7x
topology: tpu7x:2x2x1
jax: 0.10.2.dev20260603
libtpu: 0.0.44.dev20260713+nightly
codegen_flags: <defaults>
</compile_context>

<pallas_src>
import functools

import jax
import jax.numpy as jnp
from jax import lax
from jax.experimental import pallas as pl
from jax.experimental.pallas import tpu as pltpu
from jax.experimental.pallas import tpu_sc as plsc

_N_TOKENS = 32768
_D = 768
_E = 8
_BLK = 3072

_SC_TOKENS = 2048
_TC_TOKENS = _N_TOKENS - _SC_TOKENS
_NW = 32
_TPW = _SC_TOKENS // _NW
_C = 32
_NCHUNK = _TPW // _C
_NDC = _D // 16


def _tc_body(x_ref, wt_ref, w_out_ref, i_out_ref):
    s = jnp.dot(x_ref[...], wt_ref[...], preferred_element_type=jnp.float32)
    m = jnp.max(s, axis=1, keepdims=True)
    lane = jax.lax.broadcasted_iota(jnp.int32, s.shape, 1)
    idx = jnp.min(jnp.where(s == m, lane, _E), axis=1, keepdims=True)
    w_out_ref[...] = m
    i_out_ref[...] = idx


def _tc_router(x, wt):
    return pl.pallas_call(
        _tc_body,
        grid=(_TC_TOKENS // _BLK,),
        in_specs=[
            pl.BlockSpec((_BLK, _D), lambda i: (i, 0)),
            pl.BlockSpec((_D, _E), lambda i: (0, 0)),
        ],
        out_specs=[
            pl.BlockSpec((_BLK, 1), lambda i: (i, 0)),
            pl.BlockSpec((_BLK, 1), lambda i: (i, 0)),
        ],
        out_shape=[
            jax.ShapeDtypeStruct((_TC_TOKENS, 1), jnp.float32),
            jax.ShapeDtypeStruct((_TC_TOKENS, 1), jnp.int32),
        ],
    )(x, wt)


def _sc_body(xf_hbm, wf_hbm, wout_hbm, iout_hbm,
             xbuf, wbuf, tbuf, gw, gi, wov, iov):
    cid = lax.axis_index("c")
    sid = lax.axis_index("s")
    wid = sid * 2 + cid
    base = _TC_TOKENS + wid * _TPW

    pltpu.sync_copy(wf_hbm, wbuf)

    def _round_buf_to_bf16(buf, nvec):
        def body(k, carry):
            v = buf[pl.ds(16 * k, 16)]
            t = v * jnp.float32(65537.0)
            h = t - (t - v)
            buf[pl.ds(16 * k, 16)] = h
            return carry

        lax.fori_loop(0, nvec, body, 0)

    _round_buf_to_bf16(wbuf, _E * _D // 16)

    zeros16 = jnp.zeros((16,), jnp.float32)
    for r in range(2 * _E):
        tbuf[pl.ds(r * 16, 16)] = zeros16

    def _top1_store(acc, loc):
        s = list(acc)
        for e in range(_E):
            tbuf[pl.ds(e * 32, 16)] = s[e]
        for shift in (8, 4, 2, 1):
            for e in range(_E):
                h = tbuf[pl.ds(e * 32 + shift, 16)]
                s[e] = s[e] + h
                if shift > 1:
                    tbuf[pl.ds(e * 32, 16)] = s[e]
        best = s[0]
        bidx = jnp.zeros((16,), jnp.int32)
        for e in range(1, _E):
            g = s[e] > best
            best = jnp.where(g, s[e], best)
            bidx = jnp.where(g, jnp.full((16,), e, jnp.int32), bidx)
        r = lax.rem(loc, 16)
        gw[pl.ds(r, 16)] = best
        gi[pl.ds(r, 16)] = bidx

        @pl.when(r == 15)
        def _flush():
            wov[pl.ds(loc - 15, 16)] = gw[pl.ds(0, 16)]
            iov[pl.ds(loc - 15, 16)] = gi[pl.ds(0, 16)]

    def chunk_body(j, carry):
        tok0 = base + j * _C
        pltpu.sync_copy(xf_hbm.at[pl.ds(tok0 * _D, _C * _D)], xbuf)
        _round_buf_to_bf16(xbuf, _C * _D // 16)

        def pair_body(p, carry2):
            off0 = (2 * p) * _D
            off1 = off0 + _D
            acc0 = [jnp.zeros((16,), jnp.float32) for _ in range(_E)]
            acc1 = [jnp.zeros((16,), jnp.float32) for _ in range(_E)]
            for c in range(_NDC):
                x0 = xbuf[pl.ds(off0 + c * 16, 16)]
                x1 = xbuf[pl.ds(off1 + c * 16, 16)]
                for e in range(_E):
                    wv = wbuf[pl.ds(e * _D + c * 16, 16)]
                    acc0[e] = acc0[e] + x0 * wv
                    acc1[e] = acc1[e] + x1 * wv
            loc = j * _C + 2 * p
            _top1_store(acc0, loc)
            _top1_store(acc1, loc + 1)
            return carry2

        lax.fori_loop(0, _C // 2, pair_body, 0)
        return carry

    lax.fori_loop(0, _NCHUNK, chunk_body, 0)

    pltpu.sync_copy(wov, wout_hbm.at[pl.ds(wid * _TPW, _TPW)])
    pltpu.sync_copy(iov, iout_hbm.at[pl.ds(wid * _TPW, _TPW)])


_sc_router = functools.partial(
    pl.kernel,
    out_type=[
        jax.ShapeDtypeStruct((_SC_TOKENS,), jnp.float32),
        jax.ShapeDtypeStruct((_SC_TOKENS,), jnp.int32),
    ],
    mesh=plsc.VectorSubcoreMesh(
        core_axis_name="c", subcore_axis_name="s", num_cores=2, num_subcores=16
    ),
    scratch_types=[
        pltpu.VMEM((_C * _D,), jnp.float32),
        pltpu.VMEM((_E * _D,), jnp.float32),
        pltpu.VMEM((2 * _E * 16,), jnp.float32),
        pltpu.VMEM((32,), jnp.float32),
        pltpu.VMEM((32,), jnp.int32),
        pltpu.VMEM((_TPW,), jnp.float32),
        pltpu.VMEM((_TPW,), jnp.int32),
    ],
)(_sc_body)


def kernel(x, W):
    wt = W.T
    tc_w, tc_i = _tc_router(x, wt)
    sc_w, sc_i = _sc_router(x.reshape(-1), W.reshape(-1))
    weights = jnp.concatenate([tc_w, sc_w[:, None]], axis=0)
    indices = jnp.concatenate([tc_i, sc_i[:, None]], axis=0)
    return (weights, indices)

# --- scband reference (transcript-rebuilt; emitter-appended) ---
"""Pipeline reference for scband-router-704374636924 (READ-ONLY COPY).

The authoritative reference and input builder live on the scoring server;
editing this copy changes nothing except your own understanding.
"""

import jax, jax.numpy as jnp
import numpy as np

INPUT_DIM = 768
NUM_EXPERTS = 8
K = 1
N_TOKENS = 32768


def setup_inputs(seed: int = 0) -> dict:
    key = jax.random.key(seed)
    k_x, k_w = jax.random.split(key)
    x = jax.random.normal(k_x, (N_TOKENS, INPUT_DIM), dtype=jnp.float32)
    # nn.Linear(input_dim, num_experts, bias=False) -> weight [num_experts, input_dim]
    W = jax.random.normal(k_w, (NUM_EXPERTS, INPUT_DIM), dtype=jnp.float32) * (1.0 / np.sqrt(INPUT_DIM))
    return {"x": x, "W": W}


def reference(x, W):
    # Eval-mode forward: no gaussian noise, no aux loss (self.training is False).
    routing_scores = x @ W.T  # [N, num_experts]
    routing_weights, routing_indices = jax.lax.top_k(routing_scores, K)
    aux_loss = None
    return (routing_weights, routing_indices)

if __name__ == "__main__":
    import jax
    _d = setup_inputs()
    print(jax.jit(kernel)(*tuple(_d.values())))

</pallas_src>

<mosaic_0001>
#map = affine_map<(d0, d1) -> (0)>
module attributes {stable_mosaic.version = 14 : i64} {
  func.func @_sc_body(%arg0: i32, %arg1: i32, %arg2: memref<25165824xf32, #tpu.memory_space<hbm>>, %arg3: memref<6144xf32, #tpu.memory_space<hbm>>, %arg4: memref<2048xf32, #tpu.memory_space<hbm>>, %arg5: memref<2048xi32, #tpu.memory_space<hbm>>, %arg6: memref<24576xf32, #tpu.memory_space<vmem>>, %arg7: memref<6144xf32, #tpu.memory_space<vmem>>, %arg8: memref<256xf32, #tpu.memory_space<vmem>>, %arg9: memref<32xf32, #tpu.memory_space<vmem>>, %arg10: memref<32xi32, #tpu.memory_space<vmem>>, %arg11: memref<64xf32, #tpu.memory_space<vmem>>, %arg12: memref<64xi32, #tpu.memory_space<vmem>>) attributes {dimension_semantics = [#tpu.dimension_semantics<core_parallel>, #tpu.dimension_semantics<subcore_parallel>], iteration_bounds = array<i64: 2, 16>, scalar_prefetch = 0 : i64, scratch_operands = 7 : i64, tpu.core_type = #tpu.core_type<sc_vector_subcore>, window_params = [{transform_indices = #map}, {transform_indices = #map}, {transform_indices = #map}, {transform_indices = #map}]} {
    %mul3A = arith.constant 2 : i32
    %mul3A_0 = arith.muli %arg1, %mul3A : i32
    %add3A = arith.addi %mul3A_0, %arg0 : i32
    %mul3A_1 = arith.constant 64 : i32
    %mul3A_2 = arith.muli %add3A, %mul3A_1 : i32
    %add3A_3 = arith.constant 30720 : i32
    %add3A_4 = arith.addi %add3A_3, %mul3A_2 : i32
    "tpu.region"() ({
      %run_scoped3A = tpu.sem_alloc : memref<!tpu.dma_semaphore, #tpu.memory_space<semaphore_mem>>
      tpu.enqueue_dma source(%arg3 : memref<6144xf32, #tpu.memory_space<hbm>>) target(%arg7 : memref<6144xf32, #tpu.memory_space<vmem>>) target_semaphore(%run_scoped3A : memref<!tpu.dma_semaphore, #tpu.memory_space<semaphore_mem>>)
      tpu.wait_dma2 semaphore(%run_scoped3A : memref<!tpu.dma_semaphore, #tpu.memory_space<semaphore_mem>>) src(%arg3 : memref<6144xf32, #tpu.memory_space<hbm>>) dst(%arg7 : memref<6144xf32, #tpu.memory_space<vmem>>)
      tpu.yield
    }) : () -> ()
    %scan3A = arith.constant 0 : i32
    %scan3A_5 = arith.constant 0 : i32
    %scan3A_6 = arith.constant 384 : i32
    %scan3A_7 = arith.addi %scan3A_5, %scan3A_6 : i32
    %scan3A_8 = arith.constant 1 : i32
    scf.for %scan3A_84 = %scan3A_5 to %scan3A_7 step %scan3A_8  : i32 {
      %mul3A_85 = arith.constant 16 : i32
      %mul3A_86 = arith.muli %mul3A_85, %scan3A_84 : i32
      %get3A = arith.index_cast %mul3A_86 : i32 to index
      %get3A_87 = tpu.vector_load %arg7[%get3A] {strides = array<i32>} : memref<6144xf32, #tpu.memory_space<vmem>>, vector<16xf32>,
      %get3A_88 = vector.shape_cast %get3A_87 : vector<16xf32> to vector<16xf32>
      %mul3A_89 = arith.constant 6.553700e+04 : f32
      %mul3A_90 = vector.broadcast %mul3A_89 : f32 to vector<16xf32>
      %mul3A_91 = arith.mulf %get3A_88, %mul3A_90 : vector<16xf32>
      %sub3A = arith.subf %mul3A_91, %get3A_88 : vector<16xf32>
      %sub3A_92 = arith.subf %mul3A_91, %sub3A : vector<16xf32>
      %mul3A_93 = arith.constant 16 : i32
      %mul3A_94 = arith.muli %mul3A_93, %scan3A_84 : i32
      %swap3A_95 = arith.index_cast %mul3A_94 : i32 to index
      %swap3A_96 = tpu.vector_load %arg7[%swap3A_95] {strides = array<i32>} : memref<6144xf32, #tpu.memory_space<vmem>>, vector<16xf32>,
      %swap3A_97 = vector.shape_cast %swap3A_96 : vector<16xf32> to vector<16xf32>
      %swap3A_98 = vector.shape_cast %sub3A_92 : vector<16xf32> to vector<16xf32>
      tpu.vector_store %arg7[%swap3A_95], %swap3A_98 {strides = array<i32>} : memref<6144xf32, #tpu.memory_space<vmem>>, vector<16xf32>,
    }
    %scan3A_9 = arith.constant 384 : i32
    %broadcast_in_dim3A = arith.constant 0.000000e+00 : f32
    %broadcast_in_dim3A_10 = vector.broadcast %broadcast_in_dim3A : f32 to vector<16xf32>
    %swap3A = arith.constant 0 : index
    %swap3A_11 = tpu.vector_load %arg8[%swap3A] {strides = array<i32>} : memref<256xf32, #tpu.memory_space<vmem>>, vector<16xf32>,
    %swap3A_12 = vector.shape_cast %swap3A_11 : vector<16xf32> to vector<16xf32>
    %swap3A_13 = vector.shape_cast %broadcast_in_dim3A_10 : vector<16xf32> to vector<16xf32>
    tpu.vector_store %arg8[%swap3A], %swap3A_13 {strides = array<i32>} : memref<256xf32, #tpu.memory_space<vmem>>, vector<16xf32>,
    %swap3A_14 = arith.constant 16 : index
    %swap3A_15 = tpu.vector_load %arg8[%swap3A_14] {strides = array<i32>} : memref<256xf32, #tpu.memory_space<vmem>>, vector<16xf32>,
    %swap3A_16 = vector.shape_cast %swap3A_15 : vector<16xf32> to vector<16xf32>
    %swap3A_17 = vector.shape_cast %broadcast_in_dim3A_10 : vector<16xf32> to vector<16xf32>
    tpu.vector_store %arg8[%swap3A_14], %swap3A_17 {strides = array<i32>} : memref<256xf32, #tpu.memory_space<vmem>>, vector<16xf32>,
    %swap3A_18 = arith.constant 32 : index
    %swap3A_19 = tpu.vector_load %arg8[%swap3A_18] {strides = array<i32>} : memref<256xf32, #tpu.memory_space<vmem>>, vector<16xf32>,
    %swap3A_20 = vector.shape_cast %swap3A_19 : vector<16xf32> to vector<16xf32>
    %swap3A_21 = vector.shape_cast %broadcast_in_dim3A_10 : vector<16xf32> to vector<16xf32>
    tpu.vector_store %arg8[%swap3A_18], %swap3A_21 {strides = array<i32>} : memref<256xf32, #tpu.memory_space<vmem>>, vector<16xf32>,
    %swap3A_22 = arith.constant 48 : index
    %swap3A_23 = tpu.vector_load %arg8[%swap3A_22] {strides = array<i32>} : memref<256xf32, #tpu.memory_space<vmem>>, vector<16xf32>,
    %swap3A_24 = vector.shape_cast %swap3A_23 : vector<16xf32> to vector<16xf32>
    %swap3A_25 = vector.shape_cast %broadcast_in_dim3A_10 : vector<16xf32> to vector<16xf32>
    tpu.vector_store %arg8[%swap3A_22], %swap3A_25 {strides = array<i32>} : memref<256xf32, #tpu.memory_space<vmem>>, vector<16xf32>,
    %swap3A_26 = arith.constant 64 : index
    %swap3A_27 = tpu.vector_load %arg8[%swap3A_26] {strides = array<i32>} : memref<256xf32, #tpu.memory_space<vmem>>, vector<16xf32>,
    %swap3A_28 = vector.shape_cast %swap3A_27 : vector<16xf32> to vector<16xf32>
    %swap3A_29 = vector.shape_cast %broadcast_in_dim3A_10 : vector<16xf32> to vector<16xf32>
    tpu.vector_store %arg8[%swap3A_26], %swap3A_29 {strides = array<i32>} : memref<256xf32, #tpu.memory_space<vmem>>, vector<16xf32>,
    %swap3A_30 = arith.constant 80 : index
    %swap3A_31 = tpu.vector_load %arg8[%swap3A_30] {strides = array<i32>} : memref<256xf32, #tpu.memory_space<vmem>>, vector<16xf32>,
    %swap3A_32 = vector.shape_cast %swap3A_31 : vector<16xf32> to vector<16xf32>
    %swap3A_33 = vector.shape_cast %broadcast_in_dim3A_10 : vector<16xf32> to vector<16xf32>
    tpu.vector_store %arg8[%swap3A_30], %swap3A_33 {strides = array<i32>} : memref<256xf32, #tpu.memory_space<vmem>>, vector<16xf32>,
    %swap3A_34 = arith.constant 96 : index
    %swap3A_35 = tpu.vector_load %arg8[%swap3A_34] {strides = array<i32>} : memref<256xf32, #tpu.memory_space<vmem>>, vector<16xf32>,
    %swap3A_36 = vector.shape_cast %swap3A_35 : vector<16xf32> to vector<16xf32>
    %swap3A_37 = vector.shape_cast %broadcast_in_dim3A_10 : vector<16xf32> to vector<16xf32>
    tpu.vector_store %arg8[%swap3A_34], %swap3A_37 {strides = array<i32>} : memref<256xf32, #tpu.memory_space<vmem>>, vector<16xf32>,
    %swap3A_38 = arith.constant 112 : index
    %swap3A_39 = tpu.vector_load %arg8[%swap3A_38] {strides = array<i32>} : memref<256xf32, #tpu.memory_space<vmem>>, vector<16xf32>,
    %swap3A_40 = vector.shape_cast %swap3A_39 : vector<16xf32> to vector<16xf32>
    %swap3A_41 = vector.shape_cast %broadcast_in_dim3A_10 : vector<16xf32> to vector<16xf32>
    tpu.vector_store %arg8[%swap3A_38], %swap3A_41 {strides = array<i32>} : memref<256xf32, #tpu.memory_space<vmem>>, vector<16xf32>,
    %swap3A_42 = arith.constant 128 : index
    %swap3A_43 = tpu.vector_load %arg8[%swap3A_42] {strides = array<i32>} : memref<256xf32, #tpu.memory_space<vmem>>, vector<16xf32>,
    %swap3A_44 = vector.shape_cast %swap3A_43 : vector<16xf32> to vector<16xf32>
    %swap3A_45 = vector.shape_cast %broadcast_in_dim3A_10 : vector<16xf32> to vector<16xf32>
    tpu.vector_store %arg8[%swap3A_42], %swap3A_45 {strides = array<i32>} : memref<256xf32, #tpu.memory_space<vmem>>, vector<16xf32>,
    %swap3A_46 = arith.constant 144 : index
    %swap3A_47 = tpu.vector_load %arg8[%swap3A_46] {strides = array<i32>} : memref<256xf32, #tpu.memory_space<vmem>>, vector<16xf32>,
    %swap3A_48 = vector.shape_cast %swap3A_47 : vector<16xf32> to vector<16xf32>
    %swap3A_49 = vector.shape_cast %broadcast_in_dim3A_10 : vector<16xf32> to vector<16xf32>
    tpu.vector_store %arg8[%swap3A_46], %swap3A_49 {strides = array<i32>} : memref<256xf32, #tpu.memory_space<vmem>>, vector<16xf32>,
    %swap3A_50 = arith.constant 160 : index
    %swap3A_51 = tpu.vector_load %arg8[%swap3A_50] {strides = array<i32>} : memref<256xf32, #tpu.memory_space<vmem>>, vector<16xf32>,
    %swap3A_52 = vector.shape_cast %swap3A_51 : vector<16xf32> to vector<16xf32>
    %swap3A_53 = vector.shape_cast %broadcast_in_dim3A_10 : vector<16xf32> to vector<16xf32>
    tpu.vector_store %arg8[%swap3A_50], %swap3A_53 {strides = array<i32>} : memref<256xf32, #tpu.memory_space<vmem>>, vector<16xf32>,
    %swap3A_54 = arith.constant 176 : index
    %swap3A_55 = tpu.vector_load %arg8[%swap3A_54] {strides = array<i32>} : memref<256xf32, #tpu.memory_space<vmem>>, vector<16xf32>,
    %swap3A_56 = vector.shape_cast %swap3A_55 : vector<16xf32> to vector<16xf32>
    %swap3A_57 = vector.shape_cast %broadcast_in_dim3A_10 : vector<16xf32> to vector<16xf32>
    tpu.vector_store %arg8[%swap3A_54], %swap3A_57 {strides = array<i32>} : memref<256xf32, #tpu.memory_space<vmem>>, vector<16xf32>,
    %swap3A_58 = arith.constant 192 : index
    %swap3A_59 = tpu.vector_load %arg8[%swap3A_58] {strides = array<i32>} : memref<256xf32, #tpu.memory_space<vmem>>, vector<16xf32>,
    %swap3A_60 = vector.shape_cast %swap3A_59 : vector<16xf32> to vector<16xf32>
    %swap3A_61 = vector.shape_cast %broadcast_in_dim3A_10 : vector<16xf32> to vector<16xf32>
    tpu.vector_store %arg8[%swap3A_58], %swap3A_61 {strides = array<i32>} : memref<256xf32, #tpu.memory_space<vmem>>, vector<16xf32>,
    %swap3A_62 = arith.constant 208 : index
    %swap3A_63 = tpu.vector_load %arg8[%swap3A_62] {strides = array<i32>} : memref<256xf32, #tpu.memory_space<vmem>>, vector<16xf32>,
    %swap3A_64 = vector.shape_cast %swap3A_63 : vector<16xf32> to vector<16xf32>
    %swap3A_65 = vector.shape_cast %broadcast_in_dim3A_10 : vector<16xf32> to vector<16xf32>
    tpu.vector_store %arg8[%swap3A_62], %swap3A_65 {strides = array<i32>} : memref<256xf32, #tpu.memory_space<vmem>>, vector<16xf32>,
    %swap3A_66 = arith.constant 224 : index
    %swap3A_67 = tpu.vector_load %arg8[%swap3A_66] {strides = array<i32>} : memref<256xf32, #tpu.memory_space<vmem>>, vector<16xf32>,
    %swap3A_68 = vector.shape_cast %swap3A_67 : vector<16xf32> to vector<16xf32>
    %swap3A_69 = vector.shape_cast %broadcast_in_dim3A_10 : vector<16xf32> to vector<16xf32>
    tpu.vector_store %arg8[%swap3A_66], %swap3A_69 {strides = array<i32>} : memref<256xf32, #tpu.memory_space<vmem>>, vector<16xf32>,
    %swap3A_70 = arith.constant 240 : index
    %swap3A_71 = tpu.vector_load %arg8[%swap3A_70] {strides = array<i32>} : memref<256xf32, #tpu.memory_space<vmem>>, vector<16xf32>,
    %swap3A_72 = vector.shape_cast %swap3A_71 : vector<16xf32> to vector<16xf32>
    %swap3A_73 = vector.shape_cast %broadcast_in_dim3A_10 : vector<16xf32> to vector<16xf32>
    tpu.vector_store %arg8[%swap3A_70], %swap3A_73 {strides = array<i32>} : memref<256xf32, #tpu.memory_space<vmem>>, vector<16xf32>,
    %scan3A_74 = arith.constant 0 : i32
    %scan3A_75 = arith.constant 0 : i32
    %scan3A_76 = arith.constant 2 : i32
    %scan3A_77 = arith.addi %scan3A_75, %scan3A_76 : i32
    %scan3A_78 = arith.constant 1 : i32
    scf.for %scan3A_84 = %scan3A_75 to %scan3A_77 step %scan3A_78  : i32 {
      %mul3A_85 = arith.constant 32 : i32
      %mul3A_86 = arith.muli %scan3A_84, %mul3A_85 : i32
      %add3A_87 = arith.addi %add3A_4, %mul3A_86 : i32
      %mul3A_88 = arith.constant 768 : i32
      %mul3A_89 = arith.muli %add3A_87, %mul3A_88 : i32
      "tpu.region"() ({
        %run_scoped3A = tpu.sem_alloc : memref<!tpu.dma_semaphore, #tpu.memory_space<semaphore_mem>>
        %dma_start3A = tpu.memref_slice %arg2[%mul3A_89] : memref<25165824xf32, #tpu.memory_space<hbm>> -> memref<24576xf32, #tpu.memory_space<hbm>>
        %dma_start3A_102 = tpu.memref_slice %arg2[%mul3A_89] : memref<25165824xf32, #tpu.memory_space<hbm>> -> memref<24576xf32, #tpu.memory_space<hbm>>
        tpu.enqueue_dma source(%dma_start3A_102 : memref<24576xf32, #tpu.memory_space<hbm>>) target(%arg6 : memref<24576xf32, #tpu.memory_space<vmem>>) target_semaphore(%run_scoped3A : memref<!tpu.dma_semaphore, #tpu.memory_space<semaphore_mem>>)
        %dma_wait3A = tpu.memref_slice %arg2[%mul3A_89] : memref<25165824xf32, #tpu.memory_space<hbm>> -> memref<24576xf32, #tpu.memory_space<hbm>>
        %dma_wait3A_103 = tpu.memref_slice %arg2[%mul3A_89] : memref<25165824xf32, #tpu.memory_space<hbm>> -> memref<24576xf32, #tpu.memory_space<hbm>>
        tpu.wait_dma2 semaphore(%run_scoped3A : memref<!tpu.dma_semaphore, #tpu.memory_space<semaphore_mem>>) src(%dma_wait3A_103 : memref<24576xf32, #tpu.memory_space<hbm>>) dst(%arg6 : memref<24576xf32, #tpu.memory_space<vmem>>)
        tpu.yield
      }) : () -> ()
      %scan3A_90 = arith.constant 0 : i32
      %scan3A_91 = arith.constant 0 : i32
      %scan3A_92 = arith.constant 1536 : i32
      %scan3A_93 = arith.addi %scan3A_91, %scan3A_92 : i32
      %scan3A_94 = arith.constant 1 : i32
      scf.for %scan3A_102 = %scan3A_91 to %scan3A_93 step %scan3A_94  : i32 {
        %mul3A_103 = arith.constant 16 : i32
        %mul3A_104 = arith.muli %mul3A_103, %scan3A_102 : i32
        %get3A = arith.index_cast %mul3A_104 : i32 to index
        %get3A_105 = tpu.vector_load %arg6[%get3A] {strides = array<i32>} : memref<24576xf32, #tpu.memory_space<vmem>>, vector<16xf32>,
        %get3A_106 = vector.shape_cast %get3A_105 : vector<16xf32> to vector<16xf32>
        %mul3A_107 = arith.constant 6.553700e+04 : f32
        %mul3A_108 = vector.broadcast %mul3A_107 : f32 to vector<16xf32>
        %mul3A_109 = arith.mulf %get3A_106, %mul3A_108 : vector<16xf32>
        %sub3A = arith.subf %mul3A_109, %get3A_106 : vector<16xf32>
        %sub3A_110 = arith.subf %mul3A_109, %sub3A : vector<16xf32>
        %mul3A_111 = arith.constant 16 : i32
        %mul3A_112 = arith.muli %mul3A_111, %scan3A_102 : i32
        %swap3A_113 = arith.index_cast %mul3A_112 : i32 to index
        %swap3A_114 = tpu.vector_load %arg6[%swap3A_113] {strides = array<i32>} : memref<24576xf32, #tpu.memory_space<vmem>>, vector<16xf32>,
        %swap3A_115 = vector.shape_cast %swap3A_114 : vector<16xf32> to vector<16xf32>
        %swap3A_116 = vector.shape_cast %sub3A_110 : vector<16xf32> to vector<16xf32>
        tpu.vector_store %arg6[%swap3A_113], %swap3A_116 {strides = array<i32>} : memref<24576xf32, #tpu.memory_space<vmem>>, vector<16xf32>,
      }
      %scan3A_95 = arith.constant 1536 : i32
      %scan3A_96 = arith.constant 0 : i32
      %scan3A_97 = arith.constant 0 : i32
      %scan3A_98 = arith.constant 16 : i32
      %scan3A_99 = arith.addi %scan3A_97, %scan3A_98 : i32
      %scan3A_100 = arith.constant 1 : i32
      scf.for %scan3A_102 = %scan3A_97 to %scan3A_99 step %scan3A_100  : i32 {
        %mul3A_103 = arith.constant 2 : i32
        %mul3A_104 = arith.muli %mul3A_103, %scan3A_102 : i32
        %mul3A_105 = arith.constant 768 : i32
        %mul3A_106 = arith.muli %mul3A_104, %mul3A_105 : i32
        %add3A_107 = arith.constant 768 : i32
        %add3A_108 = arith.addi %mul3A_106, %add3A_107 : i32
        %broadcast_in_dim3A_109 = arith.constant 0.000000e+00 : f32
        %broadcast_in_dim3A_110 = vector.broadcast %broadcast_in_dim3A_109 : f32 to vector<16xf32>
        %broadcast_in_dim3A_111 = arith.constant 0.000000e+00 : f32
        %broadcast_in_dim3A_112 = vector.broadcast %broadcast_in_dim3A_111 : f32 to vector<16xf32>
        %broadcast_in_dim3A_113 = arith.constant 0.000000e+00 : f32
        %broadcast_in_dim3A_114 = vector.broadcast %broadcast_in_dim3A_113 : f32 to vector<16xf32>
        %broadcast_in_dim3A_115 = arith.constant 0.000000e+00 : f32
        %broadcast_in_dim3A_116 = vector.broadcast %broadcast_in_dim3A_115 : f32 to vector<16xf32>
        %broadcast_in_dim3A_117 = arith.constant 0.000000e+00 : f32
        %broadcast_in_dim3A_118 = vector.broadcast %broadcast_in_dim3A_117 : f32 to vector<16xf32>
        %broadcast_in_dim3A_119 = arith.constant 0.000000e+00 : f32
        %broadcast_in_dim3A_120 = vector.broadcast %broadcast_in_dim3A_119 : f32 to vector<16xf32>
        %broadcast_in_dim3A_121 = arith.constant 0.000000e+00 : f32
        %broadcast_in_dim3A_122 = vector.broadcast %broadcast_in_dim3A_121 : f32 to vector<16xf32>
        %broadcast_in_dim3A_123 = arith.constant 0.000000e+00 : f32
        %broadcast_in_dim3A_124 = vector.broadcast %broadcast_in_dim3A_123 : f32 to vector<16xf32>
        %broadcast_in_dim3A_125 = arith.constant 0.000000e+00 : f32
        %broadcast_in_dim3A_126 = vector.broadcast %broadcast_in_dim3A_125 : f32 to vector<16xf32>
        %broadcast_in_dim3A_127 = arith.constant 0.000000e+00 : f32
        %broadcast_in_dim3A_128 = vector.broadcast %broadcast_in_dim3A_127 : f32 to vector<16xf32>
        %broadcast_in_dim3A_129 = arith.constant 0.000000e+00 : f32
        %broadcast_in_dim3A_130 = vector.broadcast %broadcast_in_dim3A_129 : f32 to vector<16xf32>
        %broadcast_in_dim3A_131 = arith.constant 0.000000e+00 : f32
        %broadcast_in_dim3A_132 = vector.broadcast %broadcast_in_dim3A_131 : f32 to vector<16xf32>
        %broadcast_in_dim3A_133 = arith.constant 0.000000e+00 : f32
        %broadcast_in_dim3A_134 = vector.broadcast %broadcast_in_dim3A_133 : f32 to vector<16xf32>
        %broadcast_in_dim3A_135 = arith.constant 0.000000e+00 : f32
        %broadcast_in_dim3A_136 = vector.broadcast %broadcast_in_dim3A_135 : f32 to vector<16xf32>
        %broadcast_in_dim3A_137 = arith.constant 0.000000e+00 : f32
        %broadcast_in_dim3A_138 = vector.broadcast %broadcast_in_dim3A_137 : f32 to vector<16xf32>
        %broadcast_in_dim3A_139 = arith.constant 0.000000e+00 : f32
        %broadcast_in_dim3A_140 = vector.broadcast %broadcast_in_dim3A_139 : f32 to vector<16xf32>
        %add3A_141 = arith.constant 0 : i32
        %add3A_142 = arith.addi %mul3A_106, %add3A_141 : i32
        %get3A = arith.index_cast %add3A_142 : i32 to index
        %get3A_143 = tpu.vector_load %arg6[%get3A] {strides = array<i32>} : memref<24576xf32, #tpu.memory_space<vmem>>, vector<16xf32>,
        %get3A_144 = vector.shape_cast %get3A_143 : vector<16xf32> to vector<16xf32>
        %add3A_145 = arith.constant 0 : i32
        %add3A_146 = arith.addi %add3A_108, %add3A_145 : i32
        %get3A_147 = arith.index_cast %add3A_146 : i32 to index
        %get3A_148 = tpu.vector_load %arg6[%get3A_147] {strides = array<i32>} : memref<24576xf32, #tpu.memory_space<vmem>>, vector<16xf32>,
        %get3A_149 = vector.shape_cast %get3A_148 : vector<16xf32> to vector<16xf32>
        %get3A_150 = arith.constant 0 : index
        %get3A_151 = tpu.vector_load %arg7[%get3A_150] {strides = array<i32>} : memref<6144xf32, #tpu.memory_space<vmem>>, vector<16xf32>,
        %get3A_152 = vector.shape_cast %get3A_151 : vector<16xf32> to vector<16xf32>
        %mul3A_153 = arith.mulf %get3A_144, %get3A_152 : vector<16xf32>
        %add3A_154 = arith.addf %broadcast_in_dim3A_110, %mul3A_153 : vector<16xf32>
        %mul3A_155 = arith.mulf %get3A_149, %get3A_152 : vector<16xf32>
        %add3A_156 = arith.addf %broadcast_in_dim3A_126, %mul3A_155 : vector<16xf32>
        %get3A_157 = arith.constant 768 : index
        %get3A_158 = tpu.vector_load %arg7[%get3A_157] {strides = array<i32>} : memref<6144xf32, #tpu.memory_space<vmem>>, vector<16xf32>,
        %get3A_159 = vector.shape_cast %get3A_158 : vector<16xf32> to vector<16xf32>
        %mul3A_160 = arith.mulf %get3A_144, %get3A_159 : vector<16xf32>
        %add3A_161 = arith.addf %broadcast_in_dim3A_112, %mul3A_160 : vector<16xf32>
        %mul3A_162 = arith.mulf %get3A_149, %get3A_159 : vector<16xf32>
        %add3A_163 = arith.addf %broadcast_in_dim3A_128, %mul3A_162 : vector<16xf32>
        %get3A_164 = arith.constant 1536 : index
        %get3A_165 = tpu.vector_load %arg7[%get3A_164] {strides = array<i32>} : memref<6144xf32, #tpu.memory_space<vmem>>, vector<16xf32>,
        %get3A_166 = vector.shape_cast %get3A_165 : vector<16xf32> to vector<16xf32>
        %mul3A_167 = arith.mulf %get3A_144, %get3A_166 : vector<16xf32>
        %add3A_168 = arith.addf %broadcast_in_dim3A_114, %mul3A_167 : vector<16xf32>
        %mul3A_169 = arith.mulf %get3A_149, %get3A_166 : vector<16xf32>
        %add3A_170 = arith.addf %broadcast_in_dim3A_130, %mul3A_169 : vector<16xf32>
        %get3A_171 = arith.constant 2304 : index
        %get3A_172 = tpu.vector_load %arg7[%get3A_171] {strides = array<i32>} : memref<6144xf32, #tpu.memory_space<vmem>>, vector<16xf32>,
        %get3A_173 = vector.shape_cast %get3A_172 : vector<16xf32> to vector<16xf32>
        %mul3A_174 = arith.mulf %get3A_144, %get3A_173 : vector<16xf32>
        %add3A_175 = arith.addf %broadcast_in_dim3A_116, %mul3A_174 : vector<16xf32>
        %mul3A_176 = arith.mulf %get3A_149, %get3A_173 : vector<16xf32>
        %add3A_177 = arith.addf %broadcast_in_dim3A_132, %mul3A_176 : vector<16xf32>
        %get3A_178 = arith.constant 3072 : index
        %get3A_179 = tpu.vector_load %arg7[%get3A_178] {strides = array<i32>} : memref<6144xf32, #tpu.memory_space<vmem>>, vector<16xf32>,
        %get3A_180 = vector.shape_cast %get3A_179 : vector<16xf32> to vector<16xf32>
        %mul3A_181 = arith.mulf %get3A_144, %get3A_180 : vector<16xf32>
        %add3A_182 = arith.addf %broadcast_in_dim3A_118, %mul3A_181 : vector<16xf32>
        %mul3A_183 = arith.mulf %get3A_149, %get3A_180 : vector<16xf32>
        %add3A_184 = arith.addf %broadcast_in_dim3A_134, %mul3A_183 : vector<16xf32>
        %get3A_185 = arith.constant 3840 : index
        %get3A_186 = tpu.vector_load %arg7[%get3A_185] {strides = array<i32>} : memref<6144xf32, #tpu.memory_space<vmem>>, vector<16xf32>,
        %get3A_187 = vector.shape_cast %get3A_186 : vector<16xf32> to vector<16xf32>
        %mul3A_188 = arith.mulf %get3A_144, %get3A_187 : vector<16xf32>
        %add3A_189 = arith.addf %broadcast_in_dim3A_120, %mul3A_188 : vector<16xf32>
        %mul3A_190 = arith.mulf %get3A_149, %get3A_187 : vector<16xf32>
        %add3A_191 = arith.addf %broadcast_in_dim3A_136, %mul3A_190 : vector<16xf32>
        %get3A_192 = arith.constant 4608 : index
        %get3A_193 = tpu.vector_load %arg7[%get3A_192] {strides = array<i32>} : memref<6144xf32, #tpu.memory_space<vmem>>, vector<16xf32>,
        %get3A_194 = vector.shape_cast %get3A_193 : vector<16xf32> to vector<16xf32>
        %mul3A_195 = arith.mulf %get3A_144, %get3A_194 : vector<16xf32>
        %add3A_196 = arith.addf %broadcast_in_dim3A_122, %mul3A_195 : vector<16xf32>
        %mul3A_197 = arith.mulf %get3A_149, %get3A_194 : vector<16xf32>
        %add3A_198 = arith.addf %broadcast_in_dim3A_138, %mul3A_197 : vector<16xf32>
        %get3A_199 = arith.constant 5376 : index
        %get3A_200 = tpu.vector_load %arg7[%get3A_199] {strides = array<i32>} : memref<6144xf32, #tpu.memory_space<vmem>>, vector<16xf32>,
        %get3A_201 = vector.shape_cast %get3A_200 : vector<16xf32> to vector<16xf32>
        %mul3A_202 = arith.mulf %get3A_144, %get3A_201 : vector<16xf32>
        %add3A_203 = arith.addf %broadcast_in_dim3A_124, %mul3A_202 : vector<16xf32>
        %mul3A_204 = arith.mulf %get3A_149, %get3A_201 : vector<16xf32>
        %add3A_205 = arith.addf %broadcast_in_dim3A_140, %mul3A_204 : vector<16xf32>
        %add3A_206 = arith.constant 16 : i32
        %add3A_207 = arith.addi %mul3A_106, %add3A_206 : i32
        %get3A_208 = arith.index_cast %add3A_207 : i32 to index
        %get3A_209 = tpu.vector_load %arg6[%get3A_208] {strides = array<i32>} : memref<24576xf32, #tpu.memory_space<vmem>>, vector<16xf32>,
        %get3A_210 = vector.shape_cast %get3A_209 : vector<16xf32> to vector<16xf32>
        %add3A_211 = arith.constant 16 : i32
        %add3A_212 = arith.addi %add3A_108, %add3A_211 : i32
        %get3A_213 = arith.index_cast %add3A_212 : i32 to index
        %get3A_214 = tpu.vector_load %arg6[%get3A_213] {strides = array<i32>} : memref<24576xf32, #tpu.memory_space<vmem>>, vector<16xf32>,
        %get3A_215 = vector.shape_cast %get3A_214 : vector<16xf32> to vector<16xf32>
        %get3A_216 = arith.constant 16 : index
        %get3A_217 = tpu.vector_load %arg7[%get3A_216] {strides = array<i32>} : memref<6144xf32, #tpu.memory_space<vmem>>, vector<16xf32>,
        %get3A_218 = vector.shape_cast %get3A_217 : vector<16xf32> to vector<16xf32>
        %mul3A_219 = arith.mulf %get3A_210, %get3A_218 : vector<16xf32>
        %add3A_220 = arith.addf %add3A_154, %mul3A_219 : vector<16xf32>
        %mul3A_221 = arith.mulf %get3A_215, %get3A_218 : vector<16xf32>
        %add3A_222 = arith.addf %add3A_156, %mul3A_221 : vector<16xf32>
        %get3A_223 = arith.constant 784 : index
        %get3A_224 = tpu.vector_load %arg7[%get3A_223] {strides = array<i32>} : memref<6144xf32, #tpu.memory_space<vmem>>, vector<16xf32>,
        %get3A_225 = vector.shape_cast %get3A_224 : vector<16xf32> to vector<16xf32>
        %mul3A_226 = arith.mulf %get3A_210, %get3A_225 : vector<16xf32>
        %add3A_227 = arith.addf %add3A_161, %mul3A_226 : vector<16xf32>
        %mul3A_228 = arith.mulf %get3A_215, %get3A_225 : vector<16xf32>
        %add3A_229 = arith.addf %add3A_163, %mul3A_228 : vector<16xf32>
        %get3A_230 = arith.constant 1552 : index
        %get3A_231 = tpu.vector_load %arg7[%get3A_230] {strides = array<i32>} : memref<6144xf32, #tpu.memory_space<vmem>>, vector<16xf32>,
        %get3A_232 = vector.shape_cast %get3A_231 : vector<16xf32> to vector<16xf32>
        %mul3A_233 = arith.mulf %get3A_210, %get3A_232 : vector<16xf32>
        %add3A_234 = arith.addf %add3A_168, %mul3A_233 : vector<16xf32>
        %mul3A_235 = arith.mulf %get3A_215, %get3A_232 : vector<16xf32>
        %add3A_236 = arith.addf %add3A_170, %mul3A_235 : vector<16xf32>
        %get3A_237 = arith.constant 2320 : index
        %get3A_238 = tpu.vector_load %arg7[%get3A_237] {strides = array<i32>} : memref<6144xf32, #tpu.memory_space<vmem>>, vector<16xf32>,
        %get3A_239 = vector.shape_cast %get3A_238 : vector<16xf32> to vector<16xf32>
        %mul3A_240 = arith.mulf %get3A_210, %get3A_239 : vector<16xf32>
        %add3A_241 = arith.addf %add3A_175, %mul3A_240 : vector<16xf32>
        %mul3A_242 = arith.mulf %get3A_215, %get3A_239 : vector<16xf32>
        %add3A_243 = arith.addf %add3A_177, %mul3A_242 : vector<16xf32>
        %get3A_244 = arith.constant 3088 : index
        %get3A_245 = tpu.vector_load %arg7[%get3A_244] {strides = array<i32>} : memref<6144xf32, #tpu.memory_space<vmem>>, vector<16xf32>,
        %get3A_246 = vector.shape_cast %get3A_245 : vector<16xf32> to vector<16xf32>
        %mul3A_247 = arith.mulf %get3A_210, %get3A_246 : vector<16xf32>
        %add3A_248 = arith.addf %add3A_182, %mul3A_247 : vector<16xf32>
        %mul3A_249 = arith.mulf %get3A_215, %get3A_246 : vector<16xf32>
        %add3A_250 = arith.addf %add3A_184, %mul3A_249 : vector<16xf32>
        %get3A_251 = arith.constant 3856 : index
        %get3A_252 = tpu.vector_load %arg7[%get3A_251] {strides = array<i32>} : memref<6144xf32, #tpu.memory_space<vmem>>, vector<16xf32>,
        %get3A_253 = vector.shape_cast %get3A_252 : vector<16xf32> to vector<16xf32>
        %mul3A_254 = arith.mulf %get3A_210, %get3A_253 : vector<16xf32>
        %add3A_255 = arith.addf %add3A_189, %mul3A_254 : vector<16xf32>
        %mul3A_256 = arith.mulf %get3A_215, %get3A_253 : vector<16xf32>
        %add3A_257 = arith.addf %add3A_191, %mul3A_256 : vector<16xf32>
        %get3A_258 = arith.constant 4624 : index
        %get3A_259 = tpu.vector_load %arg7[%get3A_258] {strides = array<i32>} : memref<6144xf32, #tpu.memory_space<vmem>>, vector<16xf32>,
        %get3A_260 = vector.shape_cast %get3A_259 : vector<16xf32> to vector<16xf32>
        %mul3A_261 = arith.mulf %get3A_210, %get3A_260 : vector<16xf32>
        %add3A_262 = arith.addf %add3A_196, %mul3A_261 : vector<16xf32>
        %mul3A_263 = arith.mulf %get3A_215, %get3A_260 : vector<16xf32>
        %add3A_264 = arith.addf %add3A_198, %mul3A_263 : vector<16xf32>
        %get3A_265 = arith.constant 5392 : index
        %get3A_266 = tpu.vector_load %arg7[%get3A_265] {strides = array<i32>} : memref<6144xf32, #tpu.memory_space<vmem>>, vector<16xf32>,
        %get3A_267 = vector.shape_cast %get3A_266 : vector<16xf32> to vector<16xf32>
        %mul3A_268 = arith.mulf %get3A_210, %get3A_267 : vector<16xf32>
        %add3A_269 = arith.addf %add3A_203, %mul3A_268 : vector<16xf32>
        %mul3A_270 = arith.mulf %get3A_215, %get3A_267 : vector<16xf32>
        %add3A_271 = arith.addf %add3A_205, %mul3A_270 : vector<16xf32>
        %add3A_272 = arith.constant 32 : i32
        %add3A_273 = arith.addi %mul3A_106, %add3A_272 : i32
        %get3A_274 = arith.index_cast %add3A_273 : i32 to index
        %get3A_275 = tpu.vector_load %arg6[%get3A_274] {strides = array<i32>} : memref<24576xf32, #tpu.memory_space<vmem>>, vector<16xf32>,
        %get3A_276 = vector.shape_cast %get3A_275 : vector<16xf32> to vector<16xf32>
        %add3A_277 = arith.constant 32 : i32
        %add3A_278 = arith.addi %add3A_108, %add3A_277 : i32
        %get3A_279 = arith.index_cast %add3A_278 : i32 to index
        %get3A_280 = tpu.vector_load %arg6[%get3A_279] {strides = array<i32>} : memref<24576xf32, #tpu.memory_space<vmem>>, vector<16xf32>,
        %get3A_281 = vector.shape_cast %get3A_280 : vector<16xf32> to vector<16xf32>
        %get3A_282 = arith.constant 32 : index
        %get3A_283 = tpu.vector_load %arg7[%get3A_282] {strides = array<i32>} : memref<6144xf32, #tpu.memory_space<vmem>>, vector<16xf32>,
        %get3A_284 = vector.shape_cast %get3A_283 : vector<16xf32> to vector<16xf32>
        %mul3A_285 = arith.mulf %get3A_276, %get3A_284 : vector<16xf32>
        %add3A_286 = arith.addf %add3A_220, %mul3A_285 : vector<16xf32>
        %mul3A_287 = arith.mulf %get3A_281, %get3A_284 : vector<16xf32>
        %add3A_288 = arith.addf %add3A_222, %mul3A_287 : vector<16xf32>
        %get3A_289 = arith.constant 800 : index
        %get3A_290 = tpu.vector_load %arg7[%get3A_289] {strides = array<i32>} : memref<6144xf32, #tpu.memory_space<vmem>>, vector<16xf32>,
        %get3A_291 = vector.shape_cast %get3A_290 : vector<16xf32> to vector<16xf32>
        %mul3A_292 = arith.mulf %get3A_276, %get3A_291 : vector<16xf32>
        %add3A_293 = arith.addf %add3A_227, %mul3A_292 : vector<16xf32>
        %mul3A_294 = arith.mulf %get3A_281, %get3A_291 : vector<16xf32>
        %add3A_295 = arith.addf %add3A_229, %mul3A_294 : vector<16xf32>
        %get3A_296 = arith.constant 1568 : index
        %get3A_297 = tpu.vector_load %arg7[%get3A_296] {strides = array<i32>} : memref<6144xf32, #tpu.memory_space<vmem>>, vector<16xf32>,
        %get3A_298 = vector.shape_cast %get3A_297 : vector<16xf32> to vector<16xf32>
        %mul3A_299 = arith.mulf %get3A_276, %get3A_298 : vector<16xf32>
        %add3A_300 = arith.addf %add3A_234, %mul3A_299 : vector<16xf32>
        %mul3A_301 = arith.mulf %get3A_281, %get3A_298 : vector<16xf32>
        %add3A_302 = arith.addf %add3A_236, %mul3A_301 : vector<16xf32>
        %get3A_303 = arith.constant 2336 : index
        %get3A_304 = tpu.vector_load %arg7[%get3A_303] {strides = array<i32>} : memref<6144xf32, #tpu.memory_space<vmem>>, vector<16xf32>,
        %get3A_305 = vector.shape_cast %get3A_304 : vector<16xf32> to vector<16xf32>
        %mul3A_306 = arith.mulf %get3A_276, %get3A_305 : vector<16xf32>
        %add3A_307 = arith.addf %add3A_241, %mul3A_306 : vector<16xf32>
        %mul3A_308 = arith.mulf %get3A_281, %get3A_305 : vector<16xf32>
        %add3A_309 = arith.addf %add3A_243, %mul3A_308 : vector<16xf32>
        %get3A_310 = arith.constant 3104 : index
        %get3A_311 = tpu.vector_load %arg7[%get3A_310] {strides = array<i32>} : memref<6144xf32, #tpu.memory_space<vmem>>, vector<16xf32>,
        %get3A_312 = vector.shape_cast %get3A_311 : vector<16xf32> to vector<16xf32>
        %mul3A_313 = arith.mulf %get3A_276, %get3A_312 : vector<16xf32>
        %add3A_314 = arith.addf %add3A_248, %mul3A_313 : vector<16xf32>
        %mul3A_315 = arith.mulf %get3A_281, %get3A_312 : vector<16xf32>
        %add3A_316 = arith.addf %add3A_250, %mul3A_315 : vector<16xf32>
        %get3A_317 = arith.constant 3872 : index
        %get3A_318 = tpu.vector_load %arg7[%get3A_317] {strides = array<i32>} : memref<6144xf32, #tpu.memory_space<vmem>>, vector<16xf32>,
        %get3A_319 = vector.shape_cast %get3A_318 : vector<16xf32> to vector<16xf32>
        %mul3A_320 = arith.mulf %get3A_276, %get3A_319 : vector<16xf32>
        %add3A_321 = arith.addf %add3A_255, %mul3A_320 : vector<16xf32>
        %mul3A_322 = arith.mulf %get3A_281, %get3A_319 : vector<16xf32>
        %add3A_323 = arith.addf %add3A_257, %mul3A_322 : vector<16xf32>
        %get3A_324 = arith.constant 4640 : index
        %get3A_325 = tpu.vector_load %arg7[%get3A_324] {strides = array<i32>} : memref<6144xf32, #tpu.memory_space<vmem>>, vector<16xf32>,
        %get3A_326 = vector.shape_cast %get3A_325 : vector<16xf32> to vector<16xf32>
        %mul3A_327 = arith.mulf %get3A_276, %get3A_326 : vector<16xf32>
        %add3A_328 = arith.addf %add3A_262, %mul3A_327 : vector<16xf32>
        %mul3A_329 = arith.mulf %get3A_281, %get3A_326 : vector<16xf32>
        %add3A_330 = arith.addf %add3A_264, %mul3A_329 : vector<16xf32>
        %get3A_331 = arith.constant 5408 : index
        %get3A_332 = tpu.vector_load %arg7[%get3A_331] {strides = array<i32>} : memref<6144xf32, #tpu.memory_space<vmem>>, vector<16xf32>,
        %get3A_333 = vector.shape_cast %get3A_332 : vector<16xf32> to vector<16xf32>
        %mul3A_334 = arith.mulf %get3A_276, %get3A_333 : vector<16xf32>
        %add3A_335 = arith.addf %add3A_269, %mul3A_334 : vector<16xf32>
        %mul3A_336 = arith.mulf %get3A_281, %get3A_333 : vector<16xf32>
        %add3A_337 = arith.addf %add3A_271, %mul3A_336 : vector<16xf32>
        %add3A_338 = arith.constant 48 : i32
        %add3A_339 = arith.addi %mul3A_106, %add3A_338 : i32
        %get3A_340 = arith.index_cast %add3A_339 : i32 to index
        %get3A_341 = tpu.vector_load %arg6[%get3A_340] {strides = array<i32>} : memref<24576xf32, #tpu.memory_space<vmem>>, vector<16xf32>,
        %get3A_342 = vector.shape_cast %get3A_341 : vector<16xf32> to vector<16xf32>
        %add3A_343 = arith.constant 48 : i32
        %add3A_344 = arith.addi %add3A_108, %add3A_343 : i32
        %get3A_345 = arith.index_cast %add3A_344 : i32 to index
        %get3A_346 = tpu.vector_load %arg6[%get3A_345] {strides = array<i32>} : memref<24576xf32, #tpu.memory_space<vmem>>, vector<16xf32>,
        %get3A_347 = vector.shape_cast %get3A_346 : vector<16xf32> to vector<16xf32>
        %get3A_348 = arith.constant 48 : index
        %get3A_349 = tpu.vector_load %arg7[%get3A_348] {strides = array<i32>} : memref<6144xf32, #tpu.memory_space<vmem>>, vector<16xf32>,
        %get3A_350 = vector.shape_cast %get3A_349 : vector<16xf32> to vector<16xf32>
        %mul3A_351 = arith.mulf %get3A_342, %get3A_350 : vector<16xf32>
        %add3A_352 = arith.addf %add3A_286, %mul3A_351 : vector<16xf32>
        %mul3A_353 = arith.mulf %get3A_347, %get3A_350 : vector<16xf32>
        %add3A_354 = arith.addf %add3A_288, %mul3A_353 : vector<16xf32>
        %get3A_355 = arith.constant 816 : index
        %get3A_356 = tpu.vector_load %arg7[%get3A_355] {strides = array<i32>} : memref<6144xf32, #tpu.memory_space<vmem>>, vector<16xf32>,
        %get3A_357 = vector.shape_cast %get3A_356 : vector<16xf32> to vector<16xf32>
        %mul3A_358 = arith.mulf %get3A_342, %get3A_357 : vector<16xf32>
        %add3A_359 = arith.addf %add3A_293, %mul3A_358 : vector<16xf32>
        %mul3A_360 = arith.mulf %get3A_347, %get3A_357 : vector<16xf32>
        %add3A_361 = arith.addf %add3A_295, %mul3A_360 : vector<16xf32>
        %get3A_362 = arith.constant 1584 : index
        %get3A_363 = tpu.vector_load %arg7[%get3A_362] {strides = array<i32>} : memref<6144xf32, #tpu.memory_space<vmem>>, vector<16xf32>,
        %get3A_364 = vector.shape_cast %get3A_363 : vector<16xf32> to vector<16xf32>
        %mul3A_365 = arith.mulf %get3A_342, %get3A_364 : vector<16xf32>
        %add3A_366 = arith.addf %add3A_300, %mul3A_365 : vector<16xf32>
        %mul3A_367 = arith.mulf %get3A_347, %get3A_364 : vector<16xf32>
        %add3A_368 = arith.addf %add3A_302, %mul3A_367 : vector<16xf32>
        %get3A_369 = arith.constant 2352 : index
        %get3A_370 = tpu.vector_load %arg7[%get3A_369] {strides = array<i32>} : memref<6144xf32, #tpu.memory_space<vmem>>, vector<16xf32>,
        %get3A_371 = vector.shape_cast %get3A_370 : vector<16xf32> to vector<16xf32>
        %mul3A_372 = arith.mulf %get3A_342, %get3A_371 : vector<16xf32>
        %add3A_373 = arith.addf %add3A_307, %mul3A_372 : vector<16xf32>
        %mul3A_374 = arith.mulf %get3A_347, %get3A_371 : vector<16xf32>
        %add3A_375 = arith.addf %add3A_309, %mul3A_374 : vector<16xf32>
        %get3A_376 = arith.constant 3120 : index
        %get3A_377 = tpu.vector_load %arg7[%get3A_376] {strides = array<i32>} : memref<6144xf32, #tpu.memory_space<vmem>>, vector<16xf32>,
        %get3A_378 = vector.shape_cast %get3A_377 : vector<16xf32> to vector<16xf32>
        %mul3A_379 = arith.mulf %get3A_342, %get3A_378 : vector<16xf32>
        %add3A_380 = arith.addf %add3A_314, %mul3A_379 : vector<16xf32>
        %mul3A_381 = arith.mulf %get3A_347, %get3A_378 : vector<16xf32>
        %add3A_382 = arith.addf %add3A_316, %mul3A_381 : vector<16xf32>
        %get3A_383 = arith.constant 3888 : index
        %get3A_384 = tpu.vector_load %arg7[%get3A_383] {strides = array<i32>} : memref<6144xf32, #tpu.memory_space<vmem>>, vector<16xf32>,
        %get3A_385 = vector.shape_cast %get3A_384 : vector<16xf32> to vector<16xf32>
        %mul3A_386 = arith.mulf %get3A_342, %get3A_385 : vector<16xf32>
        %add3A_387 = arith.addf %add3A_321, %mul3A_386 : vector<16xf32>
        %mul3A_388 = arith.mulf %get3A_347, %get3A_385 : vector<16xf32>
        %add3A_389 = arith.addf %add3A_323, %mul3A_388 : vector<16xf32>
        %get3A_390 = arith.constant 4656 : index
        %get3A_391 = tpu.vector_load %arg7[%get3A_390] {strides = array<i32>} : memref<6144xf32, #tpu.memory_space<vmem>>, vector<16xf32>,
        %get3A_392 = vector.shape_cast %get3A_391 : vector<16xf32> to vector<16xf32>
        %mul3A_393 = arith.mulf %get3A_342, %get3A_392 : vector<16xf32>
        %add3A_394 = arith.addf %add3A_328, %mul3A_393 : vector<16xf32>
        %mul3A_395 = arith.mulf %get3A_347, %get3A_392 : vector<16xf32>
        %add3A_396 = arith.addf %add3A_330, %mul3A_395 : vector<16xf32>
        %get3A_397 = arith.constant 5424 : index
        %get3A_398 = tpu.vector_load %arg7[%get3A_397] {strides = array<i32>} : memref<6144xf32, #tpu.memory_space<vmem>>, vector<16xf32>,
        %get3A_399 = vector.shape_cast %get3A_398 : vector<16xf32> to vector<16xf32>
        %mul3A_400 = arith.mulf %get3A_342, %get3A_399 : vector<16xf32>
        %add3A_401 = arith.addf %add3A_335, %mul3A_400 : vector<16xf32>
        %mul3A_402 = arith.mulf %get3A_347, %get3A_399 : vector<16xf32>
        %add3A_403 = arith.addf %add3A_337, %mul3A_402 : vector<16xf32>
        %add3A_404 = arith.constant 64 : i32
        %add3A_405 = arith.addi %mul3A_106, %add3A_404 : i32
        %get3A_406 = arith.index_cast %add3A_405 : i32 to index
        %get3A_407 = tpu.vector_load %arg6[%get3A_406] {strides = array<i32>} : memref<24576xf32, #tpu.memory_space<vmem>>, vector<16xf32>,
        %get3A_408 = vector.shape_cast %get3A_407 : vector<16xf32> to vector<16xf32>
        %add3A_409 = arith.constant 64 : i32
        %add3A_410 = arith.addi %add3A_108, %add3A_409 : i32
        %get3A_411 = arith.index_cast %add3A_410 : i32 to index
        %get3A_412 = tpu.vector_load %arg6[%get3A_411] {strides = array<i32>} : memref<24576xf32, #tpu.memory_space<vmem>>, vector<16xf32>,
        %get3A_413 = vector.shape_cast %get3A_412 : vector<16xf32> to vector<16xf32>
        %get3A_414 = arith.constant 64 : index
        %get3A_415 = tpu.vector_load %arg7[%get3A_414] {strides = array<i32>} : memref<6144xf32, #tpu.memory_space<vmem>>, vector<16xf32>,
        %get3A_416 = vector.shape_cast %get3A_415 : vector<16xf32> to vector<16xf32>
        %mul3A_417 = arith.mulf %get3A_408, %get3A_416 : vector<16xf32>
        %add3A_418 = arith.addf %add3A_352, %mul3A_417 : vector<16xf32>
        %mul3A_419 = arith.mulf %get3A_413, %get3A_416 : vector<16xf32>
        %add3A_420 = arith.addf %add3A_354, %mul3A_419 : vector<16xf32>
        %get3A_421 = arith.constant 832 : index
        %get3A_422 = tpu.vector_load %arg7[%get3A_421] {strides = array<i32>} : memref<6144xf32, #tpu.memory_space<vmem>>, vector<16xf32>,
        %get3A_423 = vector.shape_cast %get3A_422 : vector<16xf32> to vector<16xf32>
        %mul3A_424 = arith.mulf %get3A_408, %get3A_423 : vector<16xf32>
        %add3A_425 = arith.addf %add3A_359, %mul3A_424 : vector<16xf32>
        %mul3A_426 = arith.mulf %get3A_413, %get3A_423 : vector<16xf32>
        %add3A_427 = arith.addf %add3A_361, %mul3A_426 : vector<16xf32>
        %get3A_428 = arith.constant 1600 : index
        %get3A_429 = tpu.vector_load %arg7[%get3A_428] {strides = array<i32>} : memref<6144xf32, #tpu.memory_space<vmem>>, vector<16xf32>,
        %get3A_430 = vector.shape_cast %get3A_429 : vector<16xf32> to vector<16xf32>
        %mul3A_431 = arith.mulf %get3A_408, %get3A_430 : vector<16xf32>
        %add3A_432 = arith.addf %add3A_366, %mul3A_431 : vector<16xf32>
        %mul3A_433 = arith.mulf %get3A_413, %get3A_430 : vector<16xf32>
        %add3A_434 = arith.addf %add3A_368, %mul3A_433 : vector<16xf32>
        %get3A_435 = arith.constant 2368 : index
        %get3A_436 = tpu.vector_load %arg7[%get3A_435] {strides = array<i32>} : memref<6144xf32, #tpu.memory_space<vmem>>, vector<16xf32>,
        %get3A_437 = vector.shape_cast %get3A_436 : vector<16xf32> to vector<16xf32>
        %mul3A_438 = arith.mulf %get3A_408, %get3A_437 : vector<16xf32>
        %add3A_439 = arith.addf %add3A_373, %mul3A_438 : vector<16xf32>
        %mul3A_440 = arith.mulf %get3A_413, %get3A_437 : vector<16xf32>
        %add3A_441 = arith.addf %add3A_375, %mul3A_440 : vector<16xf32>
        %get3A_442 = arith.constant 3136 : index
        %get3A_443 = tpu.vector_load %arg7[%get3A_442] {strides = array<i32>} : memref<6144xf32, #tpu.memory_space<vmem>>, vector<16xf32>,
        %get3A_444 = vector.shape_cast %get3A_443 : vector<16xf32> to vector<16xf32>
        %mul3A_445 = arith.mulf %get3A_408, %get3A_444 : vector<16xf32>
        %add3A_446 = arith.addf %add3A_380, %mul3A_445 : vector<16xf32>
        %mul3A_447 = arith.mulf %get3A_413, %get3A_444 : vector<16xf32>
        %add3A_448 = arith.addf %add3A_382, %mul3A_447 : vector<16xf32>
        %get3A_449 = arith.constant 3904 : index
        %get3A_450 = tpu.vector_load %arg7[%get3A_449] {strides = array<i32>} : memref<6144xf32, #tpu.memory_space<vmem>>, vector<16xf32>,
        %get3A_451 = vector.shape_cast %get3A_450 : vector<16xf32> to vector<16xf32>
        %mul3A_452 = arith.mulf %get3A_408, %get3A_451 : vector<16xf32>
        %add3A_453 = arith.addf %add3A_387, %mul3A_452 : vector<16xf32>
        %mul3A_454 = arith.mulf %get3A_413, %get3A_451 : vector<16xf32>
        %add3A_455 = arith.addf %add3A_389, %mul3A_454 : vector<16xf32>
        %get3A_456 = arith.constant 4672 : index
        %get3A_457 = tpu.vector_load %arg7[%get3A_456] {strides = array<i32>} : memref<6144xf32, #tpu.memory_space<vmem>>, vector<16xf32>,
        %get3A_458 = vector.shape_cast %get3A_457 : vector<16xf32> to vector<16xf32>
        %mul3A_459 = arith.mulf %get3A_408, %get3A_458 : vector<16xf32>
        %add3A_460 = arith.addf %add3A_394, %mul3A_459 : vector<16xf32>
        %mul3A_461 = arith.mulf %get3A_413, %get3A_458 : vector<16xf32>
        %add3A_462 = arith.addf %add3A_396, %mul3A_461 : vector<16xf32>
        %get3A_463 = arith.constant 5440 : index
        %get3A_464 = tpu.vector_load %arg7[%get3A_463] {strides = array<i32>} : memref<6144xf32, #tpu.memory_space<vmem>>, vector<16xf32>,
        %get3A_465 = vector.shape_cast %get3A_464 : vector<16xf32> to vector<16xf32>
        %mul3A_466 = arith.mulf %get3A_408, %get3A_465 : vector<16xf32>
        %add3A_467 = arith.addf %add3A_401, %mul3A_466 : vector<16xf32>
        %mul3A_468 = arith.mulf %get3A_413, %get3A_465 : vector<16xf32>
        %add3A_469 = arith.addf %add3A_403, %mul3A_468 : vector<16xf32>
        %add3A_470 = arith.constant 80 : i32
        %add3A_471 = arith.addi %mul3A_106, %add3A_470 : i32
        %get3A_472 = arith.index_cast %add3A_471 : i32 to index
        %get3A_473 = tpu.vector_load %arg6[%get3A_472] {strides = array<i32>} : memref<24576xf32, #tpu.memory_space<vmem>>, vector<16xf32>,
        %get3A_474 = vector.shape_cast %get3A_473 : vector<16xf32> to vector<16xf32>
        %add3A_475 = arith.constant 80 : i32
        %add3A_476 = arith.addi %add3A_108, %add3A_475 : i32
        %get3A_477 = arith.index_cast %add3A_476 : i32 to index
        %get3A_478 = tpu.vector_load %arg6[%get3A_477] {strides = array<i32>} : memref<24576xf32, #tpu.memory_space<vmem>>, vector<16xf32>,
        %get3A_479 = vector.shape_cast %get3A_478 : vector<16xf32> to vector<16xf32>
        %get3A_480 = arith.constant 80 : index
        %get3A_481 = tpu.vector_load %arg7[%get3A_480] {strides = array<i32>} : memref<6144xf32, #tpu.memory_space<vmem>>, vector<16xf32>,
        %get3A_482 = vector.shape_cast %get3A_481 : vector<16xf32> to vector<16xf32>
        %mul3A_483 = arith.mulf %get3A_474, %get3A_482 : vector<16xf32>
        %add3A_484 = arith.addf %add3A_418, %mul3A_483 : vector<16xf32>
        %mul3A_485 = arith.mulf %get3A_479, %get3A_482 : vector<16xf32>
        %add3A_486 = arith.addf %add3A_420, %mul3A_485 : vector<16xf32>
        %get3A_487 = arith.constant 848 : index
        %get3A_488 = tpu.vector_load %arg7[%get3A_487] {strides = array<i32>} : memref<6144xf32, #tpu.memory_space<vmem>>, vector<16xf32>,
        %get3A_489 = vector.shape_cast %get3A_488 : vector<16xf32> to vector<16xf32>
        %mul3A_490 = arith.mulf %get3A_474, %get3A_489 : vector<16xf32>
        %add3A_491 = arith.addf %add3A_425, %mul3A_490 : vector<16xf32>
        %mul3A_492 = arith.mulf %get3A_479, %get3A_489 : vector<16xf32>
        %add3A_493 = arith.addf %add3A_427, %mul3A_492 : vector<16xf32>
        %get3A_494 = arith.constant 1616 : index
        %get3A_495 = tpu.vector_load %arg7[%get3A_494] {strides = array<i32>} : memref<6144xf32, #tpu.memory_space<vmem>>, vector<16xf32>,
        %get3A_496 = vector.shape_cast %get3A_495 : vector<16xf32> to vector<16xf32>
        %mul3A_497 = arith.mulf %get3A_474, %get3A_496 : vector<16xf32>
        %add3A_498 = arith.addf %add3A_432, %mul3A_497 : vector<16xf32>
        %mul3A_499 = arith.mulf %get3A_479, %get3A_496 : vector<16xf32>
        %add3A_500 = arith.addf %add3A_434, %mul3A_499 : vector<16xf32>
        %get3A_501 = arith.constant 2384 : index
        %get3A_502 = tpu.vector_load %arg7[%get3A_501] {strides = array<i32>} : memref<6144xf32, #tpu.memory_space<vmem>>, vector<16xf32>,
        %get3A_503 = vector.shape_cast %get3A_502 : vector<16xf32> to vector<16xf32>
        %mul3A_504 = arith.mulf %get3A_474, %get3A_503 : vector<16xf32>
        %add3A_505 = arith.addf %add3A_439, %mul3A_504 : vector<16xf32>
        %mul3A_506 = arith.mulf %get3A_479, %get3A_503 : vector<16xf32>
        %add3A_507 = arith.addf %add3A_441, %mul3A_506 : vector<16xf32>
        %get3A_508 = arith.constant 3152 : index
        %get3A_509 = tpu.vector_load %arg7[%get3A_508] {strides = array<i32>} : memref<6144xf32, #tpu.memory_space<vmem>>, vector<16xf32>,
        %get3A_510 = vector.shape_cast %get3A_509 : vector<16xf32> to vector<16xf32>
        %mul3A_511 = arith.mulf %get3A_474, %get3A_510 : vector<16xf32>
        %add3A_512 = arith.addf %add3A_446, %mul3A_511 : vector<16xf32>
        %mul3A_513 = arith.mulf %get3A_479, %get3A_510 : vector<16xf32>
        %add3A_514 = arith.addf %add3A_448, %mul3A_513 : vector<16xf32>
        %get3A_515 = arith.constant 3920 : index
        %get3A_516 = tpu.vector_load %arg7[%get3A_515] {strides = array<i32>} : memref<6144xf32, #tpu.memory_space<vmem>>, vector<16xf32>,
        %get3A_517 = vector.shape_cast %get3A_516 : vector<16xf32> to vector<16xf32>
        %mul3A_518 = arith.mulf %get3A_474, %get3A_517 : vector<16xf32>
        %add3A_519 = arith.addf %add3A_453, %mul3A_518 : vector<16xf32>
        %mul3A_520 = arith.mulf %get3A_479, %get3A_517 : vector<16xf32>
        %add3A_521 = arith.addf %add3A_455, %mul3A_520 : vector<16xf32>
        %get3A_522 = arith.constant 4688 : index
        %get3A_523 = tpu.vector_load %arg7[%get3A_522] {strides = array<i32>} : memref<6144xf32, #tpu.memory_space<vmem>>, vector<16xf32>,
        %get3A_524 = vector.shape_cast %get3A_523 : vector<16xf32> to vector<16xf32>
        %mul3A_525 = arith.mulf %get3A_474, %get3A_524 : vector<16xf32>
        %add3A_526 = arith.addf %add3A_460, %mul3A_525 : vector<16xf32>
        %mul3A_527 = arith.mulf %get3A_479, %get3A_524 : vector<16xf32>
        %add3A_528 = arith.addf %add3A_462, %mul3A_527 : vector<16xf32>
        %get3A_529 = arith.constant 5456 : index
        %get3A_530 = tpu.vector_load %arg7[%get3A_529] {strides = array<i32>} : memref<6144xf32, #tpu.memory_space<vmem>>, vector<16xf32>,
        %get3A_531 = vector.shape_cast %get3A_530 : vector<16xf32> to vector<16xf32>
        %mul3A_532 = arith.mulf %get3A_474, %get3A_531 : vector<16xf32>
        %add3A_533 = arith.addf %add3A_467, %mul3A_532 : vector<16xf32>
        %mul3A_534 = arith.mulf %get3A_479, %get3A_531 : vector<16xf32>
        %add3A_535 = arith.addf %add3A_469, %mul3A_534 : vector<16xf32>
        %add3A_536 = arith.constant 96 : i32
        %add3A_537 = arith.addi %mul3A_106, %add3A_536 : i32
        %get3A_538 = arith.index_cast %add3A_537 : i32 to index
        %get3A_539 = tpu.vector_load %arg6[%get3A_538] {strides = array<i32>} : memref<24576xf32, #tpu.memory_space<vmem>>, vector<16xf32>,
        %get3A_540 = vector.shape_cast %get3A_539 : vector<16xf32> to vector<16xf32>
        %add3A_541 = arith.constant 96 : i32
        %add3A_542 = arith.addi %add3A_108, %add3A_541 : i32
        %get3A_543 = arith.index_cast %add3A_542 : i32 to index
        %get3A_544 = tpu.vector_load %arg6[%get3A_543] {strides = array<i32>} : memref<24576xf32, #tpu.memory_space<vmem>>, vector<16xf32>,
        %get3A_545 = vector.shape_cast %get3A_544 : vector<16xf32> to vector<16xf32>
        %get3A_546 = arith.constant 96 : index
        %get3A_547 = tpu.vector_load %arg7[%get3A_546] {strides = array<i32>} : memref<6144xf32, #tpu.memory_space<vmem>>, vector<16xf32>,
        %get3A_548 = vector.shape_cast %get3A_547 : vector<16xf32> to vector<16xf32>
        %mul3A_549 = arith.mulf %get3A_540, %get3A_548 : vector<16xf32>
        %add3A_550 = arith.addf %add3A_484, %mul3A_549 : vector<16xf32>
        %mul3A_551 = arith.mulf %get3A_545, %get3A_548 : vector<16xf32>
        %add3A_552 = arith.addf %add3A_486, %mul3A_551 : vector<16xf32>
        %get3A_553 = arith.constant 864 : index
        %get3A_554 = tpu.vector_load %arg7[%get3A_553] {strides = array<i32>} : memref<6144xf32, #tpu.memory_space<vmem>>, vector<16xf32>,
        %get3A_555 = vector.shape_cast %get3A_554 : vector<16xf32> to vector<16xf32>
        %mul3A_556 = arith.mulf %get3A_540, %get3A_555 : vector<16xf32>
        %add3A_557 = arith.addf %add3A_491, %mul3A_556 : vector<16xf32>
        %mul3A_558 = arith.mulf %get3A_545, %get3A_555 : vector<16xf32>
        %add3A_559 = arith.addf %add3A_493, %mul3A_558 : vector<16xf32>
        %get3A_560 = arith.constant 1632 : index
        %get3A_561 = tpu.vector_load %arg7[%get3A_560] {strides = array<i32>} : memref<6144xf32, #tpu.memory_space<vmem>>, vector<16xf32>,
        %get3A_562 = vector.shape_cast %get3A_561 : vector<16xf32> to vector<16xf32>
        %mul3A_563 = arith.mulf %get3A_540, %get3A_562 : vector<16xf32>
        %add3A_564 = arith.addf %add3A_498, %mul3A_563 : vector<16xf32>
        %mul3A_565 = arith.mulf %get3A_545, %get3A_562 : vector<16xf32>
        %add3A_566 = arith.addf %add3A_500, %mul3A_565 : vector<16xf32>
        %get3A_567 = arith.constant 2400 : index
        %get3A_568 = tpu.vector_load %arg7[%get3A_567] {strides = array<i32>} : memref<6144xf32, #tpu.memory_space<vmem>>, vector<16xf32>,
        %get3A_569 = vector.shape_cast %get3A_568 : vector<16xf32> to vector<16xf32>
        %mul3A_570 = arith.mulf %get3A_540, %get3A_569 : vector<16xf32>
        %add3A_571 = arith.addf %add3A_505, %mul3A_570 : vector<16xf32>
        %mul3A_572 = arith.mulf %get3A_545, %get3A_569 : vector<16xf32>
        %add3A_573 = arith.addf %add3A_507, %mul3A_572 : vector<16xf32>
        %get3A_574 = arith.constant 3168 : index
        %get3A_575 = tpu.vector_load %arg7[%get3A_574] {strides = array<i32>} : memref<6144xf32, #tpu.memory_space<vmem>>, vector<16xf32>,
        %get3A_576 = vector.shape_cast %get3A_575 : vector<16xf32> to vector<16xf32>
        %mul3A_577 = arith.mulf %get3A_540, %get3A_576 : vector<16xf32>
        %add3A_578 = arith.addf %add3A_512, %mul3A_577 : vector<16xf32>
        %mul3A_579 = arith.mulf %get3A_545, %get3A_576 : vector<16xf32>
        %add3A_580 = arith.addf %add3A_514, %mul3A_579 : vector<16xf32>
        %get3A_581 = arith.constant 3936 : index
        %get3A_582 = tpu.vector_load %arg7[%get3A_581] {strides = array<i32>} : memref<6144xf32, #tpu.memory_space<vmem>>, vector<16xf32>,
        %get3A_583 = vector.shape_cast %get3A_582 : vector<16xf32> to vector<16xf32>
        %mul3A_584 = arith.mulf %get3A_540, %get3A_583 : vector<16xf32>
        %add3A_585 = arith.addf %add3A_519, %mul3A_584 : vector<16xf32>
        %mul3A_586 = arith.mulf %get3A_545, %get3A_583 : vector<16xf32>
        %add3A_587 = arith.addf %add3A_521, %mul3A_586 : vector<16xf32>
        %get3A_588 = arith.constant 4704 : index
        %get3A_589 = tpu.vector_load %arg7[%get3A_588] {strides = array<i32>} : memref<6144xf32, #tpu.memory_space<vmem>>, vector<16xf32>,
        %get3A_590 = vector.shape_cast %get3A_589 : vector<16xf32> to vector<16xf32>
        %mul3A_591 = arith.mulf %get3A_540, %get3A_590 : vector<16xf32>
        %add3A_592 = arith.addf %add3A_526, %mul3A_591 : vector<16xf32>
        %mul3A_593 = arith.mulf %get3A_545, %get3A_590 : vector<16xf32>
        %add3A_594 = arith.addf %add3A_528, %mul3A_593 : vector<16xf32>
        %get3A_595 = arith.constant 5472 : index
        %get3A_596 = tpu.vector_load %arg7[%get3A_595] {strides = array<i32>} : memref<6144xf32, #tpu.memory_space<vmem>>, vector<16xf32>,
        %get3A_597 = vector.shape_cast %get3A_596 : vector<16xf32> to vector<16xf32>
        %mul3A_598 = arith.mulf %get3A_540, %get3A_597 : vector<16xf32>
        %add3A_599 = arith.addf %add3A_533, %mul3A_598 : vector<16xf32>
        %mul3A_600 = arith.mulf %get3A_545, %get3A_597 : vector<16xf32>
        %add3A_601 = arith.addf %add3A_535, %mul3A_600 : vector<16xf32>
        %add3A_602 = arith.constant 112 : i32
        %add3A_603 = arith.addi %mul3A_106, %add3A_602 : i32
        %get3A_604 = arith.index_cast %add3A_603 : i32 to index
        %get3A_605 = tpu.vector_load %arg6[%get3A_604] {strides = array<i32>} : memref<24576xf32, #tpu.memory_space<vmem>>, vector<16xf32>,
        %get3A_606 = vector.shape_cast %get3A_605 : vector<16xf32> to vector<16xf32>
        %add3A_607 = arith.constant 112 : i32
        %add3A_608 = arith.addi %add3A_108, %add3A_607 : i32
        %get3A_609 = arith.index_cast %add3A_608 : i32 to index
        %get3A_610 = tpu.vector_load %arg6[%get3A_609] {strides = array<i32>} : memref<24576xf32, #tpu.memory_space<vmem>>, vector<16xf32>,
        %get3A_611 = vector.shape_cast %get3A_610 : vector<16xf32> to vector<16xf32>
        %get3A_612 = arith.constant 112 : index
        %get3A_613 = tpu.vector_load %arg7[%get3A_612] {strides = array<i32>} : memref<6144xf32, #tpu.memory_space<vmem>>, vector<16xf32>,
        %get3A_614 = vector.shape_cast %get3A_613 : vector<16xf32> to vector<16xf32>
        %mul3A_615 = arith.mulf %get3A_606, %get3A_614 : vector<16xf32>
        %add3A_616 = arith.addf %add3A_550, %mul3A_615 : vector<16xf32>
        %mul3A_617 = arith.mulf %get3A_611, %get3A_614 : vector<16xf32>
        %add3A_618 = arith.addf %add3A_552, %mul3A_617 : vector<16xf32>
        %get3A_619 = arith.constant 880 : index
        %get3A_620 = tpu.vector_load %arg7[%get3A_619] {strides = array<i32>} : memref<6144xf32, #tpu.memory_space<vmem>>, vector<16xf32>,
        %get3A_621 = vector.shape_cast %get3A_620 : vector<16xf32> to vector<16xf32>
        %mul3A_622 = arith.mulf %get3A_606, %get3A_621 : vector<16xf32>
        %add3A_623 = arith.addf %add3A_557, %mul3A_622 : vector<16xf32>
        %mul3A_624 = arith.mulf %get3A_611, %get3A_621 : vector<16xf32>
        %add3A_625 = arith.addf %add3A_559, %mul3A_624 : vector<16xf32>
        %get3A_626 = arith.constant 1648 : index
        %get3A_627 = tpu.vector_load %arg7[%get3A_626] {strides = array<i32>} : memref<6144xf32, #tpu.memory_space<vmem>>, vector<16xf32>,
        %get3A_628 = vector.shape_cast %get3A_627 : vector<16xf32> to vector<16xf32>
        %mul3A_629 = arith.mulf %get3A_606, %get3A_628 : vector<16xf32>
        %add3A_630 = arith.addf %add3A_564, %mul3A_629 : vector<16xf32>
        %mul3A_631 = arith.mulf %get3A_611, %get3A_628 : vector<16xf32>
        %add3A_632 = arith.addf %add3A_566, %mul3A_631 : vector<16xf32>
        %get3A_633 = arith.constant 2416 : index
        %get3A_634 = tpu.vector_load %arg7[%get3A_633] {strides = array<i32>} : memref<6144xf32, #tpu.memory_space<vmem>>, vector<16xf32>,
        %get3A_635 = vector.shape_cast %get3A_634 : vector<16xf32> to vector<16xf32>
        %mul3A_636 = arith.mulf %get3A_606, %get3A_635 : vector<16xf32>
        %add3A_637 = arith.addf %add3A_571, %mul3A_636 : vector<16xf32>
        %mul3A_638 = arith.mulf %get3A_611, %get3A_635 : vector<16xf32>
        %add3A_639 = arith.addf %add3A_573, %mul3A_638 : vector<16xf32>
        %get3A_640 = arith.constant 3184 : index
        %get3A_641 = tpu.vector_load %arg7[%get3A_640] {strides = array<i32>} : memref<6144xf32, #tpu.memory_space<vmem>>, vector<16xf32>,
        %get3A_642 = vector.shape_cast %get3A_641 : vector<16xf32> to vector<16xf32>
        %mul3A_643 = arith.mulf %get3A_606, %get3A_642 : vector<16xf32>
        %add3A_644 = arith.addf %add3A_578, %mul3A_643 : vector<16xf32>
        %mul3A_645 = arith.mulf %get3A_611, %get3A_642 : vector<16xf32>
        %add3A_646 = arith.addf %add3A_580, %mul3A_645 : vector<16xf32>
        %get3A_647 = arith.constant 3952 : index
        %get3A_648 = tpu.vector_load %arg7[%get3A_647] {strides = array<i32>} : memref<6144xf32, #tpu.memory_space<vmem>>, vector<16xf32>,
        %get3A_649 = vector.shape_cast %get3A_648 : vector<16xf32> to vector<16xf32>
        %mul3A_650 = arith.mulf %get3A_606, %get3A_649 : vector<16xf32>
        %add3A_651 = arith.addf %add3A_585, %mul3A_650 : vector<16xf32>
        %mul3A_652 = arith.mulf %get3A_611, %get3A_649 : vector<16xf32>
        %add3A_653 = arith.addf %add3A_587, %mul3A_652 : vector<16xf32>
        %get3A_654 = arith.constant 4720 : index
        %get3A_655 = tpu.vector_load %arg7[%get3A_654] {strides = array<i32>} : memref<6144xf32, #tpu.memory_space<vmem>>, vector<16xf32>,
        %get3A_656 = vector.shape_cast %get3A_655 : vector<16xf32> to vector<16xf32>
        %mul3A_657 = arith.mulf %get3A_606, %get3A_656 : vector<16xf32>
        %add3A_658 = arith.addf %add3A_592, %mul3A_657 : vector<16xf32>
        %mul3A_659 = arith.mulf %get3A_611, %get3A_656 : vector<16xf32>
        %add3A_660 = arith.addf %add3A_594, %mul3A_659 : vector<16xf32>
        %get3A_661 = arith.constant 5488 : index
        %get3A_662 = tpu.vector_load %arg7[%get3A_661] {strides = array<i32>} : memref<6144xf32, #tpu.memory_space<vmem>>, vector<16xf32>,
        %get3A_663 = vector.shape_cast %get3A_662 : vector<16xf32> to vector<16xf32>
        %mul3A_664 = arith.mulf %get3A_606, %get3A_663 : vector<16xf32>
        %add3A_665 = arith.addf %add3A_599, %mul3A_664 : vector<16xf32>
        %mul3A_666 = arith.mulf %get3A_611, %get3A_663 : vector<16xf32>
        %add3A_667 = arith.addf %add3A_601, %mul3A_666 : vector<16xf32>
        %add3A_668 = arith.constant 128 : i32
        %add3A_669 = arith.addi %mul3A_106, %add3A_668 : i32
        %get3A_670 = arith.index_cast %add3A_669 : i32 to index
        %get3A_671 = tpu.vector_load %arg6[%get3A_670] {strides = array<i32>} : memref<24576xf32, #tpu.memory_space<vmem>>, vector<16xf32>,
        %get3A_672 = vector.shape_cast %get3A_671 : vector<16xf32> to vector<16xf32>
        %add3A_673 = arith.constant 128 : i32
        %add3A_674 = arith.addi %add3A_108, %add3A_673 : i32
        %get3A_675 = arith.index_cast %add3A_674 : i32 to index
        %get3A_676 = tpu.vector_load %arg6[%get3A_675] {strides = array<i32>} : memref<24576xf32, #tpu.memory_space<vmem>>, vector<16xf32>,
        %get3A_677 = vector.shape_cast %get3A_676 : vector<16xf32> to vector<16xf32>
        %get3A_678 = arith.constant 128 : index
        %get3A_679 = tpu.vector_load %arg7[%get3A_678] {strides = array<i32>} : memref<6144xf32, #tpu.memory_space<vmem>>, vector<16xf32>,
        %get3A_680 = vector.shape_cast %get3A_679 : vector<16xf32> to vector<16xf32>
        %mul3A_681 = arith.mulf %get3A_672, %get3A_680 : vector<16xf32>
        %add3A_682 = arith.addf %add3A_616, %mul3A_681 : vector<16xf32>
        %mul3A_683 = arith.mulf %get3A_677, %get3A_680 : vector<16xf32>
        %add3A_684 = arith.addf %add3A_618, %mul3A_683 : vector<16xf32>
        %get3A_685 = arith.constant 896 : index
        %get3A_686 = tpu.vector_load %arg7[%get3A_685] {strides = array<i32>} : memref<6144xf32, #tpu.memory_space<vmem>>, vector<16xf32>,
        %get3A_687 = vector.shape_cast %get3A_686 : vector<16xf32> to vector<16xf32>
        %mul3A_688 = arith.mulf %get3A_672, %get3A_687 : vector<16xf32>
        %add3A_689 = arith.addf %add3A_623, %mul3A_688 : vector<16xf32>
        %mul3A_690 = arith.mulf %get3A_677, %get3A_687 : vector<16xf32>
        %add3A_691 = arith.addf %add3A_625, %mul3A_690 : vector<16xf32>
        %get3A_692 = arith.constant 1664 : index
        %get3A_693 = tpu.vector_load %arg7[%get3A_692] {strides = array<i32>} : memref<6144xf32, #tpu.memory_space<vmem>>, vector<16xf32>,
        %get3A_694 = vector.shape_cast %get3A_693 : vector<16xf32> to vector<16xf32>
        %mul3A_695 = arith.mulf %get3A_672, %get3A_694 : vector<16xf32>
        %add3A_696 = arith.addf %add3A_630, %mul3A_695 : vector<16xf32>
        %mul3A_697 = arith.mulf %get3A_677, %get3A_694 : vector<16xf32>
        %add3A_698 = arith.addf %add3A_632, %mul3A_697 : vector<16xf32>
        %get3A_699 = arith.constant 2432 : index
        %get3A_700 = tpu.vector_load %arg7[%get3A_699] {strides = array<i32>} : memref<6144xf32, #tpu.memory_space<vmem>>, vector<16xf32>,
        %get3A_701 = vector.shape_cast %get3A_700 : vector<16xf32> to vector<16xf32>
        %mul3A_702 = arith.mulf %get3A_672, %get3A_701 : vector<16xf32>
        %add3A_703 = arith.addf %add3A_637, %mul3A_702 : vector<16xf32>
        %mul3A_704 = arith.mulf %get3A_677, %get3A_701 : vector<16xf32>
        %add3A_705 = arith.addf %add3A_639, %mul3A_704 : vector<16xf32>
        %get3A_706 = arith.constant 3200 : index
        %get3A_707 = tpu.vector_load %arg7[%get3A_706] {strides = array<i32>} : memref<6144xf32, #tpu.memory_space<vmem>>, vector<16xf32>,
        %get3A_708 = vector.shape_cast %get3A_707 : vector<16xf32> to vector<16xf32>
        %mul3A_709 = arith.mulf %get3A_672, %get3A_708 : vector<16xf32>
        %add3A_710 = arith.addf %add3A_644, %mul3A_709 : vector<16xf32>
        %mul3A_711 = arith.mulf %get3A_677, %get3A_708 : vector<16xf32>
        %add3A_712 = arith.addf %add3A_646, %mul3A_711 : vector<16xf32>
        %get3A_713 = arith.constant 3968 : index
        %get3A_714 = tpu.vector_load %arg7[%get3A_713] {strides = array<i32>} : memref<6144xf32, #tpu.memory_space<vmem>>, vector<16xf32>,
        %get3A_715 = vector.shape_cast %get3A_714 : vector<16xf32> to vector<16xf32>
        %mul3A_716 = arith.mulf %get3A_672, %get3A_715 : vector<16xf32>
        %add3A_717 = arith.addf %add3A_651, %mul3A_716 : vector<16xf32>
        %mul3A_718 = arith.mulf %get3A_677, %get3A_715 : vector<16xf32>
        %add3A_719 = arith.addf %add3A_653, %mul3A_718 : vector<16xf32>
        %get3A_720 = arith.constant 4736 : index
        %get3A_721 = tpu.vector_load %arg7[%get3A_720] {strides = array<i32>} : memref<6144xf32, #tpu.memory_space<vmem>>, vector<16xf32>,
        %get3A_722 = vector.shape_cast %get3A_721 : vector<16xf32> to vector<16xf32>
        %mul3A_723 = arith.mulf %get3A_672, %get3A_722 : vector<16xf32>
        %add3A_724 = arith.addf %add3A_658, %mul3A_723 : vector<16xf32>
        %mul3A_725 = arith.mulf %get3A_677, %get3A_722 : vector<16xf32>
        %add3A_726 = arith.addf %add3A_660, %mul3A_725 : vector<16xf32>
        %get3A_727 = arith.constant 5504 : index
        %get3A_728 = tpu.vector_load %arg7[%get3A_727] {strides = array<i32>} : memref<6144xf32, #tpu.memory_space<vmem>>, vector<16xf32>,
        %get3A_729 = vector.shape_cast %get3A_728 : vector<16xf32> to vector<16xf32>
        %mul3A_730 = arith.mulf %get3A_672, %get3A_729 : vector<16xf32>
        %add3A_731 = arith.addf %add3A_665, %mul3A_730 : vector<16xf32>
        %mul3A_732 = arith.mulf %get3A_677, %get3A_729 : vector<16xf32>
        %add3A_733 = arith.addf %add3A_667, %mul3A_732 : vector<16xf32>
        %add3A_734 = arith.constant 144 : i32
        %add3A_735 = arith.addi %mul3A_106, %add3A_734 : i32
        %get3A_736 = arith.index_cast %add3A_735 : i32 to index
        %get3A_737 = tpu.vector_load %arg6[%get3A_736] {strides = array<i32>} : memref<24576xf32, #tpu.memory_space<vmem>>, vector<16xf32>,
        %get3A_738 = vector.shape_cast %get3A_737 : vector<16xf32> to vector<16xf32>
        %add3A_739 = arith.constant 144 : i32
        %add3A_740 = arith.addi %add3A_108, %add3A_739 : i32
        %get3A_741 = arith.index_cast %add3A_740 : i32 to index
        %get3A_742 = tpu.vector_load %arg6[%get3A_741] {strides = array<i32>} : memref<24576xf32, #tpu.memory_space<vmem>>, vector<16xf32>,
        %get3A_743 = vector.shape_cast %get3A_742 : vector<16xf32> to vector<16xf32>
        %get3A_744 = arith.constant 144 : index
        %get3A_745 = tpu.vector_load %arg7[%get3A_744] {strides = array<i32>} : memref<6144xf32, #tpu.memory_space<vmem>>, vector<16xf32>,
        %get3A_746 = vector.shape_cast %get3A_745 : vector<16xf32> to vector<16xf32>
        %mul3A_747 = arith.mulf %get3A_738, %get3A_746 : vector<16xf32>
        %add3A_748 = arith.addf %add3A_682, %mul3A_747 : vector<16xf32>
        %mul3A_749 = arith.mulf %get3A_743, %get3A_746 : vector<16xf32>
        %add3A_750 = arith.addf %add3A_684, %mul3A_749 : vector<16xf32>
        %get3A_751 = arith.constant 912 : index
        %get3A_752 = tpu.vector_load %arg7[%get3A_751] {strides = array<i32>} : memref<6144xf32, #tpu.memory_space<vmem>>, vector<16xf32>,
        %get3A_753 = vector.shape_cast %get3A_752 : vector<16xf32> to vector<16xf32>
        %mul3A_754 = arith.mulf %get3A_738, %get3A_753 : vector<16xf32>
        %add3A_755 = arith.addf %add3A_689, %mul3A_754 : vector<16xf32>
        %mul3A_756 = arith.mulf %get3A_743, %get3A_753 : vector<16xf32>
        %add3A_757 = arith.addf %add3A_691, %mul3A_756 : vector<16xf32>
        %get3A_758 = arith.constant 1680 : index
        %get3A_759 = tpu.vector_load %arg7[%get3A_758] {strides = array<i32>} : memref<6144xf32, #tpu.memory_space<vmem>>, vector<16xf32>,
        %get3A_760 = vector.shape_cast %get3A_759 : vector<16xf32> to vector<16xf32>
        %mul3A_761 = arith.mulf %get3A_738, %get3A_760 : vector<16xf32>
        %add3A_762 = arith.addf %add3A_696, %mul3A_761 : vector<16xf32>
        %mul3A_763 = arith.mulf %get3A_743, %get3A_760 : vector<16xf32>
        %add3A_764 = arith.addf %add3A_698, %mul3A_763 : vector<16xf32>
        %get3A_765 = arith.constant 2448 : index
        %get3A_766 = tpu.vector_load %arg7[%get3A_765] {strides = array<i32>} : memref<6144xf32, #tpu.memory_space<vmem>>, vector<16xf32>,
        %get3A_767 = vector.shape_cast %get3A_766 : vector<16xf32> to vector<16xf32>
        %mul3A_768 = arith.mulf %get3A_738, %get3A_767 : vector<16xf32>
        %add3A_769 = arith.addf %add3A_703, %mul3A_768 : vector<16xf32>
        %mul3A_770 = arith.mulf %get3A_743, %get3A_767 : vector<16xf32>
        %add3A_771 = arith.addf %add3A_705, %mul3A_770 : vector<16xf32>
        %get3A_772 = arith.constant 3216 : index
        %get3A_773 = tpu.vector_load %arg7[%get3A_772] {strides = array<i32>} : memref<6144xf32, #tpu.memory_space<vmem>>, vector<16xf32>,
        %get3A_774 = vector.shape_cast %get3A_773 : vector<16xf32> to vector<16xf32>
        %mul3A_775 = arith.mulf %get3A_738, %get3A_774 : vector<16xf32>
        %add3A_776 = arith.addf %add3A_710, %mul3A_775 : vector<16xf32>
        %mul3A_777 = arith.mulf %get3A_743, %get3A_774 : vector<16xf32>
        %add3A_778 = arith.addf %add3A_712, %mul3A_777 : vector<16xf32>
        %get3A_779 = arith.constant 3984 : index
        %get3A_780 = tpu.vector_load %arg7[%get3A_779] {strides = array<i32>} : memref<6144xf32, #tpu.memory_space<vmem>>, vector<16xf32>,
        %get3A_781 = vector.shape_cast %get3A_780 : vector<16xf32> to vector<16xf32>
        %mul3A_782 = arith.mulf %get3A_738, %get3A_781 : vector<16xf32>
        %add3A_783 = arith.addf %add3A_717, %mul3A_782 : vector<16xf32>
        %mul3A_784 = arith.mulf %get3A_743, %get3A_781 : vector<16xf32>
        %add3A_785 = arith.addf %add3A_719, %mul3A_784 : vector<16xf32>
        %get3A_786 = arith.constant 4752 : index
        %get3A_787 = tpu.vector_load %arg7[%get3A_786] {strides = array<i32>} : memref<6144xf32, #tpu.memory_space<vmem>>, vector<16xf32>,
        %get3A_788 = vector.shape_cast %get3A_787 : vector<16xf32> to vector<16xf32>
        %mul3A_789 = arith.mulf %get3A_738, %get3A_788 : vector<16xf32>
        %add3A_790 = arith.addf %add3A_724, %mul3A_789 : vector<16xf32>
        %mul3A_791 = arith.mulf %get3A_743, %get3A_788 : vector<16xf32>
        %add3A_792 = arith.addf %add3A_726, %mul3A_791 : vector<16xf32>
        %get3A_793 = arith.constant 5520 : index
        %get3A_794 = tpu.vector_load %arg7[%get3A_793] {strides = array<i32>} : memref<6144xf32, #tpu.memory_space<vmem>>, vector<16xf32>,
        %get3A_795 = vector.shape_cast %get3A_794 : vector<16xf32> to vector<16xf32>
        %mul3A_796 = arith.mulf %get3A_738, %get3A_795 : vector<16xf32>
        %add3A_797 = arith.addf %add3A_731, %mul3A_796 : vector<16xf32>
        %mul3A_798 = arith.mulf %get3A_743, %get3A_795 : vector<16xf32>
        %add3A_799 = arith.addf %add3A_733, %mul3A_798 : vector<16xf32>
        %add3A_800 = arith.constant 160 : i32
        %add3A_801 = arith.addi %mul3A_106, %add3A_800 : i32
        %get3A_802 = arith.index_cast %add3A_801 : i32 to index
        %get3A_803 = tpu.vector_load %arg6[%get3A_802] {strides = array<i32>} : memref<24576xf32, #tpu.memory_space<vmem>>, vector<16xf32>,
        %get3A_804 = vector.shape_cast %get3A_803 : vector<16xf32> to vector<16xf32>
        %add3A_805 = arith.constant 160 : i32
        %add3A_806 = arith.addi %add3A_108, %add3A_805 : i32
        %get3A_807 = arith.index_cast %add3A_806 : i32 to index
        %get3A_808 = tpu.vector_load %arg6[%get3A_807] {strides = array<i32>} : memref<24576xf32, #tpu.memory_space<vmem>>, vector<16xf32>,
        %get3A_809 = vector.shape_cast %get3A_808 : vector<16xf32> to vector<16xf32>
        %get3A_810 = arith.constant 160 : index
        %get3A_811 = tpu.vector_load %arg7[%get3A_810] {strides = array<i32>} : memref<6144xf32, #tpu.memory_space<vmem>>, vector<16xf32>,
        %get3A_812 = vector.shape_cast %get3A_811 : vector<16xf32> to vector<16xf32>
        %mul3A_813 = arith.mulf %get3A_804, %get3A_812 : vector<16xf32>
        %add3A_814 = arith.addf %add3A_748, %mul3A_813 : vector<16xf32>
        %mul3A_815 = arith.mulf %get3A_809, %get3A_812 : vector<16xf32>
        %add3A_816 = arith.addf %add3A_750, %mul3A_815 : vector<16xf32>
        %get3A_817 = arith.constant 928 : index
        %get3A_818 = tpu.vector_load %arg7[%get3A_817] {strides = array<i32>} : memref<6144xf32, #tpu.memory_space<vmem>>, vector<16xf32>,
        %get3A_819 = vector.shape_cast %get3A_818 : vector<16xf32> to vector<16xf32>
        %mul3A_820 = arith.mulf %get3A_804, %get3A_819 : vector<16xf32>
        %add3A_821 = arith.addf %add3A_755, %mul3A_820 : vector<16xf32>
        %mul3A_822 = arith.mulf %get3A_809, %get3A_819 : vector<16xf32>
        %add3A_823 = arith.addf %add3A_757, %mul3A_822 : vector<16xf32>
        %get3A_824 = arith.constant 1696 : index
        %get3A_825 = tpu.vector_load %arg7[%get3A_824] {strides = array<i32>} : memref<6144xf32, #tpu.memory_space<vmem>>, vector<16xf32>,
        %get3A_826 = vector.shape_cast %get3A_825 : vector<16xf32> to vector<16xf32>
        %mul3A_827 = arith.mulf %get3A_804, %get3A_826 : vector<16xf32>
        %add3A_828 = arith.addf %add3A_762, %mul3A_827 : vector<16xf32>
        %mul3A_829 = arith.mulf %get3A_809, %get3A_826 : vector<16xf32>
        %add3A_830 = arith.addf %add3A_764, %mul3A_829 : vector<16xf32>
        %get3A_831 = arith.constant 2464 : index
        %get3A_832 = tpu.vector_load %arg7[%get3A_831] {strides = array<i32>} : memref<6144xf32, #tpu.memory_space<vmem>>, vector<16xf32>,
        %get3A_833 = vector.shape_cast %get3A_832 : vector<16xf32> to vector<16xf32>
        %mul3A_834 = arith.mulf %get3A_804, %get3A_833 : vector<16xf32>
        %add3A_835 = arith.addf %add3A_769, %mul3A_834 : vector<16xf32>
        %mul3A_836 = arith.mulf %get3A_809, %get3A_833 : vector<16xf32>
        %add3A_837 = arith.addf %add3A_771, %mul3A_836 : vector<16xf32>
        %get3A_838 = arith.constant 3232 : index
        %get3A_839 = tpu.vector_load %arg7[%get3A_838] {strides = array<i32>} : memref<6144xf32, #tpu.memory_space<vmem>>, vector<16xf32>,
        %get3A_840 = vector.shape_cast %get3A_839 : vector<16xf32> to vector<16xf32>
        %mul3A_841 = arith.mulf %get3A_804, %get3A_840 : vector<16xf32>
        %add3A_842 = arith.addf %add3A_776, %mul3A_841 : vector<16xf32>
        %mul3A_843 = arith.mulf %get3A_809, %get3A_840 : vector<16xf32>
        %add3A_844 = arith.addf %add3A_778, %mul3A_843 : vector<16xf32>
        %get3A_845 = arith.constant 4000 : index
        %get3A_846 = tpu.vector_load %arg7[%get3A_845] {strides = array<i32>} : memref<6144xf32, #tpu.memory_space<vmem>>, vector<16xf32>,
        %get3A_847 = vector.shape_cast %get3A_846 : vector<16xf32> to vector<16xf32>
        %mul3A_848 = arith.mulf %get3A_804, %get3A_847 : vector<16xf32>
        %add3A_849 = arith.addf %add3A_783, %mul3A_848 : vector<16xf32>
        %mul3A_850 = arith.mulf %get3A_809, %get3A_847 : vector<16xf32>
        %add3A_851 = arith.addf %add3A_785, %mul3A_850 : vector<16xf32>
        %get3A_852 = arith.constant 4768 : index
        %get3A_853 = tpu.vector_load %arg7[%get3A_852] {strides = array<i32>} : memref<6144xf32, #tpu.memory_space<vmem>>, vector<16xf32>,
        %get3A_854 = vector.shape_cast %get3A_853 : vector<16xf32> to vector<16xf32>
        %mul3A_855 = arith.mulf %get3A_804, %get3A_854 : vector<16xf32>
        %add3A_856 = arith.addf %add3A_790, %mul3A_855 : vector<16xf32>
        %mul3A_857 = arith.mulf %get3A_809, %get3A_854 : vector<16xf32>
        %add3A_858 = arith.addf %add3A_792, %mul3A_857 : vector<16xf32>
        %get3A_859 = arith.constant 5536 : index
        %get3A_860 = tpu.vector_load %arg7[%get3A_859] {strides = array<i32>} : memref<6144xf32, #tpu.memory_space<vmem>>, vector<16xf32>,
        %get3A_861 = vector.shape_cast %get3A_860 : vector<16xf32> to vector<16xf32>
        %mul3A_862 = arith.mulf %get3A_804, %get3A_861 : vector<16xf32>
        %add3A_863 = arith.addf %add3A_797, %mul3A_862 : vector<16xf32>
        %mul3A_864 = arith.mulf %get3A_809, %get3A_861 : vector<16xf32>
        %add3A_865 = arith.addf %add3A_799, %mul3A_864 : vector<16xf32>
        %add3A_866 = arith.constant 176 : i32
        %add3A_867 = arith.addi %mul3A_106, %add3A_866 : i32
        %get3A_868 = arith.index_cast %add3A_867 : i32 to index
        %get3A_869 = tpu.vector_load %arg6[%get3A_868] {strides = array<i32>} : memref<24576xf32, #tpu.memory_space<vmem>>, vector<16xf32>,
        %get3A_870 = vector.shape_cast %get3A_869 : vector<16xf32> to vector<16xf32>
        %add3A_871 = arith.constant 176 : i32
        %add3A_872 = arith.addi %add3A_108, %add3A_871 : i32
        %get3A_873 = arith.index_cast %add3A_872 : i32 to index
        %get3A_874 = tpu.vector_load %arg6[%get3A_873] {strides = array<i32>} : memref<24576xf32, #tpu.memory_space<vmem>>, vector<16xf32>,
        %get3A_875 = vector.shape_cast %get3A_874 : vector<16xf32> to vector<16xf32>
        %get3A_876 = arith.constant 176 : index
        %get3A_877 = tpu.vector_load %arg7[%get3A_876] {strides = array<i32>} : memref<6144xf32, #tpu.memory_space<vmem>>, vector<16xf32>,
        %get3A_878 = vector.shape_cast %get3A_877 : vector<16xf32> to vector<16xf32>
        %mul3A_879 = arith.mulf %get3A_870, %get3A_878 : vector<16xf32>
        %add3A_880 = arith.addf %add3A_814, %mul3A_879 : vector<16xf32>
        %mul3A_881 = arith.mulf %get3A_875, %get3A_878 : vector<16xf32>
        %add3A_882 = arith.addf %add3A_816, %mul3A_881 : vector<16xf32>
        %get3A_883 = arith.constant 944 : index
        %get3A_884 = tpu.vector_load %arg7[%get3A_883] {strides = array<i32>} : memref<6144xf32, #tpu.memory_space<vmem>>, vector<16xf32>,
        %get3A_885 = vector.shape_cast %get3A_884 : vector<16xf32> to vector<16xf32>
        %mul3A_886 = arith.mulf %get3A_870, %get3A_885 : vector<16xf32>
        %add3A_887 = arith.addf %add3A_821, %mul3A_886 : vector<16xf32>
        %mul3A_888 = arith.mulf %get3A_875, %get3A_885 : vector<16xf32>
        %add3A_889 = arith.addf %add3A_823, %mul3A_888 : vector<16xf32>
        %get3A_890 = arith.constant 1712 : index
        %get3A_891 = tpu.vector_load %arg7[%get3A_890] {strides = array<i32>} : memref<6144xf32, #tpu.memory_space<vmem>>, vector<16xf32>,
        %get3A_892 = vector.shape_cast %get3A_891 : vector<16xf32> to vector<16xf32>
        %mul3A_893 = arith.mulf %get3A_870, %get3A_892 : vector<16xf32>
        %add3A_894 = arith.addf %add3A_828, %mul3A_893 : vector<16xf32>
        %mul3A_895 = arith.mulf %get3A_875, %get3A_892 : vector<16xf32>
        %add3A_896 = arith.addf %add3A_830, %mul3A_895 : vector<16xf32>
        %get3A_897 = arith.constant 2480 : index
        %get3A_898 = tpu.vector_load %arg7[%get3A_897] {strides = array<i32>} : memref<6144xf32, #tpu.memory_space<vmem>>, vector<16xf32>,
        %get3A_899 = vector.shape_cast %get3A_898 : vector<16xf32> to vector<16xf32>
        %mul3A_900 = arith.mulf %get3A_870, %get3A_899 : vector<16xf32>
        %add3A_901 = arith.addf %add3A_835, %mul3A_900 : vector<16xf32>
        %mul3A_902 = arith.mulf %get3A_875, %get3A_899 : vector<16xf32>
        %add3A_903 = arith.addf %add3A_837, %mul3A_902 : vector<16xf32>
        %get3A_904 = arith.constant 3248 : index
        %get3A_905 = tpu.vector_load %arg7[%get3A_904] {strides = array<i32>} : memref<6144xf32, #tpu.memory_space<vmem>>, vector<16xf32>,
        %get3A_906 = vector.shape_cast %get3A_905 : vector<16xf32> to vector<16xf32>
        %mul3A_907 = arith.mulf %get3A_870, %get3A_906 : vector<16xf32>
        %add3A_908 = arith.addf %add3A_842, %mul3A_907 : vector<16xf32>
        %mul3A_909 = arith.mulf %get3A_875, %get3A_906 : vector<16xf32>
        %add3A_910 = arith.addf %add3A_844, %mul3A_909 : vector<16xf32>
        %get3A_911 = arith.constant 4016 : index
        %get3A_912 = tpu.vector_load %arg7[%get3A_911] {strides = array<i32>} : memref<6144xf32, #tpu.memory_space<vmem>>, vector<16xf32>,
        %get3A_913 = vector.shape_cast %get3A_912 : vector<16xf32> to vector<16xf32>
        %mul3A_914 = arith.mulf %get3A_870, %get3A_913 : vector<16xf32>
        %add3A_915 = arith.addf %add3A_849, %mul3A_914 : vector<16xf32>
        %mul3A_916 = arith.mulf %get3A_875, %get3A_913 : vector<16xf32>
        %add3A_917 = arith.addf %add3A_851, %mul3A_916 : vector<16xf32>
        %get3A_918 = arith.constant 4784 : index
        %get3A_919 = tpu.vector_load %arg7[%get3A_918] {strides = array<i32>} : memref<6144xf32, #tpu.memory_space<vmem>>, vector<16xf32>,
        %get3A_920 = vector.shape_cast %get3A_919 : vector<16xf32> to vector<16xf32>
        %mul3A_921 = arith.mulf %get3A_870, %get3A_920 : vector<16xf32>
        %add3A_922 = arith.addf %add3A_856, %mul3A_921 : vector<16xf32>
        %mul3A_923 = arith.mulf %get3A_875, %get3A_920 : vector<16xf32>
        %add3A_924 = arith.addf %add3A_858, %mul3A_923 : vector<16xf32>
        %get3A_925 = arith.constant 5552 : index
        %get3A_926 = tpu.vector_load %arg7[%get3A_925] {strides = array<i32>} : memref<6144xf32, #tpu.memory_space<vmem>>, vector<16xf32>,
        %get3A_927 = vector.shape_cast %get3A_926 : vector<16xf32> to vector<16xf32>
        %mul3A_928 = arith.mulf %get3A_870, %get3A_927 : vector<16xf32>
        %add3A_929 = arith.addf %add3A_863, %mul3A_928 : vector<16xf32>
        %mul3A_930 = arith.mulf %get3A_875, %get3A_927 : vector<16xf32>
        %add3A_931 = arith.addf %add3A_865, %mul3A_930 : vector<16xf32>
        %add3A_932 = arith.constant 192 : i32
        %add3A_933 = arith.addi %mul3A_106, %add3A_932 : i32
        %get3A_934 = arith.index_cast %add3A_933 : i32 to index
        %get3A_935 = tpu.vector_load %arg6[%get3A_934] {strides = array<i32>} : memref<24576xf32, #tpu.memory_space<vmem>>, vector<16xf32>,
        %get3A_936 = vector.shape_cast %get3A_935 : vector<16xf32> to vector<16xf32>
        %add3A_937 = arith.constant 192 : i32
        %add3A_938 = arith.addi %add3A_108, %add3A_937 : i32
        %get3A_939 = arith.index_cast %add3A_938 : i32 to index
        %get3A_940 = tpu.vector_load %arg6[%get3A_939] {strides = array<i32>} : memref<24576xf32, #tpu.memory_space<vmem>>, vector<16xf32>,
        %get3A_941 = vector.shape_cast %get3A_940 : vector<16xf32> to vector<16xf32>
        %get3A_942 = arith.constant 192 : index
        %get3A_943 = tpu.vector_load %arg7[%get3A_942] {strides = array<i32>} : memref<6144xf32, #tpu.memory_space<vmem>>, vector<16xf32>,
        %get3A_944 = vector.shape_cast %get3A_943 : vector<16xf32> to vector<16xf32>
        %mul3A_945 = arith.mulf %get3A_936, %get3A_944 : vector<16xf32>
        %add3A_946 = arith.addf %add3A_880, %mul3A_945 : vector<16xf32>
        %mul3A_947 = arith.mulf %get3A_941, %get3A_944 : vector<16xf32>
        %add3A_948 = arith.addf %add3A_882, %mul3A_947 : vector<16xf32>
        %get3A_949 = arith.constant 960 : index
        %get3A_950 = tpu.vector_load %arg7[%get3A_949] {strides = array<i32>} : memref<6144xf32, #tpu.memory_space<vmem>>, vector<16xf32>,
        %get3A_951 = vector.shape_cast %get3A_950 : vector<16xf32> to vector<16xf32>
        %mul3A_952 = arith.mulf %get3A_936, %get3A_951 : vector<16xf32>
        %add3A_953 = arith.addf %add3A_887, %mul3A_952 : vector<16xf32>
        %mul3A_954 = arith.mulf %get3A_941, %get3A_951 : vector<16xf32>
        %add3A_955 = arith.addf %add3A_889, %mul3A_954 : vector<16xf32>
        %get3A_956 = arith.constant 1728 : index
        %get3A_957 = tpu.vector_load %arg7[%get3A_956] {strides = array<i32>} : memref<6144xf32, #tpu.memory_space<vmem>>, vector<16xf32>,
        %get3A_958 = vector.shape_cast %get3A_957 : vector<16xf32> to vector<16xf32>
        %mul3A_959 = arith.mulf %get3A_936, %get3A_958 : vector<16xf32>
        %add3A_960 = arith.addf %add3A_894, %mul3A_959 : vector<16xf32>
        %mul3A_961 = arith.mulf %get3A_941, %get3A_958 : vector<16xf32>
        %add3A_962 = arith.addf %add3A_896, %mul3A_961 : vector<16xf32>
        %get3A_963 = arith.constant 2496 : index
        %get3A_964 = tpu.vector_load %arg7[%get3A_963] {strides = array<i32>} : memref<6144xf32, #tpu.memory_space<vmem>>, vector<16xf32>,
        %get3A_965 = vector.shape_cast %get3A_964 : vector<16xf32> to vector<16xf32>
        %mul3A_966 = arith.mulf %get3A_936, %get3A_965 : vector<16xf32>
        %add3A_967 = arith.addf %add3A_901, %mul3A_966 : vector<16xf32>
        %mul3A_968 = arith.mulf %get3A_941, %get3A_965 : vector<16xf32>
        %add3A_969 = arith.addf %add3A_903, %mul3A_968 : vector<16xf32>
        %get3A_970 = arith.constant 3264 : index
        %get3A_971 = tpu.vector_load %arg7[%get3A_970] {strides = array<i32>} : memref<6144xf32, #tpu.memory_space<vmem>>, vector<16xf32>,
        %get3A_972 = vector.shape_cast %get3A_971 : vector<16xf32> to vector<16xf32>
        %mul3A_973 = arith.mulf %get3A_936, %get3A_972 : vector<16xf32>
        %add3A_974 = arith.addf %add3A_908, %mul3A_973 : vector<16xf32>
        %mul3A_975 = arith.mulf %get3A_941, %get3A_972 : vector<16xf32>
        %add3A_976 = arith.addf %add3A_910, %mul3A_975 : vector<16xf32>
        %get3A_977 = arith.constant 4032 : index
        %get3A_978 = tpu.vector_load %arg7[%get3A_977] {strides = array<i32>} : memref<6144xf32, #tpu.memory_space<vmem>>, vector<16xf32>,
        %get3A_979 = vector.shape_cast %get3A_978 : vector<16xf32> to vector<16xf32>
        %mul3A_980 = arith.mulf %get3A_936, %get3A_979 : vector<16xf32>
        %add3A_981 = arith.addf %add3A_915, %mul3A_980 : vector<16xf32>
        %mul3A_982 = arith.mulf %get3A_941, %get3A_979 : vector<16xf32>
        %add3A_983 = arith.addf %add3A_917, %mul3A_982 : vector<16xf32>
        %get3A_984 = arith.constant 4800 : index
        %get3A_985 = tpu.vector_load %arg7[%get3A_984] {strides = array<i32>} : memref<6144xf32, #tpu.memory_space<vmem>>, vector<16xf32>,
        %get3A_986 = vector.shape_cast %get3A_985 : vector<16xf32> to vector<16xf32>
        %mul3A_987 = arith.mulf %get3A_936, %get3A_986 : vector<16xf32>
        %add3A_988 = arith.addf %add3A_922, %mul3A_987 : vector<16xf32>
        %mul3A_989 = arith.mulf %get3A_941, %get3A_986 : vector<16xf32>
        %add3A_990 = arith.addf %add3A_924, %mul3A_989 : vector<16xf32>
        %get3A_991 = arith.constant 5568 : index
        %get3A_992 = tpu.vector_load %arg7[%get3A_991] {strides = array<i32>} : memref<6144xf32, #tpu.memory_space<vmem>>, vector<16xf32>,
        %get3A_993 = vector.shape_cast %get3A_992 : vector<16xf32> to vector<16xf32>
        %mul3A_994 = arith.mulf %get3A_936, %get3A_993 : vector<16xf32>
        %add3A_995 = arith.addf %add3A_929, %mul3A_994 : vector<16xf32>
        %mul3A_996 = arith.mulf %get3A_941, %get3A_993 : vector<16xf32>
        %add3A_997 = arith.addf %add3A_931, %mul3A_996 : vector<16xf32>
        %add3A_998 = arith.constant 208 : i32
        %add3A_999 = arith.addi %mul3A_106, %add3A_998 : i32
        %get3A_1000 = arith.index_cast %add3A_999 : i32 to index
        %get3A_1001 = tpu.vector_load %arg6[%get3A_1000] {strides = array<i32>} : memref<24576xf32, #tpu.memory_space<vmem>>, vector<16xf32>,
        %get3A_1002 = vector.shape_cast %get3A_1001 : vector<16xf32> to vector<16xf32>
        %add3A_1003 = arith.constant 208 : i32
        %add3A_1004 = arith.addi %add3A_108, %add3A_1003 : i32
        %get3A_1005 = arith.index_cast %add3A_1004 : i32 to index
        %get3A_1006 = tpu.vector_load %arg6[%get3A_1005] {strides = array<i32>} : memref<24576xf32, #tpu.memory_space<vmem>>, vector<16xf32>,
        %get3A_1007 = vector.shape_cast %get3A_1006 : vector<16xf32> to vector<16xf32>
        %get3A_1008 = arith.constant 208 : index
        %get3A_1009 = tpu.vector_load %arg7[%get3A_1008] {strides = array<i32>} : memref<6144xf32, #tpu.memory_space<vmem>>, vector<16xf32>,
        %get3A_1010 = vector.shape_cast %get3A_1009 : vector<16xf32> to vector<16xf32>
        %mul3A_1011 = arith.mulf %get3A_1002, %get3A_1010 : vector<16xf32>
        %add3A_1012 = arith.addf %add3A_946, %mul3A_1011 : vector<16xf32>
        %mul3A_1013 = arith.mulf %get3A_1007, %get3A_1010 : vector<16xf32>
        %add3A_1014 = arith.addf %add3A_948, %mul3A_1013 : vector<16xf32>
        %get3A_1015 = arith.constant 976 : index
        %get3A_1016 = tpu.vector_load %arg7[%get3A_1015] {strides = array<i32>} : memref<6144xf32, #tpu.memory_space<vmem>>, vector<16xf32>,
        %get3A_1017 = vector.shape_cast %get3A_1016 : vector<16xf32> to vector<16xf32>
        %mul3A_1018 = arith.mulf %get3A_1002, %get3A_1017 : vector<16xf32>
        %add3A_1019 = arith.addf %add3A_953, %mul3A_1018 : vector<16xf32>
        %mul3A_1020 = arith.mulf %get3A_1007, %get3A_1017 : vector<16xf32>
        %add3A_1021 = arith.addf %add3A_955, %mul3A_1020 : vector<16xf32>
        %get3A_1022 = arith.constant 1744 : index
        %get3A_1023 = tpu.vector_load %arg7[%get3A_1022] {strides = array<i32>} : memref<6144xf32, #tpu.memory_space<vmem>>, vector<16xf32>,
        %get3A_1024 = vector.shape_cast %get3A_1023 : vector<16xf32> to vector<16xf32>
        %mul3A_1025 = arith.mulf %get3A_1002, %get3A_1024 : vector<16xf32>
        %add3A_1026 = arith.addf %add3A_960, %mul3A_1025 : vector<16xf32>
        %mul3A_1027 = arith.mulf %get3A_1007, %get3A_1024 : vector<16xf32>
        %add3A_1028 = arith.addf %add3A_962, %mul3A_1027 : vector<16xf32>
        %get3A_1029 = arith.constant 2512 : index
        %get3A_1030 = tpu.vector_load %arg7[%get3A_1029] {strides = array<i32>} : memref<6144xf32, #tpu.memory_space<vmem>>, vector<16xf32>,
        %get3A_1031 = vector.shape_cast %get3A_1030 : vector<16xf32> to vector<16xf32>
        %mul3A_1032 = arith.mulf %get3A_1002, %get3A_1031 : vector<16xf32>
        %add3A_1033 = arith.addf %add3A_967, %mul3A_1032 : vector<16xf32>
        %mul3A_1034 = arith.mulf %get3A_1007, %get3A_1031 : vector<16xf32>
        %add3A_1035 = arith.addf %add3A_969, %mul3A_1034 : vector<16xf32>
        %get3A_1036 = arith.constant 3280 : index
        %get3A_1037 = tpu.vector_load %arg7[%get3A_1036] {strides = array<i32>} : memref<6144xf32, #tpu.memory_space<vmem>>, vector<16xf32>,
        %get3A_1038 = vector.shape_cast %get3A_1037 : vector<16xf32> to vector<16xf32>
        %mul3A_1039 = arith.mulf %get3A_1002, %get3A_1038 : vector<16xf32>
        %add3A_1040 = arith.addf %add3A_974, %mul3A_1039 : vector<16xf32>
        %mul3A_1041 = arith.mulf %get3A_1007, %get3A_1038 : vector<16xf32>
        %add3A_1042 = arith.addf %add3A_976, %mul3A_1041 : vector<16xf32>
        %get3A_1043 = arith.constant 4048 : index
        %get3A_1044 = tpu.vector_load %arg7[%get3A_1043] {strides = array<i32>} : memref<6144xf32, #tpu.memory_space<vmem>>, vector<16xf32>,
        %get3A_1045 = vector.shape_cast %get3A_1044 : vector<16xf32> to vector<16xf32>
        %mul3A_1046 = arith.mulf %get3A_1002, %get3A_1045 : vector<16xf32>
        %add3A_1047 = arith.addf %add3A_981, %mul3A_1046 : vector<16xf32>
        %mul3A_1048 = arith.mulf %get3A_1007, %get3A_1045 : vector<16xf32>
        %add3A_1049 = arith.addf %add3A_983, %mul3A_1048 : vector<16xf32>
        %get3A_1050 = arith.constant 4816 : index
        %get3A_1051 = tpu.vector_load %arg7[%get3A_1050] {strides = array<i32>} : memref<6144xf32, #tpu.memory_space<vmem>>, vector<16xf32>,
        %get3A_1052 = vector.shape_cast %get3A_1051 : vector<16xf32> to vector<16xf32>
        %mul3A_1053 = arith.mulf %get3A_1002, %get3A_1052 : vector<16xf32>
        %add3A_1054 = arith.addf %add3A_988, %mul3A_1053 : vector<16xf32>
        %mul3A_1055 = arith.mulf %get3A_1007, %get3A_1052 : vector<16xf32>
        %add3A_1056 = arith.addf %add3A_990, %mul3A_1055 : vector<16xf32>
        %get3A_1057 = arith.constant 5584 : index
        %get3A_1058 = tpu.vector_load %arg7[%get3A_1057] {strides = array<i32>} : memref<6144xf32, #tpu.memory_space<vmem>>, vector<16xf32>,
        %get3A_1059 = vector.shape_cast %get3A_1058 : vector<16xf32> to vector<16xf32>
        %mul3A_1060 = arith.mulf %get3A_1002, %get3A_1059 : vector<16xf32>
        %add3A_1061 = arith.addf %add3A_995, %mul3A_1060 : vector<16xf32>
        %mul3A_1062 = arith.mulf %get3A_1007, %get3A_1059 : vector<16xf32>
        %add3A_1063 = arith.addf %add3A_997, %mul3A_1062 : vector<16xf32>
        %add3A_1064 = arith.constant 224 : i32
        %add3A_1065 = arith.addi %mul3A_106, %add3A_1064 : i32
        %get3A_1066 = arith.index_cast %add3A_1065 : i32 to index
        %get3A_1067 = tpu.vector_load %arg6[%get3A_1066] {strides = array<i32>} : memref<24576xf32, #tpu.memory_space<vmem>>, vector<16xf32>,
        %get3A_1068 = vector.shape_cast %get3A_1067 : vector<16xf32> to vector<16xf32>
        %add3A_1069 = arith.constant 224 : i32
        %add3A_1070 = arith.addi %add3A_108, %add3A_1069 : i32
        %get3A_1071 = arith.index_cast %add3A_1070 : i32 to index
        %get3A_1072 = tpu.vector_load %arg6[%get3A_1071] {strides = array<i32>} : memref<24576xf32, #tpu.memory_space<vmem>>, vector<16xf32>,
        %get3A_1073 = vector.shape_cast %get3A_1072 : vector<16xf32> to vector<16xf32>
        %get3A_1074 = arith.constant 224 : index
        %get3A_1075 = tpu.vector_load %arg7[%get3A_1074] {strides = array<i32>} : memref<6144xf32, #tpu.memory_space<vmem>>, vector<16xf32>,
        %get3A_1076 = vector.shape_cast %get3A_1075 : vector<16xf32> to vector<16xf32>
        %mul3A_1077 = arith.mulf %get3A_1068, %get3A_1076 : vector<16xf32>
        %add3A_1078 = arith.addf %add3A_1012, %mul3A_1077 : vector<16xf32>
        %mul3A_1079 = arith.mulf %get3A_1073, %get3A_1076 : vector<16xf32>
        %add3A_1080 = arith.addf %add3A_1014, %mul3A_1079 : vector<16xf32>
        %get3A_1081 = arith.constant 992 : index
        %get3A_1082 = tpu.vector_load %arg7[%get3A_1081] {strides = array<i32>} : memref<6144xf32, #tpu.memory_space<vmem>>, vector<16xf32>,
        %get3A_1083 = vector.shape_cast %get3A_1082 : vector<16xf32> to vector<16xf32>
        %mul3A_1084 = arith.mulf %get3A_1068, %get3A_1083 : vector<16xf32>
        %add3A_1085 = arith.addf %add3A_1019, %mul3A_1084 : vector<16xf32>
        %mul3A_1086 = arith.mulf %get3A_1073, %get3A_1083 : vector<16xf32>
        %add3A_1087 = arith.addf %add3A_1021, %mul3A_1086 : vector<16xf32>
        %get3A_1088 = arith.constant 1760 : index
        %get3A_1089 = tpu.vector_load %arg7[%get3A_1088] {strides = array<i32>} : memref<6144xf32, #tpu.memory_space<vmem>>, vector<16xf32>,
        %get3A_1090 = vector.shape_cast %get3A_1089 : vector<16xf32> to vector<16xf32>
        %mul3A_1091 = arith.mulf %get3A_1068, %get3A_1090 : vector<16xf32>
        %add3A_1092 = arith.addf %add3A_1026, %mul3A_1091 : vector<16xf32>
        %mul3A_1093 = arith.mulf %get3A_1073, %get3A_1090 : vector<16xf32>
        %add3A_1094 = arith.addf %add3A_1028, %mul3A_1093 : vector<16xf32>
        %get3A_1095 = arith.constant 2528 : index
        %get3A_1096 = tpu.vector_load %arg7[%get3A_1095] {strides = array<i32>} : memref<6144xf32, #tpu.memory_space<vmem>>, vector<16xf32>,
        %get3A_1097 = vector.shape_cast %get3A_1096 : vector<16xf32> to vector<16xf32>
        %mul3A_1098 = arith.mulf %get3A_1068, %get3A_1097 : vector<16xf32>
        %add3A_1099 = arith.addf %add3A_1033, %mul3A_1098 : vector<16xf32>
        %mul3A_1100 = arith.mulf %get3A_1073, %get3A_1097 : vector<16xf32>
        %add3A_1101 = arith.addf %add3A_1035, %mul3A_1100 : vector<16xf32>
        %get3A_1102 = arith.constant 3296 : index
        %get3A_1103 = tpu.vector_load %arg7[%get3A_1102] {strides = array<i32>} : memref<6144xf32, #tpu.memory_space<vmem>>, vector<16xf32>,
        %get3A_1104 = vector.shape_cast %get3A_1103 : vector<16xf32> to vector<16xf32>
        %mul3A_1105 = arith.mulf %get3A_1068, %get3A_1104 : vector<16xf32>
        %add3A_1106 = arith.addf %add3A_1040, %mul3A_1105 : vector<16xf32>
        %mul3A_1107 = arith.mulf %get3A_1073, %get3A_1104 : vector<16xf32>
        %add3A_1108 = arith.addf %add3A_1042, %mul3A_1107 : vector<16xf32>
        %get3A_1109 = arith.constant 4064 : index
        %get3A_1110 = tpu.vector_load %arg7[%get3A_1109] {strides = array<i32>} : memref<6144xf32, #tpu.memory_space<vmem>>, vector<16xf32>,
        %get3A_1111 = vector.shape_cast %get3A_1110 : vector<16xf32> to vector<16xf32>
        %mul3A_1112 = arith.mulf %get3A_1068, %get3A_1111 : vector<16xf32>
        %add3A_1113 = arith.addf %add3A_1047, %mul3A_1112 : vector<16xf32>
        %mul3A_1114 = arith.mulf %get3A_1073, %get3A_1111 : vector<16xf32>
        %add3A_1115 = arith.addf %add3A_1049, %mul3A_1114 : vector<16xf32>
        %get3A_1116 = arith.constant 4832 : index
        %get3A_1117 = tpu.vector_load %arg7[%get3A_1116] {strides = array<i32>} : memref<6144xf32, #tpu.memory_space<vmem>>, vector<16xf32>,
        %get3A_1118 = vector.shape_cast %get3A_1117 : vector<16xf32> to vector<16xf32>
        %mul3A_1119 = arith.mulf %get3A_1068, %get3A_1118 : vector<16xf32>
        %add3A_1120 = arith.addf %add3A_1054, %mul3A_1119 : vector<16xf32>
        %mul3A_1121 = arith.mulf %get3A_1073, %get3A_1118 : vector<16xf32>
        %add3A_1122 = arith.addf %add3A_1056, %mul3A_1121 : vector<16xf32>
        %get3A_1123 = arith.constant 5600 : index
        %get3A_1124 = tpu.vector_load %arg7[%get3A_1123] {strides = array<i32>} : memref<6144xf32, #tpu.memory_space<vmem>>, vector<16xf32>,
        %get3A_1125 = vector.shape_cast %get3A_1124 : vector<16xf32> to vector<16xf32>
        %mul3A_1126 = arith.mulf %get3A_1068, %get3A_1125 : vector<16xf32>
        %add3A_1127 = arith.addf %add3A_1061, %mul3A_1126 : vector<16xf32>
        %mul3A_1128 = arith.mulf %get3A_1073, %get3A_1125 : vector<16xf32>
        %add3A_1129 = arith.addf %add3A_1063, %mul3A_1128 : vector<16xf32>
        %add3A_1130 = arith.constant 240 : i32
        %add3A_1131 = arith.addi %mul3A_106, %add3A_1130 : i32
        %get3A_1132 = arith.index_cast %add3A_1131 : i32 to index
        %get3A_1133 = tpu.vector_load %arg6[%get3A_1132] {strides = array<i32>} : memref<24576xf32, #tpu.memory_space<vmem>>, vector<16xf32>,
        %get3A_1134 = vector.shape_cast %get3A_1133 : vector<16xf32> to vector<16xf32>
        %add3A_1135 = arith.constant 240 : i32
        %add3A_1136 = arith.addi %add3A_108, %add3A_1135 : i32
        %get3A_1137 = arith.index_cast %add3A_1136 : i32 to index
        %get3A_1138 = tpu.vector_load %arg6[%get3A_1137] {strides = array<i32>} : memref<24576xf32, #tpu.memory_space<vmem>>, vector<16xf32>,
        %get3A_1139 = vector.shape_cast %get3A_1138 : vector<16xf32> to vector<16xf32>
        %get3A_1140 = arith.constant 240 : index
        %get3A_1141 = tpu.vector_load %arg7[%get3A_1140] {strides = array<i32>} : memref<6144xf32, #tpu.memory_space<vmem>>, vector<16xf32>,
        %get3A_1142 = vector.shape_cast %get3A_1141 : vector<16xf32> to vector<16xf32>
        %mul3A_1143 = arith.mulf %get3A_1134, %get3A_1142 : vector<16xf32>
        %add3A_1144 = arith.addf %add3A_1078, %mul3A_1143 : vector<16xf32>
        %mul3A_1145 = arith.mulf %get3A_1139, %get3A_1142 : vector<16xf32>
        %add3A_1146 = arith.addf %add3A_1080, %mul3A_1145 : vector<16xf32>
        %get3A_1147 = arith.constant 1008 : index
        %get3A_1148 = tpu.vector_load %arg7[%get3A_1147] {strides = array<i32>} : memref<6144xf32, #tpu.memory_space<vmem>>, vector<16xf32>,
        %get3A_1149 = vector.shape_cast %get3A_1148 : vector<16xf32> to vector<16xf32>
        %mul3A_1150 = arith.mulf %get3A_1134, %get3A_1149 : vector<16xf32>
        %add3A_1151 = arith.addf %add3A_1085, %mul3A_1150 : vector<16xf32>
        %mul3A_1152 = arith.mulf %get3A_1139, %get3A_1149 : vector<16xf32>
        %add3A_1153 = arith.addf %add3A_1087, %mul3A_1152 : vector<16xf32>
        %get3A_1154 = arith.constant 1776 : index
        %get3A_1155 = tpu.vector_load %arg7[%get3A_1154] {strides = array<i32>} : memref<6144xf32, #tpu.memory_space<vmem>>, vector<16xf32>,
        %get3A_1156 = vector.shape_cast %get3A_1155 : vector<16xf32> to vector<16xf32>
        %mul3A_1157 = arith.mulf %get3A_1134, %get3A_1156 : vector<16xf32>
        %add3A_1158 = arith.addf %add3A_1092, %mul3A_1157 : vector<16xf32>
        %mul3A_1159 = arith.mulf %get3A_1139, %get3A_1156 : vector<16xf32>
        %add3A_1160 = arith.addf %add3A_1094, %mul3A_1159 : vector<16xf32>
        %get3A_1161 = arith.constant 2544 : index
        %get3A_1162 = tpu.vector_load %arg7[%get3A_1161] {strides = array<i32>} : memref<6144xf32, #tpu.memory_space<vmem>>, vector<16xf32>,
        %get3A_1163 = vector.shape_cast %get3A_1162 : vector<16xf32> to vector<16xf32>
        %mul3A_1164 = arith.mulf %get3A_1134, %get3A_1163 : vector<16xf32>
        %add3A_1165 = arith.addf %add3A_1099, %mul3A_1164 : vector<16xf32>
        %mul3A_1166 = arith.mulf %get3A_1139, %get3A_1163 : vector<16xf32>
        %add3A_1167 = arith.addf %add3A_1101, %mul3A_1166 : vector<16xf32>
        %get3A_1168 = arith.constant 3312 : index
        %get3A_1169 = tpu.vector_load %arg7[%get3A_1168] {strides = array<i32>} : memref<6144xf32, #tpu.memory_space<vmem>>, vector<16xf32>,
        %get3A_1170 = vector.shape_cast %get3A_1169 : vector<16xf32> to vector<16xf32>
        %mul3A_1171 = arith.mulf %get3A_1134, %get3A_1170 : vector<16xf32>
        %add3A_1172 = arith.addf %add3A_1106, %mul3A_1171 : vector<16xf32>
        %mul3A_1173 = arith.mulf %get3A_1139, %get3A_1170 : vector<16xf32>
        %add3A_1174 = arith.addf %add3A_1108, %mul3A_1173 : vector<16xf32>
        %get3A_1175 = arith.constant 4080 : index
        %get3A_1176 = tpu.vector_load %arg7[%get3A_1175] {strides = array<i32>} : memref<6144xf32, #tpu.memory_space<vmem>>, vector<16xf32>,
        %get3A_1177 = vector.shape_cast %get3A_1176 : vector<16xf32> to vector<16xf32>
        %mul3A_1178 = arith.mulf %get3A_1134, %get3A_1177 : vector<16xf32>
        %add3A_1179 = arith.addf %add3A_1113, %mul3A_1178 : vector<16xf32>
        %mul3A_1180 = arith.mulf %get3A_1139, %get3A_1177 : vector<16xf32>
        %add3A_1181 = arith.addf %add3A_1115, %mul3A_1180 : vector<16xf32>
        %get3A_1182 = arith.constant 4848 : index
        %get3A_1183 = tpu.vector_load %arg7[%get3A_1182] {strides = array<i32>} : memref<6144xf32, #tpu.memory_space<vmem>>, vector<16xf32>,
        %get3A_1184 = vector.shape_cast %get3A_1183 : vector<16xf32> to vector<16xf32>
        %mul3A_1185 = arith.mulf %get3A_1134, %get3A_1184 : vector<16xf32>
        %add3A_1186 = arith.addf %add3A_1120, %mul3A_1185 : vector<16xf32>
        %mul3A_1187 = arith.mulf %get3A_1139, %get3A_1184 : vector<16xf32>
        %add3A_1188 = arith.addf %add3A_1122, %mul3A_1187 : vector<16xf32>
        %get3A_1189 = arith.constant 5616 : index
        %get3A_1190 = tpu.vector_load %arg7[%get3A_1189] {strides = array<i32>} : memref<6144xf32, #tpu.memory_space<vmem>>, vector<16xf32>,
        %get3A_1191 = vector.shape_cast %get3A_1190 : vector<16xf32> to vector<16xf32>
        %mul3A_1192 = arith.mulf %get3A_1134, %get3A_1191 : vector<16xf32>
        %add3A_1193 = arith.addf %add3A_1127, %mul3A_1192 : vector<16xf32>
        %mul3A_1194 = arith.mulf %get3A_1139, %get3A_1191 : vector<16xf32>
        %add3A_1195 = arith.addf %add3A_1129, %mul3A_1194 : vector<16xf32>
        %add3A_1196 = arith.constant 256 : i32
        %add3A_1197 = arith.addi %mul3A_106, %add3A_1196 : i32
        %get3A_1198 = arith.index_cast %add3A_1197 : i32 to index
        %get3A_1199 = tpu.vector_load %arg6[%get3A_1198] {strides = array<i32>} : memref<24576xf32, #tpu.memory_space<vmem>>, vector<16xf32>,
        %get3A_1200 = vector.shape_cast %get3A_1199 : vector<16xf32> to vector<16xf32>
        %add3A_1201 = arith.constant 256 : i32
        %add3A_1202 = arith.addi %add3A_108, %add3A_1201 : i32
        %get3A_1203 = arith.index_cast %add3A_1202 : i32 to index
        %get3A_1204 = tpu.vector_load %arg6[%get3A_1203] {strides = array<i32>} : memref<24576xf32, #tpu.memory_space<vmem>>, vector<16xf32>,
        %get3A_1205 = vector.shape_cast %get3A_1204 : vector<16xf32> to vector<16xf32>
        %get3A_1206 = arith.constant 256 : index
        %get3A_1207 = tpu.vector_load %arg7[%get3A_1206] {strides = array<i32>} : memref<6144xf32, #tpu.memory_space<vmem>>, vector<16xf32>,
        %get3A_1208 = vector.shape_cast %get3A_1207 : vector<16xf32> to vector<16xf32>
        %mul3A_1209 = arith.mulf %get3A_1200, %get3A_1208 : vector<16xf32>
        %add3A_1210 = arith.addf %add3A_1144, %mul3A_1209 : vector<16xf32>
        %mul3A_1211 = arith.mulf %get3A_1205, %get3A_1208 : vector<16xf32>
        %add3A_1212 = arith.addf %add3A_1146, %mul3A_1211 : vector<16xf32>
        %get3A_1213 = arith.constant 1024 : index
        %get3A_1214 = tpu.vector_load %arg7[%get3A_1213] {strides = array<i32>} : memref<6144xf32, #tpu.memory_space<vmem>>, vector<16xf32>,
        %get3A_1215 = vector.shape_cast %get3A_1214 : vector<16xf32> to vector<16xf32>
        %mul3A_1216 = arith.mulf %get3A_1200, %get3A_1215 : vector<16xf32>
        %add3A_1217 = arith.addf %add3A_1151, %mul3A_1216 : vector<16xf32>
        %mul3A_1218 = arith.mulf %get3A_1205, %get3A_1215 : vector<16xf32>
        %add3A_1219 = arith.addf %add3A_1153, %mul3A_1218 : vector<16xf32>
        %get3A_1220 = arith.constant 1792 : index
        %get3A_1221 = tpu.vector_load %arg7[%get3A_1220] {strides = array<i32>} : memref<6144xf32, #tpu.memory_space<vmem>>, vector<16xf32>,
        %get3A_1222 = vector.shape_cast %get3A_1221 : vector<16xf32> to vector<16xf32>
        %mul3A_1223 = arith.mulf %get3A_1200, %get3A_1222 : vector<16xf32>
        %add3A_1224 = arith.addf %add3A_1158, %mul3A_1223 : vector<16xf32>
        %mul3A_1225 = arith.mulf %get3A_1205, %get3A_1222 : vector<16xf32>
        %add3A_1226 = arith.addf %add3A_1160, %mul3A_1225 : vector<16xf32>
        %get3A_1227 = arith.constant 2560 : index
        %get3A_1228 = tpu.vector_load %arg7[%get3A_1227] {strides = array<i32>} : memref<6144xf32, #tpu.memory_space<vmem>>, vector<16xf32>,
        %get3A_1229 = vector.shape_cast %get3A_1228 : vector<16xf32> to vector<16xf32>
        %mul3A_1230 = arith.mulf %get3A_1200, %get3A_1229 : vector<16xf32>
        %add3A_1231 = arith.addf %add3A_1165, %mul3A_1230 : vector<16xf32>
        %mul3A_1232 = arith.mulf %get3A_1205, %get3A_1229 : vector<16xf32>
        %add3A_1233 = arith.addf %add3A_1167, %mul3A_1232 : vector<16xf32>
        %get3A_1234 = arith.constant 3328 : index
        %get3A_1235 = tpu.vector_load %arg7[%get3A_1234] {strides = array<i32>} : memref<6144xf32, #tpu.memory_space<vmem>>, vector<16xf32>,
        %get3A_1236 = vector.shape_cast %get3A_1235 : vector<16xf32> to vector<16xf32>
        %mul3A_1237 = arith.mulf %get3A_1200, %get3A_1236 : vector<16xf32>
        %add3A_1238 = arith.addf %add3A_1172, %mul3A_1237 : vector<16xf32>
        %mul3A_1239 = arith.mulf %get3A_1205, %get3A_1236 : vector<16xf32>
        %add3A_1240 = arith.addf %add3A_1174, %mul3A_1239 : vector<16xf32>
        %get3A_1241 = arith.constant 4096 : index
        %get3A_1242 = tpu.vector_load %arg7[%get3A_1241] {strides = array<i32>} : memref<6144xf32, #tpu.memory_space<vmem>>, vector<16xf32>,
        %get3A_1243 = vector.shape_cast %get3A_1242 : vector<16xf32> to vector<16xf32>
        %mul3A_1244 = arith.mulf %get3A_1200, %get3A_1243 : vector<16xf32>
        %add3A_1245 = arith.addf %add3A_1179, %mul3A_1244 : vector<16xf32>
        %mul3A_1246 = arith.mulf %get3A_1205, %get3A_1243 : vector<16xf32>
        %add3A_1247 = arith.addf %add3A_1181, %mul3A_1246 : vector<16xf32>
        %get3A_1248 = arith.constant 4864 : index
        %get3A_1249 = tpu.vector_load %arg7[%get3A_1248] {strides = array<i32>} : memref<6144xf32, #tpu.memory_space<vmem>>, vector<16xf32>,
        %get3A_1250 = vector.shape_cast %get3A_1249 : vector<16xf32> to vector<16xf32>
        %mul3A_1251 = arith.mulf %get3A_1200, %get3A_1250 : vector<16xf32>
        %add3A_1252 = arith.addf %add3A_1186, %mul3A_1251 : vector<16xf32>
        %mul3A_1253 = arith.mulf %get3A_1205, %get3A_1250 : vector<16xf32>
        %add3A_1254 = arith.addf %add3A_1188, %mul3A_1253 : vector<16xf32>
        %get3A_1255 = arith.constant 5632 : index
        %get3A_1256 = tpu.vector_load %arg7[%get3A_1255] {strides = array<i32>} : memref<6144xf32, #tpu.memory_space<vmem>>, vector<16xf32>,
        %get3A_1257 = vector.shape_cast %get3A_1256 : vector<16xf32> to vector<16xf32>
        %mul3A_1258 = arith.mulf %get3A_1200, %get3A_1257 : vector<16xf32>
        %add3A_1259 = arith.addf %add3A_1193, %mul3A_1258 : vector<16xf32>
        %mul3A_1260 = arith.mulf %get3A_1205, %get3A_1257 : vector<16xf32>
        %add3A_1261 = arith.addf %add3A_1195, %mul3A_1260 : vector<16xf32>
        %add3A_1262 = arith.constant 272 : i32
        %add3A_1263 = arith.addi %mul3A_106, %add3A_1262 : i32
        %get3A_1264 = arith.index_cast %add3A_1263 : i32 to index
        %get3A_1265 = tpu.vector_load %arg6[%get3A_1264] {strides = array<i32>} : memref<24576xf32, #tpu.memory_space<vmem>>, vector<16xf32>,
        %get3A_1266 = vector.shape_cast %get3A_1265 : vector<16xf32> to vector<16xf32>
        %add3A_1267 = arith.constant 272 : i32
        %add3A_1268 = arith.addi %add3A_108, %add3A_1267 : i32
        %get3A_1269 = arith.index_cast %add3A_1268 : i32 to index
        %get3A_1270 = tpu.vector_load %arg6[%get3A_1269] {strides = array<i32>} : memref<24576xf32, #tpu.memory_space<vmem>>, vector<16xf32>,
        %get3A_1271 = vector.shape_cast %get3A_1270 : vector<16xf32> to vector<16xf32>
        %get3A_1272 = arith.constant 272 : index
        %get3A_1273 = tpu.vector_load %arg7[%get3A_1272] {strides = array<i32>} : memref<6144xf32, #tpu.memory_space<vmem>>, vector<16xf32>,
        %get3A_1274 = vector.shape_cast %get3A_1273 : vector<16xf32> to vector<16xf32>
        %mul3A_1275 = arith.mulf %get3A_1266, %get3A_1274 : vector<16xf32>
        %add3A_1276 = arith.addf %add3A_1210, %mul3A_1275 : vector<16xf32>
        %mul3A_1277 = arith.mulf %get3A_1271, %get3A_1274 : vector<16xf32>
        %add3A_1278 = arith.addf %add3A_1212, %mul3A_1277 : vector<16xf32>
        %get3A_1279 = arith.constant 1040 : index
        %get3A_1280 = tpu.vector_load %arg7[%get3A_1279] {strides = array<i32>} : memref<6144xf32, #tpu.memory_space<vmem>>, vector<16xf32>,
        %get3A_1281 = vector.shape_cast %get3A_1280 : vector<16xf32> to vector<16xf32>
        %mul3A_1282 = arith.mulf %get3A_1266, %get3A_1281 : vector<16xf32>
        %add3A_1283 = arith.addf %add3A_1217, %mul3A_1282 : vector<16xf32>
        %mul3A_1284 = arith.mulf %get3A_1271, %get3A_1281 : vector<16xf32>
        %add3A_1285 = arith.addf %add3A_1219, %mul3A_1284 : vector<16xf32>
        %get3A_1286 = arith.constant 1808 : index
        %get3A_1287 = tpu.vector_load %arg7[%get3A_1286] {strides = array<i32>} : memref<6144xf32, #tpu.memory_space<vmem>>, vector<16xf32>,
        %get3A_1288 = vector.shape_cast %get3A_1287 : vector<16xf32> to vector<16xf32>
        %mul3A_1289 = arith.mulf %get3A_1266, %get3A_1288 : vector<16xf32>
        %add3A_1290 = arith.addf %add3A_1224, %mul3A_1289 : vector<16xf32>
        %mul3A_1291 = arith.mulf %get3A_1271, %get3A_1288 : vector<16xf32>
        %add3A_1292 = arith.addf %add3A_1226, %mul3A_1291 : vector<16xf32>
        %get3A_1293 = arith.constant 2576 : index
        %get3A_1294 = tpu.vector_load %arg7[%get3A_1293] {strides = array<i32>} : memref<6144xf32, #tpu.memory_space<vmem>>, vector<16xf32>,
        %get3A_1295 = vector.shape_cast %get3A_1294 : vector<16xf32> to vector<16xf32>
        %mul3A_1296 = arith.mulf %get3A_1266, %get3A_1295 : vector<16xf32>
        %add3A_1297 = arith.addf %add3A_1231, %mul3A_1296 : vector<16xf32>
        %mul3A_1298 = arith.mulf %get3A_1271, %get3A_1295 : vector<16xf32>
        %add3A_1299 = arith.addf %add3A_1233, %mul3A_1298 : vector<16xf32>
        %get3A_1300 = arith.constant 3344 : index
        %get3A_1301 = tpu.vector_load %arg7[%get3A_1300] {strides = array<i32>} : memref<6144xf32, #tpu.memory_space<vmem>>, vector<16xf32>,
        %get3A_1302 = vector.shape_cast %get3A_1301 : vector<16xf32> to vector<16xf32>
        %mul3A_1303 = arith.mulf %get3A_1266, %get3A_1302 : vector<16xf32>
        %add3A_1304 = arith.addf %add3A_1238, %mul3A_1303 : vector<16xf32>
        %mul3A_1305 = arith.mulf %get3A_1271, %get3A_1302 : vector<16xf32>
        %add3A_1306 = arith.addf %add3A_1240, %mul3A_1305 : vector<16xf32>
        %get3A_1307 = arith.constant 4112 : index
        %get3A_1308 = tpu.vector_load %arg7[%get3A_1307] {strides = array<i32>} : memref<6144xf32, #tpu.memory_space<vmem>>, vector<16xf32>,
        %get3A_1309 = vector.shape_cast %get3A_1308 : vector<16xf32> to vector<16xf32>
        %mul3A_1310 = arith.mulf %get3A_1266, %get3A_1309 : vector<16xf32>
        %add3A_1311 = arith.addf %add3A_1245, %mul3A_1310 : vector<16xf32>
        %mul3A_1312 = arith.mulf %get3A_1271, %get3A_1309 : vector<16xf32>
        %add3A_1313 = arith.addf %add3A_1247, %mul3A_1312 : vector<16xf32>
        %get3A_1314 = arith.constant 4880 : index
        %get3A_1315 = tpu.vector_load %arg7[%get3A_1314] {strides = array<i32>} : memref<6144xf32, #tpu.memory_space<vmem>>, vector<16xf32>,
        %get3A_1316 = vector.shape_cast %get3A_1315 : vector<16xf32> to vector<16xf32>
        %mul3A_1317 = arith.mulf %get3A_1266, %get3A_1316 : vector<16xf32>
        %add3A_1318 = arith.addf %add3A_1252, %mul3A_1317 : vector<16xf32>
        %mul3A_1319 = arith.mulf %get3A_1271, %get3A_1316 : vector<16xf32>
        %add3A_1320 = arith.addf %add3A_1254, %mul3A_1319 : vector<16xf32>
        %get3A_1321 = arith.constant 5648 : index
        %get3A_1322 = tpu.vector_load %arg7[%get3A_1321] {strides = array<i32>} : memref<6144xf32, #tpu.memory_space<vmem>>, vector<16xf32>,
        %get3A_1323 = vector.shape_cast %get3A_1322 : vector<16xf32> to vector<16xf32>
        %mul3A_1324 = arith.mulf %get3A_1266, %get3A_1323 : vector<16xf32>
        %add3A_1325 = arith.addf %add3A_1259, %mul3A_1324 : vector<16xf32>
        %mul3A_1326 = arith.mulf %get3A_1271, %get3A_1323 : vector<16xf32>
        %add3A_1327 = arith.addf %add3A_1261, %mul3A_1326 : vector<16xf32>
        %add3A_1328 = arith.constant 288 : i32
        %add3A_1329 = arith.addi %mul3A_106, %add3A_1328 : i32
        %get3A_1330 = arith.index_cast %add3A_1329 : i32 to index
        %get3A_1331 = tpu.vector_load %arg6[%get3A_1330] {strides = array<i32>} : memref<24576xf32, #tpu.memory_space<vmem>>, vector<16xf32>,
        %get3A_1332 = vector.shape_cast %get3A_1331 : vector<16xf32> to vector<16xf32>
        %add3A_1333 = arith.constant 288 : i32
        %add3A_1334 = arith.addi %add3A_108, %add3A_1333 : i32
        %get3A_1335 = arith.index_cast %add3A_1334 : i32 to index
        %get3A_1336 = tpu.vector_load %arg6[%get3A_1335] {strides = array<i32>} : memref<24576xf32, #tpu.memory_space<vmem>>, vector<16xf32>,
        %get3A_1337 = vector.shape_cast %get3A_1336 : vector<16xf32> to vector<16xf32>
        %get3A_1338 = arith.constant 288 : index
        %get3A_1339 = tpu.vector_load %arg7[%get3A_1338] {strides = array<i32>} : memref<6144xf32, #tpu.memory_space<vmem>>, vector<16xf32>,
        %get3A_1340 = vector.shape_cast %get3A_1339 : vector<16xf32> to vector<16xf32>
        %mul3A_1341 = arith.mulf %get3A_1332, %get3A_1340 : vector<16xf32>
        %add3A_1342 = arith.addf %add3A_1276, %mul3A_1341 : vector<16xf32>
        %mul3A_1343 = arith.mulf %get3A_1337, %get3A_1340 : vector<16xf32>
        %add3A_1344 = arith.addf %add3A_1278, %mul3A_1343 : vector<16xf32>
        %get3A_1345 = arith.constant 1056 : index
        %get3A_1346 = tpu.vector_load %arg7[%get3A_1345] {strides = array<i32>} : memref<6144xf32, #tpu.memory_space<vmem>>, vector<16xf32>,
        %get3A_1347 = vector.shape_cast %get3A_1346 : vector<16xf32> to vector<16xf32>
        %mul3A_1348 = arith.mulf %get3A_1332, %get3A_1347 : vector<16xf32>
        %add3A_1349 = arith.addf %add3A_1283, %mul3A_1348 : vector<16xf32>
        %mul3A_1350 = arith.mulf %get3A_1337, %get3A_1347 : vector<16xf32>
        %add3A_1351 = arith.addf %add3A_1285, %mul3A_1350 : vector<16xf32>
        %get3A_1352 = arith.constant 1824 : index
        %get3A_1353 = tpu.vector_load %arg7[%get3A_1352] {strides = array<i32>} : memref<6144xf32, #tpu.memory_space<vmem>>, vector<16xf32>,
        %get3A_1354 = vector.shape_cast %get3A_1353 : vector<16xf32> to vector<16xf32>
        %mul3A_1355 = arith.mulf %get3A_1332, %get3A_1354 : vector<16xf32>
        %add3A_1356 = arith.addf %add3A_1290, %mul3A_1355 : vector<16xf32>
        %mul3A_1357 = arith.mulf %get3A_1337, %get3A_1354 : vector<16xf32>
        %add3A_1358 = arith.addf %add3A_1292, %mul3A_1357 : vector<16xf32>
        %get3A_1359 = arith.constant 2592 : index
        %get3A_1360 = tpu.vector_load %arg7[%get3A_1359] {strides = array<i32>} : memref<6144xf32, #tpu.memory_space<vmem>>, vector<16xf32>,
        %get3A_1361 = vector.shape_cast %get3A_1360 : vector<16xf32> to vector<16xf32>
        %mul3A_1362 = arith.mulf %get3A_1332, %get3A_1361 : vector<16xf32>
        %add3A_1363 = arith.addf %add3A_1297, %mul3A_1362 : vector<16xf32>
        %mul3A_1364 = arith.mulf %get3A_1337, %get3A_1361 : vector<16xf32>
        %add3A_1365 = arith.addf %add3A_1299, %mul3A_1364 : vector<16xf32>
        %get3A_1366 = arith.constant 3360 : index
        %get3A_1367 = tpu.vector_load %arg7[%get3A_1366] {strides = array<i32>} : memref<6144xf32, #tpu.memory_space<vmem>>, vector<16xf32>,
        %get3A_1368 = vector.shape_cast %get3A_1367 : vector<16xf32> to vector<16xf32>
        %mul3A_1369 = arith.mulf %get3A_1332, %get3A_1368 : vector<16xf32>
        %add3A_1370 = arith.addf %add3A_1304, %mul3A_1369 : vector<16xf32>
        %mul3A_1371 = arith.mulf %get3A_1337, %get3A_1368 : vector<16xf32>
        %add3A_1372 = arith.addf %add3A_1306, %mul3A_1371 : vector<16xf32>
        %get3A_1373 = arith.constant 4128 : index
        %get3A_1374 = tpu.vector_load %arg7[%get3A_1373] {strides = array<i32>} : memref<6144xf32, #tpu.memory_space<vmem>>, vector<16xf32>,
        %get3A_1375 = vector.shape_cast %get3A_1374 : vector<16xf32> to vector<16xf32>
        %mul3A_1376 = arith.mulf %get3A_1332, %get3A_1375 : vector<16xf32>
        %add3A_1377 = arith.addf %add3A_1311, %mul3A_1376 : vector<16xf32>
        %mul3A_1378 = arith.mulf %get3A_1337, %get3A_1375 : vector<16xf32>
        %add3A_1379 = arith.addf %add3A_1313, %mul3A_1378 : vector<16xf32>
        %get3A_1380 = arith.constant 4896 : index
        %get3A_1381 = tpu.vector_load %arg7[%get3A_1380] {strides = array<i32>} : memref<6144xf32, #tpu.memory_space<vmem>>, vector<16xf32>,
        %get3A_1382 = vector.shape_cast %get3A_1381 : vector<16xf32> to vector<16xf32>
        %mul3A_1383 = arith.mulf %get3A_1332, %get3A_1382 : vector<16xf32>
        %add3A_1384 = arith.addf %add3A_1318, %mul3A_1383 : vector<16xf32>
        %mul3A_1385 = arith.mulf %get3A_1337, %get3A_1382 : vector<16xf32>
        %add3A_1386 = arith.addf %add3A_1320, %mul3A_1385 : vector<16xf32>
        %get3A_1387 = arith.constant 5664 : index
        %get3A_1388 = tpu.vector_load %arg7[%get3A_1387] {strides = array<i32>} : memref<6144xf32, #tpu.memory_space<vmem>>, vector<16xf32>,
        %get3A_1389 = vector.shape_cast %get3A_1388 : vector<16xf32> to vector<16xf32>
        %mul3A_1390 = arith.mulf %get3A_1332, %get3A_1389 : vector<16xf32>
        %add3A_1391 = arith.addf %add3A_1325, %mul3A_1390 : vector<16xf32>
        %mul3A_1392 = arith.mulf %get3A_1337, %get3A_1389 : vector<16xf32>
        %add3A_1393 = arith.addf %add3A_1327, %mul3A_1392 : vector<16xf32>
        %add3A_1394 = arith.constant 304 : i32
        %add3A_1395 = arith.addi %mul3A_106, %add3A_1394 : i32
        %get3A_1396 = arith.index_cast %add3A_1395 : i32 to index
        %get3A_1397 = tpu.vector_load %arg6[%get3A_1396] {strides = array<i32>} : memref<24576xf32, #tpu.memory_space<vmem>>, vector<16xf32>,
        %get3A_1398 = vector.shape_cast %get3A_1397 : vector<16xf32> to vector<16xf32>
        %add3A_1399 = arith.constant 304 : i32
        %add3A_1400 = arith.addi %add3A_108, %add3A_1399 : i32
        %get3A_1401 = arith.index_cast %add3A_1400 : i32 to index
        %get3A_1402 = tpu.vector_load %arg6[%get3A_1401] {strides = array<i32>} : memref<24576xf32, #tpu.memory_space<vmem>>, vector<16xf32>,
        %get3A_1403 = vector.shape_cast %get3A_1402 : vector<16xf32> to vector<16xf32>
        %get3A_1404 = arith.constant 304 : index
        %get3A_1405 = tpu.vector_load %arg7[%get3A_1404] {strides = array<i32>} : memref<6144xf32, #tpu.memory_space<vmem>>, vector<16xf32>,
        %get3A_1406 = vector.shape_cast %get3A_1405 : vector<16xf32> to vector<16xf32>
        %mul3A_1407 = arith.mulf %get3A_1398, %get3A_1406 : vector<16xf32>
        %add3A_1408 = arith.addf %add3A_1342, %mul3A_1407 : vector<16xf32>
        %mul3A_1409 = arith.mulf %get3A_1403, %get3A_1406 : vector<16xf32>
        %add3A_1410 = arith.addf %add3A_1344, %mul3A_1409 : vector<16xf32>
        %get3A_1411 = arith.constant 1072 : index
        %get3A_1412 = tpu.vector_load %arg7[%get3A_1411] {strides = array<i32>} : memref<6144xf32, #tpu.memory_space<vmem>>, vector<16xf32>,
        %get3A_1413 = vector.shape_cast %get3A_1412 : vector<16xf32> to vector<16xf32>
        %mul3A_1414 = arith.mulf %get3A_1398, %get3A_1413 : vector<16xf32>
        %add3A_1415 = arith.addf %add3A_1349, %mul3A_1414 : vector<16xf32>
        %mul3A_1416 = arith.mulf %get3A_1403, %get3A_1413 : vector<16xf32>
        %add3A_1417 = arith.addf %add3A_1351, %mul3A_1416 : vector<16xf32>
        %get3A_1418 = arith.constant 1840 : index
        %get3A_1419 = tpu.vector_load %arg7[%get3A_1418] {strides = array<i32>} : memref<6144xf32, #tpu.memory_space<vmem>>, vector<16xf32>,
        %get3A_1420 = vector.shape_cast %get3A_1419 : vector<16xf32> to vector<16xf32>
        %mul3A_1421 = arith.mulf %get3A_1398, %get3A_1420 : vector<16xf32>
        %add3A_1422 = arith.addf %add3A_1356, %mul3A_1421 : vector<16xf32>
        %mul3A_1423 = arith.mulf %get3A_1403, %get3A_1420 : vector<16xf32>
        %add3A_1424 = arith.addf %add3A_1358, %mul3A_1423 : vector<16xf32>
        %get3A_1425 = arith.constant 2608 : index
        %get3A_1426 = tpu.vector_load %arg7[%get3A_1425] {strides = array<i32>} : memref<6144xf32, #tpu.memory_space<vmem>>, vector<16xf32>,
        %get3A_1427 = vector.shape_cast %get3A_1426 : vector<16xf32> to vector<16xf32>
        %mul3A_1428 = arith.mulf %get3A_1398, %get3A_1427 : vector<16xf32>
        %add3A_1429 = arith.addf %add3A_1363, %mul3A_1428 : vector<16xf32>
        %mul3A_1430 = arith.mulf %get3A_1403, %get3A_1427 : vector<16xf32>
        %add3A_1431 = arith.addf %add3A_1365, %mul3A_1430 : vector<16xf32>
        %get3A_1432 = arith.constant 3376 : index
        %get3A_1433 = tpu.vector_load %arg7[%get3A_1432] {strides = array<i32>} : memref<6144xf32, #tpu.memory_space<vmem>>, vector<16xf32>,
        %get3A_1434 = vector.shape_cast %get3A_1433 : vector<16xf32> to vector<16xf32>
        %mul3A_1435 = arith.mulf %get3A_1398, %get3A_1434 : vector<16xf32>
        %add3A_1436 = arith.addf %add3A_1370, %mul3A_1435 : vector<16xf32>
        %mul3A_1437 = arith.mulf %get3A_1403, %get3A_1434 : vector<16xf32>
        %add3A_1438 = arith.addf %add3A_1372, %mul3A_1437 : vector<16xf32>
        %get3A_1439 = arith.constant 4144 : index
        %get3A_1440 = tpu.vector_load %arg7[%get3A_1439] {strides = array<i32>} : memref<6144xf32, #tpu.memory_space<vmem>>, vector<16xf32>,
        %get3A_1441 = vector.shape_cast %get3A_1440 : vector<16xf32> to vector<16xf32>
        %mul3A_1442 = arith.mulf %get3A_1398, %get3A_1441 : vector<16xf32>
        %add3A_1443 = arith.addf %add3A_1377, %mul3A_1442 : vector<16xf32>
        %mul3A_1444 = arith.mulf %get3A_1403, %get3A_1441 : vector<16xf32>
        %add3A_1445 = arith.addf %add3A_1379, %mul3A_1444 : vector<16xf32>
        %get3A_1446 = arith.constant 4912 : index
        %get3A_1447 = tpu.vector_load %arg7[%get3A_1446] {strides = array<i32>} : memref<6144xf32, #tpu.memory_space<vmem>>, vector<16xf32>,
        %get3A_1448 = vector.shape_cast %get3A_1447 : vector<16xf32> to vector<16xf32>
        %mul3A_1449 = arith.mulf %get3A_1398, %get3A_1448 : vector<16xf32>
        %add3A_1450 = arith.addf %add3A_1384, %mul3A_1449 : vector<16xf32>
        %mul3A_1451 = arith.mulf %get3A_1403, %get3A_1448 : vector<16xf32>
        %add3A_1452 = arith.addf %add3A_1386, %mul3A_1451 : vector<16xf32>
        %get3A_1453 = arith.constant 5680 : index
        %get3A_1454 = tpu.vector_load %arg7[%get3A_1453] {strides = array<i32>} : memref<6144xf32, #tpu.memory_space<vmem>>, vector<16xf32>,
        %get3A_1455 = vector.shape_cast %get3A_1454 : vector<16xf32> to vector<16xf32>
        %mul3A_1456 = arith.mulf %get3A_1398, %get3A_1455 : vector<16xf32>
        %add3A_1457 = arith.addf %add3A_1391, %mul3A_1456 : vector<16xf32>
        %mul3A_1458 = arith.mulf %get3A_1403, %get3A_1455 : vector<16xf32>
        %add3A_1459 = arith.addf %add3A_1393, %mul3A_1458 : vector<16xf32>
        %add3A_1460 = arith.constant 320 : i32
        %add3A_1461 = arith.addi %mul3A_106, %add3A_1460 : i32
        %get3A_1462 = arith.index_cast %add3A_1461 : i32 to index
        %get3A_1463 = tpu.vector_load %arg6[%get3A_1462] {strides = array<i32>} : memref<24576xf32, #tpu.memory_space<vmem>>, vector<16xf32>,
        %get3A_1464 = vector.shape_cast %get3A_1463 : vector<16xf32> to vector<16xf32>
        %add3A_1465 = arith.constant 320 : i32
        %add3A_1466 = arith.addi %add3A_108, %add3A_1465 : i32
        %get3A_1467 = arith.index_cast %add3A_1466 : i32 to index
        %get3A_1468 = tpu.vector_load %arg6[%get3A_1467] {strides = array<i32>} : memref<24576xf32, #tpu.memory_space<vmem>>, vector<16xf32>,
        %get3A_1469 = vector.shape_cast %get3A_1468 : vector<16xf32> to vector<16xf32>
        %get3A_1470 = arith.constant 320 : index
        %get3A_1471 = tpu.vector_load %arg7[%get3A_1470] {strides = array<i32>} : memref<6144xf32, #tpu.memory_space<vmem>>, vector<16xf32>,
        %get3A_1472 = vector.shape_cast %get3A_1471 : vector<16xf32> to vector<16xf32>
        %mul3A_1473 = arith.mulf %get3A_1464, %get3A_1472 : vector<16xf32>
        %add3A_1474 = arith.addf %add3A_1408, %mul3A_1473 : vector<16xf32>
        %mul3A_1475 = arith.mulf %get3A_1469, %get3A_1472 : vector<16xf32>
        %add3A_1476 = arith.addf %add3A_1410, %mul3A_1475 : vector<16xf32>
        %get3A_1477 = arith.constant 1088 : index
        %get3A_1478 = tpu.vector_load %arg7[%get3A_1477] {strides = array<i32>} : memref<6144xf32, #tpu.memory_space<vmem>>, vector<16xf32>,
        %get3A_1479 = vector.shape_cast %get3A_1478 : vector<16xf32> to vector<16xf32>
        %mul3A_1480 = arith.mulf %get3A_1464, %get3A_1479 : vector<16xf32>
        %add3A_1481 = arith.addf %add3A_1415, %mul3A_1480 : vector<16xf32>
        %mul3A_1482 = arith.mulf %get3A_1469, %get3A_1479 : vector<16xf32>
        %add3A_1483 = arith.addf %add3A_1417, %mul3A_1482 : vector<16xf32>
        %get3A_1484 = arith.constant 1856 : index
        %get3A_1485 = tpu.vector_load %arg7[%get3A_1484] {strides = array<i32>} : memref<6144xf32, #tpu.memory_space<vmem>>, vector<16xf32>,
        %get3A_1486 = vector.shape_cast %get3A_1485 : vector<16xf32> to vector<16xf32>
        %mul3A_1487 = arith.mulf %get3A_1464, %get3A_1486 : vector<16xf32>
        %add3A_1488 = arith.addf %add3A_1422, %mul3A_1487 : vector<16xf32>
        %mul3A_1489 = arith.mulf %get3A_1469, %get3A_1486 : vector<16xf32>
        %add3A_1490 = arith.addf %add3A_1424, %mul3A_1489 : vector<16xf32>
        %get3A_1491 = arith.constant 2624 : index
        %get3A_1492 = tpu.vector_load %arg7[%get3A_1491] {strides = array<i32>} : memref<6144xf32, #tpu.memory_space<vmem>>, vector<16xf32>,
        %get3A_1493 = vector.shape_cast %get3A_1492 : vector<16xf32> to vector<16xf32>
        %mul3A_1494 = arith.mulf %get3A_1464, %get3A_1493 : vector<16xf32>
        %add3A_1495 = arith.addf %add3A_1429, %mul3A_1494 : vector<16xf32>
        %mul3A_1496 = arith.mulf %get3A_1469, %get3A_1493 : vector<16xf32>
        %add3A_1497 = arith.addf %add3A_1431, %mul3A_1496 : vector<16xf32>
        %get3A_1498 = arith.constant 3392 : index
        %get3A_1499 = tpu.vector_load %arg7[%get3A_1498] {strides = array<i32>} : memref<6144xf32, #tpu.memory_space<vmem>>, vector<16xf32>,
        %get3A_1500 = vector.shape_cast %get3A_1499 : vector<16xf32> to vector<16xf32>
        %mul3A_1501 = arith.mulf %get3A_1464, %get3A_1500 : vector<16xf32>
        %add3A_1502 = arith.addf %add3A_1436, %mul3A_1501 : vector<16xf32>
        %mul3A_1503 = arith.mulf %get3A_1469, %get3A_1500 : vector<16xf32>
        %add3A_1504 = arith.addf %add3A_1438, %mul3A_1503 : vector<16xf32>
        %get3A_1505 = arith.constant 4160 : index
        %get3A_1506 = tpu.vector_load %arg7[%get3A_1505] {strides = array<i32>} : memref<6144xf32, #tpu.memory_space<vmem>>, vector<16xf32>,
        %get3A_1507 = vector.shape_cast %get3A_1506 : vector<16xf32> to vector<16xf32>
        %mul3A_1508 = arith.mulf %get3A_1464, %get3A_1507 : vector<16xf32>
        %add3A_1509 = arith.addf %add3A_1443, %mul3A_1508 : vector<16xf32>
        %mul3A_1510 = arith.mulf %get3A_1469, %get3A_1507 : vector<16xf32>
        %add3A_1511 = arith.addf %add3A_1445, %mul3A_1510 : vector<16xf32>
        %get3A_1512 = arith.constant 4928 : index
        %get3A_1513 = tpu.vector_load %arg7[%get3A_1512] {strides = array<i32>} : memref<6144xf32, #tpu.memory_space<vmem>>, vector<16xf32>,
        %get3A_1514 = vector.shape_cast %get3A_1513 : vector<16xf32> to vector<16xf32>
        %mul3A_1515 = arith.mulf %get3A_1464, %get3A_1514 : vector<16xf32>
        %add3A_1516 = arith.addf %add3A_1450, %mul3A_1515 : vector<16xf32>
        %mul3A_1517 = arith.mulf %get3A_1469, %get3A_1514 : vector<16xf32>
        %add3A_1518 = arith.addf %add3A_1452, %mul3A_1517 : vector<16xf32>
        %get3A_1519 = arith.constant 5696 : index
        %get3A_1520 = tpu.vector_load %arg7[%get3A_1519] {strides = array<i32>} : memref<6144xf32, #tpu.memory_space<vmem>>, vector<16xf32>,
        %get3A_1521 = vector.shape_cast %get3A_1520 : vector<16xf32> to vector<16xf32>
        %mul3A_1522 = arith.mulf %get3A_1464, %get3A_1521 : vector<16xf32>
        %add3A_1523 = arith.addf %add3A_1457, %mul3A_1522 : vector<16xf32>
        %mul3A_1524 = arith.mulf %get3A_1469, %get3A_1521 : vector<16xf32>
        %add3A_1525 = arith.addf %add3A_1459, %mul3A_1524 : vector<16xf32>
        %add3A_1526 = arith.constant 336 : i32
        %add3A_1527 = arith.addi %mul3A_106, %add3A_1526 : i32
        %get3A_1528 = arith.index_cast %add3A_1527 : i32 to index
        %get3A_1529 = tpu.vector_load %arg6[%get3A_1528] {strides = array<i32>} : memref<24576xf32, #tpu.memory_space<vmem>>, vector<16xf32>,
        %get3A_1530 = vector.shape_cast %get3A_1529 : vector<16xf32> to vector<16xf32>
        %add3A_1531 = arith.constant 336 : i32
        %add3A_1532 = arith.addi %add3A_108, %add3A_1531 : i32
        %get3A_1533 = arith.index_cast %add3A_1532 : i32 to index
        %get3A_1534 = tpu.vector_load %arg6[%get3A_1533] {strides = array<i32>} : memref<24576xf32, #tpu.memory_space<vmem>>, vector<16xf32>,
        %get3A_1535 = vector.shape_cast %get3A_1534 : vector<16xf32> to vector<16xf32>
        %get3A_1536 = arith.constant 336 : index
        %get3A_1537 = tpu.vector_load %arg7[%get3A_1536] {strides = array<i32>} : memref<6144xf32, #tpu.memory_space<vmem>>, vector<16xf32>,
        %get3A_1538 = vector.shape_cast %get3A_1537 : vector<16xf32> to vector<16xf32>
        %mul3A_1539 = arith.mulf %get3A_1530, %get3A_1538 : vector<16xf32>
        %add3A_1540 = arith.addf %add3A_1474, %mul3A_1539 : vector<16xf32>
        %mul3A_1541 = arith.mulf %get3A_1535, %get3A_1538 : vector<16xf32>
        %add3A_1542 = arith.addf %add3A_1476, %mul3A_1541 : vector<16xf32>
        %get3A_1543 = arith.constant 1104 : index
        %get3A_1544 = tpu.vector_load %arg7[%get3A_1543] {strides = array<i32>} : memref<6144xf32, #tpu.memory_space<vmem>>, vector<16xf32>,
        %get3A_1545 = vector.shape_cast %get3A_1544 : vector<16xf32> to vector<16xf32>
        %mul3A_1546 = arith.mulf %get3A_1530, %get3A_1545 : vector<16xf32>
        %add3A_1547 = arith.addf %add3A_1481, %mul3A_1546 : vector<16xf32>
        %mul3A_1548 = arith.mulf %get3A_1535, %get3A_1545 : vector<16xf32>
        %add3A_1549 = arith.addf %add3A_1483, %mul3A_1548 : vector<16xf32>
        %get3A_1550 = arith.constant 1872 : index
        %get3A_1551 = tpu.vector_load %arg7[%get3A_1550] {strides = array<i32>} : memref<6144xf32, #tpu.memory_space<vmem>>, vector<16xf32>,
        %get3A_1552 = vector.shape_cast %get3A_1551 : vector<16xf32> to vector<16xf32>
        %mul3A_1553 = arith.mulf %get3A_1530, %get3A_1552 : vector<16xf32>
        %add3A_1554 = arith.addf %add3A_1488, %mul3A_1553 : vector<16xf32>
        %mul3A_1555 = arith.mulf %get3A_1535, %get3A_1552 : vector<16xf32>
        %add3A_1556 = arith.addf %add3A_1490, %mul3A_1555 : vector<16xf32>
        %get3A_1557 = arith.constant 2640 : index
        %get3A_1558 = tpu.vector_load %arg7[%get3A_1557] {strides = array<i32>} : memref<6144xf32, #tpu.memory_space<vmem>>, vector<16xf32>,
        %get3A_1559 = vector.shape_cast %get3A_1558 : vector<16xf32> to vector<16xf32>
        %mul3A_1560 = arith.mulf %get3A_1530, %get3A_1559 : vector<16xf32>
        %add3A_1561 = arith.addf %add3A_1495, %mul3A_1560 : vector<16xf32>
        %mul3A_1562 = arith.mulf %get3A_1535, %get3A_1559 : vector<16xf32>
        %add3A_1563 = arith.addf %add3A_1497, %mul3A_1562 : vector<16xf32>
        %get3A_1564 = arith.constant 3408 : index
        %get3A_1565 = tpu.vector_load %arg7[%get3A_1564] {strides = array<i32>} : memref<6144xf32, #tpu.memory_space<vmem>>, vector<16xf32>,
        %get3A_1566 = vector.shape_cast %get3A_1565 : vector<16xf32> to vector<16xf32>
        %mul3A_1567 = arith.mulf %get3A_1530, %get3A_1566 : vector<16xf32>
        %add3A_1568 = arith.addf %add3A_1502, %mul3A_1567 : vector<16xf32>
        %mul3A_1569 = arith.mulf %get3A_1535, %get3A_1566 : vector<16xf32>
        %add3A_1570 = arith.addf %add3A_1504, %mul3A_1569 : vector<16xf32>
        %get3A_1571 = arith.constant 4176 : index
        %get3A_1572 = tpu.vector_load %arg7[%get3A_1571] {strides = array<i32>} : memref<6144xf32, #tpu.memory_space<vmem>>, vector<16xf32>,
        %get3A_1573 = vector.shape_cast %get3A_1572 : vector<16xf32> to vector<16xf32>
        %mul3A_1574 = arith.mulf %get3A_1530, %get3A_1573 : vector<16xf32>
        %add3A_1575 = arith.addf %add3A_1509, %mul3A_1574 : vector<16xf32>
        %mul3A_1576 = arith.mulf %get3A_1535, %get3A_1573 : vector<16xf32>
        %add3A_1577 = arith.addf %add3A_1511, %mul3A_1576 : vector<16xf32>
        %get3A_1578 = arith.constant 4944 : index
        %get3A_1579 = tpu.vector_load %arg7[%get3A_1578] {strides = array<i32>} : memref<6144xf32, #tpu.memory_space<vmem>>, vector<16xf32>,
        %get3A_1580 = vector.shape_cast %get3A_1579 : vector<16xf32> to vector<16xf32>
        %mul3A_1581 = arith.mulf %get3A_1530, %get3A_1580 : vector<16xf32>
        %add3A_1582 = arith.addf %add3A_1516, %mul3A_1581 : vector<16xf32>
        %mul3A_1583 = arith.mulf %get3A_1535, %get3A_1580 : vector<16xf32>
        %add3A_1584 = arith.addf %add3A_1518, %mul3A_1583 : vector<16xf32>
        %get3A_1585 = arith.constant 5712 : index
        %get3A_1586 = tpu.vector_load %arg7[%get3A_1585] {strides = array<i32>} : memref<6144xf32, #tpu.memory_space<vmem>>, vector<16xf32>,
        %get3A_1587 = vector.shape_cast %get3A_1586 : vector<16xf32> to vector<16xf32>
        %mul3A_1588 = arith.mulf %get3A_1530, %get3A_1587 : vector<16xf32>
        %add3A_1589 = arith.addf %add3A_1523, %mul3A_1588 : vector<16xf32>
        %mul3A_1590 = arith.mulf %get3A_1535, %get3A_1587 : vector<16xf32>
        %add3A_1591 = arith.addf %add3A_1525, %mul3A_1590 : vector<16xf32>
        %add3A_1592 = arith.constant 352 : i32
        %add3A_1593 = arith.addi %mul3A_106, %add3A_1592 : i32
        %get3A_1594 = arith.index_cast %add3A_1593 : i32 to index
        %get3A_1595 = tpu.vector_load %arg6[%get3A_1594] {strides = array<i32>} : memref<24576xf32, #tpu.memory_space<vmem>>, vector<16xf32>,
        %get3A_1596 = vector.shape_cast %get3A_1595 : vector<16xf32> to vector<16xf32>
        %add3A_1597 = arith.constant 352 : i32
        %add3A_1598 = arith.addi %add3A_108, %add3A_1597 : i32
        %get3A_1599 = arith.index_cast %add3A_1598 : i32 to index
        %get3A_1600 = tpu.vector_load %arg6[%get3A_1599] {strides = array<i32>} : memref<24576xf32, #tpu.memory_space<vmem>>, vector<16xf32>,
        %get3A_1601 = vector.shape_cast %get3A_1600 : vector<16xf32> to vector<16xf32>
        %get3A_1602 = arith.constant 352 : index
        %get3A_1603 = tpu.vector_load %arg7[%get3A_1602] {strides = array<i32>} : memref<6144xf32, #tpu.memory_space<vmem>>, vector<16xf32>,
        %get3A_1604 = vector.shape_cast %get3A_1603 : vector<16xf32> to vector<16xf32>
        %mul3A_1605 = arith.mulf %get3A_1596, %get3A_1604 : vector<16xf32>
        %add3A_1606 = arith.addf %add3A_1540, %mul3A_1605 : vector<16xf32>
        %mul3A_1607 = arith.mulf %get3A_1601, %get3A_1604 : vector<16xf32>
        %add3A_1608 = arith.addf %add3A_1542, %mul3A_1607 : vector<16xf32>
        %get3A_1609 = arith.constant 1120 : index
        %get3A_1610 = tpu.vector_load %arg7[%get3A_1609] {strides = array<i32>} : memref<6144xf32, #tpu.memory_space<vmem>>, vector<16xf32>,
        %get3A_1611 = vector.shape_cast %get3A_1610 : vector<16xf32> to vector<16xf32>
        %mul3A_1612 = arith.mulf %get3A_1596, %get3A_1611 : vector<16xf32>
        %add3A_1613 = arith.addf %add3A_1547, %mul3A_1612 : vector<16xf32>
        %mul3A_1614 = arith.mulf %get3A_1601, %get3A_1611 : vector<16xf32>
        %add3A_1615 = arith.addf %add3A_1549, %mul3A_1614 : vector<16xf32>
        %get3A_1616 = arith.constant 1888 : index
        %get3A_1617 = tpu.vector_load %arg7[%get3A_1616] {strides = array<i32>} : memref<6144xf32, #tpu.memory_space<vmem>>, vector<16xf32>,
        %get3A_1618 = vector.shape_cast %get3A_1617 : vector<16xf32> to vector<16xf32>
        %mul3A_1619 = arith.mulf %get3A_1596, %get3A_1618 : vector<16xf32>
        %add3A_1620 = arith.addf %add3A_1554, %mul3A_1619 : vector<16xf32>
        %mul3A_1621 = arith.mulf %get3A_1601, %get3A_1618 : vector<16xf32>
        %add3A_1622 = arith.addf %add3A_1556, %mul3A_1621 : vector<16xf32>
        %get3A_1623 = arith.constant 2656 : index
        %get3A_1624 = tpu.vector_load %arg7[%get3A_1623] {strides = array<i32>} : memref<6144xf32, #tpu.memory_space<vmem>>, vector<16xf32>,
        %get3A_1625 = vector.shape_cast %get3A_1624 : vector<16xf32> to vector<16xf32>
        %mul3A_1626 = arith.mulf %get3A_1596, %get3A_1625 : vector<16xf32>
        %add3A_1627 = arith.addf %add3A_1561, %mul3A_1626 : vector<16xf32>
        %mul3A_1628 = arith.mulf %get3A_1601, %get3A_1625 : vector<16xf32>
        %add3A_1629 = arith.addf %add3A_1563, %mul3A_1628 : vector<16xf32>
        %get3A_1630 = arith.constant 3424 : index
        %get3A_1631 = tpu.vector_load %arg7[%get3A_1630] {strides = array<i32>} : memref<6144xf32, #tpu.memory_space<vmem>>, vector<16xf32>,
        %get3A_1632 = vector.shape_cast %get3A_1631 : vector<16xf32> to vector<16xf32>
        %mul3A_1633 = arith.mulf %get3A_1596, %get3A_1632 : vector<16xf32>
        %add3A_1634 = arith.addf %add3A_1568, %mul3A_1633 : vector<16xf32>
        %mul3A_1635 = arith.mulf %get3A_1601, %get3A_1632 : vector<16xf32>
        %add3A_1636 = arith.addf %add3A_1570, %mul3A_1635 : vector<16xf32>
        %get3A_1637 = arith.constant 4192 : index
        %get3A_1638 = tpu.vector_load %arg7[%get3A_1637] {strides = array<i32>} : memref<6144xf32, #tpu.memory_space<vmem>>, vector<16xf32>,
        %get3A_1639 = vector.shape_cast %get3A_1638 : vector<16xf32> to vector<16xf32>
        %mul3A_1640 = arith.mulf %get3A_1596, %get3A_1639 : vector<16xf32>
        %add3A_1641 = arith.addf %add3A_1575, %mul3A_1640 : vector<16xf32>
        %mul3A_1642 = arith.mulf %get3A_1601, %get3A_1639 : vector<16xf32>
        %add3A_1643 = arith.addf %add3A_1577, %mul3A_1642 : vector<16xf32>
        %get3A_1644 = arith.constant 4960 : index
        %get3A_1645 = tpu.vector_load %arg7[%get3A_1644] {strides = array<i32>} : memref<6144xf32, #tpu.memory_space<vmem>>, vector<16xf32>,
        %get3A_1646 = vector.shape_cast %get3A_1645 : vector<16xf32> to vector<16xf32>
        %mul3A_1647 = arith.mulf %get3A_1596, %get3A_1646 : vector<16xf32>
        %add3A_1648 = arith.addf %add3A_1582, %mul3A_1647 : vector<16xf32>
        %mul3A_1649 = arith.mulf %get3A_1601, %get3A_1646 : vector<16xf32>
        %add3A_1650 = arith.addf %add3A_1584, %mul3A_1649 : vector<16xf32>
        %get3A_1651 = arith.constant 5728 : index
        %get3A_1652 = tpu.vector_load %arg7[%get3A_1651] {strides = array<i32>} : memref<6144xf32, #tpu.memory_space<vmem>>, vector<16xf32>,
        %get3A_1653 = vector.shape_cast %get3A_1652 : vector<16xf32> to vector<16xf32>
        %mul3A_1654 = arith.mulf %get3A_1596, %get3A_1653 : vector<16xf32>
        %add3A_1655 = arith.addf %add3A_1589, %mul3A_1654 : vector<16xf32>
        %mul3A_1656 = arith.mulf %get3A_1601, %get3A_1653 : vector<16xf32>
        %add3A_1657 = arith.addf %add3A_1591, %mul3A_1656 : vector<16xf32>
        %add3A_1658 = arith.constant 368 : i32
        %add3A_1659 = arith.addi %mul3A_106, %add3A_1658 : i32
        %get3A_1660 = arith.index_cast %add3A_1659 : i32 to index
        %get3A_1661 = tpu.vector_load %arg6[%get3A_1660] {strides = array<i32>} : memref<24576xf32, #tpu.memory_space<vmem>>, vector<16xf32>,
        %get3A_1662 = vector.shape_cast %get3A_1661 : vector<16xf32> to vector<16xf32>
        %add3A_1663 = arith.constant 368 : i32
        %add3A_1664 = arith.addi %add3A_108, %add3A_1663 : i32
        %get3A_1665 = arith.index_cast %add3A_1664 : i32 to index
        %get3A_1666 = tpu.vector_load %arg6[%get3A_1665] {strides = array<i32>} : memref<24576xf32, #tpu.memory_space<vmem>>, vector<16xf32>,
        %get3A_1667 = vector.shape_cast %get3A_1666 : vector<16xf32> to vector<16xf32>
        %get3A_1668 = arith.constant 368 : index
        %get3A_1669 = tpu.vector_load %arg7[%get3A_1668] {strides = array<i32>} : memref<6144xf32, #tpu.memory_space<vmem>>, vector<16xf32>,
        %get3A_1670 = vector.shape_cast %get3A_1669 : vector<16xf32> to vector<16xf32>
        %mul3A_1671 = arith.mulf %get3A_1662, %get3A_1670 : vector<16xf32>
        %add3A_1672 = arith.addf %add3A_1606, %mul3A_1671 : vector<16xf32>
        %mul3A_1673 = arith.mulf %get3A_1667, %get3A_1670 : vector<16xf32>
        %add3A_1674 = arith.addf %add3A_1608, %mul3A_1673 : vector<16xf32>
        %get3A_1675 = arith.constant 1136 : index
        %get3A_1676 = tpu.vector_load %arg7[%get3A_1675] {strides = array<i32>} : memref<6144xf32, #tpu.memory_space<vmem>>, vector<16xf32>,
        %get3A_1677 = vector.shape_cast %get3A_1676 : vector<16xf32> to vector<16xf32>
        %mul3A_1678 = arith.mulf %get3A_1662, %get3A_1677 : vector<16xf32>
        %add3A_1679 = arith.addf %add3A_1613, %mul3A_1678 : vector<16xf32>
        %mul3A_1680 = arith.mulf %get3A_1667, %get3A_1677 : vector<16xf32>
        %add3A_1681 = arith.addf %add3A_1615, %mul3A_1680 : vector<16xf32>
        %get3A_1682 = arith.constant 1904 : index
        %get3A_1683 = tpu.vector_load %arg7[%get3A_1682] {strides = array<i32>} : memref<6144xf32, #tpu.memory_space<vmem>>, vector<16xf32>,
        %get3A_1684 = vector.shape_cast %get3A_1683 : vector<16xf32> to vector<16xf32>
        %mul3A_1685 = arith.mulf %get3A_1662, %get3A_1684 : vector<16xf32>
        %add3A_1686 = arith.addf %add3A_1620, %mul3A_1685 : vector<16xf32>
        %mul3A_1687 = arith.mulf %get3A_1667, %get3A_1684 : vector<16xf32>
        %add3A_1688 = arith.addf %add3A_1622, %mul3A_1687 : vector<16xf32>
        %get3A_1689 = arith.constant 2672 : index
        %get3A_1690 = tpu.vector_load %arg7[%get3A_1689] {strides = array<i32>} : memref<6144xf32, #tpu.memory_space<vmem>>, vector<16xf32>,
        %get3A_1691 = vector.shape_cast %get3A_1690 : vector<16xf32> to vector<16xf32>
        %mul3A_1692 = arith.mulf %get3A_1662, %get3A_1691 : vector<16xf32>
        %add3A_1693 = arith.addf %add3A_1627, %mul3A_1692 : vector<16xf32>
        %mul3A_1694 = arith.mulf %get3A_1667, %get3A_1691 : vector<16xf32>
        %add3A_1695 = arith.addf %add3A_1629, %mul3A_1694 : vector<16xf32>
        %get3A_1696 = arith.constant 3440 : index
        %get3A_1697 = tpu.vector_load %arg7[%get3A_1696] {strides = array<i32>} : memref<6144xf32, #tpu.memory_space<vmem>>, vector<16xf32>,
        %get3A_1698 = vector.shape_cast %get3A_1697 : vector<16xf32> to vector<16xf32>
        %mul3A_1699 = arith.mulf %get3A_1662, %get3A_1698 : vector<16xf32>
        %add3A_1700 = arith.addf %add3A_1634, %mul3A_1699 : vector<16xf32>
        %mul3A_1701 = arith.mulf %get3A_1667, %get3A_1698 : vector<16xf32>
        %add3A_1702 = arith.addf %add3A_1636, %mul3A_1701 : vector<16xf32>
        %get3A_1703 = arith.constant 4208 : index
        %get3A_1704 = tpu.vector_load %arg7[%get3A_1703] {strides = array<i32>} : memref<6144xf32, #tpu.memory_space<vmem>>, vector<16xf32>,
        %get3A_1705 = vector.shape_cast %get3A_1704 : vector<16xf32> to vector<16xf32>
        %mul3A_1706 = arith.mulf %get3A_1662, %get3A_1705 : vector<16xf32>
        %add3A_1707 = arith.addf %add3A_1641, %mul3A_1706 : vector<16xf32>
        %mul3A_1708 = arith.mulf %get3A_1667, %get3A_1705 : vector<16xf32>
        %add3A_1709 = arith.addf %add3A_1643, %mul3A_1708 : vector<16xf32>
        %get3A_1710 = arith.constant 4976 : index
        %get3A_1711 = tpu.vector_load %arg7[%get3A_1710] {strides = array<i32>} : memref<6144xf32, #tpu.memory_space<vmem>>, vector<16xf32>,
        %get3A_1712 = vector.shape_cast %get3A_1711 : vector<16xf32> to vector<16xf32>
        %mul3A_1713 = arith.mulf %get3A_1662, %get3A_1712 : vector<16xf32>
        %add3A_1714 = arith.addf %add3A_1648, %mul3A_1713 : vector<16xf32>
        %mul3A_1715 = arith.mulf %get3A_1667, %get3A_1712 : vector<16xf32>
        %add3A_1716 = arith.addf %add3A_1650, %mul3A_1715 : vector<16xf32>
        %get3A_1717 = arith.constant 5744 : index
        %get3A_1718 = tpu.vector_load %arg7[%get3A_1717] {strides = array<i32>} : memref<6144xf32, #tpu.memory_space<vmem>>, vector<16xf32>,
        %get3A_1719 = vector.shape_cast %get3A_1718 : vector<16xf32> to vector<16xf32>
        %mul3A_1720 = arith.mulf %get3A_1662, %get3A_1719 : vector<16xf32>
        %add3A_1721 = arith.addf %add3A_1655, %mul3A_1720 : vector<16xf32>
        %mul3A_1722 = arith.mulf %get3A_1667, %get3A_1719 : vector<16xf32>
        %add3A_1723 = arith.addf %add3A_1657, %mul3A_1722 : vector<16xf32>
        %add3A_1724 = arith.constant 384 : i32
        %add3A_1725 = arith.addi %mul3A_106, %add3A_1724 : i32
        %get3A_1726 = arith.index_cast %add3A_1725 : i32 to index
        %get3A_1727 = tpu.vector_load %arg6[%get3A_1726] {strides = array<i32>} : memref<24576xf32, #tpu.memory_space<vmem>>, vector<16xf32>,
        %get3A_1728 = vector.shape_cast %get3A_1727 : vector<16xf32> to vector<16xf32>
        %add3A_1729 = arith.constant 384 : i32
        %add3A_1730 = arith.addi %add3A_108, %add3A_1729 : i32
        %get3A_1731 = arith.index_cast %add3A_1730 : i32 to index
        %get3A_1732 = tpu.vector_load %arg6[%get3A_1731] {strides = array<i32>} : memref<24576xf32, #tpu.memory_space<vmem>>, vector<16xf32>,
        %get3A_1733 = vector.shape_cast %get3A_1732 : vector<16xf32> to vector<16xf32>
        %get3A_1734 = arith.constant 384 : index
        %get3A_1735 = tpu.vector_load %arg7[%get3A_1734] {strides = array<i32>} : memref<6144xf32, #tpu.memory_space<vmem>>, vector<16xf32>,
        %get3A_1736 = vector.shape_cast %get3A_1735 : vector<16xf32> to vector<16xf32>
        %mul3A_1737 = arith.mulf %get3A_1728, %get3A_1736 : vector<16xf32>
        %add3A_1738 = arith.addf %add3A_1672, %mul3A_1737 : vector<16xf32>
        %mul3A_1739 = arith.mulf %get3A_1733, %get3A_1736 : vector<16xf32>
        %add3A_1740 = arith.addf %add3A_1674, %mul3A_1739 : vector<16xf32>
        %get3A_1741 = arith.constant 1152 : index
        %get3A_1742 = tpu.vector_load %arg7[%get3A_1741] {strides = array<i32>} : memref<6144xf32, #tpu.memory_space<vmem>>, vector<16xf32>,
        %get3A_1743 = vector.shape_cast %get3A_1742 : vector<16xf32> to vector<16xf32>
        %mul3A_1744 = arith.mulf %get3A_1728, %get3A_1743 : vector<16xf32>
        %add3A_1745 = arith.addf %add3A_1679, %mul3A_1744 : vector<16xf32>
        %mul3A_1746 = arith.mulf %get3A_1733, %get3A_1743 : vector<16xf32>
        %add3A_1747 = arith.addf %add3A_1681, %mul3A_1746 : vector<16xf32>
        %get3A_1748 = arith.constant 1920 : index
        %get3A_1749 = tpu.vector_load %arg7[%get3A_1748] {strides = array<i32>} : memref<6144xf32, #tpu.memory_space<vmem>>, vector<16xf32>,
        %get3A_1750 = vector.shape_cast %get3A_1749 : vector<16xf32> to vector<16xf32>
        %mul3A_1751 = arith.mulf %get3A_1728, %get3A_1750 : vector<16xf32>
        %add3A_1752 = arith.addf %add3A_1686, %mul3A_1751 : vector<16xf32>
        %mul3A_1753 = arith.mulf %get3A_1733, %get3A_1750 : vector<16xf32>
        %add3A_1754 = arith.addf %add3A_1688, %mul3A_1753 : vector<16xf32>
        %get3A_1755 = arith.constant 2688 : index
        %get3A_1756 = tpu.vector_load %arg7[%get3A_1755] {strides = array<i32>} : memref<6144xf32, #tpu.memory_space<vmem>>, vector<16xf32>,
        %get3A_1757 = vector.shape_cast %get3A_1756 : vector<16xf32> to vector<16xf32>
        %mul3A_1758 = arith.mulf %get3A_1728, %get3A_1757 : vector<16xf32>
        %add3A_1759 = arith.addf %add3A_1693, %mul3A_1758 : vector<16xf32>
        %mul3A_1760 = arith.mulf %get3A_1733, %get3A_1757 : vector<16xf32>
        %add3A_1761 = arith.addf %add3A_1695, %mul3A_1760 : vector<16xf32>
        %get3A_1762 = arith.constant 3456 : index
        %get3A_1763 = tpu.vector_load %arg7[%get3A_1762] {strides = array<i32>} : memref<6144xf32, #tpu.memory_space<vmem>>, vector<16xf32>,
        %get3A_1764 = vector.shape_cast %get3A_1763 : vector<16xf32> to vector<16xf32>
        %mul3A_1765 = arith.mulf %get3A_1728, %get3A_1764 : vector<16xf32>
        %add3A_1766 = arith.addf %add3A_1700, %mul3A_1765 : vector<16xf32>
        %mul3A_1767 = arith.mulf %get3A_1733, %get3A_1764 : vector<16xf32>
        %add3A_1768 = arith.addf %add3A_1702, %mul3A_1767 : vector<16xf32>
        %get3A_1769 = arith.constant 4224 : index
        %get3A_1770 = tpu.vector_load %arg7[%get3A_1769] {strides = array<i32>} : memref<6144xf32, #tpu.memory_space<vmem>>, vector<16xf32>,
        %get3A_1771 = vector.shape_cast %get3A_1770 : vector<16xf32> to vector<16xf32>
        %mul3A_1772 = arith.mulf %get3A_1728, %get3A_1771 : vector<16xf32>
        %add3A_1773 = arith.addf %add3A_1707, %mul3A_1772 : vector<16xf32>
        %mul3A_1774 = arith.mulf %get3A_1733, %get3A_1771 : vector<16xf32>
        %add3A_1775 = arith.addf %add3A_1709, %mul3A_1774 : vector<16xf32>
        %get3A_1776 = arith.constant 4992 : index
        %get3A_1777 = tpu.vector_load %arg7[%get3A_1776] {strides = array<i32>} : memref<6144xf32, #tpu.memory_space<vmem>>, vector<16xf32>,
        %get3A_1778 = vector.shape_cast %get3A_1777 : vector<16xf32> to vector<16xf32>
        %mul3A_1779 = arith.mulf %get3A_1728, %get3A_1778 : vector<16xf32>
        %add3A_1780 = arith.addf %add3A_1714, %mul3A_1779 : vector<16xf32>
        %mul3A_1781 = arith.mulf %get3A_1733, %get3A_1778 : vector<16xf32>
        %add3A_1782 = arith.addf %add3A_1716, %mul3A_1781 : vector<16xf32>
        %get3A_1783 = arith.constant 5760 : index
        %get3A_1784 = tpu.vector_load %arg7[%get3A_1783] {strides = array<i32>} : memref<6144xf32, #tpu.memory_space<vmem>>, vector<16xf32>,
        %get3A_1785 = vector.shape_cast %get3A_1784 : vector<16xf32> to vector<16xf32>
        %mul3A_1786 = arith.mulf %get3A_1728, %get3A_1785 : vector<16xf32>
        %add3A_1787 = arith.addf %add3A_1721, %mul3A_1786 : vector<16xf32>
        %mul3A_1788 = arith.mulf %get3A_1733, %get3A_1785 : vector<16xf32>
        %add3A_1789 = arith.addf %add3A_1723, %mul3A_1788 : vector<16xf32>
        %add3A_1790 = arith.constant 400 : i32
        %add3A_1791 = arith.addi %mul3A_106, %add3A_1790 : i32
        %get3A_1792 = arith.index_cast %add3A_1791 : i32 to index
        %get3A_1793 = tpu.vector_load %arg6[%get3A_1792] {strides = array<i32>} : memref<24576xf32, #tpu.memory_space<vmem>>, vector<16xf32>,
        %get3A_1794 = vector.shape_cast %get3A_1793 : vector<16xf32> to vector<16xf32>
        %add3A_1795 = arith.constant 400 : i32
        %add3A_1796 = arith.addi %add3A_108, %add3A_1795 : i32
        %get3A_1797 = arith.index_cast %add3A_1796 : i32 to index
        %get3A_1798 = tpu.vector_load %arg6[%get3A_1797] {strides = array<i32>} : memref<24576xf32, #tpu.memory_space<vmem>>, vector<16xf32>,
        %get3A_1799 = vector.shape_cast %get3A_1798 : vector<16xf32> to vector<16xf32>
        %get3A_1800 = arith.constant 400 : index
        %get3A_1801 = tpu.vector_load %arg7[%get3A_1800] {strides = array<i32>} : memref<6144xf32, #tpu.memory_space<vmem>>, vector<16xf32>,
        %get3A_1802 = vector.shape_cast %get3A_1801 : vector<16xf32> to vector<16xf32>
        %mul3A_1803 = arith.mulf %get3A_1794, %get3A_1802 : vector<16xf32>
        %add3A_1804 = arith.addf %add3A_1738, %mul3A_1803 : vector<16xf32>
        %mul3A_1805 = arith.mulf %get3A_1799, %get3A_1802 : vector<16xf32>
        %add3A_1806 = arith.addf %add3A_1740, %mul3A_1805 : vector<16xf32>
        %get3A_1807 = arith.constant 1168 : index
        %get3A_1808 = tpu.vector_load %arg7[%get3A_1807] {strides = array<i32>} : memref<6144xf32, #tpu.memory_space<vmem>>, vector<16xf32>,
        %get3A_1809 = vector.shape_cast %get3A_1808 : vector<16xf32> to vector<16xf32>
        %mul3A_1810 = arith.mulf %get3A_1794, %get3A_1809 : vector<16xf32>
        %add3A_1811 = arith.addf %add3A_1745, %mul3A_1810 : vector<16xf32>
        %mul3A_1812 = arith.mulf %get3A_1799, %get3A_1809 : vector<16xf32>
        %add3A_1813 = arith.addf %add3A_1747, %mul3A_1812 : vector<16xf32>
        %get3A_1814 = arith.constant 1936 : index
        %get3A_1815 = tpu.vector_load %arg7[%get3A_1814] {strides = array<i32>} : memref<6144xf32, #tpu.memory_space<vmem>>, vector<16xf32>,
        %get3A_1816 = vector.shape_cast %get3A_1815 : vector<16xf32> to vector<16xf32>
        %mul3A_1817 = arith.mulf %get3A_1794, %get3A_1816 : vector<16xf32>
        %add3A_1818 = arith.addf %add3A_1752, %mul3A_1817 : vector<16xf32>
        %mul3A_1819 = arith.mulf %get3A_1799, %get3A_1816 : vector<16xf32>
        %add3A_1820 = arith.addf %add3A_1754, %mul3A_1819 : vector<16xf32>
        %get3A_1821 = arith.constant 2704 : index
        %get3A_1822 = tpu.vector_load %arg7[%get3A_1821] {strides = array<i32>} : memref<6144xf32, #tpu.memory_space<vmem>>, vector<16xf32>,
        %get3A_1823 = vector.shape_cast %get3A_1822 : vector<16xf32> to vector<16xf32>
        %mul3A_1824 = arith.mulf %get3A_1794, %get3A_1823 : vector<16xf32>
        %add3A_1825 = arith.addf %add3A_1759, %mul3A_1824 : vector<16xf32>
        %mul3A_1826 = arith.mulf %get3A_1799, %get3A_1823 : vector<16xf32>
        %add3A_1827 = arith.addf %add3A_1761, %mul3A_1826 : vector<16xf32>
        %get3A_1828 = arith.constant 3472 : index
        %get3A_1829 = tpu.vector_load %arg7[%get3A_1828] {strides = array<i32>} : memref<6144xf32, #tpu.memory_space<vmem>>, vector<16xf32>,
        %get3A_1830 = vector.shape_cast %get3A_1829 : vector<16xf32> to vector<16xf32>
        %mul3A_1831 = arith.mulf %get3A_1794, %get3A_1830 : vector<16xf32>
        %add3A_1832 = arith.addf %add3A_1766, %mul3A_1831 : vector<16xf32>
        %mul3A_1833 = arith.mulf %get3A_1799, %get3A_1830 : vector<16xf32>
        %add3A_1834 = arith.addf %add3A_1768, %mul3A_1833 : vector<16xf32>
        %get3A_1835 = arith.constant 4240 : index
        %get3A_1836 = tpu.vector_load %arg7[%get3A_1835] {strides = array<i32>} : memref<6144xf32, #tpu.memory_space<vmem>>, vector<16xf32>,
        %get3A_1837 = vector.shape_cast %get3A_1836 : vector<16xf32> to vector<16xf32>
        %mul3A_1838 = arith.mulf %get3A_1794, %get3A_1837 : vector<16xf32>
        %add3A_1839 = arith.addf %add3A_1773, %mul3A_1838 : vector<16xf32>
        %mul3A_1840 = arith.mulf %get3A_1799, %get3A_1837 : vector<16xf32>
        %add3A_1841 = arith.addf %add3A_1775, %mul3A_1840 : vector<16xf32>
        %get3A_1842 = arith.constant 5008 : index
        %get3A_1843 = tpu.vector_load %arg7[%get3A_1842] {strides = array<i32>} : memref<6144xf32, #tpu.memory_space<vmem>>, vector<16xf32>,
        %get3A_1844 = vector.shape_cast %get3A_1843 : vector<16xf32> to vector<16xf32>
        %mul3A_1845 = arith.mulf %get3A_1794, %get3A_1844 : vector<16xf32>
        %add3A_1846 = arith.addf %add3A_1780, %mul3A_1845 : vector<16xf32>
        %mul3A_1847 = arith.mulf %get3A_1799, %get3A_1844 : vector<16xf32>
        %add3A_1848 = arith.addf %add3A_1782, %mul3A_1847 : vector<16xf32>
        %get3A_1849 = arith.constant 5776 : index
        %get3A_1850 = tpu.vector_load %arg7[%get3A_1849] {strides = array<i32>} : memref<6144xf32, #tpu.memory_space<vmem>>, vector<16xf32>,
        %get3A_1851 = vector.shape_cast %get3A_1850 : vector<16xf32> to vector<16xf32>
        %mul3A_1852 = arith.mulf %get3A_1794, %get3A_1851 : vector<16xf32>
        %add3A_1853 = arith.addf %add3A_1787, %mul3A_1852 : vector<16xf32>
        %mul3A_1854 = arith.mulf %get3A_1799, %get3A_1851 : vector<16xf32>
        %add3A_1855 = arith.addf %add3A_1789, %mul3A_1854 : vector<16xf32>
        %add3A_1856 = arith.constant 416 : i32
        %add3A_1857 = arith.addi %mul3A_106, %add3A_1856 : i32
        %get3A_1858 = arith.index_cast %add3A_1857 : i32 to index
        %get3A_1859 = tpu.vector_load %arg6[%get3A_1858] {strides = array<i32>} : memref<24576xf32, #tpu.memory_space<vmem>>, vector<16xf32>,
        %get3A_1860 = vector.shape_cast %get3A_1859 : vector<16xf32> to vector<16xf32>
        %add3A_1861 = arith.constant 416 : i32
        %add3A_1862 = arith.addi %add3A_108, %add3A_1861 : i32
        %get3A_1863 = arith.index_cast %add3A_1862 : i32 to index
        %get3A_1864 = tpu.vector_load %arg6[%get3A_1863] {strides = array<i32>} : memref<24576xf32, #tpu.memory_space<vmem>>, vector<16xf32>,
        %get3A_1865 = vector.shape_cast %get3A_1864 : vector<16xf32> to vector<16xf32>
        %get3A_1866 = arith.constant 416 : index
        %get3A_1867 = tpu.vector_load %arg7[%get3A_1866] {strides = array<i32>} : memref<6144xf32, #tpu.memory_space<vmem>>, vector<16xf32>,
        %get3A_1868 = vector.shape_cast %get3A_1867 : vector<16xf32> to vector<16xf32>
        %mul3A_1869 = arith.mulf %get3A_1860, %get3A_1868 : vector<16xf32>
        %add3A_1870 = arith.addf %add3A_1804, %mul3A_1869 : vector<16xf32>
        %mul3A_1871 = arith.mulf %get3A_1865, %get3A_1868 : vector<16xf32>
        %add3A_1872 = arith.addf %add3A_1806, %mul3A_1871 : vector<16xf32>
        %get3A_1873 = arith.constant 1184 : index
        %get3A_1874 = tpu.vector_load %arg7[%get3A_1873] {strides = array<i32>} : memref<6144xf32, #tpu.memory_space<vmem>>, vector<16xf32>,
        %get3A_1875 = vector.shape_cast %get3A_1874 : vector<16xf32> to vector<16xf32>
        %mul3A_1876 = arith.mulf %get3A_1860, %get3A_1875 : vector<16xf32>
        %add3A_1877 = arith.addf %add3A_1811, %mul3A_1876 : vector<16xf32>
        %mul3A_1878 = arith.mulf %get3A_1865, %get3A_1875 : vector<16xf32>
        %add3A_1879 = arith.addf %add3A_1813, %mul3A_1878 : vector<16xf32>
        %get3A_1880 = arith.constant 1952 : index
        %get3A_1881 = tpu.vector_load %arg7[%get3A_1880] {strides = array<i32>} : memref<6144xf32, #tpu.memory_space<vmem>>, vector<16xf32>,
        %get3A_1882 = vector.shape_cast %get3A_1881 : vector<16xf32> to vector<16xf32>
        %mul3A_1883 = arith.mulf %get3A_1860, %get3A_1882 : vector<16xf32>
        %add3A_1884 = arith.addf %add3A_1818, %mul3A_1883 : vector<16xf32>
        %mul3A_1885 = arith.mulf %get3A_1865, %get3A_1882 : vector<16xf32>
        %add3A_1886 = arith.addf %add3A_1820, %mul3A_1885 : vector<16xf32>
        %get3A_1887 = arith.constant 2720 : index
        %get3A_1888 = tpu.vector_load %arg7[%get3A_1887] {strides = array<i32>} : memref<6144xf32, #tpu.memory_space<vmem>>, vector<16xf32>,
        %get3A_1889 = vector.shape_cast %get3A_1888 : vector<16xf32> to vector<16xf32>
        %mul3A_1890 = arith.mulf %get3A_1860, %get3A_1889 : vector<16xf32>
        %add3A_1891 = arith.addf %add3A_1825, %mul3A_1890 : vector<16xf32>
        %mul3A_1892 = arith.mulf %get3A_1865, %get3A_1889 : vector<16xf32>
        %add3A_1893 = arith.addf %add3A_1827, %mul3A_1892 : vector<16xf32>
        %get3A_1894 = arith.constant 3488 : index
        %get3A_1895 = tpu.vector_load %arg7[%get3A_1894] {strides = array<i32>} : memref<6144xf32, #tpu.memory_space<vmem>>, vector<16xf32>,
        %get3A_1896 = vector.shape_cast %get3A_1895 : vector<16xf32> to vector<16xf32>
        %mul3A_1897 = arith.mulf %get3A_1860, %get3A_1896 : vector<16xf32>
        %add3A_1898 = arith.addf %add3A_1832, %mul3A_1897 : vector<16xf32>
        %mul3A_1899 = arith.mulf %get3A_1865, %get3A_1896 : vector<16xf32>
        %add3A_1900 = arith.addf %add3A_1834, %mul3A_1899 : vector<16xf32>
        %get3A_1901 = arith.constant 4256 : index
        %get3A_1902 = tpu.vector_load %arg7[%get3A_1901] {strides = array<i32>} : memref<6144xf32, #tpu.memory_space<vmem>>, vector<16xf32>,
        %get3A_1903 = vector.shape_cast %get3A_1902 : vector<16xf32> to vector<16xf32>
        %mul3A_1904 = arith.mulf %get3A_1860, %get3A_1903 : vector<16xf32>
        %add3A_1905 = arith.addf %add3A_1839, %mul3A_1904 : vector<16xf32>
        %mul3A_1906 = arith.mulf %get3A_1865, %get3A_1903 : vector<16xf32>
        %add3A_1907 = arith.addf %add3A_1841, %mul3A_1906 : vector<16xf32>
        %get3A_1908 = arith.constant 5024 : index
        %get3A_1909 = tpu.vector_load %arg7[%get3A_1908] {strides = array<i32>} : memref<6144xf32, #tpu.memory_space<vmem>>, vector<16xf32>,
        %get3A_1910 = vector.shape_cast %get3A_1909 : vector<16xf32> to vector<16xf32>
        %mul3A_1911 = arith.mulf %get3A_1860, %get3A_1910 : vector<16xf32>
        %add3A_1912 = arith.addf %add3A_1846, %mul3A_1911 : vector<16xf32>
        %mul3A_1913 = arith.mulf %get3A_1865, %get3A_1910 : vector<16xf32>
        %add3A_1914 = arith.addf %add3A_1848, %mul3A_1913 : vector<16xf32>
        %get3A_1915 = arith.constant 5792 : index
        %get3A_1916 = tpu.vector_load %arg7[%get3A_1915] {strides = array<i32>} : memref<6144xf32, #tpu.memory_space<vmem>>, vector<16xf32>,
        %get3A_1917 = vector.shape_cast %get3A_1916 : vector<16xf32> to vector<16xf32>
        %mul3A_1918 = arith.mulf %get3A_1860, %get3A_1917 : vector<16xf32>
        %add3A_1919 = arith.addf %add3A_1853, %mul3A_1918 : vector<16xf32>
        %mul3A_1920 = arith.mulf %get3A_1865, %get3A_1917 : vector<16xf32>
        %add3A_1921 = arith.addf %add3A_1855, %mul3A_1920 : vector<16xf32>
        %add3A_1922 = arith.constant 432 : i32
        %add3A_1923 = arith.addi %mul3A_106, %add3A_1922 : i32
        %get3A_1924 = arith.index_cast %add3A_1923 : i32 to index
        %get3A_1925 = tpu.vector_load %arg6[%get3A_1924] {strides = array<i32>} : memref<24576xf32, #tpu.memory_space<vmem>>, vector<16xf32>,
        %get3A_1926 = vector.shape_cast %get3A_1925 : vector<16xf32> to vector<16xf32>
        %add3A_1927 = arith.constant 432 : i32
        %add3A_1928 = arith.addi %add3A_108, %add3A_1927 : i32
        %get3A_1929 = arith.index_cast %add3A_1928 : i32 to index
        %get3A_1930 = tpu.vector_load %arg6[%get3A_1929] {strides = array<i32>} : memref<24576xf32, #tpu.memory_space<vmem>>, vector<16xf32>,
        %get3A_1931 = vector.shape_cast %get3A_1930 : vector<16xf32> to vector<16xf32>
        %get3A_1932 = arith.constant 432 : index
        %get3A_1933 = tpu.vector_load %arg7[%get3A_1932] {strides = array<i32>} : memref<6144xf32, #tpu.memory_space<vmem>>, vector<16xf32>,
        %get3A_1934 = vector.shape_cast %get3A_1933 : vector<16xf32> to vector<16xf32>
        %mul3A_1935 = arith.mulf %get3A_1926, %get3A_1934 : vector<16xf32>
        %add3A_1936 = arith.addf %add3A_1870, %mul3A_1935 : vector<16xf32>
        %mul3A_1937 = arith.mulf %get3A_1931, %get3A_1934 : vector<16xf32>
        %add3A_1938 = arith.addf %add3A_1872, %mul3A_1937 : vector<16xf32>
        %get3A_1939 = arith.constant 1200 : index
        %get3A_1940 = tpu.vector_load %arg7[%get3A_1939] {strides = array<i32>} : memref<6144xf32, #tpu.memory_space<vmem>>, vector<16xf32>,
        %get3A_1941 = vector.shape_cast %get3A_1940 : vector<16xf32> to vector<16xf32>
        %mul3A_1942 = arith.mulf %get3A_1926, %get3A_1941 : vector<16xf32>
        %add3A_1943 = arith.addf %add3A_1877, %mul3A_1942 : vector<16xf32>
        %mul3A_1944 = arith.mulf %get3A_1931, %get3A_1941 : vector<16xf32>
        %add3A_1945 = arith.addf %add3A_1879, %mul3A_1944 : vector<16xf32>
        %get3A_1946 = arith.constant 1968 : index
        %get3A_1947 = tpu.vector_load %arg7[%get3A_1946] {strides = array<i32>} : memref<6144xf32, #tpu.memory_space<vmem>>, vector<16xf32>,
        %get3A_1948 = vector.shape_cast %get3A_1947 : vector<16xf32> to vector<16xf32>
        %mul3A_1949 = arith.mulf %get3A_1926, %get3A_1948 : vector<16xf32>
        %add3A_1950 = arith.addf %add3A_1884, %mul3A_1949 : vector<16xf32>
        %mul3A_1951 = arith.mulf %get3A_1931, %get3A_1948 : vector<16xf32>
        %add3A_1952 = arith.addf %add3A_1886, %mul3A_1951 : vector<16xf32>
        %get3A_1953 = arith.constant 2736 : index
        %get3A_1954 = tpu.vector_load %arg7[%get3A_1953] {strides = array<i32>} : memref<6144xf32, #tpu.memory_space<vmem>>, vector<16xf32>,
        %get3A_1955 = vector.shape_cast %get3A_1954 : vector<16xf32> to vector<16xf32>
        %mul3A_1956 = arith.mulf %get3A_1926, %get3A_1955 : vector<16xf32>
        %add3A_1957 = arith.addf %add3A_1891, %mul3A_1956 : vector<16xf32>
        %mul3A_1958 = arith.mulf %get3A_1931, %get3A_1955 : vector<16xf32>
        %add3A_1959 = arith.addf %add3A_1893, %mul3A_1958 : vector<16xf32>
        %get3A_1960 = arith.constant 3504 : index
        %get3A_1961 = tpu.vector_load %arg7[%get3A_1960] {strides = array<i32>} : memref<6144xf32, #tpu.memory_space<vmem>>, vector<16xf32>,
        %get3A_1962 = vector.shape_cast %get3A_1961 : vector<16xf32> to vector<16xf32>
        %mul3A_1963 = arith.mulf %get3A_1926, %get3A_1962 : vector<16xf32>
        %add3A_1964 = arith.addf %add3A_1898, %mul3A_1963 : vector<16xf32>
        %mul3A_1965 = arith.mulf %get3A_1931, %get3A_1962 : vector<16xf32>
        %add3A_1966 = arith.addf %add3A_1900, %mul3A_1965 : vector<16xf32>
        %get3A_1967 = arith.constant 4272 : index
        %get3A_1968 = tpu.vector_load %arg7[%get3A_1967] {strides = array<i32>} : memref<6144xf32, #tpu.memory_space<vmem>>, vector<16xf32>,
        %get3A_1969 = vector.shape_cast %get3A_1968 : vector<16xf32> to vector<16xf32>
        %mul3A_1970 = arith.mulf %get3A_1926, %get3A_1969 : vector<16xf32>
        %add3A_1971 = arith.addf %add3A_1905, %mul3A_1970 : vector<16xf32>
        %mul3A_1972 = arith.mulf %get3A_1931, %get3A_1969 : vector<16xf32>
        %add3A_1973 = arith.addf %add3A_1907, %mul3A_1972 : vector<16xf32>
        %get3A_1974 = arith.constant 5040 : index
        %get3A_1975 = tpu.vector_load %arg7[%get3A_1974] {strides = array<i32>} : memref<6144xf32, #tpu.memory_space<vmem>>, vector<16xf32>,
        %get3A_1976 = vector.shape_cast %get3A_1975 : vector<16xf32> to vector<16xf32>
        %mul3A_1977 = arith.mulf %get3A_1926, %get3A_1976 : vector<16xf32>
        %add3A_1978 = arith.addf %add3A_1912, %mul3A_1977 : vector<16xf32>
        %mul3A_1979 = arith.mulf %get3A_1931, %get3A_1976 : vector<16xf32>
        %add3A_1980 = arith.addf %add3A_1914, %mul3A_1979 : vector<16xf32>
        %get3A_1981 = arith.constant 5808 : index
        %get3A_1982 = tpu.vector_load %arg7[%get3A_1981] {strides = array<i32>} : memref<6144xf32, #tpu.memory_space<vmem>>, vector<16xf32>,
        %get3A_1983 = vector.shape_cast %get3A_1982 : vector<16xf32> to vector<16xf32>
        %mul3A_1984 = arith.mulf %get3A_1926, %get3A_1983 : vector<16xf32>
        %add3A_1985 = arith.addf %add3A_1919, %mul3A_1984 : vector<16xf32>
        %mul3A_1986 = arith.mulf %get3A_1931, %get3A_1983 : vector<16xf32>
        %add3A_1987 = arith.addf %add3A_1921, %mul3A_1986 : vector<16xf32>
        %add3A_1988 = arith.constant 448 : i32
        %add3A_1989 = arith.addi %mul3A_106, %add3A_1988 : i32
        %get3A_1990 = arith.index_cast %add3A_1989 : i32 to index
        %get3A_1991 = tpu.vector_load %arg6[%get3A_1990] {strides = array<i32>} : memref<24576xf32, #tpu.memory_space<vmem>>, vector<16xf32>,
        %get3A_1992 = vector.shape_cast %get3A_1991 : vector<16xf32> to vector<16xf32>
        %add3A_1993 = arith.constant 448 : i32
        %add3A_1994 = arith.addi %add3A_108, %add3A_1993 : i32
        %get3A_1995 = arith.index_cast %add3A_1994 : i32 to index
        %get3A_1996 = tpu.vector_load %arg6[%get3A_1995] {strides = array<i32>} : memref<24576xf32, #tpu.memory_space<vmem>>, vector<16xf32>,
        %get3A_1997 = vector.shape_cast %get3A_1996 : vector<16xf32> to vector<16xf32>
        %get3A_1998 = arith.constant 448 : index
        %get3A_1999 = tpu.vector_load %arg7[%get3A_1998] {strides = array<i32>} : memref<6144xf32, #tpu.memory_space<vmem>>, vector<16xf32>,
        %get3A_2000 = vector.shape_cast %get3A_1999 : vector<16xf32> to vector<16xf32>
        %mul3A_2001 = arith.mulf %get3A_1992, %get3A_2000 : vector<16xf32>
        %add3A_2002 = arith.addf %add3A_1936, %mul3A_2001 : vector<16xf32>
        %mul3A_2003 = arith.mulf %get3A_1997, %get3A_2000 : vector<16xf32>
        %add3A_2004 = arith.addf %add3A_1938, %mul3A_2003 : vector<16xf32>
        %get3A_2005 = arith.constant 1216 : index
        %get3A_2006 = tpu.vector_load %arg7[%get3A_2005] {strides = array<i32>} : memref<6144xf32, #tpu.memory_space<vmem>>, vector<16xf32>,
        %get3A_2007 = vector.shape_cast %get3A_2006 : vector<16xf32> to vector<16xf32>
        %mul3A_2008 = arith.mulf %get3A_1992, %get3A_2007 : vector<16xf32>
        %add3A_2009 = arith.addf %add3A_1943, %mul3A_2008 : vector<16xf32>
        %mul3A_2010 = arith.mulf %get3A_1997, %get3A_2007 : vector<16xf32>
        %add3A_2011 = arith.addf %add3A_1945, %mul3A_2010 : vector<16xf32>
        %get3A_2012 = arith.constant 1984 : index
        %get3A_2013 = tpu.vector_load %arg7[%get3A_2012] {strides = array<i32>} : memref<6144xf32, #tpu.memory_space<vmem>>, vector<16xf32>,
        %get3A_2014 = vector.shape_cast %get3A_2013 : vector<16xf32> to vector<16xf32>
        %mul3A_2015 = arith.mulf %get3A_1992, %get3A_2014 : vector<16xf32>
        %add3A_2016 = arith.addf %add3A_1950, %mul3A_2015 : vector<16xf32>
        %mul3A_2017 = arith.mulf %get3A_1997, %get3A_2014 : vector<16xf32>
        %add3A_2018 = arith.addf %add3A_1952, %mul3A_2017 : vector<16xf32>
        %get3A_2019 = arith.constant 2752 : index
        %get3A_2020 = tpu.vector_load %arg7[%get3A_2019] {strides = array<i32>} : memref<6144xf32, #tpu.memory_space<vmem>>, vector<16xf32>,
        %get3A_2021 = vector.shape_cast %get3A_2020 : vector<16xf32> to vector<16xf32>
        %mul3A_2022 = arith.mulf %get3A_1992, %get3A_2021 : vector<16xf32>
        %add3A_2023 = arith.addf %add3A_1957, %mul3A_2022 : vector<16xf32>
        %mul3A_2024 = arith.mulf %get3A_1997, %get3A_2021 : vector<16xf32>
        %add3A_2025 = arith.addf %add3A_1959, %mul3A_2024 : vector<16xf32>
        %get3A_2026 = arith.constant 3520 : index
        %get3A_2027 = tpu.vector_load %arg7[%get3A_2026] {strides = array<i32>} : memref<6144xf32, #tpu.memory_space<vmem>>, vector<16xf32>,
        %get3A_2028 = vector.shape_cast %get3A_2027 : vector<16xf32> to vector<16xf32>
        %mul3A_2029 = arith.mulf %get3A_1992, %get3A_2028 : vector<16xf32>
        %add3A_2030 = arith.addf %add3A_1964, %mul3A_2029 : vector<16xf32>
        %mul3A_2031 = arith.mulf %get3A_1997, %get3A_2028 : vector<16xf32>
        %add3A_2032 = arith.addf %add3A_1966, %mul3A_2031 : vector<16xf32>
        %get3A_2033 = arith.constant 4288 : index
        %get3A_2034 = tpu.vector_load %arg7[%get3A_2033] {strides = array<i32>} : memref<6144xf32, #tpu.memory_space<vmem>>, vector<16xf32>,
        %get3A_2035 = vector.shape_cast %get3A_2034 : vector<16xf32> to vector<16xf32>
        %mul3A_2036 = arith.mulf %get3A_1992, %get3A_2035 : vector<16xf32>
        %add3A_2037 = arith.addf %add3A_1971, %mul3A_2036 : vector<16xf32>
        %mul3A_2038 = arith.mulf %get3A_1997, %get3A_2035 : vector<16xf32>
        %add3A_2039 = arith.addf %add3A_1973, %mul3A_2038 : vector<16xf32>
        %get3A_2040 = arith.constant 5056 : index
        %get3A_2041 = tpu.vector_load %arg7[%get3A_2040] {strides = array<i32>} : memref<6144xf32, #tpu.memory_space<vmem>>, vector<16xf32>,
        %get3A_2042 = vector.shape_cast %get3A_2041 : vector<16xf32> to vector<16xf32>
        %mul3A_2043 = arith.mulf %get3A_1992, %get3A_2042 : vector<16xf32>
        %add3A_2044 = arith.addf %add3A_1978, %mul3A_2043 : vector<16xf32>
        %mul3A_2045 = arith.mulf %get3A_1997, %get3A_2042 : vector<16xf32>
        %add3A_2046 = arith.addf %add3A_1980, %mul3A_2045 : vector<16xf32>
        %get3A_2047 = arith.constant 5824 : index
        %get3A_2048 = tpu.vector_load %arg7[%get3A_2047] {strides = array<i32>} : memref<6144xf32, #tpu.memory_space<vmem>>, vector<16xf32>,
        %get3A_2049 = vector.shape_cast %get3A_2048 : vector<16xf32> to vector<16xf32>
        %mul3A_2050 = arith.mulf %get3A_1992, %get3A_2049 : vector<16xf32>
        %add3A_2051 = arith.addf %add3A_1985, %mul3A_2050 : vector<16xf32>
        %mul3A_2052 = arith.mulf %get3A_1997, %get3A_2049 : vector<16xf32>
        %add3A_2053 = arith.addf %add3A_1987, %mul3A_2052 : vector<16xf32>
        %add3A_2054 = arith.constant 464 : i32
        %add3A_2055 = arith.addi %mul3A_106, %add3A_2054 : i32
        %get3A_2056 = arith.index_cast %add3A_2055 : i32 to index
        %get3A_2057 = tpu.vector_load %arg6[%get3A_2056] {strides = array<i32>} : memref<24576xf32, #tpu.memory_space<vmem>>, vector<16xf32>,
        %get3A_2058 = vector.shape_cast %get3A_2057 : vector<16xf32> to vector<16xf32>
        %add3A_2059 = arith.constant 464 : i32
        %add3A_2060 = arith.addi %add3A_108, %add3A_2059 : i32
        %get3A_2061 = arith.index_cast %add3A_2060 : i32 to index
        %get3A_2062 = tpu.vector_load %arg6[%get3A_2061] {strides = array<i32>} : memref<24576xf32, #tpu.memory_space<vmem>>, vector<16xf32>,
        %get3A_2063 = vector.shape_cast %get3A_2062 : vector<16xf32> to vector<16xf32>
        %get3A_2064 = arith.constant 464 : index
        %get3A_2065 = tpu.vector_load %arg7[%get3A_2064] {strides = array<i32>} : memref<6144xf32, #tpu.memory_space<vmem>>, vector<16xf32>,
        %get3A_2066 = vector.shape_cast %get3A_2065 : vector<16xf32> to vector<16xf32>
        %mul3A_2067 = arith.mulf %get3A_2058, %get3A_2066 : vector<16xf32>
        %add3A_2068 = arith.addf %add3A_2002, %mul3A_2067 : vector<16xf32>
        %mul3A_2069 = arith.mulf %get3A_2063, %get3A_2066 : vector<16xf32>
        %add3A_2070 = arith.addf %add3A_2004, %mul3A_2069 : vector<16xf32>
        %get3A_2071 = arith.constant 1232 : index
        %get3A_2072 = tpu.vector_load %arg7[%get3A_2071] {strides = array<i32>} : memref<6144xf32, #tpu.memory_space<vmem>>, vector<16xf32>,
        %get3A_2073 = vector.shape_cast %get3A_2072 : vector<16xf32> to vector<16xf32>
        %mul3A_2074 = arith.mulf %get3A_2058, %get3A_2073 : vector<16xf32>
        %add3A_2075 = arith.addf %add3A_2009, %mul3A_2074 : vector<16xf32>
        %mul3A_2076 = arith.mulf %get3A_2063, %get3A_2073 : vector<16xf32>
        %add3A_2077 = arith.addf %add3A_2011, %mul3A_2076 : vector<16xf32>
        %get3A_2078 = arith.constant 2000 : index
        %get3A_2079 = tpu.vector_load %arg7[%get3A_2078] {strides = array<i32>} : memref<6144xf32, #tpu.memory_space<vmem>>, vector<16xf32>,
        %get3A_2080 = vector.shape_cast %get3A_2079 : vector<16xf32> to vector<16xf32>
        %mul3A_2081 = arith.mulf %get3A_2058, %get3A_2080 : vector<16xf32>
        %add3A_2082 = arith.addf %add3A_2016, %mul3A_2081 : vector<16xf32>
        %mul3A_2083 = arith.mulf %get3A_2063, %get3A_2080 : vector<16xf32>
        %add3A_2084 = arith.addf %add3A_2018, %mul3A_2083 : vector<16xf32>
        %get3A_2085 = arith.constant 2768 : index
        %get3A_2086 = tpu.vector_load %arg7[%get3A_2085] {strides = array<i32>} : memref<6144xf32, #tpu.memory_space<vmem>>, vector<16xf32>,
        %get3A_2087 = vector.shape_cast %get3A_2086 : vector<16xf32> to vector<16xf32>
        %mul3A_2088 = arith.mulf %get3A_2058, %get3A_2087 : vector<16xf32>
        %add3A_2089 = arith.addf %add3A_2023, %mul3A_2088 : vector<16xf32>
        %mul3A_2090 = arith.mulf %get3A_2063, %get3A_2087 : vector<16xf32>
        %add3A_2091 = arith.addf %add3A_2025, %mul3A_2090 : vector<16xf32>
        %get3A_2092 = arith.constant 3536 : index
        %get3A_2093 = tpu.vector_load %arg7[%get3A_2092] {strides = array<i32>} : memref<6144xf32, #tpu.memory_space<vmem>>, vector<16xf32>,
        %get3A_2094 = vector.shape_cast %get3A_2093 : vector<16xf32> to vector<16xf32>
        %mul3A_2095 = arith.mulf %get3A_2058, %get3A_2094 : vector<16xf32>
        %add3A_2096 = arith.addf %add3A_2030, %mul3A_2095 : vector<16xf32>
        %mul3A_2097 = arith.mulf %get3A_2063, %get3A_2094 : vector<16xf32>
        %add3A_2098 = arith.addf %add3A_2032, %mul3A_2097 : vector<16xf32>
        %get3A_2099 = arith.constant 4304 : index
        %get3A_2100 = tpu.vector_load %arg7[%get3A_2099] {strides = array<i32>} : memref<6144xf32, #tpu.memory_space<vmem>>, vector<16xf32>,
        %get3A_2101 = vector.shape_cast %get3A_2100 : vector<16xf32> to vector<16xf32>
        %mul3A_2102 = arith.mulf %get3A_2058, %get3A_2101 : vector<16xf32>
        %add3A_2103 = arith.addf %add3A_2037, %mul3A_2102 : vector<16xf32>
        %mul3A_2104 = arith.mulf %get3A_2063, %get3A_2101 : vector<16xf32>
        %add3A_2105 = arith.addf %add3A_2039, %mul3A_2104 : vector<16xf32>
        %get3A_2106 = arith.constant 5072 : index
        %get3A_2107 = tpu.vector_load %arg7[%get3A_2106] {strides = array<i32>} : memref<6144xf32, #tpu.memory_space<vmem>>, vector<16xf32>,
        %get3A_2108 = vector.shape_cast %get3A_2107 : vector<16xf32> to vector<16xf32>
        %mul3A_2109 = arith.mulf %get3A_2058, %get3A_2108 : vector<16xf32>
        %add3A_2110 = arith.addf %add3A_2044, %mul3A_2109 : vector<16xf32>
        %mul3A_2111 = arith.mulf %get3A_2063, %get3A_2108 : vector<16xf32>
        %add3A_2112 = arith.addf %add3A_2046, %mul3A_2111 : vector<16xf32>
        %get3A_2113 = arith.constant 5840 : index
        %get3A_2114 = tpu.vector_load %arg7[%get3A_2113] {strides = array<i32>} : memref<6144xf32, #tpu.memory_space<vmem>>, vector<16xf32>,
        %get3A_2115 = vector.shape_cast %get3A_2114 : vector<16xf32> to vector<16xf32>
        %mul3A_2116 = arith.mulf %get3A_2058, %get3A_2115 : vector<16xf32>
        %add3A_2117 = arith.addf %add3A_2051, %mul3A_2116 : vector<16xf32>
        %mul3A_2118 = arith.mulf %get3A_2063, %get3A_2115 : vector<16xf32>
        %add3A_2119 = arith.addf %add3A_2053, %mul3A_2118 : vector<16xf32>
        %add3A_2120 = arith.constant 480 : i32
        %add3A_2121 = arith.addi %mul3A_106, %add3A_2120 : i32
        %get3A_2122 = arith.index_cast %add3A_2121 : i32 to index
        %get3A_2123 = tpu.vector_load %arg6[%get3A_2122] {strides = array<i32>} : memref<24576xf32, #tpu.memory_space<vmem>>, vector<16xf32>,
        %get3A_2124 = vector.shape_cast %get3A_2123 : vector<16xf32> to vector<16xf32>
        %add3A_2125 = arith.constant 480 : i32
        %add3A_2126 = arith.addi %add3A_108, %add3A_2125 : i32
        %get3A_2127 = arith.index_cast %add3A_2126 : i32 to index
        %get3A_2128 = tpu.vector_load %arg6[%get3A_2127] {strides = array<i32>} : memref<24576xf32, #tpu.memory_space<vmem>>, vector<16xf32>,
        %get3A_2129 = vector.shape_cast %get3A_2128 : vector<16xf32> to vector<16xf32>
        %get3A_2130 = arith.constant 480 : index
        %get3A_2131 = tpu.vector_load %arg7[%get3A_2130] {strides = array<i32>} : memref<6144xf32, #tpu.memory_space<vmem>>, vector<16xf32>,
        %get3A_2132 = vector.shape_cast %get3A_2131 : vector<16xf32> to vector<16xf32>
        %mul3A_2133 = arith.mulf %get3A_2124, %get3A_2132 : vector<16xf32>
        %add3A_2134 = arith.addf %add3A_2068, %mul3A_2133 : vector<16xf32>
        %mul3A_2135 = arith.mulf %get3A_2129, %get3A_2132 : vector<16xf32>
        %add3A_2136 = arith.addf %add3A_2070, %mul3A_2135 : vector<16xf32>
        %get3A_2137 = arith.constant 1248 : index
        %get3A_2138 = tpu.vector_load %arg7[%get3A_2137] {strides = array<i32>} : memref<6144xf32, #tpu.memory_space<vmem>>, vector<16xf32>,
        %get3A_2139 = vector.shape_cast %get3A_2138 : vector<16xf32> to vector<16xf32>
        %mul3A_2140 = arith.mulf %get3A_2124, %get3A_2139 : vector<16xf32>
        %add3A_2141 = arith.addf %add3A_2075, %mul3A_2140 : vector<16xf32>
        %mul3A_2142 = arith.mulf %get3A_2129, %get3A_2139 : vector<16xf32>
        %add3A_2143 = arith.addf %add3A_2077, %mul3A_2142 : vector<16xf32>
        %get3A_2144 = arith.constant 2016 : index
        %get3A_2145 = tpu.vector_load %arg7[%get3A_2144] {strides = array<i32>} : memref<6144xf32, #tpu.memory_space<vmem>>, vector<16xf32>,
        %get3A_2146 = vector.shape_cast %get3A_2145 : vector<16xf32> to vector<16xf32>
        %mul3A_2147 = arith.mulf %get3A_2124, %get3A_2146 : vector<16xf32>
        %add3A_2148 = arith.addf %add3A_2082, %mul3A_2147 : vector<16xf32>
        %mul3A_2149 = arith.mulf %get3A_2129, %get3A_2146 : vector<16xf32>
        %add3A_2150 = arith.addf %add3A_2084, %mul3A_2149 : vector<16xf32>
        %get3A_2151 = arith.constant 2784 : index
        %get3A_2152 = tpu.vector_load %arg7[%get3A_2151] {strides = array<i32>} : memref<6144xf32, #tpu.memory_space<vmem>>, vector<16xf32>,
        %get3A_2153 = vector.shape_cast %get3A_2152 : vector<16xf32> to vector<16xf32>
        %mul3A_2154 = arith.mulf %get3A_2124, %get3A_2153 : vector<16xf32>
        %add3A_2155 = arith.addf %add3A_2089, %mul3A_2154 : vector<16xf32>
        %mul3A_2156 = arith.mulf %get3A_2129, %get3A_2153 : vector<16xf32>
        %add3A_2157 = arith.addf %add3A_2091, %mul3A_2156 : vector<16xf32>
        %get3A_2158 = arith.constant 3552 : index
        %get3A_2159 = tpu.vector_load %arg7[%get3A_2158] {strides = array<i32>} : memref<6144xf32, #tpu.memory_space<vmem>>, vector<16xf32>,
        %get3A_2160 = vector.shape_cast %get3A_2159 : vector<16xf32> to vector<16xf32>
        %mul3A_2161 = arith.mulf %get3A_2124, %get3A_2160 : vector<16xf32>
        %add3A_2162 = arith.addf %add3A_2096, %mul3A_2161 : vector<16xf32>
        %mul3A_2163 = arith.mulf %get3A_2129, %get3A_2160 : vector<16xf32>
        %add3A_2164 = arith.addf %add3A_2098, %mul3A_2163 : vector<16xf32>
        %get3A_2165 = arith.constant 4320 : index
        %get3A_2166 = tpu.vector_load %arg7[%get3A_2165] {strides = array<i32>} : memref<6144xf32, #tpu.memory_space<vmem>>, vector<16xf32>,
        %get3A_2167 = vector.shape_cast %get3A_2166 : vector<16xf32> to vector<16xf32>
        %mul3A_2168 = arith.mulf %get3A_2124, %get3A_2167 : vector<16xf32>
        %add3A_2169 = arith.addf %add3A_2103, %mul3A_2168 : vector<16xf32>
        %mul3A_2170 = arith.mulf %get3A_2129, %get3A_2167 : vector<16xf32>
        %add3A_2171 = arith.addf %add3A_2105, %mul3A_2170 : vector<16xf32>
        %get3A_2172 = arith.constant 5088 : index
        %get3A_2173 = tpu.vector_load %arg7[%get3A_2172] {strides = array<i32>} : memref<6144xf32, #tpu.memory_space<vmem>>, vector<16xf32>,
        %get3A_2174 = vector.shape_cast %get3A_2173 : vector<16xf32> to vector<16xf32>
        %mul3A_2175 = arith.mulf %get3A_2124, %get3A_2174 : vector<16xf32>
        %add3A_2176 = arith.addf %add3A_2110, %mul3A_2175 : vector<16xf32>
        %mul3A_2177 = arith.mulf %get3A_2129, %get3A_2174 : vector<16xf32>
        %add3A_2178 = arith.addf %add3A_2112, %mul3A_2177 : vector<16xf32>
        %get3A_2179 = arith.constant 5856 : index
        %get3A_2180 = tpu.vector_load %arg7[%get3A_2179] {strides = array<i32>} : memref<6144xf32, #tpu.memory_space<vmem>>, vector<16xf32>,
        %get3A_2181 = vector.shape_cast %get3A_2180 : vector<16xf32> to vector<16xf32>
        %mul3A_2182 = arith.mulf %get3A_2124, %get3A_2181 : vector<16xf32>
        %add3A_2183 = arith.addf %add3A_2117, %mul3A_2182 : vector<16xf32>
        %mul3A_2184 = arith.mulf %get3A_2129, %get3A_2181 : vector<16xf32>
        %add3A_2185 = arith.addf %add3A_2119, %mul3A_2184 : vector<16xf32>
        %add3A_2186 = arith.constant 496 : i32
        %add3A_2187 = arith.addi %mul3A_106, %add3A_2186 : i32
        %get3A_2188 = arith.index_cast %add3A_2187 : i32 to index
        %get3A_2189 = tpu.vector_load %arg6[%get3A_2188] {strides = array<i32>} : memref<24576xf32, #tpu.memory_space<vmem>>, vector<16xf32>,
        %get3A_2190 = vector.shape_cast %get3A_2189 : vector<16xf32> to vector<16xf32>
        %add3A_2191 = arith.constant 496 : i32
        %add3A_2192 = arith.addi %add3A_108, %add3A_2191 : i32
        %get3A_2193 = arith.index_cast %add3A_2192 : i32 to index
        %get3A_2194 = tpu.vector_load %arg6[%get3A_2193] {strides = array<i32>} : memref<24576xf32, #tpu.memory_space<vmem>>, vector<16xf32>,
        %get3A_2195 = vector.shape_cast %get3A_2194 : vector<16xf32> to vector<16xf32>
        %get3A_2196 = arith.constant 496 : index
        %get3A_2197 = tpu.vector_load %arg7[%get3A_2196] {strides = array<i32>} : memref<6144xf32, #tpu.memory_space<vmem>>, vector<16xf32>,
        %get3A_2198 = vector.shape_cast %get3A_2197 : vector<16xf32> to vector<16xf32>
        %mul3A_2199 = arith.mulf %get3A_2190, %get3A_2198 : vector<16xf32>
        %add3A_2200 = arith.addf %add3A_2134, %mul3A_2199 : vector<16xf32>
        %mul3A_2201 = arith.mulf %get3A_2195, %get3A_2198 : vector<16xf32>
        %add3A_2202 = arith.addf %add3A_2136, %mul3A_2201 : vector<16xf32>
        %get3A_2203 = arith.constant 1264 : index
        %get3A_2204 = tpu.vector_load %arg7[%get3A_2203] {strides = array<i32>} : memref<6144xf32, #tpu.memory_space<vmem>>, vector<16xf32>,
        %get3A_2205 = vector.shape_cast %get3A_2204 : vector<16xf32> to vector<16xf32>
        %mul3A_2206 = arith.mulf %get3A_2190, %get3A_2205 : vector<16xf32>
        %add3A_2207 = arith.addf %add3A_2141, %mul3A_2206 : vector<16xf32>
        %mul3A_2208 = arith.mulf %get3A_2195, %get3A_2205 : vector<16xf32>
        %add3A_2209 = arith.addf %add3A_2143, %mul3A_2208 : vector<16xf32>
        %get3A_2210 = arith.constant 2032 : index
        %get3A_2211 = tpu.vector_load %arg7[%get3A_2210] {strides = array<i32>} : memref<6144xf32, #tpu.memory_space<vmem>>, vector<16xf32>,
        %get3A_2212 = vector.shape_cast %get3A_2211 : vector<16xf32> to vector<16xf32>
        %mul3A_2213 = arith.mulf %get3A_2190, %get3A_2212 : vector<16xf32>
        %add3A_2214 = arith.addf %add3A_2148, %mul3A_2213 : vector<16xf32>
        %mul3A_2215 = arith.mulf %get3A_2195, %get3A_2212 : vector<16xf32>
        %add3A_2216 = arith.addf %add3A_2150, %mul3A_2215 : vector<16xf32>
        %get3A_2217 = arith.constant 2800 : index
        %get3A_2218 = tpu.vector_load %arg7[%get3A_2217] {strides = array<i32>} : memref<6144xf32, #tpu.memory_space<vmem>>, vector<16xf32>,
        %get3A_2219 = vector.shape_cast %get3A_2218 : vector<16xf32> to vector<16xf32>
        %mul3A_2220 = arith.mulf %get3A_2190, %get3A_2219 : vector<16xf32>
        %add3A_2221 = arith.addf %add3A_2155, %mul3A_2220 : vector<16xf32>
        %mul3A_2222 = arith.mulf %get3A_2195, %get3A_2219 : vector<16xf32>
        %add3A_2223 = arith.addf %add3A_2157, %mul3A_2222 : vector<16xf32>
        %get3A_2224 = arith.constant 3568 : index
        %get3A_2225 = tpu.vector_load %arg7[%get3A_2224] {strides = array<i32>} : memref<6144xf32, #tpu.memory_space<vmem>>, vector<16xf32>,
        %get3A_2226 = vector.shape_cast %get3A_2225 : vector<16xf32> to vector<16xf32>
        %mul3A_2227 = arith.mulf %get3A_2190, %get3A_2226 : vector<16xf32>
        %add3A_2228 = arith.addf %add3A_2162, %mul3A_2227 : vector<16xf32>
        %mul3A_2229 = arith.mulf %get3A_2195, %get3A_2226 : vector<16xf32>
        %add3A_2230 = arith.addf %add3A_2164, %mul3A_2229 : vector<16xf32>
        %get3A_2231 = arith.constant 4336 : index
        %get3A_2232 = tpu.vector_load %arg7[%get3A_2231] {strides = array<i32>} : memref<6144xf32, #tpu.memory_space<vmem>>, vector<16xf32>,
        %get3A_2233 = vector.shape_cast %get3A_2232 : vector<16xf32> to vector<16xf32>
        %mul3A_2234 = arith.mulf %get3A_2190, %get3A_2233 : vector<16xf32>
        %add3A_2235 = arith.addf %add3A_2169, %mul3A_2234 : vector<16xf32>
        %mul3A_2236 = arith.mulf %get3A_2195, %get3A_2233 : vector<16xf32>
        %add3A_2237 = arith.addf %add3A_2171, %mul3A_2236 : vector<16xf32>
        %get3A_2238 = arith.constant 5104 : index
        %get3A_2239 = tpu.vector_load %arg7[%get3A_2238] {strides = array<i32>} : memref<6144xf32, #tpu.memory_space<vmem>>, vector<16xf32>,
        %get3A_2240 = vector.shape_cast %get3A_2239 : vector<16xf32> to vector<16xf32>
        %mul3A_2241 = arith.mulf %get3A_2190, %get3A_2240 : vector<16xf32>
        %add3A_2242 = arith.addf %add3A_2176, %mul3A_2241 : vector<16xf32>
        %mul3A_2243 = arith.mulf %get3A_2195, %get3A_2240 : vector<16xf32>
        %add3A_2244 = arith.addf %add3A_2178, %mul3A_2243 : vector<16xf32>
        %get3A_2245 = arith.constant 5872 : index
        %get3A_2246 = tpu.vector_load %arg7[%get3A_2245] {strides = array<i32>} : memref<6144xf32, #tpu.memory_space<vmem>>, vector<16xf32>,
        %get3A_2247 = vector.shape_cast %get3A_2246 : vector<16xf32> to vector<16xf32>
        %mul3A_2248 = arith.mulf %get3A_2190, %get3A_2247 : vector<16xf32>
        %add3A_2249 = arith.addf %add3A_2183, %mul3A_2248 : vector<16xf32>
        %mul3A_2250 = arith.mulf %get3A_2195, %get3A_2247 : vector<16xf32>
        %add3A_2251 = arith.addf %add3A_2185, %mul3A_2250 : vector<16xf32>
        %add3A_2252 = arith.constant 512 : i32
        %add3A_2253 = arith.addi %mul3A_106, %add3A_2252 : i32
        %get3A_2254 = arith.index_cast %add3A_2253 : i32 to index
        %get3A_2255 = tpu.vector_load %arg6[%get3A_2254] {strides = array<i32>} : memref<24576xf32, #tpu.memory_space<vmem>>, vector<16xf32>,
        %get3A_2256 = vector.shape_cast %get3A_2255 : vector<16xf32> to vector<16xf32>
        %add3A_2257 = arith.constant 512 : i32
        %add3A_2258 = arith.addi %add3A_108, %add3A_2257 : i32
        %get3A_2259 = arith.index_cast %add3A_2258 : i32 to index
        %get3A_2260 = tpu.vector_load %arg6[%get3A_2259] {strides = array<i32>} : memref<24576xf32, #tpu.memory_space<vmem>>, vector<16xf32>,
        %get3A_2261 = vector.shape_cast %get3A_2260 : vector<16xf32> to vector<16xf32>
        %get3A_2262 = arith.constant 512 : index
        %get3A_2263 = tpu.vector_load %arg7[%get3A_2262] {strides = array<i32>} : memref<6144xf32, #tpu.memory_space<vmem>>, vector<16xf32>,
        %get3A_2264 = vector.shape_cast %get3A_2263 : vector<16xf32> to vector<16xf32>
        %mul3A_2265 = arith.mulf %get3A_2256, %get3A_2264 : vector<16xf32>
        %add3A_2266 = arith.addf %add3A_2200, %mul3A_2265 : vector<16xf32>
        %mul3A_2267 = arith.mulf %get3A_2261, %get3A_2264 : vector<16xf32>
        %add3A_2268 = arith.addf %add3A_2202, %mul3A_2267 : vector<16xf32>
        %get3A_2269 = arith.constant 1280 : index
        %get3A_2270 = tpu.vector_load %arg7[%get3A_2269] {strides = array<i32>} : memref<6144xf32, #tpu.memory_space<vmem>>, vector<16xf32>,
        %get3A_2271 = vector.shape_cast %get3A_2270 : vector<16xf32> to vector<16xf32>
        %mul3A_2272 = arith.mulf %get3A_2256, %get3A_2271 : vector<16xf32>
        %add3A_2273 = arith.addf %add3A_2207, %mul3A_2272 : vector<16xf32>
        %mul3A_2274 = arith.mulf %get3A_2261, %get3A_2271 : vector<16xf32>
        %add3A_2275 = arith.addf %add3A_2209, %mul3A_2274 : vector<16xf32>
        %get3A_2276 = arith.constant 2048 : index
        %get3A_2277 = tpu.vector_load %arg7[%get3A_2276] {strides = array<i32>} : memref<6144xf32, #tpu.memory_space<vmem>>, vector<16xf32>,
        %get3A_2278 = vector.shape_cast %get3A_2277 : vector<16xf32> to vector<16xf32>
        %mul3A_2279 = arith.mulf %get3A_2256, %get3A_2278 : vector<16xf32>
        %add3A_2280 = arith.addf %add3A_2214, %mul3A_2279 : vector<16xf32>
        %mul3A_2281 = arith.mulf %get3A_2261, %get3A_2278 : vector<16xf32>
        %add3A_2282 = arith.addf %add3A_2216, %mul3A_2281 : vector<16xf32>
        %get3A_2283 = arith.constant 2816 : index
        %get3A_2284 = tpu.vector_load %arg7[%get3A_2283] {strides = array<i32>} : memref<6144xf32, #tpu.memory_space<vmem>>, vector<16xf32>,
        %get3A_2285 = vector.shape_cast %get3A_2284 : vector<16xf32> to vector<16xf32>
        %mul3A_2286 = arith.mulf %get3A_2256, %get3A_2285 : vector<16xf32>
        %add3A_2287 = arith.addf %add3A_2221, %mul3A_2286 : vector<16xf32>
        %mul3A_2288 = arith.mulf %get3A_2261, %get3A_2285 : vector<16xf32>
        %add3A_2289 = arith.addf %add3A_2223, %mul3A_2288 : vector<16xf32>
        %get3A_2290 = arith.constant 3584 : index
        %get3A_2291 = tpu.vector_load %arg7[%get3A_2290] {strides = array<i32>} : memref<6144xf32, #tpu.memory_space<vmem>>, vector<16xf32>,
        %get3A_2292 = vector.shape_cast %get3A_2291 : vector<16xf32> to vector<16xf32>
        %mul3A_2293 = arith.mulf %get3A_2256, %get3A_2292 : vector<16xf32>
        %add3A_2294 = arith.addf %add3A_2228, %mul3A_2293 : vector<16xf32>
        %mul3A_2295 = arith.mulf %get3A_2261, %get3A_2292 : vector<16xf32>
        %add3A_2296 = arith.addf %add3A_2230, %mul3A_2295 : vector<16xf32>
        %get3A_2297 = arith.constant 4352 : index
        %get3A_2298 = tpu.vector_load %arg7[%get3A_2297] {strides = array<i32>} : memref<6144xf32, #tpu.memory_space<vmem>>, vector<16xf32>,
        %get3A_2299 = vector.shape_cast %get3A_2298 : vector<16xf32> to vector<16xf32>
        %mul3A_2300 = arith.mulf %get3A_2256, %get3A_2299 : vector<16xf32>
        %add3A_2301 = arith.addf %add3A_2235, %mul3A_2300 : vector<16xf32>
        %mul3A_2302 = arith.mulf %get3A_2261, %get3A_2299 : vector<16xf32>
        %add3A_2303 = arith.addf %add3A_2237, %mul3A_2302 : vector<16xf32>
        %get3A_2304 = arith.constant 5120 : index
        %get3A_2305 = tpu.vector_load %arg7[%get3A_2304] {strides = array<i32>} : memref<6144xf32, #tpu.memory_space<vmem>>, vector<16xf32>,
        %get3A_2306 = vector.shape_cast %get3A_2305 : vector<16xf32> to vector<16xf32>
        %mul3A_2307 = arith.mulf %get3A_2256, %get3A_2306 : vector<16xf32>
        %add3A_2308 = arith.addf %add3A_2242, %mul3A_2307 : vector<16xf32>
        %mul3A_2309 = arith.mulf %get3A_2261, %get3A_2306 : vector<16xf32>
        %add3A_2310 = arith.addf %add3A_2244, %mul3A_2309 : vector<16xf32>
        %get3A_2311 = arith.constant 5888 : index
        %get3A_2312 = tpu.vector_load %arg7[%get3A_2311] {strides = array<i32>} : memref<6144xf32, #tpu.memory_space<vmem>>, vector<16xf32>,
        %get3A_2313 = vector.shape_cast %get3A_2312 : vector<16xf32> to vector<16xf32>
        %mul3A_2314 = arith.mulf %get3A_2256, %get3A_2313 : vector<16xf32>
        %add3A_2315 = arith.addf %add3A_2249, %mul3A_2314 : vector<16xf32>
        %mul3A_2316 = arith.mulf %get3A_2261, %get3A_2313 : vector<16xf32>
        %add3A_2317 = arith.addf %add3A_2251, %mul3A_2316 : vector<16xf32>
        %add3A_2318 = arith.constant 528 : i32
        %add3A_2319 = arith.addi %mul3A_106, %add3A_2318 : i32
        %get3A_2320 = arith.index_cast %add3A_2319 : i32 to index
        %get3A_2321 = tpu.vector_load %arg6[%get3A_2320] {strides = array<i32>} : memref<24576xf32, #tpu.memory_space<vmem>>, vector<16xf32>,
        %get3A_2322 = vector.shape_cast %get3A_2321 : vector<16xf32> to vector<16xf32>
        %add3A_2323 = arith.constant 528 : i32
        %add3A_2324 = arith.addi %add3A_108, %add3A_2323 : i32
        %get3A_2325 = arith.index_cast %add3A_2324 : i32 to index
        %get3A_2326 = tpu.vector_load %arg6[%get3A_2325] {strides = array<i32>} : memref<24576xf32, #tpu.memory_space<vmem>>, vector<16xf32>,
        %get3A_2327 = vector.shape_cast %get3A_2326 : vector<16xf32> to vector<16xf32>
        %get3A_2328 = arith.constant 528 : index
        %get3A_2329 = tpu.vector_load %arg7[%get3A_2328] {strides = array<i32>} : memref<6144xf32, #tpu.memory_space<vmem>>, vector<16xf32>,
        %get3A_2330 = vector.shape_cast %get3A_2329 : vector<16xf32> to vector<16xf32>
        %mul3A_2331 = arith.mulf %get3A_2322, %get3A_2330 : vector<16xf32>
        %add3A_2332 = arith.addf %add3A_2266, %mul3A_2331 : vector<16xf32>
        %mul3A_2333 = arith.mulf %get3A_2327, %get3A_2330 : vector<16xf32>
        %add3A_2334 = arith.addf %add3A_2268, %mul3A_2333 : vector<16xf32>
        %get3A_2335 = arith.constant 1296 : index
        %get3A_2336 = tpu.vector_load %arg7[%get3A_2335] {strides = array<i32>} : memref<6144xf32, #tpu.memory_space<vmem>>, vector<16xf32>,
        %get3A_2337 = vector.shape_cast %get3A_2336 : vector<16xf32> to vector<16xf32>
        %mul3A_2338 = arith.mulf %get3A_2322, %get3A_2337 : vector<16xf32>
        %add3A_2339 = arith.addf %add3A_2273, %mul3A_2338 : vector<16xf32>
        %mul3A_2340 = arith.mulf %get3A_2327, %get3A_2337 : vector<16xf32>
        %add3A_2341 = arith.addf %add3A_2275, %mul3A_2340 : vector<16xf32>
        %get3A_2342 = arith.constant 2064 : index
        %get3A_2343 = tpu.vector_load %arg7[%get3A_2342] {strides = array<i32>} : memref<6144xf32, #tpu.memory_space<vmem>>, vector<16xf32>,
        %get3A_2344 = vector.shape_cast %get3A_2343 : vector<16xf32> to vector<16xf32>
        %mul3A_2345 = arith.mulf %get3A_2322, %get3A_2344 : vector<16xf32>
        %add3A_2346 = arith.addf %add3A_2280, %mul3A_2345 : vector<16xf32>
        %mul3A_2347 = arith.mulf %get3A_2327, %get3A_2344 : vector<16xf32>
        %add3A_2348 = arith.addf %add3A_2282, %mul3A_2347 : vector<16xf32>
        %get3A_2349 = arith.constant 2832 : index
        %get3A_2350 = tpu.vector_load %arg7[%get3A_2349] {strides = array<i32>} : memref<6144xf32, #tpu.memory_space<vmem>>, vector<16xf32>,
        %get3A_2351 = vector.shape_cast %get3A_2350 : vector<16xf32> to vector<16xf32>
        %mul3A_2352 = arith.mulf %get3A_2322, %get3A_2351 : vector<16xf32>
        %add3A_2353 = arith.addf %add3A_2287, %mul3A_2352 : vector<16xf32>
        %mul3A_2354 = arith.mulf %get3A_2327, %get3A_2351 : vector<16xf32>
        %add3A_2355 = arith.addf %add3A_2289, %mul3A_2354 : vector<16xf32>
        %get3A_2356 = arith.constant 3600 : index
        %get3A_2357 = tpu.vector_load %arg7[%get3A_2356] {strides = array<i32>} : memref<6144xf32, #tpu.memory_space<vmem>>, vector<16xf32>,
        %get3A_2358 = vector.shape_cast %get3A_2357 : vector<16xf32> to vector<16xf32>
        %mul3A_2359 = arith.mulf %get3A_2322, %get3A_2358 : vector<16xf32>
        %add3A_2360 = arith.addf %add3A_2294, %mul3A_2359 : vector<16xf32>
        %mul3A_2361 = arith.mulf %get3A_2327, %get3A_2358 : vector<16xf32>
        %add3A_2362 = arith.addf %add3A_2296, %mul3A_2361 : vector<16xf32>
        %get3A_2363 = arith.constant 4368 : index
        %get3A_2364 = tpu.vector_load %arg7[%get3A_2363] {strides = array<i32>} : memref<6144xf32, #tpu.memory_space<vmem>>, vector<16xf32>,
        %get3A_2365 = vector.shape_cast %get3A_2364 : vector<16xf32> to vector<16xf32>
        %mul3A_2366 = arith.mulf %get3A_2322, %get3A_2365 : vector<16xf32>
        %add3A_2367 = arith.addf %add3A_2301, %mul3A_2366 : vector<16xf32>
        %mul3A_2368 = arith.mulf %get3A_2327, %get3A_2365 : vector<16xf32>
        %add3A_2369 = arith.addf %add3A_2303, %mul3A_2368 : vector<16xf32>
        %get3A_2370 = arith.constant 5136 : index
        %get3A_2371 = tpu.vector_load %arg7[%get3A_2370] {strides = array<i32>} : memref<6144xf32, #tpu.memory_space<vmem>>, vector<16xf32>,
        %get3A_2372 = vector.shape_cast %get3A_2371 : vector<16xf32> to vector<16xf32>
        %mul3A_2373 = arith.mulf %get3A_2322, %get3A_2372 : vector<16xf32>
        %add3A_2374 = arith.addf %add3A_2308, %mul3A_2373 : vector<16xf32>
        %mul3A_2375 = arith.mulf %get3A_2327, %get3A_2372 : vector<16xf32>
        %add3A_2376 = arith.addf %add3A_2310, %mul3A_2375 : vector<16xf32>
        %get3A_2377 = arith.constant 5904 : index
        %get3A_2378 = tpu.vector_load %arg7[%get3A_2377] {strides = array<i32>} : memref<6144xf32, #tpu.memory_space<vmem>>, vector<16xf32>,
        %get3A_2379 = vector.shape_cast %get3A_2378 : vector<16xf32> to vector<16xf32>
        %mul3A_2380 = arith.mulf %get3A_2322, %get3A_2379 : vector<16xf32>
        %add3A_2381 = arith.addf %add3A_2315, %mul3A_2380 : vector<16xf32>
        %mul3A_2382 = arith.mulf %get3A_2327, %get3A_2379 : vector<16xf32>
        %add3A_2383 = arith.addf %add3A_2317, %mul3A_2382 : vector<16xf32>
        %add3A_2384 = arith.constant 544 : i32
        %add3A_2385 = arith.addi %mul3A_106, %add3A_2384 : i32
        %get3A_2386 = arith.index_cast %add3A_2385 : i32 to index
        %get3A_2387 = tpu.vector_load %arg6[%get3A_2386] {strides = array<i32>} : memref<24576xf32, #tpu.memory_space<vmem>>, vector<16xf32>,
        %get3A_2388 = vector.shape_cast %get3A_2387 : vector<16xf32> to vector<16xf32>
        %add3A_2389 = arith.constant 544 : i32
        %add3A_2390 = arith.addi %add3A_108, %add3A_2389 : i32
        %get3A_2391 = arith.index_cast %add3A_2390 : i32 to index
        %get3A_2392 = tpu.vector_load %arg6[%get3A_2391] {strides = array<i32>} : memref<24576xf32, #tpu.memory_space<vmem>>, vector<16xf32>,
        %get3A_2393 = vector.shape_cast %get3A_2392 : vector<16xf32> to vector<16xf32>
        %get3A_2394 = arith.constant 544 : index
        %get3A_2395 = tpu.vector_load %arg7[%get3A_2394] {strides = array<i32>} : memref<6144xf32, #tpu.memory_space<vmem>>, vector<16xf32>,
        %get3A_2396 = vector.shape_cast %get3A_2395 : vector<16xf32> to vector<16xf32>
        %mul3A_2397 = arith.mulf %get3A_2388, %get3A_2396 : vector<16xf32>
        %add3A_2398 = arith.addf %add3A_2332, %mul3A_2397 : vector<16xf32>
        %mul3A_2399 = arith.mulf %get3A_2393, %get3A_2396 : vector<16xf32>
        %add3A_2400 = arith.addf %add3A_2334, %mul3A_2399 : vector<16xf32>
        %get3A_2401 = arith.constant 1312 : index
        %get3A_2402 = tpu.vector_load %arg7[%get3A_2401] {strides = array<i32>} : memref<6144xf32, #tpu.memory_space<vmem>>, vector<16xf32>,
        %get3A_2403 = vector.shape_cast %get3A_2402 : vector<16xf32> to vector<16xf32>
        %mul3A_2404 = arith.mulf %get3A_2388, %get3A_2403 : vector<16xf32>
        %add3A_2405 = arith.addf %add3A_2339, %mul3A_2404 : vector<16xf32>
        %mul3A_2406 = arith.mulf %get3A_2393, %get3A_2403 : vector<16xf32>
        %add3A_2407 = arith.addf %add3A_2341, %mul3A_2406 : vector<16xf32>
        %get3A_2408 = arith.constant 2080 : index
        %get3A_2409 = tpu.vector_load %arg7[%get3A_2408] {strides = array<i32>} : memref<6144xf32, #tpu.memory_space<vmem>>, vector<16xf32>,
        %get3A_2410 = vector.shape_cast %get3A_2409 : vector<16xf32> to vector<16xf32>
        %mul3A_2411 = arith.mulf %get3A_2388, %get3A_2410 : vector<16xf32>
        %add3A_2412 = arith.addf %add3A_2346, %mul3A_2411 : vector<16xf32>
        %mul3A_2413 = arith.mulf %get3A_2393, %get3A_2410 : vector<16xf32>
        %add3A_2414 = arith.addf %add3A_2348, %mul3A_2413 : vector<16xf32>
        %get3A_2415 = arith.constant 2848 : index
        %get3A_2416 = tpu.vector_load %arg7[%get3A_2415] {strides = array<i32>} : memref<6144xf32, #tpu.memory_space<vmem>>, vector<16xf32>,
        %get3A_2417 = vector.shape_cast %get3A_2416 : vector<16xf32> to vector<16xf32>
        %mul3A_2418 = arith.mulf %get3A_2388, %get3A_2417 : vector<16xf32>
        %add3A_2419 = arith.addf %add3A_2353, %mul3A_2418 : vector<16xf32>
        %mul3A_2420 = arith.mulf %get3A_2393, %get3A_2417 : vector<16xf32>
        %add3A_2421 = arith.addf %add3A_2355, %mul3A_2420 : vector<16xf32>
        %get3A_2422 = arith.constant 3616 : index
        %get3A_2423 = tpu.vector_load %arg7[%get3A_2422] {strides = array<i32>} : memref<6144xf32, #tpu.memory_space<vmem>>, vector<16xf32>,
        %get3A_2424 = vector.shape_cast %get3A_2423 : vector<16xf32> to vector<16xf32>
        %mul3A_2425 = arith.mulf %get3A_2388, %get3A_2424 : vector<16xf32>
        %add3A_2426 = arith.addf %add3A_2360, %mul3A_2425 : vector<16xf32>
        %mul3A_2427 = arith.mulf %get3A_2393, %get3A_2424 : vector<16xf32>
        %add3A_2428 = arith.addf %add3A_2362, %mul3A_2427 : vector<16xf32>
        %get3A_2429 = arith.constant 4384 : index
        %get3A_2430 = tpu.vector_load %arg7[%get3A_2429] {strides = array<i32>} : memref<6144xf32, #tpu.memory_space<vmem>>, vector<16xf32>,
        %get3A_2431 = vector.shape_cast %get3A_2430 : vector<16xf32> to vector<16xf32>
        %mul3A_2432 = arith.mulf %get3A_2388, %get3A_2431 : vector<16xf32>
        %add3A_2433 = arith.addf %add3A_2367, %mul3A_2432 : vector<16xf32>
        %mul3A_2434 = arith.mulf %get3A_2393, %get3A_2431 : vector<16xf32>
        %add3A_2435 = arith.addf %add3A_2369, %mul3A_2434 : vector<16xf32>
        %get3A_2436 = arith.constant 5152 : index
        %get3A_2437 = tpu.vector_load %arg7[%get3A_2436] {strides = array<i32>} : memref<6144xf32, #tpu.memory_space<vmem>>, vector<16xf32>,
        %get3A_2438 = vector.shape_cast %get3A_2437 : vector<16xf32> to vector<16xf32>
        %mul3A_2439 = arith.mulf %get3A_2388, %get3A_2438 : vector<16xf32>
        %add3A_2440 = arith.addf %add3A_2374, %mul3A_2439 : vector<16xf32>
        %mul3A_2441 = arith.mulf %get3A_2393, %get3A_2438 : vector<16xf32>
        %add3A_2442 = arith.addf %add3A_2376, %mul3A_2441 : vector<16xf32>
        %get3A_2443 = arith.constant 5920 : index
        %get3A_2444 = tpu.vector_load %arg7[%get3A_2443] {strides = array<i32>} : memref<6144xf32, #tpu.memory_space<vmem>>, vector<16xf32>,
        %get3A_2445 = vector.shape_cast %get3A_2444 : vector<16xf32> to vector<16xf32>
        %mul3A_2446 = arith.mulf %get3A_2388, %get3A_2445 : vector<16xf32>
        %add3A_2447 = arith.addf %add3A_2381, %mul3A_2446 : vector<16xf32>
        %mul3A_2448 = arith.mulf %get3A_2393, %get3A_2445 : vector<16xf32>
        %add3A_2449 = arith.addf %add3A_2383, %mul3A_2448 : vector<16xf32>
        %add3A_2450 = arith.constant 560 : i32
        %add3A_2451 = arith.addi %mul3A_106, %add3A_2450 : i32
        %get3A_2452 = arith.index_cast %add3A_2451 : i32 to index
        %get3A_2453 = tpu.vector_load %arg6[%get3A_2452] {strides = array<i32>} : memref<24576xf32, #tpu.memory_space<vmem>>, vector<16xf32>,
        %get3A_2454 = vector.shape_cast %get3A_2453 : vector<16xf32> to vector<16xf32>
        %add3A_2455 = arith.constant 560 : i32
        %add3A_2456 = arith.addi %add3A_108, %add3A_2455 : i32
        %get3A_2457 = arith.index_cast %add3A_2456 : i32 to index
        %get3A_2458 = tpu.vector_load %arg6[%get3A_2457] {strides = array<i32>} : memref<24576xf32, #tpu.memory_space<vmem>>, vector<16xf32>,
        %get3A_2459 = vector.shape_cast %get3A_2458 : vector<16xf32> to vector<16xf32>
        %get3A_2460 = arith.constant 560 : index
        %get3A_2461 = tpu.vector_load %arg7[%get3A_2460] {strides = array<i32>} : memref<6144xf32, #tpu.memory_space<vmem>>, vector<16xf32>,
        %get3A_2462 = vector.shape_cast %get3A_2461 : vector<16xf32> to vector<16xf32>
        %mul3A_2463 = arith.mulf %get3A_2454, %get3A_2462 : vector<16xf32>
        %add3A_2464 = arith.addf %add3A_2398, %mul3A_2463 : vector<16xf32>
        %mul3A_2465 = arith.mulf %get3A_2459, %get3A_2462 : vector<16xf32>
        %add3A_2466 = arith.addf %add3A_2400, %mul3A_2465 : vector<16xf32>
        %get3A_2467 = arith.constant 1328 : index
        %get3A_2468 = tpu.vector_load %arg7[%get3A_2467] {strides = array<i32>} : memref<6144xf32, #tpu.memory_space<vmem>>, vector<16xf32>,
        %get3A_2469 = vector.shape_cast %get3A_2468 : vector<16xf32> to vector<16xf32>
        %mul3A_2470 = arith.mulf %get3A_2454, %get3A_2469 : vector<16xf32>
        %add3A_2471 = arith.addf %add3A_2405, %mul3A_2470 : vector<16xf32>
        %mul3A_2472 = arith.mulf %get3A_2459, %get3A_2469 : vector<16xf32>
        %add3A_2473 = arith.addf %add3A_2407, %mul3A_2472 : vector<16xf32>
        %get3A_2474 = arith.constant 2096 : index
        %get3A_2475 = tpu.vector_load %arg7[%get3A_2474] {strides = array<i32>} : memref<6144xf32, #tpu.memory_space<vmem>>, vector<16xf32>,
        %get3A_2476 = vector.shape_cast %get3A_2475 : vector<16xf32> to vector<16xf32>
        %mul3A_2477 = arith.mulf %get3A_2454, %get3A_2476 : vector<16xf32>
        %add3A_2478 = arith.addf %add3A_2412, %mul3A_2477 : vector<16xf32>
        %mul3A_2479 = arith.mulf %get3A_2459, %get3A_2476 : vector<16xf32>
        %add3A_2480 = arith.addf %add3A_2414, %mul3A_2479 : vector<16xf32>
        %get3A_2481 = arith.constant 2864 : index
        %get3A_2482 = tpu.vector_load %arg7[%get3A_2481] {strides = array<i32>} : memref<6144xf32, #tpu.memory_space<vmem>>, vector<16xf32>,
        %get3A_2483 = vector.shape_cast %get3A_2482 : vector<16xf32> to vector<16xf32>
        %mul3A_2484 = arith.mulf %get3A_2454, %get3A_2483 : vector<16xf32>
        %add3A_2485 = arith.addf %add3A_2419, %mul3A_2484 : vector<16xf32>
        %mul3A_2486 = arith.mulf %get3A_2459, %get3A_2483 : vector<16xf32>
        %add3A_2487 = arith.addf %add3A_2421, %mul3A_2486 : vector<16xf32>
        %get3A_2488 = arith.constant 3632 : index
        %get3A_2489 = tpu.vector_load %arg7[%get3A_2488] {strides = array<i32>} : memref<6144xf32, #tpu.memory_space<vmem>>, vector<16xf32>,
        %get3A_2490 = vector.shape_cast %get3A_2489 : vector<16xf32> to vector<16xf32>
        %mul3A_2491 = arith.mulf %get3A_2454, %get3A_2490 : vector<16xf32>
        %add3A_2492 = arith.addf %add3A_2426, %mul3A_2491 : vector<16xf32>
        %mul3A_2493 = arith.mulf %get3A_2459, %get3A_2490 : vector<16xf32>
        %add3A_2494 = arith.addf %add3A_2428, %mul3A_2493 : vector<16xf32>
        %get3A_2495 = arith.constant 4400 : index
        %get3A_2496 = tpu.vector_load %arg7[%get3A_2495] {strides = array<i32>} : memref<6144xf32, #tpu.memory_space<vmem>>, vector<16xf32>,
        %get3A_2497 = vector.shape_cast %get3A_2496 : vector<16xf32> to vector<16xf32>
        %mul3A_2498 = arith.mulf %get3A_2454, %get3A_2497 : vector<16xf32>
        %add3A_2499 = arith.addf %add3A_2433, %mul3A_2498 : vector<16xf32>
        %mul3A_2500 = arith.mulf %get3A_2459, %get3A_2497 : vector<16xf32>
        %add3A_2501 = arith.addf %add3A_2435, %mul3A_2500 : vector<16xf32>
        %get3A_2502 = arith.constant 5168 : index
        %get3A_2503 = tpu.vector_load %arg7[%get3A_2502] {strides = array<i32>} : memref<6144xf32, #tpu.memory_space<vmem>>, vector<16xf32>,
        %get3A_2504 = vector.shape_cast %get3A_2503 : vector<16xf32> to vector<16xf32>
        %mul3A_2505 = arith.mulf %get3A_2454, %get3A_2504 : vector<16xf32>
        %add3A_2506 = arith.addf %add3A_2440, %mul3A_2505 : vector<16xf32>
        %mul3A_2507 = arith.mulf %get3A_2459, %get3A_2504 : vector<16xf32>
        %add3A_2508 = arith.addf %add3A_2442, %mul3A_2507 : vector<16xf32>
        %get3A_2509 = arith.constant 5936 : index
        %get3A_2510 = tpu.vector_load %arg7[%get3A_2509] {strides = array<i32>} : memref<6144xf32, #tpu.memory_space<vmem>>, vector<16xf32>,
        %get3A_2511 = vector.shape_cast %get3A_2510 : vector<16xf32> to vector<16xf32>
        %mul3A_2512 = arith.mulf %get3A_2454, %get3A_2511 : vector<16xf32>
        %add3A_2513 = arith.addf %add3A_2447, %mul3A_2512 : vector<16xf32>
        %mul3A_2514 = arith.mulf %get3A_2459, %get3A_2511 : vector<16xf32>
        %add3A_2515 = arith.addf %add3A_2449, %mul3A_2514 : vector<16xf32>
        %add3A_2516 = arith.constant 576 : i32
        %add3A_2517 = arith.addi %mul3A_106, %add3A_2516 : i32
        %get3A_2518 = arith.index_cast %add3A_2517 : i32 to index
        %get3A_2519 = tpu.vector_load %arg6[%get3A_2518] {strides = array<i32>} : memref<24576xf32, #tpu.memory_space<vmem>>, vector<16xf32>,
        %get3A_2520 = vector.shape_cast %get3A_2519 : vector<16xf32> to vector<16xf32>
        %add3A_2521 = arith.constant 576 : i32
        %add3A_2522 = arith.addi %add3A_108, %add3A_2521 : i32
        %get3A_2523 = arith.index_cast %add3A_2522 : i32 to index
        %get3A_2524 = tpu.vector_load %arg6[%get3A_2523] {strides = array<i32>} : memref<24576xf32, #tpu.memory_space<vmem>>, vector<16xf32>,
        %get3A_2525 = vector.shape_cast %get3A_2524 : vector<16xf32> to vector<16xf32>
        %get3A_2526 = arith.constant 576 : index
        %get3A_2527 = tpu.vector_load %arg7[%get3A_2526] {strides = array<i32>} : memref<6144xf32, #tpu.memory_space<vmem>>, vector<16xf32>,
        %get3A_2528 = vector.shape_cast %get3A_2527 : vector<16xf32> to vector<16xf32>
        %mul3A_2529 = arith.mulf %get3A_2520, %get3A_2528 : vector<16xf32>
        %add3A_2530 = arith.addf %add3A_2464, %mul3A_2529 : vector<16xf32>
        %mul3A_2531 = arith.mulf %get3A_2525, %get3A_2528 : vector<16xf32>
        %add3A_2532 = arith.addf %add3A_2466, %mul3A_2531 : vector<16xf32>
        %get3A_2533 = arith.constant 1344 : index
        %get3A_2534 = tpu.vector_load %arg7[%get3A_2533] {strides = array<i32>} : memref<6144xf32, #tpu.memory_space<vmem>>, vector<16xf32>,
        %get3A_2535 = vector.shape_cast %get3A_2534 : vector<16xf32> to vector<16xf32>
        %mul3A_2536 = arith.mulf %get3A_2520, %get3A_2535 : vector<16xf32>
        %add3A_2537 = arith.addf %add3A_2471, %mul3A_2536 : vector<16xf32>
        %mul3A_2538 = arith.mulf %get3A_2525, %get3A_2535 : vector<16xf32>
        %add3A_2539 = arith.addf %add3A_2473, %mul3A_2538 : vector<16xf32>
        %get3A_2540 = arith.constant 2112 : index
        %get3A_2541 = tpu.vector_load %arg7[%get3A_2540] {strides = array<i32>} : memref<6144xf32, #tpu.memory_space<vmem>>, vector<16xf32>,
        %get3A_2542 = vector.shape_cast %get3A_2541 : vector<16xf32> to vector<16xf32>
        %mul3A_2543 = arith.mulf %get3A_2520, %get3A_2542 : vector<16xf32>
        %add3A_2544 = arith.addf %add3A_2478, %mul3A_2543 : vector<16xf32>
        %mul3A_2545 = arith.mulf %get3A_2525, %get3A_2542 : vector<16xf32>
        %add3A_2546 = arith.addf %add3A_2480, %mul3A_2545 : vector<16xf32>
        %get3A_2547 = arith.constant 2880 : index
        %get3A_2548 = tpu.vector_load %arg7[%get3A_2547] {strides = array<i32>} : memref<6144xf32, #tpu.memory_space<vmem>>, vector<16xf32>,
        %get3A_2549 = vector.shape_cast %get3A_2548 : vector<16xf32> to vector<16xf32>
        %mul3A_2550 = arith.mulf %get3A_2520, %get3A_2549 : vector<16xf32>
        %add3A_2551 = arith.addf %add3A_2485, %mul3A_2550 : vector<16xf32>
        %mul3A_2552 = arith.mulf %get3A_2525, %get3A_2549 : vector<16xf32>
        %add3A_2553 = arith.addf %add3A_2487, %mul3A_2552 : vector<16xf32>
        %get3A_2554 = arith.constant 3648 : index
        %get3A_2555 = tpu.vector_load %arg7[%get3A_2554] {strides = array<i32>} : memref<6144xf32, #tpu.memory_space<vmem>>, vector<16xf32>,
        %get3A_2556 = vector.shape_cast %get3A_2555 : vector<16xf32> to vector<16xf32>
        %mul3A_2557 = arith.mulf %get3A_2520, %get3A_2556 : vector<16xf32>
        %add3A_2558 = arith.addf %add3A_2492, %mul3A_2557 : vector<16xf32>
        %mul3A_2559 = arith.mulf %get3A_2525, %get3A_2556 : vector<16xf32>
        %add3A_2560 = arith.addf %add3A_2494, %mul3A_2559 : vector<16xf32>
        %get3A_2561 = arith.constant 4416 : index
        %get3A_2562 = tpu.vector_load %arg7[%get3A_2561] {strides = array<i32>} : memref<6144xf32, #tpu.memory_space<vmem>>, vector<16xf32>,
        %get3A_2563 = vector.shape_cast %get3A_2562 : vector<16xf32> to vector<16xf32>
        %mul3A_2564 = arith.mulf %get3A_2520, %get3A_2563 : vector<16xf32>
        %add3A_2565 = arith.addf %add3A_2499, %mul3A_2564 : vector<16xf32>
        %mul3A_2566 = arith.mulf %get3A_2525, %get3A_2563 : vector<16xf32>
        %add3A_2567 = arith.addf %add3A_2501, %mul3A_2566 : vector<16xf32>
        %get3A_2568 = arith.constant 5184 : index
        %get3A_2569 = tpu.vector_load %arg7[%get3A_2568] {strides = array<i32>} : memref<6144xf32, #tpu.memory_space<vmem>>, vector<16xf32>,
        %get3A_2570 = vector.shape_cast %get3A_2569 : vector<16xf32> to vector<16xf32>
        %mul3A_2571 = arith.mulf %get3A_2520, %get3A_2570 : vector<16xf32>
        %add3A_2572 = arith.addf %add3A_2506, %mul3A_2571 : vector<16xf32>
        %mul3A_2573 = arith.mulf %get3A_2525, %get3A_2570 : vector<16xf32>
        %add3A_2574 = arith.addf %add3A_2508, %mul3A_2573 : vector<16xf32>
        %get3A_2575 = arith.constant 5952 : index
        %get3A_2576 = tpu.vector_load %arg7[%get3A_2575] {strides = array<i32>} : memref<6144xf32, #tpu.memory_space<vmem>>, vector<16xf32>,
        %get3A_2577 = vector.shape_cast %get3A_2576 : vector<16xf32> to vector<16xf32>
        %mul3A_2578 = arith.mulf %get3A_2520, %get3A_2577 : vector<16xf32>
        %add3A_2579 = arith.addf %add3A_2513, %mul3A_2578 : vector<16xf32>
        %mul3A_2580 = arith.mulf %get3A_2525, %get3A_2577 : vector<16xf32>
        %add3A_2581 = arith.addf %add3A_2515, %mul3A_2580 : vector<16xf32>
        %add3A_2582 = arith.constant 592 : i32
        %add3A_2583 = arith.addi %mul3A_106, %add3A_2582 : i32
        %get3A_2584 = arith.index_cast %add3A_2583 : i32 to index
        %get3A_2585 = tpu.vector_load %arg6[%get3A_2584] {strides = array<i32>} : memref<24576xf32, #tpu.memory_space<vmem>>, vector<16xf32>,
        %get3A_2586 = vector.shape_cast %get3A_2585 : vector<16xf32> to vector<16xf32>
        %add3A_2587 = arith.constant 592 : i32
        %add3A_2588 = arith.addi %add3A_108, %add3A_2587 : i32
        %get3A_2589 = arith.index_cast %add3A_2588 : i32 to index
        %get3A_2590 = tpu.vector_load %arg6[%get3A_2589] {strides = array<i32>} : memref<24576xf32, #tpu.memory_space<vmem>>, vector<16xf32>,
        %get3A_2591 = vector.shape_cast %get3A_2590 : vector<16xf32> to vector<16xf32>
        %get3A_2592 = arith.constant 592 : index
        %get3A_2593 = tpu.vector_load %arg7[%get3A_2592] {strides = array<i32>} : memref<6144xf32, #tpu.memory_space<vmem>>, vector<16xf32>,
        %get3A_2594 = vector.shape_cast %get3A_2593 : vector<16xf32> to vector<16xf32>
        %mul3A_2595 = arith.mulf %get3A_2586, %get3A_2594 : vector<16xf32>
        %add3A_2596 = arith.addf %add3A_2530, %mul3A_2595 : vector<16xf32>
        %mul3A_2597 = arith.mulf %get3A_2591, %get3A_2594 : vector<16xf32>
        %add3A_2598 = arith.addf %add3A_2532, %mul3A_2597 : vector<16xf32>
        %get3A_2599 = arith.constant 1360 : index
        %get3A_2600 = tpu.vector_load %arg7[%get3A_2599] {strides = array<i32>} : memref<6144xf32, #tpu.memory_space<vmem>>, vector<16xf32>,
        %get3A_2601 = vector.shape_cast %get3A_2600 : vector<16xf32> to vector<16xf32>
        %mul3A_2602 = arith.mulf %get3A_2586, %get3A_2601 : vector<16xf32>
        %add3A_2603 = arith.addf %add3A_2537, %mul3A_2602 : vector<16xf32>
        %mul3A_2604 = arith.mulf %get3A_2591, %get3A_2601 : vector<16xf32>
        %add3A_2605 = arith.addf %add3A_2539, %mul3A_2604 : vector<16xf32>
        %get3A_2606 = arith.constant 2128 : index
        %get3A_2607 = tpu.vector_load %arg7[%get3A_2606] {strides = array<i32>} : memref<6144xf32, #tpu.memory_space<vmem>>, vector<16xf32>,
        %get3A_2608 = vector.shape_cast %get3A_2607 : vector<16xf32> to vector<16xf32>
        %mul3A_2609 = arith.mulf %get3A_2586, %get3A_2608 : vector<16xf32>
        %add3A_2610 = arith.addf %add3A_2544, %mul3A_2609 : vector<16xf32>
        %mul3A_2611 = arith.mulf %get3A_2591, %get3A_2608 : vector<16xf32>
        %add3A_2612 = arith.addf %add3A_2546, %mul3A_2611 : vector<16xf32>
        %get3A_2613 = arith.constant 2896 : index
        %get3A_2614 = tpu.vector_load %arg7[%get3A_2613] {strides = array<i32>} : memref<6144xf32, #tpu.memory_space<vmem>>, vector<16xf32>,
        %get3A_2615 = vector.shape_cast %get3A_2614 : vector<16xf32> to vector<16xf32>
        %mul3A_2616 = arith.mulf %get3A_2586, %get3A_2615 : vector<16xf32>
        %add3A_2617 = arith.addf %add3A_2551, %mul3A_2616 : vector<16xf32>
        %mul3A_2618 = arith.mulf %get3A_2591, %get3A_2615 : vector<16xf32>
        %add3A_2619 = arith.addf %add3A_2553, %mul3A_2618 : vector<16xf32>
        %get3A_2620 = arith.constant 3664 : index
        %get3A_2621 = tpu.vector_load %arg7[%get3A_2620] {strides = array<i32>} : memref<6144xf32, #tpu.memory_space<vmem>>, vector<16xf32>,
        %get3A_2622 = vector.shape_cast %get3A_2621 : vector<16xf32> to vector<16xf32>
        %mul3A_2623 = arith.mulf %get3A_2586, %get3A_2622 : vector<16xf32>
        %add3A_2624 = arith.addf %add3A_2558, %mul3A_2623 : vector<16xf32>
        %mul3A_2625 = arith.mulf %get3A_2591, %get3A_2622 : vector<16xf32>
        %add3A_2626 = arith.addf %add3A_2560, %mul3A_2625 : vector<16xf32>
        %get3A_2627 = arith.constant 4432 : index
        %get3A_2628 = tpu.vector_load %arg7[%get3A_2627] {strides = array<i32>} : memref<6144xf32, #tpu.memory_space<vmem>>, vector<16xf32>,
        %get3A_2629 = vector.shape_cast %get3A_2628 : vector<16xf32> to vector<16xf32>
        %mul3A_2630 = arith.mulf %get3A_2586, %get3A_2629 : vector<16xf32>
        %add3A_2631 = arith.addf %add3A_2565, %mul3A_2630 : vector<16xf32>
        %mul3A_2632 = arith.mulf %get3A_2591, %get3A_2629 : vector<16xf32>
        %add3A_2633 = arith.addf %add3A_2567, %mul3A_2632 : vector<16xf32>
        %get3A_2634 = arith.constant 5200 : index
        %get3A_2635 = tpu.vector_load %arg7[%get3A_2634] {strides = array<i32>} : memref<6144xf32, #tpu.memory_space<vmem>>, vector<16xf32>,
        %get3A_2636 = vector.shape_cast %get3A_2635 : vector<16xf32> to vector<16xf32>
        %mul3A_2637 = arith.mulf %get3A_2586, %get3A_2636 : vector<16xf32>
        %add3A_2638 = arith.addf %add3A_2572, %mul3A_2637 : vector<16xf32>
        %mul3A_2639 = arith.mulf %get3A_2591, %get3A_2636 : vector<16xf32>
        %add3A_2640 = arith.addf %add3A_2574, %mul3A_2639 : vector<16xf32>
        %get3A_2641 = arith.constant 5968 : index
        %get3A_2642 = tpu.vector_load %arg7[%get3A_2641] {strides = array<i32>} : memref<6144xf32, #tpu.memory_space<vmem>>, vector<16xf32>,
        %get3A_2643 = vector.shape_cast %get3A_2642 : vector<16xf32> to vector<16xf32>
        %mul3A_2644 = arith.mulf %get3A_2586, %get3A_2643 : vector<16xf32>
        %add3A_2645 = arith.addf %add3A_2579, %mul3A_2644 : vector<16xf32>
        %mul3A_2646 = arith.mulf %get3A_2591, %get3A_2643 : vector<16xf32>
        %add3A_2647 = arith.addf %add3A_2581, %mul3A_2646 : vector<16xf32>
        %add3A_2648 = arith.constant 608 : i32
        %add3A_2649 = arith.addi %mul3A_106, %add3A_2648 : i32
        %get3A_2650 = arith.index_cast %add3A_2649 : i32 to index
        %get3A_2651 = tpu.vector_load %arg6[%get3A_2650] {strides = array<i32>} : memref<24576xf32, #tpu.memory_space<vmem>>, vector<16xf32>,
        %get3A_2652 = vector.shape_cast %get3A_2651 : vector<16xf32> to vector<16xf32>
        %add3A_2653 = arith.constant 608 : i32
        %add3A_2654 = arith.addi %add3A_108, %add3A_2653 : i32
        %get3A_2655 = arith.index_cast %add3A_2654 : i32 to index
        %get3A_2656 = tpu.vector_load %arg6[%get3A_2655] {strides = array<i32>} : memref<24576xf32, #tpu.memory_space<vmem>>, vector<16xf32>,
        %get3A_2657 = vector.shape_cast %get3A_2656 : vector<16xf32> to vector<16xf32>
        %get3A_2658 = arith.constant 608 : index
        %get3A_2659 = tpu.vector_load %arg7[%get3A_2658] {strides = array<i32>} : memref<6144xf32, #tpu.memory_space<vmem>>, vector<16xf32>,
        %get3A_2660 = vector.shape_cast %get3A_2659 : vector<16xf32> to vector<16xf32>
        %mul3A_2661 = arith.mulf %get3A_2652, %get3A_2660 : vector<16xf32>
        %add3A_2662 = arith.addf %add3A_2596, %mul3A_2661 : vector<16xf32>
        %mul3A_2663 = arith.mulf %get3A_2657, %get3A_2660 : vector<16xf32>
        %add3A_2664 = arith.addf %add3A_2598, %mul3A_2663 : vector<16xf32>
        %get3A_2665 = arith.constant 1376 : index
        %get3A_2666 = tpu.vector_load %arg7[%get3A_2665] {strides = array<i32>} : memref<6144xf32, #tpu.memory_space<vmem>>, vector<16xf32>,
        %get3A_2667 = vector.shape_cast %get3A_2666 : vector<16xf32> to vector<16xf32>
        %mul3A_2668 = arith.mulf %get3A_2652, %get3A_2667 : vector<16xf32>
        %add3A_2669 = arith.addf %add3A_2603, %mul3A_2668 : vector<16xf32>
        %mul3A_2670 = arith.mulf %get3A_2657, %get3A_2667 : vector<16xf32>
        %add3A_2671 = arith.addf %add3A_2605, %mul3A_2670 : vector<16xf32>
        %get3A_2672 = arith.constant 2144 : index
        %get3A_2673 = tpu.vector_load %arg7[%get3A_2672] {strides = array<i32>} : memref<6144xf32, #tpu.memory_space<vmem>>, vector<16xf32>,
        %get3A_2674 = vector.shape_cast %get3A_2673 : vector<16xf32> to vector<16xf32>
        %mul3A_2675 = arith.mulf %get3A_2652, %get3A_2674 : vector<16xf32>
        %add3A_2676 = arith.addf %add3A_2610, %mul3A_2675 : vector<16xf32>
        %mul3A_2677 = arith.mulf %get3A_2657, %get3A_2674 : vector<16xf32>
        %add3A_2678 = arith.addf %add3A_2612, %mul3A_2677 : vector<16xf32>
        %get3A_2679 = arith.constant 2912 : index
        %get3A_2680 = tpu.vector_load %arg7[%get3A_2679] {strides = array<i32>} : memref<6144xf32, #tpu.memory_space<vmem>>, vector<16xf32>,
        %get3A_2681 = vector.shape_cast %get3A_2680 : vector<16xf32> to vector<16xf32>
        %mul3A_2682 = arith.mulf %get3A_2652, %get3A_2681 : vector<16xf32>
        %add3A_2683 = arith.addf %add3A_2617, %mul3A_2682 : vector<16xf32>
        %mul3A_2684 = arith.mulf %get3A_2657, %get3A_2681 : vector<16xf32>
        %add3A_2685 = arith.addf %add3A_2619, %mul3A_2684 : vector<16xf32>
        %get3A_2686 = arith.constant 3680 : index
        %get3A_2687 = tpu.vector_load %arg7[%get3A_2686] {strides = array<i32>} : memref<6144xf32, #tpu.memory_space<vmem>>, vector<16xf32>,
        %get3A_2688 = vector.shape_cast %get3A_2687 : vector<16xf32> to vector<16xf32>
        %mul3A_2689 = arith.mulf %get3A_2652, %get3A_2688 : vector<16xf32>
        %add3A_2690 = arith.addf %add3A_2624, %mul3A_2689 : vector<16xf32>
        %mul3A_2691 = arith.mulf %get3A_2657, %get3A_2688 : vector<16xf32>
        %add3A_2692 = arith.addf %add3A_2626, %mul3A_2691 : vector<16xf32>
        %get3A_2693 = arith.constant 4448 : index
        %get3A_2694 = tpu.vector_load %arg7[%get3A_2693] {strides = array<i32>} : memref<6144xf32, #tpu.memory_space<vmem>>, vector<16xf32>,
        %get3A_2695 = vector.shape_cast %get3A_2694 : vector<16xf32> to vector<16xf32>
        %mul3A_2696 = arith.mulf %get3A_2652, %get3A_2695 : vector<16xf32>
        %add3A_2697 = arith.addf %add3A_2631, %mul3A_2696 : vector<16xf32>
        %mul3A_2698 = arith.mulf %get3A_2657, %get3A_2695 : vector<16xf32>
        %add3A_2699 = arith.addf %add3A_2633, %mul3A_2698 : vector<16xf32>
        %get3A_2700 = arith.constant 5216 : index
        %get3A_2701 = tpu.vector_load %arg7[%get3A_2700] {strides = array<i32>} : memref<6144xf32, #tpu.memory_space<vmem>>, vector<16xf32>,
        %get3A_2702 = vector.shape_cast %get3A_2701 : vector<16xf32> to vector<16xf32>
        %mul3A_2703 = arith.mulf %get3A_2652, %get3A_2702 : vector<16xf32>
        %add3A_2704 = arith.addf %add3A_2638, %mul3A_2703 : vector<16xf32>
        %mul3A_2705 = arith.mulf %get3A_2657, %get3A_2702 : vector<16xf32>
        %add3A_2706 = arith.addf %add3A_2640, %mul3A_2705 : vector<16xf32>
        %get3A_2707 = arith.constant 5984 : index
        %get3A_2708 = tpu.vector_load %arg7[%get3A_2707] {strides = array<i32>} : memref<6144xf32, #tpu.memory_space<vmem>>, vector<16xf32>,
        %get3A_2709 = vector.shape_cast %get3A_2708 : vector<16xf32> to vector<16xf32>
        %mul3A_2710 = arith.mulf %get3A_2652, %get3A_2709 : vector<16xf32>
        %add3A_2711 = arith.addf %add3A_2645, %mul3A_2710 : vector<16xf32>
        %mul3A_2712 = arith.mulf %get3A_2657, %get3A_2709 : vector<16xf32>
        %add3A_2713 = arith.addf %add3A_2647, %mul3A_2712 : vector<16xf32>
        %add3A_2714 = arith.constant 624 : i32
        %add3A_2715 = arith.addi %mul3A_106, %add3A_2714 : i32
        %get3A_2716 = arith.index_cast %add3A_2715 : i32 to index
        %get3A_2717 = tpu.vector_load %arg6[%get3A_2716] {strides = array<i32>} : memref<24576xf32, #tpu.memory_space<vmem>>, vector<16xf32>,
        %get3A_2718 = vector.shape_cast %get3A_2717 : vector<16xf32> to vector<16xf32>
        %add3A_2719 = arith.constant 624 : i32
        %add3A_2720 = arith.addi %add3A_108, %add3A_2719 : i32
        %get3A_2721 = arith.index_cast %add3A_2720 : i32 to index
        %get3A_2722 = tpu.vector_load %arg6[%get3A_2721] {strides = array<i32>} : memref<24576xf32, #tpu.memory_space<vmem>>, vector<16xf32>,
        %get3A_2723 = vector.shape_cast %get3A_2722 : vector<16xf32> to vector<16xf32>
        %get3A_2724 = arith.constant 624 : index
        %get3A_2725 = tpu.vector_load %arg7[%get3A_2724] {strides = array<i32>} : memref<6144xf32, #tpu.memory_space<vmem>>, vector<16xf32>,
        %get3A_2726 = vector.shape_cast %get3A_2725 : vector<16xf32> to vector<16xf32>
        %mul3A_2727 = arith.mulf %get3A_2718, %get3A_2726 : vector<16xf32>
        %add3A_2728 = arith.addf %add3A_2662, %mul3A_2727 : vector<16xf32>
        %mul3A_2729 = arith.mulf %get3A_2723, %get3A_2726 : vector<16xf32>
        %add3A_2730 = arith.addf %add3A_2664, %mul3A_2729 : vector<16xf32>
        %get3A_2731 = arith.constant 1392 : index
        %get3A_2732 = tpu.vector_load %arg7[%get3A_2731] {strides = array<i32>} : memref<6144xf32, #tpu.memory_space<vmem>>, vector<16xf32>,
        %get3A_2733 = vector.shape_cast %get3A_2732 : vector<16xf32> to vector<16xf32>
        %mul3A_2734 = arith.mulf %get3A_2718, %get3A_2733 : vector<16xf32>
        %add3A_2735 = arith.addf %add3A_2669, %mul3A_2734 : vector<16xf32>
        %mul3A_2736 = arith.mulf %get3A_2723, %get3A_2733 : vector<16xf32>
        %add3A_2737 = arith.addf %add3A_2671, %mul3A_2736 : vector<16xf32>
        %get3A_2738 = arith.constant 2160 : index
        %get3A_2739 = tpu.vector_load %arg7[%get3A_2738] {strides = array<i32>} : memref<6144xf32, #tpu.memory_space<vmem>>, vector<16xf32>,
        %get3A_2740 = vector.shape_cast %get3A_2739 : vector<16xf32> to vector<16xf32>
        %mul3A_2741 = arith.mulf %get3A_2718, %get3A_2740 : vector<16xf32>
        %add3A_2742 = arith.addf %add3A_2676, %mul3A_2741 : vector<16xf32>
        %mul3A_2743 = arith.mulf %get3A_2723, %get3A_2740 : vector<16xf32>
        %add3A_2744 = arith.addf %add3A_2678, %mul3A_2743 : vector<16xf32>
        %get3A_2745 = arith.constant 2928 : index
        %get3A_2746 = tpu.vector_load %arg7[%get3A_2745] {strides = array<i32>} : memref<6144xf32, #tpu.memory_space<vmem>>, vector<16xf32>,
        %get3A_2747 = vector.shape_cast %get3A_2746 : vector<16xf32> to vector<16xf32>
        %mul3A_2748 = arith.mulf %get3A_2718, %get3A_2747 : vector<16xf32>
        %add3A_2749 = arith.addf %add3A_2683, %mul3A_2748 : vector<16xf32>
        %mul3A_2750 = arith.mulf %get3A_2723, %get3A_2747 : vector<16xf32>
        %add3A_2751 = arith.addf %add3A_2685, %mul3A_2750 : vector<16xf32>
        %get3A_2752 = arith.constant 3696 : index
        %get3A_2753 = tpu.vector_load %arg7[%get3A_2752] {strides = array<i32>} : memref<6144xf32, #tpu.memory_space<vmem>>, vector<16xf32>,
        %get3A_2754 = vector.shape_cast %get3A_2753 : vector<16xf32> to vector<16xf32>
        %mul3A_2755 = arith.mulf %get3A_2718, %get3A_2754 : vector<16xf32>
        %add3A_2756 = arith.addf %add3A_2690, %mul3A_2755 : vector<16xf32>
        %mul3A_2757 = arith.mulf %get3A_2723, %get3A_2754 : vector<16xf32>
        %add3A_2758 = arith.addf %add3A_2692, %mul3A_2757 : vector<16xf32>
        %get3A_2759 = arith.constant 4464 : index
        %get3A_2760 = tpu.vector_load %arg7[%get3A_2759] {strides = array<i32>} : memref<6144xf32, #tpu.memory_space<vmem>>, vector<16xf32>,
        %get3A_2761 = vector.shape_cast %get3A_2760 : vector<16xf32> to vector<16xf32>
        %mul3A_2762 = arith.mulf %get3A_2718, %get3A_2761 : vector<16xf32>
        %add3A_2763 = arith.addf %add3A_2697, %mul3A_2762 : vector<16xf32>
        %mul3A_2764 = arith.mulf %get3A_2723, %get3A_2761 : vector<16xf32>
        %add3A_2765 = arith.addf %add3A_2699, %mul3A_2764 : vector<16xf32>
        %get3A_2766 = arith.constant 5232 : index
        %get3A_2767 = tpu.vector_load %arg7[%get3A_2766] {strides = array<i32>} : memref<6144xf32, #tpu.memory_space<vmem>>, vector<16xf32>,
        %get3A_2768 = vector.shape_cast %get3A_2767 : vector<16xf32> to vector<16xf32>
        %mul3A_2769 = arith.mulf %get3A_2718, %get3A_2768 : vector<16xf32>
        %add3A_2770 = arith.addf %add3A_2704, %mul3A_2769 : vector<16xf32>
        %mul3A_2771 = arith.mulf %get3A_2723, %get3A_2768 : vector<16xf32>
        %add3A_2772 = arith.addf %add3A_2706, %mul3A_2771 : vector<16xf32>
        %get3A_2773 = arith.constant 6000 : index
        %get3A_2774 = tpu.vector_load %arg7[%get3A_2773] {strides = array<i32>} : memref<6144xf32, #tpu.memory_space<vmem>>, vector<16xf32>,
        %get3A_2775 = vector.shape_cast %get3A_2774 : vector<16xf32> to vector<16xf32>
        %mul3A_2776 = arith.mulf %get3A_2718, %get3A_2775 : vector<16xf32>
        %add3A_2777 = arith.addf %add3A_2711, %mul3A_2776 : vector<16xf32>
        %mul3A_2778 = arith.mulf %get3A_2723, %get3A_2775 : vector<16xf32>
        %add3A_2779 = arith.addf %add3A_2713, %mul3A_2778 : vector<16xf32>
        %add3A_2780 = arith.constant 640 : i32
        %add3A_2781 = arith.addi %mul3A_106, %add3A_2780 : i32
        %get3A_2782 = arith.index_cast %add3A_2781 : i32 to index
        %get3A_2783 = tpu.vector_load %arg6[%get3A_2782] {strides = array<i32>} : memref<24576xf32, #tpu.memory_space<vmem>>, vector<16xf32>,
        %get3A_2784 = vector.shape_cast %get3A_2783 : vector<16xf32> to vector<16xf32>
        %add3A_2785 = arith.constant 640 : i32
        %add3A_2786 = arith.addi %add3A_108, %add3A_2785 : i32
        %get3A_2787 = arith.index_cast %add3A_2786 : i32 to index
        %get3A_2788 = tpu.vector_load %arg6[%get3A_2787] {strides = array<i32>} : memref<24576xf32, #tpu.memory_space<vmem>>, vector<16xf32>,
        %get3A_2789 = vector.shape_cast %get3A_2788 : vector<16xf32> to vector<16xf32>
        %get3A_2790 = arith.constant 640 : index
        %get3A_2791 = tpu.vector_load %arg7[%get3A_2790] {strides = array<i32>} : memref<6144xf32, #tpu.memory_space<vmem>>, vector<16xf32>,
        %get3A_2792 = vector.shape_cast %get3A_2791 : vector<16xf32> to vector<16xf32>
        %mul3A_2793 = arith.mulf %get3A_2784, %get3A_2792 : vector<16xf32>
        %add3A_2794 = arith.addf %add3A_2728, %mul3A_2793 : vector<16xf32>
        %mul3A_2795 = arith.mulf %get3A_2789, %get3A_2792 : vector<16xf32>
        %add3A_2796 = arith.addf %add3A_2730, %mul3A_2795 : vector<16xf32>
        %get3A_2797 = arith.constant 1408 : index
        %get3A_2798 = tpu.vector_load %arg7[%get3A_2797] {strides = array<i32>} : memref<6144xf32, #tpu.memory_space<vmem>>, vector<16xf32>,
        %get3A_2799 = vector.shape_cast %get3A_2798 : vector<16xf32> to vector<16xf32>
        %mul3A_2800 = arith.mulf %get3A_2784, %get3A_2799 : vector<16xf32>
        %add3A_2801 = arith.addf %add3A_2735, %mul3A_2800 : vector<16xf32>
        %mul3A_2802 = arith.mulf %get3A_2789, %get3A_2799 : vector<16xf32>
        %add3A_2803 = arith.addf %add3A_2737, %mul3A_2802 : vector<16xf32>
        %get3A_2804 = arith.constant 2176 : index
        %get3A_2805 = tpu.vector_load %arg7[%get3A_2804] {strides = array<i32>} : memref<6144xf32, #tpu.memory_space<vmem>>, vector<16xf32>,
        %get3A_2806 = vector.shape_cast %get3A_2805 : vector<16xf32> to vector<16xf32>
        %mul3A_2807 = arith.mulf %get3A_2784, %get3A_2806 : vector<16xf32>
        %add3A_2808 = arith.addf %add3A_2742, %mul3A_2807 : vector<16xf32>
        %mul3A_2809 = arith.mulf %get3A_2789, %get3A_2806 : vector<16xf32>
        %add3A_2810 = arith.addf %add3A_2744, %mul3A_2809 : vector<16xf32>
        %get3A_2811 = arith.constant 2944 : index
        %get3A_2812 = tpu.vector_load %arg7[%get3A_2811] {strides = array<i32>} : memref<6144xf32, #tpu.memory_space<vmem>>, vector<16xf32>,
        %get3A_2813 = vector.shape_cast %get3A_2812 : vector<16xf32> to vector<16xf32>
        %mul3A_2814 = arith.mulf %get3A_2784, %get3A_2813 : vector<16xf32>
        %add3A_2815 = arith.addf %add3A_2749, %mul3A_2814 : vector<16xf32>
        %mul3A_2816 = arith.mulf %get3A_2789, %get3A_2813 : vector<16xf32>
        %add3A_2817 = arith.addf %add3A_2751, %mul3A_2816 : vector<16xf32>
        %get3A_2818 = arith.constant 3712 : index
        %get3A_2819 = tpu.vector_load %arg7[%get3A_2818] {strides = array<i32>} : memref<6144xf32, #tpu.memory_space<vmem>>, vector<16xf32>,
        %get3A_2820 = vector.shape_cast %get3A_2819 : vector<16xf32> to vector<16xf32>
        %mul3A_2821 = arith.mulf %get3A_2784, %get3A_2820 : vector<16xf32>
        %add3A_2822 = arith.addf %add3A_2756, %mul3A_2821 : vector<16xf32>
        %mul3A_2823 = arith.mulf %get3A_2789, %get3A_2820 : vector<16xf32>
        %add3A_2824 = arith.addf %add3A_2758, %mul3A_2823 : vector<16xf32>
        %get3A_2825 = arith.constant 4480 : index
        %get3A_2826 = tpu.vector_load %arg7[%get3A_2825] {strides = array<i32>} : memref<6144xf32, #tpu.memory_space<vmem>>, vector<16xf32>,
        %get3A_2827 = vector.shape_cast %get3A_2826 : vector<16xf32> to vector<16xf32>
        %mul3A_2828 = arith.mulf %get3A_2784, %get3A_2827 : vector<16xf32>
        %add3A_2829 = arith.addf %add3A_2763, %mul3A_2828 : vector<16xf32>
        %mul3A_2830 = arith.mulf %get3A_2789, %get3A_2827 : vector<16xf32>
        %add3A_2831 = arith.addf %add3A_2765, %mul3A_2830 : vector<16xf32>
        %get3A_2832 = arith.constant 5248 : index
        %get3A_2833 = tpu.vector_load %arg7[%get3A_2832] {strides = array<i32>} : memref<6144xf32, #tpu.memory_space<vmem>>, vector<16xf32>,
        %get3A_2834 = vector.shape_cast %get3A_2833 : vector<16xf32> to vector<16xf32>
        %mul3A_2835 = arith.mulf %get3A_2784, %get3A_2834 : vector<16xf32>
        %add3A_2836 = arith.addf %add3A_2770, %mul3A_2835 : vector<16xf32>
        %mul3A_2837 = arith.mulf %get3A_2789, %get3A_2834 : vector<16xf32>
        %add3A_2838 = arith.addf %add3A_2772, %mul3A_2837 : vector<16xf32>
        %get3A_2839 = arith.constant 6016 : index
        %get3A_2840 = tpu.vector_load %arg7[%get3A_2839] {strides = array<i32>} : memref<6144xf32, #tpu.memory_space<vmem>>, vector<16xf32>,
        %get3A_2841 = vector.shape_cast %get3A_2840 : vector<16xf32> to vector<16xf32>
        %mul3A_2842 = arith.mulf %get3A_2784, %get3A_2841 : vector<16xf32>
        %add3A_2843 = arith.addf %add3A_2777, %mul3A_2842 : vector<16xf32>
        %mul3A_2844 = arith.mulf %get3A_2789, %get3A_2841 : vector<16xf32>
        %add3A_2845 = arith.addf %add3A_2779, %mul3A_2844 : vector<16xf32>
        %add3A_2846 = arith.constant 656 : i32
        %add3A_2847 = arith.addi %mul3A_106, %add3A_2846 : i32
        %get3A_2848 = arith.index_cast %add3A_2847 : i32 to index
        %get3A_2849 = tpu.vector_load %arg6[%get3A_2848] {strides = array<i32>} : memref<24576xf32, #tpu.memory_space<vmem>>, vector<16xf32>,
        %get3A_2850 = vector.shape_cast %get3A_2849 : vector<16xf32> to vector<16xf32>
        %add3A_2851 = arith.constant 656 : i32
        %add3A_2852 = arith.addi %add3A_108, %add3A_2851 : i32
        %get3A_2853 = arith.index_cast %add3A_2852 : i32 to index
        %get3A_2854 = tpu.vector_load %arg6[%get3A_2853] {strides = array<i32>} : memref<24576xf32, #tpu.memory_space<vmem>>, vector<16xf32>,
        %get3A_2855 = vector.shape_cast %get3A_2854 : vector<16xf32> to vector<16xf32>
        %get3A_2856 = arith.constant 656 : index
        %get3A_2857 = tpu.vector_load %arg7[%get3A_2856] {strides = array<i32>} : memref<6144xf32, #tpu.memory_space<vmem>>, vector<16xf32>,
        %get3A_2858 = vector.shape_cast %get3A_2857 : vector<16xf32> to vector<16xf32>
        %mul3A_2859 = arith.mulf %get3A_2850, %get3A_2858 : vector<16xf32>
        %add3A_2860 = arith.addf %add3A_2794, %mul3A_2859 : vector<16xf32>
        %mul3A_2861 = arith.mulf %get3A_2855, %get3A_2858 : vector<16xf32>
        %add3A_2862 = arith.addf %add3A_2796, %mul3A_2861 : vector<16xf32>
        %get3A_2863 = arith.constant 1424 : index
        %get3A_2864 = tpu.vector_load %arg7[%get3A_2863] {strides = array<i32>} : memref<6144xf32, #tpu.memory_space<vmem>>, vector<16xf32>,
        %get3A_2865 = vector.shape_cast %get3A_2864 : vector<16xf32> to vector<16xf32>
        %mul3A_2866 = arith.mulf %get3A_2850, %get3A_2865 : vector<16xf32>
        %add3A_2867 = arith.addf %add3A_2801, %mul3A_2866 : vector<16xf32>
        %mul3A_2868 = arith.mulf %get3A_2855, %get3A_2865 : vector<16xf32>
        %add3A_2869 = arith.addf %add3A_2803, %mul3A_2868 : vector<16xf32>
        %get3A_2870 = arith.constant 2192 : index
        %get3A_2871 = tpu.vector_load %arg7[%get3A_2870] {strides = array<i32>} : memref<6144xf32, #tpu.memory_space<vmem>>, vector<16xf32>,
        %get3A_2872 = vector.shape_cast %get3A_2871 : vector<16xf32> to vector<16xf32>
        %mul3A_2873 = arith.mulf %get3A_2850, %get3A_2872 : vector<16xf32>
        %add3A_2874 = arith.addf %add3A_2808, %mul3A_2873 : vector<16xf32>
        %mul3A_2875 = arith.mulf %get3A_2855, %get3A_2872 : vector<16xf32>
        %add3A_2876 = arith.addf %add3A_2810, %mul3A_2875 : vector<16xf32>
        %get3A_2877 = arith.constant 2960 : index
        %get3A_2878 = tpu.vector_load %arg7[%get3A_2877] {strides = array<i32>} : memref<6144xf32, #tpu.memory_space<vmem>>, vector<16xf32>,
        %get3A_2879 = vector.shape_cast %get3A_2878 : vector<16xf32> to vector<16xf32>
        %mul3A_2880 = arith.mulf %get3A_2850, %get3A_2879 : vector<16xf32>
        %add3A_2881 = arith.addf %add3A_2815, %mul3A_2880 : vector<16xf32>
        %mul3A_2882 = arith.mulf %get3A_2855, %get3A_2879 : vector<16xf32>
        %add3A_2883 = arith.addf %add3A_2817, %mul3A_2882 : vector<16xf32>
        %get3A_2884 = arith.constant 3728 : index
        %get3A_2885 = tpu.vector_load %arg7[%get3A_2884] {strides = array<i32>} : memref<6144xf32, #tpu.memory_space<vmem>>, vector<16xf32>,
        %get3A_2886 = vector.shape_cast %get3A_2885 : vector<16xf32> to vector<16xf32>
        %mul3A_2887 = arith.mulf %get3A_2850, %get3A_2886 : vector<16xf32>
        %add3A_2888 = arith.addf %add3A_2822, %mul3A_2887 : vector<16xf32>
        %mul3A_2889 = arith.mulf %get3A_2855, %get3A_2886 : vector<16xf32>
        %add3A_2890 = arith.addf %add3A_2824, %mul3A_2889 : vector<16xf32>
        %get3A_2891 = arith.constant 4496 : index
        %get3A_2892 = tpu.vector_load %arg7[%get3A_2891] {strides = array<i32>} : memref<6144xf32, #tpu.memory_space<vmem>>, vector<16xf32>,
        %get3A_2893 = vector.shape_cast %get3A_2892 : vector<16xf32> to vector<16xf32>
        %mul3A_2894 = arith.mulf %get3A_2850, %get3A_2893 : vector<16xf32>
        %add3A_2895 = arith.addf %add3A_2829, %mul3A_2894 : vector<16xf32>
        %mul3A_2896 = arith.mulf %get3A_2855, %get3A_2893 : vector<16xf32>
        %add3A_2897 = arith.addf %add3A_2831, %mul3A_2896 : vector<16xf32>
        %get3A_2898 = arith.constant 5264 : index
        %get3A_2899 = tpu.vector_load %arg7[%get3A_2898] {strides = array<i32>} : memref<6144xf32, #tpu.memory_space<vmem>>, vector<16xf32>,
        %get3A_2900 = vector.shape_cast %get3A_2899 : vector<16xf32> to vector<16xf32>
        %mul3A_2901 = arith.mulf %get3A_2850, %get3A_2900 : vector<16xf32>
        %add3A_2902 = arith.addf %add3A_2836, %mul3A_2901 : vector<16xf32>
        %mul3A_2903 = arith.mulf %get3A_2855, %get3A_2900 : vector<16xf32>
        %add3A_2904 = arith.addf %add3A_2838, %mul3A_2903 : vector<16xf32>
        %get3A_2905 = arith.constant 6032 : index
        %get3A_2906 = tpu.vector_load %arg7[%get3A_2905] {strides = array<i32>} : memref<6144xf32, #tpu.memory_space<vmem>>, vector<16xf32>,
        %get3A_2907 = vector.shape_cast %get3A_2906 : vector<16xf32> to vector<16xf32>
        %mul3A_2908 = arith.mulf %get3A_2850, %get3A_2907 : vector<16xf32>
        %add3A_2909 = arith.addf %add3A_2843, %mul3A_2908 : vector<16xf32>
        %mul3A_2910 = arith.mulf %get3A_2855, %get3A_2907 : vector<16xf32>
        %add3A_2911 = arith.addf %add3A_2845, %mul3A_2910 : vector<16xf32>
        %add3A_2912 = arith.constant 672 : i32
        %add3A_2913 = arith.addi %mul3A_106, %add3A_2912 : i32
        %get3A_2914 = arith.index_cast %add3A_2913 : i32 to index
        %get3A_2915 = tpu.vector_load %arg6[%get3A_2914] {strides = array<i32>} : memref<24576xf32, #tpu.memory_space<vmem>>, vector<16xf32>,
        %get3A_2916 = vector.shape_cast %get3A_2915 : vector<16xf32> to vector<16xf32>
        %add3A_2917 = arith.constant 672 : i32
        %add3A_2918 = arith.addi %add3A_108, %add3A_2917 : i32
        %get3A_2919 = arith.index_cast %add3A_2918 : i32 to index
        %get3A_2920 = tpu.vector_load %arg6[%get3A_2919] {strides = array<i32>} : memref<24576xf32, #tpu.memory_space<vmem>>, vector<16xf32>,
        %get3A_2921 = vector.shape_cast %get3A_2920 : vector<16xf32> to vector<16xf32>
        %get3A_2922 = arith.constant 672 : index
        %get3A_2923 = tpu.vector_load %arg7[%get3A_2922] {strides = array<i32>} : memref<6144xf32, #tpu.memory_space<vmem>>, vector<16xf32>,
        %get3A_2924 = vector.shape_cast %get3A_2923 : vector<16xf32> to vector<16xf32>
        %mul3A_2925 = arith.mulf %get3A_2916, %get3A_2924 : vector<16xf32>
        %add3A_2926 = arith.addf %add3A_2860, %mul3A_2925 : vector<16xf32>
        %mul3A_2927 = arith.mulf %get3A_2921, %get3A_2924 : vector<16xf32>
        %add3A_2928 = arith.addf %add3A_2862, %mul3A_2927 : vector<16xf32>
        %get3A_2929 = arith.constant 1440 : index
        %get3A_2930 = tpu.vector_load %arg7[%get3A_2929] {strides = array<i32>} : memref<6144xf32, #tpu.memory_space<vmem>>, vector<16xf32>,
        %get3A_2931 = vector.shape_cast %get3A_2930 : vector<16xf32> to vector<16xf32>
        %mul3A_2932 = arith.mulf %get3A_2916, %get3A_2931 : vector<16xf32>
        %add3A_2933 = arith.addf %add3A_2867, %mul3A_2932 : vector<16xf32>
        %mul3A_2934 = arith.mulf %get3A_2921, %get3A_2931 : vector<16xf32>
        %add3A_2935 = arith.addf %add3A_2869, %mul3A_2934 : vector<16xf32>
        %get3A_2936 = arith.constant 2208 : index
        %get3A_2937 = tpu.vector_load %arg7[%get3A_2936] {strides = array<i32>} : memref<6144xf32, #tpu.memory_space<vmem>>, vector<16xf32>,
        %get3A_2938 = vector.shape_cast %get3A_2937 : vector<16xf32> to vector<16xf32>
        %mul3A_2939 = arith.mulf %get3A_2916, %get3A_2938 : vector<16xf32>
        %add3A_2940 = arith.addf %add3A_2874, %mul3A_2939 : vector<16xf32>
        %mul3A_2941 = arith.mulf %get3A_2921, %get3A_2938 : vector<16xf32>
        %add3A_2942 = arith.addf %add3A_2876, %mul3A_2941 : vector<16xf32>
        %get3A_2943 = arith.constant 2976 : index
        %get3A_2944 = tpu.vector_load %arg7[%get3A_2943] {strides = array<i32>} : memref<6144xf32, #tpu.memory_space<vmem>>, vector<16xf32>,
        %get3A_2945 = vector.shape_cast %get3A_2944 : vector<16xf32> to vector<16xf32>
        %mul3A_2946 = arith.mulf %get3A_2916, %get3A_2945 : vector<16xf32>
        %add3A_2947 = arith.addf %add3A_2881, %mul3A_2946 : vector<16xf32>
        %mul3A_2948 = arith.mulf %get3A_2921, %get3A_2945 : vector<16xf32>
        %add3A_2949 = arith.addf %add3A_2883, %mul3A_2948 : vector<16xf32>
        %get3A_2950 = arith.constant 3744 : index
        %get3A_2951 = tpu.vector_load %arg7[%get3A_2950] {strides = array<i32>} : memref<6144xf32, #tpu.memory_space<vmem>>, vector<16xf32>,
        %get3A_2952 = vector.shape_cast %get3A_2951 : vector<16xf32> to vector<16xf32>
        %mul3A_2953 = arith.mulf %get3A_2916, %get3A_2952 : vector<16xf32>
        %add3A_2954 = arith.addf %add3A_2888, %mul3A_2953 : vector<16xf32>
        %mul3A_2955 = arith.mulf %get3A_2921, %get3A_2952 : vector<16xf32>
        %add3A_2956 = arith.addf %add3A_2890, %mul3A_2955 : vector<16xf32>
        %get3A_2957 = arith.constant 4512 : index
        %get3A_2958 = tpu.vector_load %arg7[%get3A_2957] {strides = array<i32>} : memref<6144xf32, #tpu.memory_space<vmem>>, vector<16xf32>,
        %get3A_2959 = vector.shape_cast %get3A_2958 : vector<16xf32> to vector<16xf32>
        %mul3A_2960 = arith.mulf %get3A_2916, %get3A_2959 : vector<16xf32>
        %add3A_2961 = arith.addf %add3A_2895, %mul3A_2960 : vector<16xf32>
        %mul3A_2962 = arith.mulf %get3A_2921, %get3A_2959 : vector<16xf32>
        %add3A_2963 = arith.addf %add3A_2897, %mul3A_2962 : vector<16xf32>
        %get3A_2964 = arith.constant 5280 : index
        %get3A_2965 = tpu.vector_load %arg7[%get3A_2964] {strides = array<i32>} : memref<6144xf32, #tpu.memory_space<vmem>>, vector<16xf32>,
        %get3A_2966 = vector.shape_cast %get3A_2965 : vector<16xf32> to vector<16xf32>
        %mul3A_2967 = arith.mulf %get3A_2916, %get3A_2966 : vector<16xf32>
        %add3A_2968 = arith.addf %add3A_2902, %mul3A_2967 : vector<16xf32>
        %mul3A_2969 = arith.mulf %get3A_2921, %get3A_2966 : vector<16xf32>
        %add3A_2970 = arith.addf %add3A_2904, %mul3A_2969 : vector<16xf32>
        %get3A_2971 = arith.constant 6048 : index
        %get3A_2972 = tpu.vector_load %arg7[%get3A_2971] {strides = array<i32>} : memref<6144xf32, #tpu.memory_space<vmem>>, vector<16xf32>,
        %get3A_2973 = vector.shape_cast %get3A_2972 : vector<16xf32> to vector<16xf32>
        %mul3A_2974 = arith.mulf %get3A_2916, %get3A_2973 : vector<16xf32>
        %add3A_2975 = arith.addf %add3A_2909, %mul3A_2974 : vector<16xf32>
        %mul3A_2976 = arith.mulf %get3A_2921, %get3A_2973 : vector<16xf32>
        %add3A_2977 = arith.addf %add3A_2911, %mul3A_2976 : vector<16xf32>
        %add3A_2978 = arith.constant 688 : i32
        %add3A_2979 = arith.addi %mul3A_106, %add3A_2978 : i32
        %get3A_2980 = arith.index_cast %add3A_2979 : i32 to index
        %get3A_2981 = tpu.vector_load %arg6[%get3A_2980] {strides = array<i32>} : memref<24576xf32, #tpu.memory_space<vmem>>, vector<16xf32>,
        %get3A_2982 = vector.shape_cast %get3A_2981 : vector<16xf32> to vector<16xf32>
        %add3A_2983 = arith.constant 688 : i32
        %add3A_2984 = arith.addi %add3A_108, %add3A_2983 : i32
        %get3A_2985 = arith.index_cast %add3A_2984 : i32 to index
        %get3A_2986 = tpu.vector_load %arg6[%get3A_2985] {strides = array<i32>} : memref<24576xf32, #tpu.memory_space<vmem>>, vector<16xf32>,
        %get3A_2987 = vector.shape_cast %get3A_2986 : vector<16xf32> to vector<16xf32>
        %get3A_2988 = arith.constant 688 : index
        %get3A_2989 = tpu.vector_load %arg7[%get3A_2988] {strides = array<i32>} : memref<6144xf32, #tpu.memory_space<vmem>>, vector<16xf32>,
        %get3A_2990 = vector.shape_cast %get3A_2989 : vector<16xf32> to vector<16xf32>
        %mul3A_2991 = arith.mulf %get3A_2982, %get3A_2990 : vector<16xf32>
        %add3A_2992 = arith.addf %add3A_2926, %mul3A_2991 : vector<16xf32>
        %mul3A_2993 = arith.mulf %get3A_2987, %get3A_2990 : vector<16xf32>
        %add3A_2994 = arith.addf %add3A_2928, %mul3A_2993 : vector<16xf32>
        %get3A_2995 = arith.constant 1456 : index
        %get3A_2996 = tpu.vector_load %arg7[%get3A_2995] {strides = array<i32>} : memref<6144xf32, #tpu.memory_space<vmem>>, vector<16xf32>,
        %get3A_2997 = vector.shape_cast %get3A_2996 : vector<16xf32> to vector<16xf32>
        %mul3A_2998 = arith.mulf %get3A_2982, %get3A_2997 : vector<16xf32>
        %add3A_2999 = arith.addf %add3A_2933, %mul3A_2998 : vector<16xf32>
        %mul3A_3000 = arith.mulf %get3A_2987, %get3A_2997 : vector<16xf32>
        %add3A_3001 = arith.addf %add3A_2935, %mul3A_3000 : vector<16xf32>
        %get3A_3002 = arith.constant 2224 : index
        %get3A_3003 = tpu.vector_load %arg7[%get3A_3002] {strides = array<i32>} : memref<6144xf32, #tpu.memory_space<vmem>>, vector<16xf32>,
        %get3A_3004 = vector.shape_cast %get3A_3003 : vector<16xf32> to vector<16xf32>
        %mul3A_3005 = arith.mulf %get3A_2982, %get3A_3004 : vector<16xf32>
        %add3A_3006 = arith.addf %add3A_2940, %mul3A_3005 : vector<16xf32>
        %mul3A_3007 = arith.mulf %get3A_2987, %get3A_3004 : vector<16xf32>
        %add3A_3008 = arith.addf %add3A_2942, %mul3A_3007 : vector<16xf32>
        %get3A_3009 = arith.constant 2992 : index
        %get3A_3010 = tpu.vector_load %arg7[%get3A_3009] {strides = array<i32>} : memref<6144xf32, #tpu.memory_space<vmem>>, vector<16xf32>,
        %get3A_3011 = vector.shape_cast %get3A_3010 : vector<16xf32> to vector<16xf32>
        %mul3A_3012 = arith.mulf %get3A_2982, %get3A_3011 : vector<16xf32>
        %add3A_3013 = arith.addf %add3A_2947, %mul3A_3012 : vector<16xf32>
        %mul3A_3014 = arith.mulf %get3A_2987, %get3A_3011 : vector<16xf32>
        %add3A_3015 = arith.addf %add3A_2949, %mul3A_3014 : vector<16xf32>
        %get3A_3016 = arith.constant 3760 : index
        %get3A_3017 = tpu.vector_load %arg7[%get3A_3016] {strides = array<i32>} : memref<6144xf32, #tpu.memory_space<vmem>>, vector<16xf32>,
        %get3A_3018 = vector.shape_cast %get3A_3017 : vector<16xf32> to vector<16xf32>
        %mul3A_3019 = arith.mulf %get3A_2982, %get3A_3018 : vector<16xf32>
        %add3A_3020 = arith.addf %add3A_2954, %mul3A_3019 : vector<16xf32>
        %mul3A_3021 = arith.mulf %get3A_2987, %get3A_3018 : vector<16xf32>
        %add3A_3022 = arith.addf %add3A_2956, %mul3A_3021 : vector<16xf32>
        %get3A_3023 = arith.constant 4528 : index
        %get3A_3024 = tpu.vector_load %arg7[%get3A_3023] {strides = array<i32>} : memref<6144xf32, #tpu.memory_space<vmem>>, vector<16xf32>,
        %get3A_3025 = vector.shape_cast %get3A_3024 : vector<16xf32> to vector<16xf32>
        %mul3A_3026 = arith.mulf %get3A_2982, %get3A_3025 : vector<16xf32>
        %add3A_3027 = arith.addf %add3A_2961, %mul3A_3026 : vector<16xf32>
        %mul3A_3028 = arith.mulf %get3A_2987, %get3A_3025 : vector<16xf32>
        %add3A_3029 = arith.addf %add3A_2963, %mul3A_3028 : vector<16xf32>
        %get3A_3030 = arith.constant 5296 : index
        %get3A_3031 = tpu.vector_load %arg7[%get3A_3030] {strides = array<i32>} : memref<6144xf32, #tpu.memory_space<vmem>>, vector<16xf32>,
        %get3A_3032 = vector.shape_cast %get3A_3031 : vector<16xf32> to vector<16xf32>
        %mul3A_3033 = arith.mulf %get3A_2982, %get3A_3032 : vector<16xf32>
        %add3A_3034 = arith.addf %add3A_2968, %mul3A_3033 : vector<16xf32>
        %mul3A_3035 = arith.mulf %get3A_2987, %get3A_3032 : vector<16xf32>
        %add3A_3036 = arith.addf %add3A_2970, %mul3A_3035 : vector<16xf32>
        %get3A_3037 = arith.constant 6064 : index
        %get3A_3038 = tpu.vector_load %arg7[%get3A_3037] {strides = array<i32>} : memref<6144xf32, #tpu.memory_space<vmem>>, vector<16xf32>,
        %get3A_3039 = vector.shape_cast %get3A_3038 : vector<16xf32> to vector<16xf32>
        %mul3A_3040 = arith.mulf %get3A_2982, %get3A_3039 : vector<16xf32>
        %add3A_3041 = arith.addf %add3A_2975, %mul3A_3040 : vector<16xf32>
        %mul3A_3042 = arith.mulf %get3A_2987, %get3A_3039 : vector<16xf32>
        %add3A_3043 = arith.addf %add3A_2977, %mul3A_3042 : vector<16xf32>
        %add3A_3044 = arith.constant 704 : i32
        %add3A_3045 = arith.addi %mul3A_106, %add3A_3044 : i32
        %get3A_3046 = arith.index_cast %add3A_3045 : i32 to index
        %get3A_3047 = tpu.vector_load %arg6[%get3A_3046] {strides = array<i32>} : memref<24576xf32, #tpu.memory_space<vmem>>, vector<16xf32>,
        %get3A_3048 = vector.shape_cast %get3A_3047 : vector<16xf32> to vector<16xf32>
        %add3A_3049 = arith.constant 704 : i32
        %add3A_3050 = arith.addi %add3A_108, %add3A_3049 : i32
        %get3A_3051 = arith.index_cast %add3A_3050 : i32 to index
        %get3A_3052 = tpu.vector_load %arg6[%get3A_3051] {strides = array<i32>} : memref<24576xf32, #tpu.memory_space<vmem>>, vector<16xf32>,
        %get3A_3053 = vector.shape_cast %get3A_3052 : vector<16xf32> to vector<16xf32>
        %get3A_3054 = arith.constant 704 : index
        %get3A_3055 = tpu.vector_load %arg7[%get3A_3054] {strides = array<i32>} : memref<6144xf32, #tpu.memory_space<vmem>>, vector<16xf32>,
        %get3A_3056 = vector.shape_cast %get3A_3055 : vector<16xf32> to vector<16xf32>
        %mul3A_3057 = arith.mulf %get3A_3048, %get3A_3056 : vector<16xf32>
        %add3A_3058 = arith.addf %add3A_2992, %mul3A_3057 : vector<16xf32>
        %mul3A_3059 = arith.mulf %get3A_3053, %get3A_3056 : vector<16xf32>
        %add3A_3060 = arith.addf %add3A_2994, %mul3A_3059 : vector<16xf32>
        %get3A_3061 = arith.constant 1472 : index
        %get3A_3062 = tpu.vector_load %arg7[%get3A_3061] {strides = array<i32>} : memref<6144xf32, #tpu.memory_space<vmem>>, vector<16xf32>,
        %get3A_3063 = vector.shape_cast %get3A_3062 : vector<16xf32> to vector<16xf32>
        %mul3A_3064 = arith.mulf %get3A_3048, %get3A_3063 : vector<16xf32>
        %add3A_3065 = arith.addf %add3A_2999, %mul3A_3064 : vector<16xf32>
        %mul3A_3066 = arith.mulf %get3A_3053, %get3A_3063 : vector<16xf32>
        %add3A_3067 = arith.addf %add3A_3001, %mul3A_3066 : vector<16xf32>
        %get3A_3068 = arith.constant 2240 : index
        %get3A_3069 = tpu.vector_load %arg7[%get3A_3068] {strides = array<i32>} : memref<6144xf32, #tpu.memory_space<vmem>>, vector<16xf32>,
        %get3A_3070 = vector.shape_cast %get3A_3069 : vector<16xf32> to vector<16xf32>
        %mul3A_3071 = arith.mulf %get3A_3048, %get3A_3070 : vector<16xf32>
        %add3A_3072 = arith.addf %add3A_3006, %mul3A_3071 : vector<16xf32>
        %mul3A_3073 = arith.mulf %get3A_3053, %get3A_3070 : vector<16xf32>
        %add3A_3074 = arith.addf %add3A_3008, %mul3A_3073 : vector<16xf32>
        %get3A_3075 = arith.constant 3008 : index
        %get3A_3076 = tpu.vector_load %arg7[%get3A_3075] {strides = array<i32>} : memref<6144xf32, #tpu.memory_space<vmem>>, vector<16xf32>,
        %get3A_3077 = vector.shape_cast %get3A_3076 : vector<16xf32> to vector<16xf32>
        %mul3A_3078 = arith.mulf %get3A_3048, %get3A_3077 : vector<16xf32>
        %add3A_3079 = arith.addf %add3A_3013, %mul3A_3078 : vector<16xf32>
        %mul3A_3080 = arith.mulf %get3A_3053, %get3A_3077 : vector<16xf32>
        %add3A_3081 = arith.addf %add3A_3015, %mul3A_3080 : vector<16xf32>
        %get3A_3082 = arith.constant 3776 : index
        %get3A_3083 = tpu.vector_load %arg7[%get3A_3082] {strides = array<i32>} : memref<6144xf32, #tpu.memory_space<vmem>>, vector<16xf32>,
        %get3A_3084 = vector.shape_cast %get3A_3083 : vector<16xf32> to vector<16xf32>
        %mul3A_3085 = arith.mulf %get3A_3048, %get3A_3084 : vector<16xf32>
        %add3A_3086 = arith.addf %add3A_3020, %mul3A_3085 : vector<16xf32>
        %mul3A_3087 = arith.mulf %get3A_3053, %get3A_3084 : vector<16xf32>
        %add3A_3088 = arith.addf %add3A_3022, %mul3A_3087 : vector<16xf32>
        %get3A_3089 = arith.constant 4544 : index
        %get3A_3090 = tpu.vector_load %arg7[%get3A_3089] {strides = array<i32>} : memref<6144xf32, #tpu.memory_space<vmem>>, vector<16xf32>,
        %get3A_3091 = vector.shape_cast %get3A_3090 : vector<16xf32> to vector<16xf32>
        %mul3A_3092 = arith.mulf %get3A_3048, %get3A_3091 : vector<16xf32>
        %add3A_3093 = arith.addf %add3A_3027, %mul3A_3092 : vector<16xf32>
        %mul3A_3094 = arith.mulf %get3A_3053, %get3A_3091 : vector<16xf32>
        %add3A_3095 = arith.addf %add3A_3029, %mul3A_3094 : vector<16xf32>
        %get3A_3096 = arith.constant 5312 : index
        %get3A_3097 = tpu.vector_load %arg7[%get3A_3096] {strides = array<i32>} : memref<6144xf32, #tpu.memory_space<vmem>>, vector<16xf32>,
        %get3A_3098 = vector.shape_cast %get3A_3097 : vector<16xf32> to vector<16xf32>
        %mul3A_3099 = arith.mulf %get3A_3048, %get3A_3098 : vector<16xf32>
        %add3A_3100 = arith.addf %add3A_3034, %mul3A_3099 : vector<16xf32>
        %mul3A_3101 = arith.mulf %get3A_3053, %get3A_3098 : vector<16xf32>
        %add3A_3102 = arith.addf %add3A_3036, %mul3A_3101 : vector<16xf32>
        %get3A_3103 = arith.constant 6080 : index
        %get3A_3104 = tpu.vector_load %arg7[%get3A_3103] {strides = array<i32>} : memref<6144xf32, #tpu.memory_space<vmem>>, vector<16xf32>,
        %get3A_3105 = vector.shape_cast %get3A_3104 : vector<16xf32> to vector<16xf32>
        %mul3A_3106 = arith.mulf %get3A_3048, %get3A_3105 : vector<16xf32>
        %add3A_3107 = arith.addf %add3A_3041, %mul3A_3106 : vector<16xf32>
        %mul3A_3108 = arith.mulf %get3A_3053, %get3A_3105 : vector<16xf32>
        %add3A_3109 = arith.addf %add3A_3043, %mul3A_3108 : vector<16xf32>
        %add3A_3110 = arith.constant 720 : i32
        %add3A_3111 = arith.addi %mul3A_106, %add3A_3110 : i32
        %get3A_3112 = arith.index_cast %add3A_3111 : i32 to index
        %get3A_3113 = tpu.vector_load %arg6[%get3A_3112] {strides = array<i32>} : memref<24576xf32, #tpu.memory_space<vmem>>, vector<16xf32>,
        %get3A_3114 = vector.shape_cast %get3A_3113 : vector<16xf32> to vector<16xf32>
        %add3A_3115 = arith.constant 720 : i32
        %add3A_3116 = arith.addi %add3A_108, %add3A_3115 : i32
        %get3A_3117 = arith.index_cast %add3A_3116 : i32 to index
        %get3A_3118 = tpu.vector_load %arg6[%get3A_3117] {strides = array<i32>} : memref<24576xf32, #tpu.memory_space<vmem>>, vector<16xf32>,
        %get3A_3119 = vector.shape_cast %get3A_3118 : vector<16xf32> to vector<16xf32>
        %get3A_3120 = arith.constant 720 : index
        %get3A_3121 = tpu.vector_load %arg7[%get3A_3120] {strides = array<i32>} : memref<6144xf32, #tpu.memory_space<vmem>>, vector<16xf32>,
        %get3A_3122 = vector.shape_cast %get3A_3121 : vector<16xf32> to vector<16xf32>
        %mul3A_3123 = arith.mulf %get3A_3114, %get3A_3122 : vector<16xf32>
        %add3A_3124 = arith.addf %add3A_3058, %mul3A_3123 : vector<16xf32>
        %mul3A_3125 = arith.mulf %get3A_3119, %get3A_3122 : vector<16xf32>
        %add3A_3126 = arith.addf %add3A_3060, %mul3A_3125 : vector<16xf32>
        %get3A_3127 = arith.constant 1488 : index
        %get3A_3128 = tpu.vector_load %arg7[%get3A_3127] {strides = array<i32>} : memref<6144xf32, #tpu.memory_space<vmem>>, vector<16xf32>,
        %get3A_3129 = vector.shape_cast %get3A_3128 : vector<16xf32> to vector<16xf32>
        %mul3A_3130 = arith.mulf %get3A_3114, %get3A_3129 : vector<16xf32>
        %add3A_3131 = arith.addf %add3A_3065, %mul3A_3130 : vector<16xf32>
        %mul3A_3132 = arith.mulf %get3A_3119, %get3A_3129 : vector<16xf32>
        %add3A_3133 = arith.addf %add3A_3067, %mul3A_3132 : vector<16xf32>
        %get3A_3134 = arith.constant 2256 : index
        %get3A_3135 = tpu.vector_load %arg7[%get3A_3134] {strides = array<i32>} : memref<6144xf32, #tpu.memory_space<vmem>>, vector<16xf32>,
        %get3A_3136 = vector.shape_cast %get3A_3135 : vector<16xf32> to vector<16xf32>
        %mul3A_3137 = arith.mulf %get3A_3114, %get3A_3136 : vector<16xf32>
        %add3A_3138 = arith.addf %add3A_3072, %mul3A_3137 : vector<16xf32>
        %mul3A_3139 = arith.mulf %get3A_3119, %get3A_3136 : vector<16xf32>
        %add3A_3140 = arith.addf %add3A_3074, %mul3A_3139 : vector<16xf32>
        %get3A_3141 = arith.constant 3024 : index
        %get3A_3142 = tpu.vector_load %arg7[%get3A_3141] {strides = array<i32>} : memref<6144xf32, #tpu.memory_space<vmem>>, vector<16xf32>,
        %get3A_3143 = vector.shape_cast %get3A_3142 : vector<16xf32> to vector<16xf32>
        %mul3A_3144 = arith.mulf %get3A_3114, %get3A_3143 : vector<16xf32>
        %add3A_3145 = arith.addf %add3A_3079, %mul3A_3144 : vector<16xf32>
        %mul3A_3146 = arith.mulf %get3A_3119, %get3A_3143 : vector<16xf32>
        %add3A_3147 = arith.addf %add3A_3081, %mul3A_3146 : vector<16xf32>
        %get3A_3148 = arith.constant 3792 : index
        %get3A_3149 = tpu.vector_load %arg7[%get3A_3148] {strides = array<i32>} : memref<6144xf32, #tpu.memory_space<vmem>>, vector<16xf32>,
        %get3A_3150 = vector.shape_cast %get3A_3149 : vector<16xf32> to vector<16xf32>
        %mul3A_3151 = arith.mulf %get3A_3114, %get3A_3150 : vector<16xf32>
        %add3A_3152 = arith.addf %add3A_3086, %mul3A_3151 : vector<16xf32>
        %mul3A_3153 = arith.mulf %get3A_3119, %get3A_3150 : vector<16xf32>
        %add3A_3154 = arith.addf %add3A_3088, %mul3A_3153 : vector<16xf32>
        %get3A_3155 = arith.constant 4560 : index
        %get3A_3156 = tpu.vector_load %arg7[%get3A_3155] {strides = array<i32>} : memref<6144xf32, #tpu.memory_space<vmem>>, vector<16xf32>,
        %get3A_3157 = vector.shape_cast %get3A_3156 : vector<16xf32> to vector<16xf32>
        %mul3A_3158 = arith.mulf %get3A_3114, %get3A_3157 : vector<16xf32>
        %add3A_3159 = arith.addf %add3A_3093, %mul3A_3158 : vector<16xf32>
        %mul3A_3160 = arith.mulf %get3A_3119, %get3A_3157 : vector<16xf32>
        %add3A_3161 = arith.addf %add3A_3095, %mul3A_3160 : vector<16xf32>
        %get3A_3162 = arith.constant 5328 : index
        %get3A_3163 = tpu.vector_load %arg7[%get3A_3162] {strides = array<i32>} : memref<6144xf32, #tpu.memory_space<vmem>>, vector<16xf32>,
        %get3A_3164 = vector.shape_cast %get3A_3163 : vector<16xf32> to vector<16xf32>
        %mul3A_3165 = arith.mulf %get3A_3114, %get3A_3164 : vector<16xf32>
        %add3A_3166 = arith.addf %add3A_3100, %mul3A_3165 : vector<16xf32>
        %mul3A_3167 = arith.mulf %get3A_3119, %get3A_3164 : vector<16xf32>
        %add3A_3168 = arith.addf %add3A_3102, %mul3A_3167 : vector<16xf32>
        %get3A_3169 = arith.constant 6096 : index
        %get3A_3170 = tpu.vector_load %arg7[%get3A_3169] {strides = array<i32>} : memref<6144xf32, #tpu.memory_space<vmem>>, vector<16xf32>,
        %get3A_3171 = vector.shape_cast %get3A_3170 : vector<16xf32> to vector<16xf32>
        %mul3A_3172 = arith.mulf %get3A_3114, %get3A_3171 : vector<16xf32>
        %add3A_3173 = arith.addf %add3A_3107, %mul3A_3172 : vector<16xf32>
        %mul3A_3174 = arith.mulf %get3A_3119, %get3A_3171 : vector<16xf32>
        %add3A_3175 = arith.addf %add3A_3109, %mul3A_3174 : vector<16xf32>
        %add3A_3176 = arith.constant 736 : i32
        %add3A_3177 = arith.addi %mul3A_106, %add3A_3176 : i32
        %get3A_3178 = arith.index_cast %add3A_3177 : i32 to index
        %get3A_3179 = tpu.vector_load %arg6[%get3A_3178] {strides = array<i32>} : memref<24576xf32, #tpu.memory_space<vmem>>, vector<16xf32>,
        %get3A_3180 = vector.shape_cast %get3A_3179 : vector<16xf32> to vector<16xf32>
        %add3A_3181 = arith.constant 736 : i32
        %add3A_3182 = arith.addi %add3A_108, %add3A_3181 : i32
        %get3A_3183 = arith.index_cast %add3A_3182 : i32 to index
        %get3A_3184 = tpu.vector_load %arg6[%get3A_3183] {strides = array<i32>} : memref<24576xf32, #tpu.memory_space<vmem>>, vector<16xf32>,
        %get3A_3185 = vector.shape_cast %get3A_3184 : vector<16xf32> to vector<16xf32>
        %get3A_3186 = arith.constant 736 : index
        %get3A_3187 = tpu.vector_load %arg7[%get3A_3186] {strides = array<i32>} : memref<6144xf32, #tpu.memory_space<vmem>>, vector<16xf32>,
        %get3A_3188 = vector.shape_cast %get3A_3187 : vector<16xf32> to vector<16xf32>
        %mul3A_3189 = arith.mulf %get3A_3180, %get3A_3188 : vector<16xf32>
        %add3A_3190 = arith.addf %add3A_3124, %mul3A_3189 : vector<16xf32>
        %mul3A_3191 = arith.mulf %get3A_3185, %get3A_3188 : vector<16xf32>
        %add3A_3192 = arith.addf %add3A_3126, %mul3A_3191 : vector<16xf32>
        %get3A_3193 = arith.constant 1504 : index
        %get3A_3194 = tpu.vector_load %arg7[%get3A_3193] {strides = array<i32>} : memref<6144xf32, #tpu.memory_space<vmem>>, vector<16xf32>,
        %get3A_3195 = vector.shape_cast %get3A_3194 : vector<16xf32> to vector<16xf32>
        %mul3A_3196 = arith.mulf %get3A_3180, %get3A_3195 : vector<16xf32>
        %add3A_3197 = arith.addf %add3A_3131, %mul3A_3196 : vector<16xf32>
        %mul3A_3198 = arith.mulf %get3A_3185, %get3A_3195 : vector<16xf32>
        %add3A_3199 = arith.addf %add3A_3133, %mul3A_3198 : vector<16xf32>
        %get3A_3200 = arith.constant 2272 : index
        %get3A_3201 = tpu.vector_load %arg7[%get3A_3200] {strides = array<i32>} : memref<6144xf32, #tpu.memory_space<vmem>>, vector<16xf32>,
        %get3A_3202 = vector.shape_cast %get3A_3201 : vector<16xf32> to vector<16xf32>
        %mul3A_3203 = arith.mulf %get3A_3180, %get3A_3202 : vector<16xf32>
        %add3A_3204 = arith.addf %add3A_3138, %mul3A_3203 : vector<16xf32>
        %mul3A_3205 = arith.mulf %get3A_3185, %get3A_3202 : vector<16xf32>
        %add3A_3206 = arith.addf %add3A_3140, %mul3A_3205 : vector<16xf32>
        %get3A_3207 = arith.constant 3040 : index
        %get3A_3208 = tpu.vector_load %arg7[%get3A_3207] {strides = array<i32>} : memref<6144xf32, #tpu.memory_space<vmem>>, vector<16xf32>,
        %get3A_3209 = vector.shape_cast %get3A_3208 : vector<16xf32> to vector<16xf32>
        %mul3A_3210 = arith.mulf %get3A_3180, %get3A_3209 : vector<16xf32>
        %add3A_3211 = arith.addf %add3A_3145, %mul3A_3210 : vector<16xf32>
        %mul3A_3212 = arith.mulf %get3A_3185, %get3A_3209 : vector<16xf32>
        %add3A_3213 = arith.addf %add3A_3147, %mul3A_3212 : vector<16xf32>
        %get3A_3214 = arith.constant 3808 : index
        %get3A_3215 = tpu.vector_load %arg7[%get3A_3214] {strides = array<i32>} : memref<6144xf32, #tpu.memory_space<vmem>>, vector<16xf32>,
        %get3A_3216 = vector.shape_cast %get3A_3215 : vector<16xf32> to vector<16xf32>
        %mul3A_3217 = arith.mulf %get3A_3180, %get3A_3216 : vector<16xf32>
        %add3A_3218 = arith.addf %add3A_3152, %mul3A_3217 : vector<16xf32>
        %mul3A_3219 = arith.mulf %get3A_3185, %get3A_3216 : vector<16xf32>
        %add3A_3220 = arith.addf %add3A_3154, %mul3A_3219 : vector<16xf32>
        %get3A_3221 = arith.constant 4576 : index
        %get3A_3222 = tpu.vector_load %arg7[%get3A_3221] {strides = array<i32>} : memref<6144xf32, #tpu.memory_space<vmem>>, vector<16xf32>,
        %get3A_3223 = vector.shape_cast %get3A_3222 : vector<16xf32> to vector<16xf32>
        %mul3A_3224 = arith.mulf %get3A_3180, %get3A_3223 : vector<16xf32>
        %add3A_3225 = arith.addf %add3A_3159, %mul3A_3224 : vector<16xf32>
        %mul3A_3226 = arith.mulf %get3A_3185, %get3A_3223 : vector<16xf32>
        %add3A_3227 = arith.addf %add3A_3161, %mul3A_3226 : vector<16xf32>
        %get3A_3228 = arith.constant 5344 : index
        %get3A_3229 = tpu.vector_load %arg7[%get3A_3228] {strides = array<i32>} : memref<6144xf32, #tpu.memory_space<vmem>>, vector<16xf32>,
        %get3A_3230 = vector.shape_cast %get3A_3229 : vector<16xf32> to vector<16xf32>
        %mul3A_3231 = arith.mulf %get3A_3180, %get3A_3230 : vector<16xf32>
        %add3A_3232 = arith.addf %add3A_3166, %mul3A_3231 : vector<16xf32>
        %mul3A_3233 = arith.mulf %get3A_3185, %get3A_3230 : vector<16xf32>
        %add3A_3234 = arith.addf %add3A_3168, %mul3A_3233 : vector<16xf32>
        %get3A_3235 = arith.constant 6112 : index
        %get3A_3236 = tpu.vector_load %arg7[%get3A_3235] {strides = array<i32>} : memref<6144xf32, #tpu.memory_space<vmem>>, vector<16xf32>,
        %get3A_3237 = vector.shape_cast %get3A_3236 : vector<16xf32> to vector<16xf32>
        %mul3A_3238 = arith.mulf %get3A_3180, %get3A_3237 : vector<16xf32>
        %add3A_3239 = arith.addf %add3A_3173, %mul3A_3238 : vector<16xf32>
        %mul3A_3240 = arith.mulf %get3A_3185, %get3A_3237 : vector<16xf32>
        %add3A_3241 = arith.addf %add3A_3175, %mul3A_3240 : vector<16xf32>
        %add3A_3242 = arith.constant 752 : i32
        %add3A_3243 = arith.addi %mul3A_106, %add3A_3242 : i32
        %get3A_3244 = arith.index_cast %add3A_3243 : i32 to index
        %get3A_3245 = tpu.vector_load %arg6[%get3A_3244] {strides = array<i32>} : memref<24576xf32, #tpu.memory_space<vmem>>, vector<16xf32>,
        %get3A_3246 = vector.shape_cast %get3A_3245 : vector<16xf32> to vector<16xf32>
        %add3A_3247 = arith.constant 752 : i32
        %add3A_3248 = arith.addi %add3A_108, %add3A_3247 : i32
        %get3A_3249 = arith.index_cast %add3A_3248 : i32 to index
        %get3A_3250 = tpu.vector_load %arg6[%get3A_3249] {strides = array<i32>} : memref<24576xf32, #tpu.memory_space<vmem>>, vector<16xf32>,
        %get3A_3251 = vector.shape_cast %get3A_3250 : vector<16xf32> to vector<16xf32>
        %get3A_3252 = arith.constant 752 : index
        %get3A_3253 = tpu.vector_load %arg7[%get3A_3252] {strides = array<i32>} : memref<6144xf32, #tpu.memory_space<vmem>>, vector<16xf32>,
        %get3A_3254 = vector.shape_cast %get3A_3253 : vector<16xf32> to vector<16xf32>
        %mul3A_3255 = arith.mulf %get3A_3246, %get3A_3254 : vector<16xf32>
        %add3A_3256 = arith.addf %add3A_3190, %mul3A_3255 : vector<16xf32>
        %mul3A_3257 = arith.mulf %get3A_3251, %get3A_3254 : vector<16xf32>
        %add3A_3258 = arith.addf %add3A_3192, %mul3A_3257 : vector<16xf32>
        %get3A_3259 = arith.constant 1520 : index
        %get3A_3260 = tpu.vector_load %arg7[%get3A_3259] {strides = array<i32>} : memref<6144xf32, #tpu.memory_space<vmem>>, vector<16xf32>,
        %get3A_3261 = vector.shape_cast %get3A_3260 : vector<16xf32> to vector<16xf32>
        %mul3A_3262 = arith.mulf %get3A_3246, %get3A_3261 : vector<16xf32>
        %add3A_3263 = arith.addf %add3A_3197, %mul3A_3262 : vector<16xf32>
        %mul3A_3264 = arith.mulf %get3A_3251, %get3A_3261 : vector<16xf32>
        %add3A_3265 = arith.addf %add3A_3199, %mul3A_3264 : vector<16xf32>
        %get3A_3266 = arith.constant 2288 : index
        %get3A_3267 = tpu.vector_load %arg7[%get3A_3266] {strides = array<i32>} : memref<6144xf32, #tpu.memory_space<vmem>>, vector<16xf32>,
        %get3A_3268 = vector.shape_cast %get3A_3267 : vector<16xf32> to vector<16xf32>
        %mul3A_3269 = arith.mulf %get3A_3246, %get3A_3268 : vector<16xf32>
        %add3A_3270 = arith.addf %add3A_3204, %mul3A_3269 : vector<16xf32>
        %mul3A_3271 = arith.mulf %get3A_3251, %get3A_3268 : vector<16xf32>
        %add3A_3272 = arith.addf %add3A_3206, %mul3A_3271 : vector<16xf32>
        %get3A_3273 = arith.constant 3056 : index
        %get3A_3274 = tpu.vector_load %arg7[%get3A_3273] {strides = array<i32>} : memref<6144xf32, #tpu.memory_space<vmem>>, vector<16xf32>,
        %get3A_3275 = vector.shape_cast %get3A_3274 : vector<16xf32> to vector<16xf32>
        %mul3A_3276 = arith.mulf %get3A_3246, %get3A_3275 : vector<16xf32>
        %add3A_3277 = arith.addf %add3A_3211, %mul3A_3276 : vector<16xf32>
        %mul3A_3278 = arith.mulf %get3A_3251, %get3A_3275 : vector<16xf32>
        %add3A_3279 = arith.addf %add3A_3213, %mul3A_3278 : vector<16xf32>
        %get3A_3280 = arith.constant 3824 : index
        %get3A_3281 = tpu.vector_load %arg7[%get3A_3280] {strides = array<i32>} : memref<6144xf32, #tpu.memory_space<vmem>>, vector<16xf32>,
        %get3A_3282 = vector.shape_cast %get3A_3281 : vector<16xf32> to vector<16xf32>
        %mul3A_3283 = arith.mulf %get3A_3246, %get3A_3282 : vector<16xf32>
        %add3A_3284 = arith.addf %add3A_3218, %mul3A_3283 : vector<16xf32>
        %mul3A_3285 = arith.mulf %get3A_3251, %get3A_3282 : vector<16xf32>
        %add3A_3286 = arith.addf %add3A_3220, %mul3A_3285 : vector<16xf32>
        %get3A_3287 = arith.constant 4592 : index
        %get3A_3288 = tpu.vector_load %arg7[%get3A_3287] {strides = array<i32>} : memref<6144xf32, #tpu.memory_space<vmem>>, vector<16xf32>,
        %get3A_3289 = vector.shape_cast %get3A_3288 : vector<16xf32> to vector<16xf32>
        %mul3A_3290 = arith.mulf %get3A_3246, %get3A_3289 : vector<16xf32>
        %add3A_3291 = arith.addf %add3A_3225, %mul3A_3290 : vector<16xf32>
        %mul3A_3292 = arith.mulf %get3A_3251, %get3A_3289 : vector<16xf32>
        %add3A_3293 = arith.addf %add3A_3227, %mul3A_3292 : vector<16xf32>
        %get3A_3294 = arith.constant 5360 : index
        %get3A_3295 = tpu.vector_load %arg7[%get3A_3294] {strides = array<i32>} : memref<6144xf32, #tpu.memory_space<vmem>>, vector<16xf32>,
        %get3A_3296 = vector.shape_cast %get3A_3295 : vector<16xf32> to vector<16xf32>
        %mul3A_3297 = arith.mulf %get3A_3246, %get3A_3296 : vector<16xf32>
        %add3A_3298 = arith.addf %add3A_3232, %mul3A_3297 : vector<16xf32>
        %mul3A_3299 = arith.mulf %get3A_3251, %get3A_3296 : vector<16xf32>
        %add3A_3300 = arith.addf %add3A_3234, %mul3A_3299 : vector<16xf32>
        %get3A_3301 = arith.constant 6128 : index
        %get3A_3302 = tpu.vector_load %arg7[%get3A_3301] {strides = array<i32>} : memref<6144xf32, #tpu.memory_space<vmem>>, vector<16xf32>,
        %get3A_3303 = vector.shape_cast %get3A_3302 : vector<16xf32> to vector<16xf32>
        %mul3A_3304 = arith.mulf %get3A_3246, %get3A_3303 : vector<16xf32>
        %add3A_3305 = arith.addf %add3A_3239, %mul3A_3304 : vector<16xf32>
        %mul3A_3306 = arith.mulf %get3A_3251, %get3A_3303 : vector<16xf32>
        %add3A_3307 = arith.addf %add3A_3241, %mul3A_3306 : vector<16xf32>
        %mul3A_3308 = arith.constant 32 : i32
        %mul3A_3309 = arith.muli %scan3A_84, %mul3A_3308 : i32
        %mul3A_3310 = arith.constant 2 : i32
        %mul3A_3311 = arith.muli %mul3A_3310, %scan3A_102 : i32
        %add3A_3312 = arith.addi %mul3A_3309, %mul3A_3311 : i32
        %swap3A_3313 = arith.constant 0 : index
        %swap3A_3314 = tpu.vector_load %arg8[%swap3A_3313] {strides = array<i32>} : memref<256xf32, #tpu.memory_space<vmem>>, vector<16xf32>,
        %swap3A_3315 = vector.shape_cast %swap3A_3314 : vector<16xf32> to vector<16xf32>
        %swap3A_3316 = vector.shape_cast %add3A_3256 : vector<16xf32> to vector<16xf32>
        tpu.vector_store %arg8[%swap3A_3313], %swap3A_3316 {strides = array<i32>} : memref<256xf32, #tpu.memory_space<vmem>>, vector<16xf32>,
        %swap3A_3317 = arith.constant 32 : index
        %swap3A_3318 = tpu.vector_load %arg8[%swap3A_3317] {strides = array<i32>} : memref<256xf32, #tpu.memory_space<vmem>>, vector<16xf32>,
        %swap3A_3319 = vector.shape_cast %swap3A_3318 : vector<16xf32> to vector<16xf32>
        %swap3A_3320 = vector.shape_cast %add3A_3263 : vector<16xf32> to vector<16xf32>
        tpu.vector_store %arg8[%swap3A_3317], %swap3A_3320 {strides = array<i32>} : memref<256xf32, #tpu.memory_space<vmem>>, vector<16xf32>,
        %swap3A_3321 = arith.constant 64 : index
        %swap3A_3322 = tpu.vector_load %arg8[%swap3A_3321] {strides = array<i32>} : memref<256xf32, #tpu.memory_space<vmem>>, vector<16xf32>,
        %swap3A_3323 = vector.shape_cast %swap3A_3322 : vector<16xf32> to vector<16xf32>
        %swap3A_3324 = vector.shape_cast %add3A_3270 : vector<16xf32> to vector<16xf32>
        tpu.vector_store %arg8[%swap3A_3321], %swap3A_3324 {strides = array<i32>} : memref<256xf32, #tpu.memory_space<vmem>>, vector<16xf32>,
        %swap3A_3325 = arith.constant 96 : index
        %swap3A_3326 = tpu.vector_load %arg8[%swap3A_3325] {strides = array<i32>} : memref<256xf32, #tpu.memory_space<vmem>>, vector<16xf32>,
        %swap3A_3327 = vector.shape_cast %swap3A_3326 : vector<16xf32> to vector<16xf32>
        %swap3A_3328 = vector.shape_cast %add3A_3277 : vector<16xf32> to vector<16xf32>
        tpu.vector_store %arg8[%swap3A_3325], %swap3A_3328 {strides = array<i32>} : memref<256xf32, #tpu.memory_space<vmem>>, vector<16xf32>,
        %swap3A_3329 = arith.constant 128 : index
        %swap3A_3330 = tpu.vector_load %arg8[%swap3A_3329] {strides = array<i32>} : memref<256xf32, #tpu.memory_space<vmem>>, vector<16xf32>,
        %swap3A_3331 = vector.shape_cast %swap3A_3330 : vector<16xf32> to vector<16xf32>
        %swap3A_3332 = vector.shape_cast %add3A_3284 : vector<16xf32> to vector<16xf32>
        tpu.vector_store %arg8[%swap3A_3329], %swap3A_3332 {strides = array<i32>} : memref<256xf32, #tpu.memory_space<vmem>>, vector<16xf32>,
        %swap3A_3333 = arith.constant 160 : index
        %swap3A_3334 = tpu.vector_load %arg8[%swap3A_3333] {strides = array<i32>} : memref<256xf32, #tpu.memory_space<vmem>>, vector<16xf32>,
        %swap3A_3335 = vector.shape_cast %swap3A_3334 : vector<16xf32> to vector<16xf32>
        %swap3A_3336 = vector.shape_cast %add3A_3291 : vector<16xf32> to vector<16xf32>
        tpu.vector_store %arg8[%swap3A_3333], %swap3A_3336 {strides = array<i32>} : memref<256xf32, #tpu.memory_space<vmem>>, vector<16xf32>,
        %swap3A_3337 = arith.constant 192 : index
        %swap3A_3338 = tpu.vector_load %arg8[%swap3A_3337] {strides = array<i32>} : memref<256xf32, #tpu.memory_space<vmem>>, vector<16xf32>,
        %swap3A_3339 = vector.shape_cast %swap3A_3338 : vector<16xf32> to vector<16xf32>
        %swap3A_3340 = vector.shape_cast %add3A_3298 : vector<16xf32> to vector<16xf32>
        tpu.vector_store %arg8[%swap3A_3337], %swap3A_3340 {strides = array<i32>} : memref<256xf32, #tpu.memory_space<vmem>>, vector<16xf32>,
        %swap3A_3341 = arith.constant 224 : index
        %swap3A_3342 = tpu.vector_load %arg8[%swap3A_3341] {strides = array<i32>} : memref<256xf32, #tpu.memory_space<vmem>>, vector<16xf32>,
        %swap3A_3343 = vector.shape_cast %swap3A_3342 : vector<16xf32> to vector<16xf32>
        %swap3A_3344 = vector.shape_cast %add3A_3305 : vector<16xf32> to vector<16xf32>
        tpu.vector_store %arg8[%swap3A_3341], %swap3A_3344 {strides = array<i32>} : memref<256xf32, #tpu.memory_space<vmem>>, vector<16xf32>,
        %get3A_3345 = arith.constant 8 : index
        %get3A_3346 = tpu.vector_load %arg8[%get3A_3345] {strides = array<i32>} : memref<256xf32, #tpu.memory_space<vmem>>, vector<16xf32>,
        %get3A_3347 = vector.shape_cast %get3A_3346 : vector<16xf32> to vector<16xf32>
        %add3A_3348 = arith.addf %add3A_3256, %get3A_3347 : vector<16xf32>
        %swap3A_3349 = arith.constant 0 : index
        %swap3A_3350 = tpu.vector_load %arg8[%swap3A_3349] {strides = array<i32>} : memref<256xf32, #tpu.memory_space<vmem>>, vector<16xf32>,
        %swap3A_3351 = vector.shape_cast %swap3A_3350 : vector<16xf32> to vector<16xf32>
        %swap3A_3352 = vector.shape_cast %add3A_3348 : vector<16xf32> to vector<16xf32>
        tpu.vector_store %arg8[%swap3A_3349], %swap3A_3352 {strides = array<i32>} : memref<256xf32, #tpu.memory_space<vmem>>, vector<16xf32>,
        %get3A_3353 = arith.constant 40 : index
        %get3A_3354 = tpu.vector_load %arg8[%get3A_3353] {strides = array<i32>} : memref<256xf32, #tpu.memory_space<vmem>>, vector<16xf32>,
        %get3A_3355 = vector.shape_cast %get3A_3354 : vector<16xf32> to vector<16xf32>
        %add3A_3356 = arith.addf %add3A_3263, %get3A_3355 : vector<16xf32>
        %swap3A_3357 = arith.constant 32 : index
        %swap3A_3358 = tpu.vector_load %arg8[%swap3A_3357] {strides = array<i32>} : memref<256xf32, #tpu.memory_space<vmem>>, vector<16xf32>,
        %swap3A_3359 = vector.shape_cast %swap3A_3358 : vector<16xf32> to vector<16xf32>
        %swap3A_3360 = vector.shape_cast %add3A_3356 : vector<16xf32> to vector<16xf32>
        tpu.vector_store %arg8[%swap3A_3357], %swap3A_3360 {strides = array<i32>} : memref<256xf32, #tpu.memory_space<vmem>>, vector<16xf32>,
        %get3A_3361 = arith.constant 72 : index
        %get3A_3362 = tpu.vector_load %arg8[%get3A_3361] {strides = array<i32>} : memref<256xf32, #tpu.memory_space<vmem>>, vector<16xf32>,
        %get3A_3363 = vector.shape_cast %get3A_3362 : vector<16xf32> to vector<16xf32>
        %add3A_3364 = arith.addf %add3A_3270, %get3A_3363 : vector<16xf32>
        %swap3A_3365 = arith.constant 64 : index
        %swap3A_3366 = tpu.vector_load %arg8[%swap3A_3365] {strides = array<i32>} : memref<256xf32, #tpu.memory_space<vmem>>, vector<16xf32>,
        %swap3A_3367 = vector.shape_cast %swap3A_3366 : vector<16xf32> to vector<16xf32>
        %swap3A_3368 = vector.shape_cast %add3A_3364 : vector<16xf32> to vector<16xf32>
        tpu.vector_store %arg8[%swap3A_3365], %swap3A_3368 {strides = array<i32>} : memref<256xf32, #tpu.memory_space<vmem>>, vector<16xf32>,
        %get3A_3369 = arith.constant 104 : index
        %get3A_3370 = tpu.vector_load %arg8[%get3A_3369] {strides = array<i32>} : memref<256xf32, #tpu.memory_space<vmem>>, vector<16xf32>,
        %get3A_3371 = vector.shape_cast %get3A_3370 : vector<16xf32> to vector<16xf32>
        %add3A_3372 = arith.addf %add3A_3277, %get3A_3371 : vector<16xf32>
        %swap3A_3373 = arith.constant 96 : index
        %swap3A_3374 = tpu.vector_load %arg8[%swap3A_3373] {strides = array<i32>} : memref<256xf32, #tpu.memory_space<vmem>>, vector<16xf32>,
        %swap3A_3375 = vector.shape_cast %swap3A_3374 : vector<16xf32> to vector<16xf32>
        %swap3A_3376 = vector.shape_cast %add3A_3372 : vector<16xf32> to vector<16xf32>
        tpu.vector_store %arg8[%swap3A_3373], %swap3A_3376 {strides = array<i32>} : memref<256xf32, #tpu.memory_space<vmem>>, vector<16xf32>,
        %get3A_3377 = arith.constant 136 : index
        %get3A_3378 = tpu.vector_load %arg8[%get3A_3377] {strides = array<i32>} : memref<256xf32, #tpu.memory_space<vmem>>, vector<16xf32>,
        %get3A_3379 = vector.shape_cast %get3A_3378 : vector<16xf32> to vector<16xf32>
        %add3A_3380 = arith.addf %add3A_3284, %get3A_3379 : vector<16xf32>
        %swap3A_3381 = arith.constant 128 : index
        %swap3A_3382 = tpu.vector_load %arg8[%swap3A_3381] {strides = array<i32>} : memref<256xf32, #tpu.memory_space<vmem>>, vector<16xf32>,
        %swap3A_3383 = vector.shape_cast %swap3A_3382 : vector<16xf32> to vector<16xf32>
        %swap3A_3384 = vector.shape_cast %add3A_3380 : vector<16xf32> to vector<16xf32>
        tpu.vector_store %arg8[%swap3A_3381], %swap3A_3384 {strides = array<i32>} : memref<256xf32, #tpu.memory_space<vmem>>, vector<16xf32>,
        %get3A_3385 = arith.constant 168 : index
        %get3A_3386 = tpu.vector_load %arg8[%get3A_3385] {strides = array<i32>} : memref<256xf32, #tpu.memory_space<vmem>>, vector<16xf32>,
        %get3A_3387 = vector.shape_cast %get3A_3386 : vector<16xf32> to vector<16xf32>
        %add3A_3388 = arith.addf %add3A_3291, %get3A_3387 : vector<16xf32>
        %swap3A_3389 = arith.constant 160 : index
        %swap3A_3390 = tpu.vector_load %arg8[%swap3A_3389] {strides = array<i32>} : memref<256xf32, #tpu.memory_space<vmem>>, vector<16xf32>,
        %swap3A_3391 = vector.shape_cast %swap3A_3390 : vector<16xf32> to vector<16xf32>
        %swap3A_3392 = vector.shape_cast %add3A_3388 : vector<16xf32> to vector<16xf32>
        tpu.vector_store %arg8[%swap3A_3389], %swap3A_3392 {strides = array<i32>} : memref<256xf32, #tpu.memory_space<vmem>>, vector<16xf32>,
        %get3A_3393 = arith.constant 200 : index
        %get3A_3394 = tpu.vector_load %arg8[%get3A_3393] {strides = array<i32>} : memref<256xf32, #tpu.memory_space<vmem>>, vector<16xf32>,
        %get3A_3395 = vector.shape_cast %get3A_3394 : vector<16xf32> to vector<16xf32>
        %add3A_3396 = arith.addf %add3A_3298, %get3A_3395 : vector<16xf32>
        %swap3A_3397 = arith.constant 192 : index
        %swap3A_3398 = tpu.vector_load %arg8[%swap3A_3397] {strides = array<i32>} : memref<256xf32, #tpu.memory_space<vmem>>, vector<16xf32>,
        %swap3A_3399 = vector.shape_cast %swap3A_3398 : vector<16xf32> to vector<16xf32>
        %swap3A_3400 = vector.shape_cast %add3A_3396 : vector<16xf32> to vector<16xf32>
        tpu.vector_store %arg8[%swap3A_3397], %swap3A_3400 {strides = array<i32>} : memref<256xf32, #tpu.memory_space<vmem>>, vector<16xf32>,
        %get3A_3401 = arith.constant 232 : index
        %get3A_3402 = tpu.vector_load %arg8[%get3A_3401] {strides = array<i32>} : memref<256xf32, #tpu.memory_space<vmem>>, vector<16xf32>,
        %get3A_3403 = vector.shape_cast %get3A_3402 : vector<16xf32> to vector<16xf32>
        %add3A_3404 = arith.addf %add3A_3305, %get3A_3403 : vector<16xf32>
        %swap3A_3405 = arith.constant 224 : index
        %swap3A_3406 = tpu.vector_load %arg8[%swap3A_3405] {strides = array<i32>} : memref<256xf32, #tpu.memory_space<vmem>>, vector<16xf32>,
        %swap3A_3407 = vector.shape_cast %swap3A_3406 : vector<16xf32> to vector<16xf32>
        %swap3A_3408 = vector.shape_cast %add3A_3404 : vector<16xf32> to vector<16xf32>
        tpu.vector_store %arg8[%swap3A_3405], %swap3A_3408 {strides = array<i32>} : memref<256xf32, #tpu.memory_space<vmem>>, vector<16xf32>,
        %get3A_3409 = arith.constant 4 : index
        %get3A_3410 = tpu.vector_load %arg8[%get3A_3409] {strides = array<i32>} : memref<256xf32, #tpu.memory_space<vmem>>, vector<16xf32>,
        %get3A_3411 = vector.shape_cast %get3A_3410 : vector<16xf32> to vector<16xf32>
        %add3A_3412 = arith.addf %add3A_3348, %get3A_3411 : vector<16xf32>
        %swap3A_3413 = arith.constant 0 : index
        %swap3A_3414 = tpu.vector_load %arg8[%swap3A_3413] {strides = array<i32>} : memref<256xf32, #tpu.memory_space<vmem>>, vector<16xf32>,
        %swap3A_3415 = vector.shape_cast %swap3A_3414 : vector<16xf32> to vector<16xf32>
        %swap3A_3416 = vector.shape_cast %add3A_3412 : vector<16xf32> to vector<16xf32>
        tpu.vector_store %arg8[%swap3A_3413], %swap3A_3416 {strides = array<i32>} : memref<256xf32, #tpu.memory_space<vmem>>, vector<16xf32>,
        %get3A_3417 = arith.constant 36 : index
        %get3A_3418 = tpu.vector_load %arg8[%get3A_3417] {strides = array<i32>} : memref<256xf32, #tpu.memory_space<vmem>>, vector<16xf32>,
        %get3A_3419 = vector.shape_cast %get3A_3418 : vector<16xf32> to vector<16xf32>
        %add3A_3420 = arith.addf %add3A_3356, %get3A_3419 : vector<16xf32>
        %swap3A_3421 = arith.constant 32 : index
        %swap3A_3422 = tpu.vector_load %arg8[%swap3A_3421] {strides = array<i32>} : memref<256xf32, #tpu.memory_space<vmem>>, vector<16xf32>,
        %swap3A_3423 = vector.shape_cast %swap3A_3422 : vector<16xf32> to vector<16xf32>
        %swap3A_3424 = vector.shape_cast %add3A_3420 : vector<16xf32> to vector<16xf32>
        tpu.vector_store %arg8[%swap3A_3421], %swap3A_3424 {strides = array<i32>} : memref<256xf32, #tpu.memory_space<vmem>>, vector<16xf32>,
        %get3A_3425 = arith.constant 68 : index
        %get3A_3426 = tpu.vector_load %arg8[%get3A_3425] {strides = array<i32>} : memref<256xf32, #tpu.memory_space<vmem>>, vector<16xf32>,
        %get3A_3427 = vector.shape_cast %get3A_3426 : vector<16xf32> to vector<16xf32>
        %add3A_3428 = arith.addf %add3A_3364, %get3A_3427 : vector<16xf32>
        %swap3A_3429 = arith.constant 64 : index
        %swap3A_3430 = tpu.vector_load %arg8[%swap3A_3429] {strides = array<i32>} : memref<256xf32, #tpu.memory_space<vmem>>, vector<16xf32>,
        %swap3A_3431 = vector.shape_cast %swap3A_3430 : vector<16xf32> to vector<16xf32>
        %swap3A_3432 = vector.shape_cast %add3A_3428 : vector<16xf32> to vector<16xf32>
        tpu.vector_store %arg8[%swap3A_3429], %swap3A_3432 {strides = array<i32>} : memref<256xf32, #tpu.memory_space<vmem>>, vector<16xf32>,
        %get3A_3433 = arith.constant 100 : index
        %get3A_3434 = tpu.vector_load %arg8[%get3A_3433] {strides = array<i32>} : memref<256xf32, #tpu.memory_space<vmem>>, vector<16xf32>,
        %get3A_3435 = vector.shape_cast %get3A_3434 : vector<16xf32> to vector<16xf32>
        %add3A_3436 = arith.addf %add3A_3372, %get3A_3435 : vector<16xf32>
        %swap3A_3437 = arith.constant 96 : index
        %swap3A_3438 = tpu.vector_load %arg8[%swap3A_3437] {strides = array<i32>} : memref<256xf32, #tpu.memory_space<vmem>>, vector<16xf32>,
        %swap3A_3439 = vector.shape_cast %swap3A_3438 : vector<16xf32> to vector<16xf32>
        %swap3A_3440 = vector.shape_cast %add3A_3436 : vector<16xf32> to vector<16xf32>
        tpu.vector_store %arg8[%swap3A_3437], %swap3A_3440 {strides = array<i32>} : memref<256xf32, #tpu.memory_space<vmem>>, vector<16xf32>,
        %get3A_3441 = arith.constant 132 : index
        %get3A_3442 = tpu.vector_load %arg8[%get3A_3441] {strides = array<i32>} : memref<256xf32, #tpu.memory_space<vmem>>, vector<16xf32>,
        %get3A_3443 = vector.shape_cast %get3A_3442 : vector<16xf32> to vector<16xf32>
        %add3A_3444 = arith.addf %add3A_3380, %get3A_3443 : vector<16xf32>
        %swap3A_3445 = arith.constant 128 : index
        %swap3A_3446 = tpu.vector_load %arg8[%swap3A_3445] {strides = array<i32>} : memref<256xf32, #tpu.memory_space<vmem>>, vector<16xf32>,
        %swap3A_3447 = vector.shape_cast %swap3A_3446 : vector<16xf32> to vector<16xf32>
        %swap3A_3448 = vector.shape_cast %add3A_3444 : vector<16xf32> to vector<16xf32>
        tpu.vector_store %arg8[%swap3A_3445], %swap3A_3448 {strides = array<i32>} : memref<256xf32, #tpu.memory_space<vmem>>, vector<16xf32>,
        %get3A_3449 = arith.constant 164 : index
        %get3A_3450 = tpu.vector_load %arg8[%get3A_3449] {strides = array<i32>} : memref<256xf32, #tpu.memory_space<vmem>>, vector<16xf32>,
        %get3A_3451 = vector.shape_cast %get3A_3450 : vector<16xf32> to vector<16xf32>
        %add3A_3452 = arith.addf %add3A_3388, %get3A_3451 : vector<16xf32>
        %swap3A_3453 = arith.constant 160 : index
        %swap3A_3454 = tpu.vector_load %arg8[%swap3A_3453] {strides = array<i32>} : memref<256xf32, #tpu.memory_space<vmem>>, vector<16xf32>,
        %swap3A_3455 = vector.shape_cast %swap3A_3454 : vector<16xf32> to vector<16xf32>
        %swap3A_3456 = vector.shape_cast %add3A_3452 : vector<16xf32> to vector<16xf32>
        tpu.vector_store %arg8[%swap3A_3453], %swap3A_3456 {strides = array<i32>} : memref<256xf32, #tpu.memory_space<vmem>>, vector<16xf32>,
        %get3A_3457 = arith.constant 196 : index
        %get3A_3458 = tpu.vector_load %arg8[%get3A_3457] {strides = array<i32>} : memref<256xf32, #tpu.memory_space<vmem>>, vector<16xf32>,
        %get3A_3459 = vector.shape_cast %get3A_3458 : vector<16xf32> to vector<16xf32>
        %add3A_3460 = arith.addf %add3A_3396, %get3A_3459 : vector<16xf32>
        %swap3A_3461 = arith.constant 192 : index
        %swap3A_3462 = tpu.vector_load %arg8[%swap3A_3461] {strides = array<i32>} : memref<256xf32, #tpu.memory_space<vmem>>, vector<16xf32>,
        %swap3A_3463 = vector.shape_cast %swap3A_3462 : vector<16xf32> to vector<16xf32>
        %swap3A_3464 = vector.shape_cast %add3A_3460 : vector<16xf32> to vector<16xf32>
        tpu.vector_store %arg8[%swap3A_3461], %swap3A_3464 {strides = array<i32>} : memref<256xf32, #tpu.memory_space<vmem>>, vector<16xf32>,
        %get3A_3465 = arith.constant 228 : index
        %get3A_3466 = tpu.vector_load %arg8[%get3A_3465] {strides = array<i32>} : memref<256xf32, #tpu.memory_space<vmem>>, vector<16xf32>,
        %get3A_3467 = vector.shape_cast %get3A_3466 : vector<16xf32> to vector<16xf32>
        %add3A_3468 = arith.addf %add3A_3404, %get3A_3467 : vector<16xf32>
        %swap3A_3469 = arith.constant 224 : index
        %swap3A_3470 = tpu.vector_load %arg8[%swap3A_3469] {strides = array<i32>} : memref<256xf32, #tpu.memory_space<vmem>>, vector<16xf32>,
        %swap3A_3471 = vector.shape_cast %swap3A_3470 : vector<16xf32> to vector<16xf32>
        %swap3A_3472 = vector.shape_cast %add3A_3468 : vector<16xf32> to vector<16xf32>
        tpu.vector_store %arg8[%swap3A_3469], %swap3A_3472 {strides = array<i32>} : memref<256xf32, #tpu.memory_space<vmem>>, vector<16xf32>,
        %get3A_3473 = arith.constant 2 : index
        %get3A_3474 = tpu.vector_load %arg8[%get3A_3473] {strides = array<i32>} : memref<256xf32, #tpu.memory_space<vmem>>, vector<16xf32>,
        %get3A_3475 = vector.shape_cast %get3A_3474 : vector<16xf32> to vector<16xf32>
        %add3A_3476 = arith.addf %add3A_3412, %get3A_3475 : vector<16xf32>
        %swap3A_3477 = arith.constant 0 : index
        %swap3A_3478 = tpu.vector_load %arg8[%swap3A_3477] {strides = array<i32>} : memref<256xf32, #tpu.memory_space<vmem>>, vector<16xf32>,
        %swap3A_3479 = vector.shape_cast %swap3A_3478 : vector<16xf32> to vector<16xf32>
        %swap3A_3480 = vector.shape_cast %add3A_3476 : vector<16xf32> to vector<16xf32>
        tpu.vector_store %arg8[%swap3A_3477], %swap3A_3480 {strides = array<i32>} : memref<256xf32, #tpu.memory_space<vmem>>, vector<16xf32>,
        %get3A_3481 = arith.constant 34 : index
        %get3A_3482 = tpu.vector_load %arg8[%get3A_3481] {strides = array<i32>} : memref<256xf32, #tpu.memory_space<vmem>>, vector<16xf32>,
        %get3A_3483 = vector.shape_cast %get3A_3482 : vector<16xf32> to vector<16xf32>
        %add3A_3484 = arith.addf %add3A_3420, %get3A_3483 : vector<16xf32>
        %swap3A_3485 = arith.constant 32 : index
        %swap3A_3486 = tpu.vector_load %arg8[%swap3A_3485] {strides = array<i32>} : memref<256xf32, #tpu.memory_space<vmem>>, vector<16xf32>,
        %swap3A_3487 = vector.shape_cast %swap3A_3486 : vector<16xf32> to vector<16xf32>
        %swap3A_3488 = vector.shape_cast %add3A_3484 : vector<16xf32> to vector<16xf32>
        tpu.vector_store %arg8[%swap3A_3485], %swap3A_3488 {strides = array<i32>} : memref<256xf32, #tpu.memory_space<vmem>>, vector<16xf32>,
        %get3A_3489 = arith.constant 66 : index
        %get3A_3490 = tpu.vector_load %arg8[%get3A_3489] {strides = array<i32>} : memref<256xf32, #tpu.memory_space<vmem>>, vector<16xf32>,
        %get3A_3491 = vector.shape_cast %get3A_3490 : vector<16xf32> to vector<16xf32>
        %add3A_3492 = arith.addf %add3A_3428, %get3A_3491 : vector<16xf32>
        %swap3A_3493 = arith.constant 64 : index
        %swap3A_3494 = tpu.vector_load %arg8[%swap3A_3493] {strides = array<i32>} : memref<256xf32, #tpu.memory_space<vmem>>, vector<16xf32>,
        %swap3A_3495 = vector.shape_cast %swap3A_3494 : vector<16xf32> to vector<16xf32>
        %swap3A_3496 = vector.shape_cast %add3A_3492 : vector<16xf32> to vector<16xf32>
        tpu.vector_store %arg8[%swap3A_3493], %swap3A_3496 {strides = array<i32>} : memref<256xf32, #tpu.memory_space<vmem>>, vector<16xf32>,
        %get3A_3497 = arith.constant 98 : index
        %get3A_3498 = tpu.vector_load %arg8[%get3A_3497] {strides = array<i32>} : memref<256xf32, #tpu.memory_space<vmem>>, vector<16xf32>,
        %get3A_3499 = vector.shape_cast %get3A_3498 : vector<16xf32> to vector<16xf32>
        %add3A_3500 = arith.addf %add3A_3436, %get3A_3499 : vector<16xf32>
        %swap3A_3501 = arith.constant 96 : index
        %swap3A_3502 = tpu.vector_load %arg8[%swap3A_3501] {strides = array<i32>} : memref<256xf32, #tpu.memory_space<vmem>>, vector<16xf32>,
        %swap3A_3503 = vector.shape_cast %swap3A_3502 : vector<16xf32> to vector<16xf32>
        %swap3A_3504 = vector.shape_cast %add3A_3500 : vector<16xf32> to vector<16xf32>
        tpu.vector_store %arg8[%swap3A_3501], %swap3A_3504 {strides = array<i32>} : memref<256xf32, #tpu.memory_space<vmem>>, vector<16xf32>,
        %get3A_3505 = arith.constant 130 : index
        %get3A_3506 = tpu.vector_load %arg8[%get3A_3505] {strides = array<i32>} : memref<256xf32, #tpu.memory_space<vmem>>, vector<16xf32>,
        %get3A_3507 = vector.shape_cast %get3A_3506 : vector<16xf32> to vector<16xf32>
        %add3A_3508 = arith.addf %add3A_3444, %get3A_3507 : vector<16xf32>
        %swap3A_3509 = arith.constant 128 : index
        %swap3A_3510 = tpu.vector_load %arg8[%swap3A_3509] {strides = array<i32>} : memref<256xf32, #tpu.memory_space<vmem>>, vector<16xf32>,
        %swap3A_3511 = vector.shape_cast %swap3A_3510 : vector<16xf32> to vector<16xf32>
        %swap3A_3512 = vector.shape_cast %add3A_3508 : vector<16xf32> to vector<16xf32>
        tpu.vector_store %arg8[%swap3A_3509], %swap3A_3512 {strides = array<i32>} : memref<256xf32, #tpu.memory_space<vmem>>, vector<16xf32>,
        %get3A_3513 = arith.constant 162 : index
        %get3A_3514 = tpu.vector_load %arg8[%get3A_3513] {strides = array<i32>} : memref<256xf32, #tpu.memory_space<vmem>>, vector<16xf32>,
        %get3A_3515 = vector.shape_cast %get3A_3514 : vector<16xf32> to vector<16xf32>
        %add3A_3516 = arith.addf %add3A_3452, %get3A_3515 : vector<16xf32>
        %swap3A_3517 = arith.constant 160 : index
        %swap3A_3518 = tpu.vector_load %arg8[%swap3A_3517] {strides = array<i32>} : memref<256xf32, #tpu.memory_space<vmem>>, vector<16xf32>,
        %swap3A_3519 = vector.shape_cast %swap3A_3518 : vector<16xf32> to vector<16xf32>
        %swap3A_3520 = vector.shape_cast %add3A_3516 : vector<16xf32> to vector<16xf32>
        tpu.vector_store %arg8[%swap3A_3517], %swap3A_3520 {strides = array<i32>} : memref<256xf32, #tpu.memory_space<vmem>>, vector<16xf32>,
        %get3A_3521 = arith.constant 194 : index
        %get3A_3522 = tpu.vector_load %arg8[%get3A_3521] {strides = array<i32>} : memref<256xf32, #tpu.memory_space<vmem>>, vector<16xf32>,
        %get3A_3523 = vector.shape_cast %get3A_3522 : vector<16xf32> to vector<16xf32>
        %add3A_3524 = arith.addf %add3A_3460, %get3A_3523 : vector<16xf32>
        %swap3A_3525 = arith.constant 192 : index
        %swap3A_3526 = tpu.vector_load %arg8[%swap3A_3525] {strides = array<i32>} : memref<256xf32, #tpu.memory_space<vmem>>, vector<16xf32>,
        %swap3A_3527 = vector.shape_cast %swap3A_3526 : vector<16xf32> to vector<16xf32>
        %swap3A_3528 = vector.shape_cast %add3A_3524 : vector<16xf32> to vector<16xf32>
        tpu.vector_store %arg8[%swap3A_3525], %swap3A_3528 {strides = array<i32>} : memref<256xf32, #tpu.memory_space<vmem>>, vector<16xf32>,
        %get3A_3529 = arith.constant 226 : index
        %get3A_3530 = tpu.vector_load %arg8[%get3A_3529] {strides = array<i32>} : memref<256xf32, #tpu.memory_space<vmem>>, vector<16xf32>,
        %get3A_3531 = vector.shape_cast %get3A_3530 : vector<16xf32> to vector<16xf32>
        %add3A_3532 = arith.addf %add3A_3468, %get3A_3531 : vector<16xf32>
        %swap3A_3533 = arith.constant 224 : index
        %swap3A_3534 = tpu.vector_load %arg8[%swap3A_3533] {strides = array<i32>} : memref<256xf32, #tpu.memory_space<vmem>>, vector<16xf32>,
        %swap3A_3535 = vector.shape_cast %swap3A_3534 : vector<16xf32> to vector<16xf32>
        %swap3A_3536 = vector.shape_cast %add3A_3532 : vector<16xf32> to vector<16xf32>
        tpu.vector_store %arg8[%swap3A_3533], %swap3A_3536 {strides = array<i32>} : memref<256xf32, #tpu.memory_space<vmem>>, vector<16xf32>,
        %get3A_3537 = arith.constant 1 : index
        %get3A_3538 = tpu.vector_load %arg8[%get3A_3537] {strides = array<i32>} : memref<256xf32, #tpu.memory_space<vmem>>, vector<16xf32>,
        %get3A_3539 = vector.shape_cast %get3A_3538 : vector<16xf32> to vector<16xf32>
        %add3A_3540 = arith.addf %add3A_3476, %get3A_3539 : vector<16xf32>
        %get3A_3541 = arith.constant 33 : index
        %get3A_3542 = tpu.vector_load %arg8[%get3A_3541] {strides = array<i32>} : memref<256xf32, #tpu.memory_space<vmem>>, vector<16xf32>,
        %get3A_3543 = vector.shape_cast %get3A_3542 : vector<16xf32> to vector<16xf32>
        %add3A_3544 = arith.addf %add3A_3484, %get3A_3543 : vector<16xf32>
        %get3A_3545 = arith.constant 65 : index
        %get3A_3546 = tpu.vector_load %arg8[%get3A_3545] {strides = array<i32>} : memref<256xf32, #tpu.memory_space<vmem>>, vector<16xf32>,
        %get3A_3547 = vector.shape_cast %get3A_3546 : vector<16xf32> to vector<16xf32>
        %add3A_3548 = arith.addf %add3A_3492, %get3A_3547 : vector<16xf32>
        %get3A_3549 = arith.constant 97 : index
        %get3A_3550 = tpu.vector_load %arg8[%get3A_3549] {strides = array<i32>} : memref<256xf32, #tpu.memory_space<vmem>>, vector<16xf32>,
        %get3A_3551 = vector.shape_cast %get3A_3550 : vector<16xf32> to vector<16xf32>
        %add3A_3552 = arith.addf %add3A_3500, %get3A_3551 : vector<16xf32>
        %get3A_3553 = arith.constant 129 : index
        %get3A_3554 = tpu.vector_load %arg8[%get3A_3553] {strides = array<i32>} : memref<256xf32, #tpu.memory_space<vmem>>, vector<16xf32>,
        %get3A_3555 = vector.shape_cast %get3A_3554 : vector<16xf32> to vector<16xf32>
        %add3A_3556 = arith.addf %add3A_3508, %get3A_3555 : vector<16xf32>
        %get3A_3557 = arith.constant 161 : index
        %get3A_3558 = tpu.vector_load %arg8[%get3A_3557] {strides = array<i32>} : memref<256xf32, #tpu.memory_space<vmem>>, vector<16xf32>,
        %get3A_3559 = vector.shape_cast %get3A_3558 : vector<16xf32> to vector<16xf32>
        %add3A_3560 = arith.addf %add3A_3516, %get3A_3559 : vector<16xf32>
        %get3A_3561 = arith.constant 193 : index
        %get3A_3562 = tpu.vector_load %arg8[%get3A_3561] {strides = array<i32>} : memref<256xf32, #tpu.memory_space<vmem>>, vector<16xf32>,
        %get3A_3563 = vector.shape_cast %get3A_3562 : vector<16xf32> to vector<16xf32>
        %add3A_3564 = arith.addf %add3A_3524, %get3A_3563 : vector<16xf32>
        %get3A_3565 = arith.constant 225 : index
        %get3A_3566 = tpu.vector_load %arg8[%get3A_3565] {strides = array<i32>} : memref<256xf32, #tpu.memory_space<vmem>>, vector<16xf32>,
        %get3A_3567 = vector.shape_cast %get3A_3566 : vector<16xf32> to vector<16xf32>
        %add3A_3568 = arith.addf %add3A_3532, %get3A_3567 : vector<16xf32>
        %broadcast_in_dim3A_3569 = arith.constant 0 : i32
        %broadcast_in_dim3A_3570 = vector.broadcast %broadcast_in_dim3A_3569 : i32 to vector<16xi32>
        %gt3A = arith.cmpf ogt, %add3A_3544, %add3A_3540 : vector<16xf32>
        %select_n3A = arith.select %gt3A, %add3A_3544, %add3A_3540 : vector<16xi1>, vector<16xf32>
        %broadcast_in_dim3A_3571 = arith.constant 1 : i32
        %broadcast_in_dim3A_3572 = vector.broadcast %broadcast_in_dim3A_3571 : i32 to vector<16xi32>
        %select_n3A_3573 = arith.select %gt3A, %broadcast_in_dim3A_3572, %broadcast_in_dim3A_3570 : vector<16xi1>, vector<16xi32>
        %gt3A_3574 = arith.cmpf ogt, %add3A_3548, %select_n3A : vector<16xf32>
        %select_n3A_3575 = arith.select %gt3A_3574, %add3A_3548, %select_n3A : vector<16xi1>, vector<16xf32>
        %broadcast_in_dim3A_3576 = arith.constant 2 : i32
        %broadcast_in_dim3A_3577 = vector.broadcast %broadcast_in_dim3A_3576 : i32 to vector<16xi32>
        %select_n3A_3578 = arith.select %gt3A_3574, %broadcast_in_dim3A_3577, %select_n3A_3573 : vector<16xi1>, vector<16xi32>
        %gt3A_3579 = arith.cmpf ogt, %add3A_3552, %select_n3A_3575 : vector<16xf32>
        %select_n3A_3580 = arith.select %gt3A_3579, %add3A_3552, %select_n3A_3575 : vector<16xi1>, vector<16xf32>
        %broadcast_in_dim3A_3581 = arith.constant 3 : i32
        %broadcast_in_dim3A_3582 = vector.broadcast %broadcast_in_dim3A_3581 : i32 to vector<16xi32>
        %select_n3A_3583 = arith.select %gt3A_3579, %broadcast_in_dim3A_3582, %select_n3A_3578 : vector<16xi1>, vector<16xi32>
        %gt3A_3584 = arith.cmpf ogt, %add3A_3556, %select_n3A_3580 : vector<16xf32>
        %select_n3A_3585 = arith.select %gt3A_3584, %add3A_3556, %select_n3A_3580 : vector<16xi1>, vector<16xf32>
        %broadcast_in_dim3A_3586 = arith.constant 4 : i32
        %broadcast_in_dim3A_3587 = vector.broadcast %broadcast_in_dim3A_3586 : i32 to vector<16xi32>
        %select_n3A_3588 = arith.select %gt3A_3584, %broadcast_in_dim3A_3587, %select_n3A_3583 : vector<16xi1>, vector<16xi32>
        %gt3A_3589 = arith.cmpf ogt, %add3A_3560, %select_n3A_3585 : vector<16xf32>
        %select_n3A_3590 = arith.select %gt3A_3589, %add3A_3560, %select_n3A_3585 : vector<16xi1>, vector<16xf32>
        %broadcast_in_dim3A_3591 = arith.constant 5 : i32
        %broadcast_in_dim3A_3592 = vector.broadcast %broadcast_in_dim3A_3591 : i32 to vector<16xi32>
        %select_n3A_3593 = arith.select %gt3A_3589, %broadcast_in_dim3A_3592, %select_n3A_3588 : vector<16xi1>, vector<16xi32>
        %gt3A_3594 = arith.cmpf ogt, %add3A_3564, %select_n3A_3590 : vector<16xf32>
        %select_n3A_3595 = arith.select %gt3A_3594, %add3A_3564, %select_n3A_3590 : vector<16xi1>, vector<16xf32>
        %broadcast_in_dim3A_3596 = arith.constant 6 : i32
        %broadcast_in_dim3A_3597 = vector.broadcast %broadcast_in_dim3A_3596 : i32 to vector<16xi32>
        %select_n3A_3598 = arith.select %gt3A_3594, %broadcast_in_dim3A_3597, %select_n3A_3593 : vector<16xi1>, vector<16xi32>
        %gt3A_3599 = arith.cmpf ogt, %add3A_3568, %select_n3A_3595 : vector<16xf32>
        %select_n3A_3600 = arith.select %gt3A_3599, %add3A_3568, %select_n3A_3595 : vector<16xi1>, vector<16xf32>
        %broadcast_in_dim3A_3601 = arith.constant 7 : i32
        %broadcast_in_dim3A_3602 = vector.broadcast %broadcast_in_dim3A_3601 : i32 to vector<16xi32>
        %select_n3A_3603 = arith.select %gt3A_3599, %broadcast_in_dim3A_3602, %select_n3A_3598 : vector<16xi1>, vector<16xi32>
        %rem3A = arith.constant 16 : i32
        %rem3A_3604 = arith.remsi %add3A_3312, %rem3A : i32
        %swap3A_3605 = arith.index_cast %rem3A_3604 : i32 to index
        %swap3A_3606 = tpu.vector_load %arg9[%swap3A_3605] {strides = array<i32>} : memref<32xf32, #tpu.memory_space<vmem>>, vector<16xf32>,
        %swap3A_3607 = vector.shape_cast %swap3A_3606 : vector<16xf32> to vector<16xf32>
        %swap3A_3608 = vector.shape_cast %select_n3A_3600 : vector<16xf32> to vector<16xf32>
        tpu.vector_store %arg9[%swap3A_3605], %swap3A_3608 {strides = array<i32>} : memref<32xf32, #tpu.memory_space<vmem>>, vector<16xf32>,
        %swap3A_3609 = arith.index_cast %rem3A_3604 : i32 to index
        %swap3A_3610 = tpu.vector_load %arg10[%swap3A_3609] {strides = array<i32>} : memref<32xi32, #tpu.memory_space<vmem>>, vector<16xi32>,
        %swap3A_3611 = vector.shape_cast %swap3A_3610 : vector<16xi32> to vector<16xi32>
        %swap3A_3612 = vector.shape_cast %select_n3A_3603 : vector<16xi32> to vector<16xi32>
        tpu.vector_store %arg10[%swap3A_3609], %swap3A_3612 {strides = array<i32>} : memref<32xi32, #tpu.memory_space<vmem>>, vector<16xi32>,
        %eq3A = arith.constant 15 : i32
        %eq3A_3613 = arith.cmpi eq, %rem3A_3604, %eq3A : i32
        %convert_element_type3A = arith.extui %eq3A_3613 : i1 to i32
        %cond3A = arith.constant 0 : i32
        %cond3A_3614 = arith.cmpi ne, %convert_element_type3A, %cond3A : i32
        scf.if %cond3A_3614 {
          %get3A_3925 = arith.constant 0 : index
          %get3A_3926 = tpu.vector_load %arg9[%get3A_3925] {strides = array<i32>} : memref<32xf32, #tpu.memory_space<vmem>>, vector<16xf32>,
          %get3A_3927 = vector.shape_cast %get3A_3926 : vector<16xf32> to vector<16xf32>
          %sub3A = arith.constant 15 : i32
          %sub3A_3928 = arith.subi %add3A_3312, %sub3A : i32
          %swap3A_3929 = arith.index_cast %sub3A_3928 : i32 to index
          %swap3A_3930 = tpu.vector_load %arg11[%swap3A_3929] {strides = array<i32>} : memref<64xf32, #tpu.memory_space<vmem>>, vector<16xf32>,
          %swap3A_3931 = vector.shape_cast %swap3A_3930 : vector<16xf32> to vector<16xf32>
          %swap3A_3932 = vector.shape_cast %get3A_3927 : vector<16xf32> to vector<16xf32>
          tpu.vector_store %arg11[%swap3A_3929], %swap3A_3932 {strides = array<i32>} : memref<64xf32, #tpu.memory_space<vmem>>, vector<16xf32>,
          %get3A_3933 = arith.constant 0 : index
          %get3A_3934 = tpu.vector_load %arg10[%get3A_3933] {strides = array<i32>} : memref<32xi32, #tpu.memory_space<vmem>>, vector<16xi32>,
          %get3A_3935 = vector.shape_cast %get3A_3934 : vector<16xi32> to vector<16xi32>
          %sub3A_3936 = arith.constant 15 : i32
          %sub3A_3937 = arith.subi %add3A_3312, %sub3A_3936 : i32
          %swap3A_3938 = arith.index_cast %sub3A_3937 : i32 to index
          %swap3A_3939 = tpu.vector_load %arg12[%swap3A_3938] {strides = array<i32>} : memref<64xi32, #tpu.memory_space<vmem>>, vector<16xi32>,
          %swap3A_3940 = vector.shape_cast %swap3A_3939 : vector<16xi32> to vector<16xi32>
          %swap3A_3941 = vector.shape_cast %get3A_3935 : vector<16xi32> to vector<16xi32>
          tpu.vector_store %arg12[%swap3A_3938], %swap3A_3941 {strides = array<i32>} : memref<64xi32, #tpu.memory_space<vmem>>, vector<16xi32>,
        } else {
        }
        %add3A_3615 = arith.constant 1 : i32
        %add3A_3616 = arith.addi %add3A_3312, %add3A_3615 : i32
        %swap3A_3617 = arith.constant 0 : index
        %swap3A_3618 = tpu.vector_load %arg8[%swap3A_3617] {strides = array<i32>} : memref<256xf32, #tpu.memory_space<vmem>>, vector<16xf32>,
        %swap3A_3619 = vector.shape_cast %swap3A_3618 : vector<16xf32> to vector<16xf32>
        %swap3A_3620 = vector.shape_cast %add3A_3258 : vector<16xf32> to vector<16xf32>
        tpu.vector_store %arg8[%swap3A_3617], %swap3A_3620 {strides = array<i32>} : memref<256xf32, #tpu.memory_space<vmem>>, vector<16xf32>,
        %swap3A_3621 = arith.constant 32 : index
        %swap3A_3622 = tpu.vector_load %arg8[%swap3A_3621] {strides = array<i32>} : memref<256xf32, #tpu.memory_space<vmem>>, vector<16xf32>,
        %swap3A_3623 = vector.shape_cast %swap3A_3622 : vector<16xf32> to vector<16xf32>
        %swap3A_3624 = vector.shape_cast %add3A_3265 : vector<16xf32> to vector<16xf32>
        tpu.vector_store %arg8[%swap3A_3621], %swap3A_3624 {strides = array<i32>} : memref<256xf32, #tpu.memory_space<vmem>>, vector<16xf32>,
        %swap3A_3625 = arith.constant 64 : index
        %swap3A_3626 = tpu.vector_load %arg8[%swap3A_3625] {strides = array<i32>} : memref<256xf32, #tpu.memory_space<vmem>>, vector<16xf32>,
        %swap3A_3627 = vector.shape_cast %swap3A_3626 : vector<16xf32> to vector<16xf32>
        %swap3A_3628 = vector.shape_cast %add3A_3272 : vector<16xf32> to vector<16xf32>
        tpu.vector_store %arg8[%swap3A_3625], %swap3A_3628 {strides = array<i32>} : memref<256xf32, #tpu.memory_space<vmem>>, vector<16xf32>,
        %swap3A_3629 = arith.constant 96 : index
        %swap3A_3630 = tpu.vector_load %arg8[%swap3A_3629] {strides = array<i32>} : memref<256xf32, #tpu.memory_space<vmem>>, vector<16xf32>,
        %swap3A_3631 = vector.shape_cast %swap3A_3630 : vector<16xf32> to vector<16xf32>
        %swap3A_3632 = vector.shape_cast %add3A_3279 : vector<16xf32> to vector<16xf32>
        tpu.vector_store %arg8[%swap3A_3629], %swap3A_3632 {strides = array<i32>} : memref<256xf32, #tpu.memory_space<vmem>>, vector<16xf32>,
        %swap3A_3633 = arith.constant 128 : index
        %swap3A_3634 = tpu.vector_load %arg8[%swap3A_3633] {strides = array<i32>} : memref<256xf32, #tpu.memory_space<vmem>>, vector<16xf32>,
        %swap3A_3635 = vector.shape_cast %swap3A_3634 : vector<16xf32> to vector<16xf32>
        %swap3A_3636 = vector.shape_cast %add3A_3286 : vector<16xf32> to vector<16xf32>
        tpu.vector_store %arg8[%swap3A_3633], %swap3A_3636 {strides = array<i32>} : memref<256xf32, #tpu.memory_space<vmem>>, vector<16xf32>,
        %swap3A_3637 = arith.constant 160 : index
        %swap3A_3638 = tpu.vector_load %arg8[%swap3A_3637] {strides = array<i32>} : memref<256xf32, #tpu.memory_space<vmem>>, vector<16xf32>,
        %swap3A_3639 = vector.shape_cast %swap3A_3638 : vector<16xf32> to vector<16xf32>
        %swap3A_3640 = vector.shape_cast %add3A_3293 : vector<16xf32> to vector<16xf32>
        tpu.vector_store %arg8[%swap3A_3637], %swap3A_3640 {strides = array<i32>} : memref<256xf32, #tpu.memory_space<vmem>>, vector<16xf32>,
        %swap3A_3641 = arith.constant 192 : index
        %swap3A_3642 = tpu.vector_load %arg8[%swap3A_3641] {strides = array<i32>} : memref<256xf32, #tpu.memory_space<vmem>>, vector<16xf32>,
        %swap3A_3643 = vector.shape_cast %swap3A_3642 : vector<16xf32> to vector<16xf32>
        %swap3A_3644 = vector.shape_cast %add3A_3300 : vector<16xf32> to vector<16xf32>
        tpu.vector_store %arg8[%swap3A_3641], %swap3A_3644 {strides = array<i32>} : memref<256xf32, #tpu.memory_space<vmem>>, vector<16xf32>,
        %swap3A_3645 = arith.constant 224 : index
        %swap3A_3646 = tpu.vector_load %arg8[%swap3A_3645] {strides = array<i32>} : memref<256xf32, #tpu.memory_space<vmem>>, vector<16xf32>,
        %swap3A_3647 = vector.shape_cast %swap3A_3646 : vector<16xf32> to vector<16xf32>
        %swap3A_3648 = vector.shape_cast %add3A_3307 : vector<16xf32> to vector<16xf32>
        tpu.vector_store %arg8[%swap3A_3645], %swap3A_3648 {strides = array<i32>} : memref<256xf32, #tpu.memory_space<vmem>>, vector<16xf32>,
        %get3A_3649 = arith.constant 8 : index
        %get3A_3650 = tpu.vector_load %arg8[%get3A_3649] {strides = array<i32>} : memref<256xf32, #tpu.memory_space<vmem>>, vector<16xf32>,
        %get3A_3651 = vector.shape_cast %get3A_3650 : vector<16xf32> to vector<16xf32>
        %add3A_3652 = arith.addf %add3A_3258, %get3A_3651 : vector<16xf32>
        %swap3A_3653 = arith.constant 0 : index
        %swap3A_3654 = tpu.vector_load %arg8[%swap3A_3653] {strides = array<i32>} : memref<256xf32, #tpu.memory_space<vmem>>, vector<16xf32>,
        %swap3A_3655 = vector.shape_cast %swap3A_3654 : vector<16xf32> to vector<16xf32>
        %swap3A_3656 = vector.shape_cast %add3A_3652 : vector<16xf32> to vector<16xf32>
        tpu.vector_store %arg8[%swap3A_3653], %swap3A_3656 {strides = array<i32>} : memref<256xf32, #tpu.memory_space<vmem>>, vector<16xf32>,
        %get3A_3657 = arith.constant 40 : index
        %get3A_3658 = tpu.vector_load %arg8[%get3A_3657] {strides = array<i32>} : memref<256xf32, #tpu.memory_space<vmem>>, vector<16xf32>,
        %get3A_3659 = vector.shape_cast %get3A_3658 : vector<16xf32> to vector<16xf32>
        %add3A_3660 = arith.addf %add3A_3265, %get3A_3659 : vector<16xf32>
        %swap3A_3661 = arith.constant 32 : index
        %swap3A_3662 = tpu.vector_load %arg8[%swap3A_3661] {strides = array<i32>} : memref<256xf32, #tpu.memory_space<vmem>>, vector<16xf32>,
        %swap3A_3663 = vector.shape_cast %swap3A_3662 : vector<16xf32> to vector<16xf32>
        %swap3A_3664 = vector.shape_cast %add3A_3660 : vector<16xf32> to vector<16xf32>
        tpu.vector_store %arg8[%swap3A_3661], %swap3A_3664 {strides = array<i32>} : memref<256xf32, #tpu.memory_space<vmem>>, vector<16xf32>,
        %get3A_3665 = arith.constant 72 : index
        %get3A_3666 = tpu.vector_load %arg8[%get3A_3665] {strides = array<i32>} : memref<256xf32, #tpu.memory_space<vmem>>, vector<16xf32>,
        %get3A_3667 = vector.shape_cast %get3A_3666 : vector<16xf32> to vector<16xf32>
        %add3A_3668 = arith.addf %add3A_3272, %get3A_3667 : vector<16xf32>
        %swap3A_3669 = arith.constant 64 : index
        %swap3A_3670 = tpu.vector_load %arg8[%swap3A_3669] {strides = array<i32>} : memref<256xf32, #tpu.memory_space<vmem>>, vector<16xf32>,
        %swap3A_3671 = vector.shape_cast %swap3A_3670 : vector<16xf32> to vector<16xf32>
        %swap3A_3672 = vector.shape_cast %add3A_3668 : vector<16xf32> to vector<16xf32>
        tpu.vector_store %arg8[%swap3A_3669], %swap3A_3672 {strides = array<i32>} : memref<256xf32, #tpu.memory_space<vmem>>, vector<16xf32>,
        %get3A_3673 = arith.constant 104 : index
        %get3A_3674 = tpu.vector_load %arg8[%get3A_3673] {strides = array<i32>} : memref<256xf32, #tpu.memory_space<vmem>>, vector<16xf32>,
        %get3A_3675 = vector.shape_cast %get3A_3674 : vector<16xf32> to vector<16xf32>
        %add3A_3676 = arith.addf %add3A_3279, %get3A_3675 : vector<16xf32>
        %swap3A_3677 = arith.constant 96 : index
        %swap3A_3678 = tpu.vector_load %arg8[%swap3A_3677] {strides = array<i32>} : memref<256xf32, #tpu.memory_space<vmem>>, vector<16xf32>,
        %swap3A_3679 = vector.shape_cast %swap3A_3678 : vector<16xf32> to vector<16xf32>
        %swap3A_3680 = vector.shape_cast %add3A_3676 : vector<16xf32> to vector<16xf32>
        tpu.vector_store %arg8[%swap3A_3677], %swap3A_3680 {strides = array<i32>} : memref<256xf32, #tpu.memory_space<vmem>>, vector<16xf32>,
        %get3A_3681 = arith.constant 136 : index
        %get3A_3682 = tpu.vector_load %arg8[%get3A_3681] {strides = array<i32>} : memref<256xf32, #tpu.memory_space<vmem>>, vector<16xf32>,
        %get3A_3683 = vector.shape_cast %get3A_3682 : vector<16xf32> to vector<16xf32>
        %add3A_3684 = arith.addf %add3A_3286, %get3A_3683 : vector<16xf32>
        %swap3A_3685 = arith.constant 128 : index
        %swap3A_3686 = tpu.vector_load %arg8[%swap3A_3685] {strides = array<i32>} : memref<256xf32, #tpu.memory_space<vmem>>, vector<16xf32>,
        %swap3A_3687 = vector.shape_cast %swap3A_3686 : vector<16xf32> to vector<16xf32>
        %swap3A_3688 = vector.shape_cast %add3A_3684 : vector<16xf32> to vector<16xf32>
        tpu.vector_store %arg8[%swap3A_3685], %swap3A_3688 {strides = array<i32>} : memref<256xf32, #tpu.memory_space<vmem>>, vector<16xf32>,
        %get3A_3689 = arith.constant 168 : index
        %get3A_3690 = tpu.vector_load %arg8[%get3A_3689] {strides = array<i32>} : memref<256xf32, #tpu.memory_space<vmem>>, vector<16xf32>,
        %get3A_3691 = vector.shape_cast %get3A_3690 : vector<16xf32> to vector<16xf32>
        %add3A_3692 = arith.addf %add3A_3293, %get3A_3691 : vector<16xf32>
        %swap3A_3693 = arith.constant 160 : index
        %swap3A_3694 = tpu.vector_load %arg8[%swap3A_3693] {strides = array<i32>} : memref<256xf32, #tpu.memory_space<vmem>>, vector<16xf32>,
        %swap3A_3695 = vector.shape_cast %swap3A_3694 : vector<16xf32> to vector<16xf32>
        %swap3A_3696 = vector.shape_cast %add3A_3692 : vector<16xf32> to vector<16xf32>
        tpu.vector_store %arg8[%swap3A_3693], %swap3A_3696 {strides = array<i32>} : memref<256xf32, #tpu.memory_space<vmem>>, vector<16xf32>,
        %get3A_3697 = arith.constant 200 : index
        %get3A_3698 = tpu.vector_load %arg8[%get3A_3697] {strides = array<i32>} : memref<256xf32, #tpu.memory_space<vmem>>, vector<16xf32>,
        %get3A_3699 = vector.shape_cast %get3A_3698 : vector<16xf32> to vector<16xf32>
        %add3A_3700 = arith.addf %add3A_3300, %get3A_3699 : vector<16xf32>
        %swap3A_3701 = arith.constant 192 : index
        %swap3A_3702 = tpu.vector_load %arg8[%swap3A_3701] {strides = array<i32>} : memref<256xf32, #tpu.memory_space<vmem>>, vector<16xf32>,
        %swap3A_3703 = vector.shape_cast %swap3A_3702 : vector<16xf32> to vector<16xf32>
        %swap3A_3704 = vector.shape_cast %add3A_3700 : vector<16xf32> to vector<16xf32>
        tpu.vector_store %arg8[%swap3A_3701], %swap3A_3704 {strides = array<i32>} : memref<256xf32, #tpu.memory_space<vmem>>, vector<16xf32>,
        %get3A_3705 = arith.constant 232 : index
        %get3A_3706 = tpu.vector_load %arg8[%get3A_3705] {strides = array<i32>} : memref<256xf32, #tpu.memory_space<vmem>>, vector<16xf32>,
        %get3A_3707 = vector.shape_cast %get3A_3706 : vector<16xf32> to vector<16xf32>
        %add3A_3708 = arith.addf %add3A_3307, %get3A_3707 : vector<16xf32>
        %swap3A_3709 = arith.constant 224 : index
        %swap3A_3710 = tpu.vector_load %arg8[%swap3A_3709] {strides = array<i32>} : memref<256xf32, #tpu.memory_space<vmem>>, vector<16xf32>,
        %swap3A_3711 = vector.shape_cast %swap3A_3710 : vector<16xf32> to vector<16xf32>
        %swap3A_3712 = vector.shape_cast %add3A_3708 : vector<16xf32> to vector<16xf32>
        tpu.vector_store %arg8[%swap3A_3709], %swap3A_3712 {strides = array<i32>} : memref<256xf32, #tpu.memory_space<vmem>>, vector<16xf32>,
        %get3A_3713 = arith.constant 4 : index
        %get3A_3714 = tpu.vector_load %arg8[%get3A_3713] {strides = array<i32>} : memref<256xf32, #tpu.memory_space<vmem>>, vector<16xf32>,
        %get3A_3715 = vector.shape_cast %get3A_3714 : vector<16xf32> to vector<16xf32>
        %add3A_3716 = arith.addf %add3A_3652, %get3A_3715 : vector<16xf32>
        %swap3A_3717 = arith.constant 0 : index
        %swap3A_3718 = tpu.vector_load %arg8[%swap3A_3717] {strides = array<i32>} : memref<256xf32, #tpu.memory_space<vmem>>, vector<16xf32>,
        %swap3A_3719 = vector.shape_cast %swap3A_3718 : vector<16xf32> to vector<16xf32>
        %swap3A_3720 = vector.shape_cast %add3A_3716 : vector<16xf32> to vector<16xf32>
        tpu.vector_store %arg8[%swap3A_3717], %swap3A_3720 {strides = array<i32>} : memref<256xf32, #tpu.memory_space<vmem>>, vector<16xf32>,
        %get3A_3721 = arith.constant 36 : index
        %get3A_3722 = tpu.vector_load %arg8[%get3A_3721] {strides = array<i32>} : memref<256xf32, #tpu.memory_space<vmem>>, vector<16xf32>,
        %get3A_3723 = vector.shape_cast %get3A_3722 : vector<16xf32> to vector<16xf32>
        %add3A_3724 = arith.addf %add3A_3660, %get3A_3723 : vector<16xf32>
        %swap3A_3725 = arith.constant 32 : index
        %swap3A_3726 = tpu.vector_load %arg8[%swap3A_3725] {strides = array<i32>} : memref<256xf32, #tpu.memory_space<vmem>>, vector<16xf32>,
        %swap3A_3727 = vector.shape_cast %swap3A_3726 : vector<16xf32> to vector<16xf32>
        %swap3A_3728 = vector.shape_cast %add3A_3724 : vector<16xf32> to vector<16xf32>
        tpu.vector_store %arg8[%swap3A_3725], %swap3A_3728 {strides = array<i32>} : memref<256xf32, #tpu.memory_space<vmem>>, vector<16xf32>,
        %get3A_3729 = arith.constant 68 : index
        %get3A_3730 = tpu.vector_load %arg8[%get3A_3729] {strides = array<i32>} : memref<256xf32, #tpu.memory_space<vmem>>, vector<16xf32>,
        %get3A_3731 = vector.shape_cast %get3A_3730 : vector<16xf32> to vector<16xf32>
        %add3A_3732 = arith.addf %add3A_3668, %get3A_3731 : vector<16xf32>
        %swap3A_3733 = arith.constant 64 : index
        %swap3A_3734 = tpu.vector_load %arg8[%swap3A_3733] {strides = array<i32>} : memref<256xf32, #tpu.memory_space<vmem>>, vector<16xf32>,
        %swap3A_3735 = vector.shape_cast %swap3A_3734 : vector<16xf32> to vector<16xf32>
        %swap3A_3736 = vector.shape_cast %add3A_3732 : vector<16xf32> to vector<16xf32>
        tpu.vector_store %arg8[%swap3A_3733], %swap3A_3736 {strides = array<i32>} : memref<256xf32, #tpu.memory_space<vmem>>, vector<16xf32>,
        %get3A_3737 = arith.constant 100 : index
        %get3A_3738 = tpu.vector_load %arg8[%get3A_3737] {strides = array<i32>} : memref<256xf32, #tpu.memory_space<vmem>>, vector<16xf32>,
        %get3A_3739 = vector.shape_cast %get3A_3738 : vector<16xf32> to vector<16xf32>
        %add3A_3740 = arith.addf %add3A_3676, %get3A_3739 : vector<16xf32>
        %swap3A_3741 = arith.constant 96 : index
        %swap3A_3742 = tpu.vector_load %arg8[%swap3A_3741] {strides = array<i32>} : memref<256xf32, #tpu.memory_space<vmem>>, vector<16xf32>,
        %swap3A_3743 = vector.shape_cast %swap3A_3742 : vector<16xf32> to vector<16xf32>
        %swap3A_3744 = vector.shape_cast %add3A_3740 : vector<16xf32> to vector<16xf32>
        tpu.vector_store %arg8[%swap3A_3741], %swap3A_3744 {strides = array<i32>} : memref<256xf32, #tpu.memory_space<vmem>>, vector<16xf32>,
        %get3A_3745 = arith.constant 132 : index
        %get3A_3746 = tpu.vector_load %arg8[%get3A_3745] {strides = array<i32>} : memref<256xf32, #tpu.memory_space<vmem>>, vector<16xf32>,
        %get3A_3747 = vector.shape_cast %get3A_3746 : vector<16xf32> to vector<16xf32>
        %add3A_3748 = arith.addf %add3A_3684, %get3A_3747 : vector<16xf32>
        %swap3A_3749 = arith.constant 128 : index
        %swap3A_3750 = tpu.vector_load %arg8[%swap3A_3749] {strides = array<i32>} : memref<256xf32, #tpu.memory_space<vmem>>, vector<16xf32>,
        %swap3A_3751 = vector.shape_cast %swap3A_3750 : vector<16xf32> to vector<16xf32>
        %swap3A_3752 = vector.shape_cast %add3A_3748 : vector<16xf32> to vector<16xf32>
        tpu.vector_store %arg8[%swap3A_3749], %swap3A_3752 {strides = array<i32>} : memref<256xf32, #tpu.memory_space<vmem>>, vector<16xf32>,
        %get3A_3753 = arith.constant 164 : index
        %get3A_3754 = tpu.vector_load %arg8[%get3A_3753] {strides = array<i32>} : memref<256xf32, #tpu.memory_space<vmem>>, vector<16xf32>,
        %get3A_3755 = vector.shape_cast %get3A_3754 : vector<16xf32> to vector<16xf32>
        %add3A_3756 = arith.addf %add3A_3692, %get3A_3755 : vector<16xf32>
        %swap3A_3757 = arith.constant 160 : index
        %swap3A_3758 = tpu.vector_load %arg8[%swap3A_3757] {strides = array<i32>} : memref<256xf32, #tpu.memory_space<vmem>>, vector<16xf32>,
        %swap3A_3759 = vector.shape_cast %swap3A_3758 : vector<16xf32> to vector<16xf32>
        %swap3A_3760 = vector.shape_cast %add3A_3756 : vector<16xf32> to vector<16xf32>
        tpu.vector_store %arg8[%swap3A_3757], %swap3A_3760 {strides = array<i32>} : memref<256xf32, #tpu.memory_space<vmem>>, vector<16xf32>,
        %get3A_3761 = arith.constant 196 : index
        %get3A_3762 = tpu.vector_load %arg8[%get3A_3761] {strides = array<i32>} : memref<256xf32, #tpu.memory_space<vmem>>, vector<16xf32>,
        %get3A_3763 = vector.shape_cast %get3A_3762 : vector<16xf32> to vector<16xf32>
        %add3A_3764 = arith.addf %add3A_3700, %get3A_3763 : vector<16xf32>
        %swap3A_3765 = arith.constant 192 : index
        %swap3A_3766 = tpu.vector_load %arg8[%swap3A_3765] {strides = array<i32>} : memref<256xf32, #tpu.memory_space<vmem>>, vector<16xf32>,
        %swap3A_3767 = vector.shape_cast %swap3A_3766 : vector<16xf32> to vector<16xf32>
        %swap3A_3768 = vector.shape_cast %add3A_3764 : vector<16xf32> to vector<16xf32>
        tpu.vector_store %arg8[%swap3A_3765], %swap3A_3768 {strides = array<i32>} : memref<256xf32, #tpu.memory_space<vmem>>, vector<16xf32>,
        %get3A_3769 = arith.constant 228 : index
        %get3A_3770 = tpu.vector_load %arg8[%get3A_3769] {strides = array<i32>} : memref<256xf32, #tpu.memory_space<vmem>>, vector<16xf32>,
        %get3A_3771 = vector.shape_cast %get3A_3770 : vector<16xf32> to vector<16xf32>
        %add3A_3772 = arith.addf %add3A_3708, %get3A_3771 : vector<16xf32>
        %swap3A_3773 = arith.constant 224 : index
        %swap3A_3774 = tpu.vector_load %arg8[%swap3A_3773] {strides = array<i32>} : memref<256xf32, #tpu.memory_space<vmem>>, vector<16xf32>,
        %swap3A_3775 = vector.shape_cast %swap3A_3774 : vector<16xf32> to vector<16xf32>
        %swap3A_3776 = vector.shape_cast %add3A_3772 : vector<16xf32> to vector<16xf32>
        tpu.vector_store %arg8[%swap3A_3773], %swap3A_3776 {strides = array<i32>} : memref<256xf32, #tpu.memory_space<vmem>>, vector<16xf32>,
        %get3A_3777 = arith.constant 2 : index
        %get3A_3778 = tpu.vector_load %arg8[%get3A_3777] {strides = array<i32>} : memref<256xf32, #tpu.memory_space<vmem>>, vector<16xf32>,
        %get3A_3779 = vector.shape_cast %get3A_3778 : vector<16xf32> to vector<16xf32>
        %add3A_3780 = arith.addf %add3A_3716, %get3A_3779 : vector<16xf32>
        %swap3A_3781 = arith.constant 0 : index
        %swap3A_3782 = tpu.vector_load %arg8[%swap3A_3781] {strides = array<i32>} : memref<256xf32, #tpu.memory_space<vmem>>, vector<16xf32>,
        %swap3A_3783 = vector.shape_cast %swap3A_3782 : vector<16xf32> to vector<16xf32>
        %swap3A_3784 = vector.shape_cast %add3A_3780 : vector<16xf32> to vector<16xf32>
        tpu.vector_store %arg8[%swap3A_3781], %swap3A_3784 {strides = array<i32>} : memref<256xf32, #tpu.memory_space<vmem>>, vector<16xf32>,
        %get3A_3785 = arith.constant 34 : index
        %get3A_3786 = tpu.vector_load %arg8[%get3A_3785] {strides = array<i32>} : memref<256xf32, #tpu.memory_space<vmem>>, vector<16xf32>,
        %get3A_3787 = vector.shape_cast %get3A_3786 : vector<16xf32> to vector<16xf32>
        %add3A_3788 = arith.addf %add3A_3724, %get3A_3787 : vector<16xf32>
        %swap3A_3789 = arith.constant 32 : index
        %swap3A_3790 = tpu.vector_load %arg8[%swap3A_3789] {strides = array<i32>} : memref<256xf32, #tpu.memory_space<vmem>>, vector<16xf32>,
        %swap3A_3791 = vector.shape_cast %swap3A_3790 : vector<16xf32> to vector<16xf32>
        %swap3A_3792 = vector.shape_cast %add3A_3788 : vector<16xf32> to vector<16xf32>
        tpu.vector_store %arg8[%swap3A_3789], %swap3A_3792 {strides = array<i32>} : memref<256xf32, #tpu.memory_space<vmem>>, vector<16xf32>,
        %get3A_3793 = arith.constant 66 : index
        %get3A_3794 = tpu.vector_load %arg8[%get3A_3793] {strides = array<i32>} : memref<256xf32, #tpu.memory_space<vmem>>, vector<16xf32>,
        %get3A_3795 = vector.shape_cast %get3A_3794 : vector<16xf32> to vector<16xf32>
        %add3A_3796 = arith.addf %add3A_3732, %get3A_3795 : vector<16xf32>
        %swap3A_3797 = arith.constant 64 : index
        %swap3A_3798 = tpu.vector_load %arg8[%swap3A_3797] {strides = array<i32>} : memref<256xf32, #tpu.memory_space<vmem>>, vector<16xf32>,
        %swap3A_3799 = vector.shape_cast %swap3A_3798 : vector<16xf32> to vector<16xf32>
        %swap3A_3800 = vector.shape_cast %add3A_3796 : vector<16xf32> to vector<16xf32>
        tpu.vector_store %arg8[%swap3A_3797], %swap3A_3800 {strides = array<i32>} : memref<256xf32, #tpu.memory_space<vmem>>, vector<16xf32>,
        %get3A_3801 = arith.constant 98 : index
        %get3A_3802 = tpu.vector_load %arg8[%get3A_3801] {strides = array<i32>} : memref<256xf32, #tpu.memory_space<vmem>>, vector<16xf32>,
        %get3A_3803 = vector.shape_cast %get3A_3802 : vector<16xf32> to vector<16xf32>
        %add3A_3804 = arith.addf %add3A_3740, %get3A_3803 : vector<16xf32>
        %swap3A_3805 = arith.constant 96 : index
        %swap3A_3806 = tpu.vector_load %arg8[%swap3A_3805] {strides = array<i32>} : memref<256xf32, #tpu.memory_space<vmem>>, vector<16xf32>,
        %swap3A_3807 = vector.shape_cast %swap3A_3806 : vector<16xf32> to vector<16xf32>
        %swap3A_3808 = vector.shape_cast %add3A_3804 : vector<16xf32> to vector<16xf32>
        tpu.vector_store %arg8[%swap3A_3805], %swap3A_3808 {strides = array<i32>} : memref<256xf32, #tpu.memory_space<vmem>>, vector<16xf32>,
        %get3A_3809 = arith.constant 130 : index
        %get3A_3810 = tpu.vector_load %arg8[%get3A_3809] {strides = array<i32>} : memref<256xf32, #tpu.memory_space<vmem>>, vector<16xf32>,
        %get3A_3811 = vector.shape_cast %get3A_3810 : vector<16xf32> to vector<16xf32>
        %add3A_3812 = arith.addf %add3A_3748, %get3A_3811 : vector<16xf32>
        %swap3A_3813 = arith.constant 128 : index
        %swap3A_3814 = tpu.vector_load %arg8[%swap3A_3813] {strides = array<i32>} : memref<256xf32, #tpu.memory_space<vmem>>, vector<16xf32>,
        %swap3A_3815 = vector.shape_cast %swap3A_3814 : vector<16xf32> to vector<16xf32>
        %swap3A_3816 = vector.shape_cast %add3A_3812 : vector<16xf32> to vector<16xf32>
        tpu.vector_store %arg8[%swap3A_3813], %swap3A_3816 {strides = array<i32>} : memref<256xf32, #tpu.memory_space<vmem>>, vector<16xf32>,
        %get3A_3817 = arith.constant 162 : index
        %get3A_3818 = tpu.vector_load %arg8[%get3A_3817] {strides = array<i32>} : memref<256xf32, #tpu.memory_space<vmem>>, vector<16xf32>,
        %get3A_3819 = vector.shape_cast %get3A_3818 : vector<16xf32> to vector<16xf32>
        %add3A_3820 = arith.addf %add3A_3756, %get3A_3819 : vector<16xf32>
        %swap3A_3821 = arith.constant 160 : index
        %swap3A_3822 = tpu.vector_load %arg8[%swap3A_3821] {strides = array<i32>} : memref<256xf32, #tpu.memory_space<vmem>>, vector<16xf32>,
        %swap3A_3823 = vector.shape_cast %swap3A_3822 : vector<16xf32> to vector<16xf32>
        %swap3A_3824 = vector.shape_cast %add3A_3820 : vector<16xf32> to vector<16xf32>
        tpu.vector_store %arg8[%swap3A_3821], %swap3A_3824 {strides = array<i32>} : memref<256xf32, #tpu.memory_space<vmem>>, vector<16xf32>,
        %get3A_3825 = arith.constant 194 : index
        %get3A_3826 = tpu.vector_load %arg8[%get3A_3825] {strides = array<i32>} : memref<256xf32, #tpu.memory_space<vmem>>, vector<16xf32>,
        %get3A_3827 = vector.shape_cast %get3A_3826 : vector<16xf32> to vector<16xf32>
        %add3A_3828 = arith.addf %add3A_3764, %get3A_3827 : vector<16xf32>
        %swap3A_3829 = arith.constant 192 : index
        %swap3A_3830 = tpu.vector_load %arg8[%swap3A_3829] {strides = array<i32>} : memref<256xf32, #tpu.memory_space<vmem>>, vector<16xf32>,
        %swap3A_3831 = vector.shape_cast %swap3A_3830 : vector<16xf32> to vector<16xf32>
        %swap3A_3832 = vector.shape_cast %add3A_3828 : vector<16xf32> to vector<16xf32>
        tpu.vector_store %arg8[%swap3A_3829], %swap3A_3832 {strides = array<i32>} : memref<256xf32, #tpu.memory_space<vmem>>, vector<16xf32>,
        %get3A_3833 = arith.constant 226 : index
        %get3A_3834 = tpu.vector_load %arg8[%get3A_3833] {strides = array<i32>} : memref<256xf32, #tpu.memory_space<vmem>>, vector<16xf32>,
        %get3A_3835 = vector.shape_cast %get3A_3834 : vector<16xf32> to vector<16xf32>
        %add3A_3836 = arith.addf %add3A_3772, %get3A_3835 : vector<16xf32>
        %swap3A_3837 = arith.constant 224 : index
        %swap3A_3838 = tpu.vector_load %arg8[%swap3A_3837] {strides = array<i32>} : memref<256xf32, #tpu.memory_space<vmem>>, vector<16xf32>,
        %swap3A_3839 = vector.shape_cast %swap3A_3838 : vector<16xf32> to vector<16xf32>
        %swap3A_3840 = vector.shape_cast %add3A_3836 : vector<16xf32> to vector<16xf32>
        tpu.vector_store %arg8[%swap3A_3837], %swap3A_3840 {strides = array<i32>} : memref<256xf32, #tpu.memory_space<vmem>>, vector<16xf32>,
        %get3A_3841 = arith.constant 1 : index
        %get3A_3842 = tpu.vector_load %arg8[%get3A_3841] {strides = array<i32>} : memref<256xf32, #tpu.memory_space<vmem>>, vector<16xf32>,
        %get3A_3843 = vector.shape_cast %get3A_3842 : vector<16xf32> to vector<16xf32>
        %add3A_3844 = arith.addf %add3A_3780, %get3A_3843 : vector<16xf32>
        %get3A_3845 = arith.constant 33 : index
        %get3A_3846 = tpu.vector_load %arg8[%get3A_3845] {strides = array<i32>} : memref<256xf32, #tpu.memory_space<vmem>>, vector<16xf32>,
        %get3A_3847 = vector.shape_cast %get3A_3846 : vector<16xf32> to vector<16xf32>
        %add3A_3848 = arith.addf %add3A_3788, %get3A_3847 : vector<16xf32>
        %get3A_3849 = arith.constant 65 : index
        %get3A_3850 = tpu.vector_load %arg8[%get3A_3849] {strides = array<i32>} : memref<256xf32, #tpu.memory_space<vmem>>, vector<16xf32>,
        %get3A_3851 = vector.shape_cast %get3A_3850 : vector<16xf32> to vector<16xf32>
        %add3A_3852 = arith.addf %add3A_3796, %get3A_3851 : vector<16xf32>
        %get3A_3853 = arith.constant 97 : index
        %get3A_3854 = tpu.vector_load %arg8[%get3A_3853] {strides = array<i32>} : memref<256xf32, #tpu.memory_space<vmem>>, vector<16xf32>,
        %get3A_3855 = vector.shape_cast %get3A_3854 : vector<16xf32> to vector<16xf32>
        %add3A_3856 = arith.addf %add3A_3804, %get3A_3855 : vector<16xf32>
        %get3A_3857 = arith.constant 129 : index
        %get3A_3858 = tpu.vector_load %arg8[%get3A_3857] {strides = array<i32>} : memref<256xf32, #tpu.memory_space<vmem>>, vector<16xf32>,
        %get3A_3859 = vector.shape_cast %get3A_3858 : vector<16xf32> to vector<16xf32>
        %add3A_3860 = arith.addf %add3A_3812, %get3A_3859 : vector<16xf32>
        %get3A_3861 = arith.constant 161 : index
        %get3A_3862 = tpu.vector_load %arg8[%get3A_3861] {strides = array<i32>} : memref<256xf32, #tpu.memory_space<vmem>>, vector<16xf32>,
        %get3A_3863 = vector.shape_cast %get3A_3862 : vector<16xf32> to vector<16xf32>
        %add3A_3864 = arith.addf %add3A_3820, %get3A_3863 : vector<16xf32>
        %get3A_3865 = arith.constant 193 : index
        %get3A_3866 = tpu.vector_load %arg8[%get3A_3865] {strides = array<i32>} : memref<256xf32, #tpu.memory_space<vmem>>, vector<16xf32>,
        %get3A_3867 = vector.shape_cast %get3A_3866 : vector<16xf32> to vector<16xf32>
        %add3A_3868 = arith.addf %add3A_3828, %get3A_3867 : vector<16xf32>
        %get3A_3869 = arith.constant 225 : index
        %get3A_3870 = tpu.vector_load %arg8[%get3A_3869] {strides = array<i32>} : memref<256xf32, #tpu.memory_space<vmem>>, vector<16xf32>,
        %get3A_3871 = vector.shape_cast %get3A_3870 : vector<16xf32> to vector<16xf32>
        %add3A_3872 = arith.addf %add3A_3836, %get3A_3871 : vector<16xf32>
        %broadcast_in_dim3A_3873 = arith.constant 0 : i32
        %broadcast_in_dim3A_3874 = vector.broadcast %broadcast_in_dim3A_3873 : i32 to vector<16xi32>
        %gt3A_3875 = arith.cmpf ogt, %add3A_3848, %add3A_3844 : vector<16xf32>
        %select_n3A_3876 = arith.select %gt3A_3875, %add3A_3848, %add3A_3844 : vector<16xi1>, vector<16xf32>
        %broadcast_in_dim3A_3877 = arith.constant 1 : i32
        %broadcast_in_dim3A_3878 = vector.broadcast %broadcast_in_dim3A_3877 : i32 to vector<16xi32>
        %select_n3A_3879 = arith.select %gt3A_3875, %broadcast_in_dim3A_3878, %broadcast_in_dim3A_3874 : vector<16xi1>, vector<16xi32>
        %gt3A_3880 = arith.cmpf ogt, %add3A_3852, %select_n3A_3876 : vector<16xf32>
        %select_n3A_3881 = arith.select %gt3A_3880, %add3A_3852, %select_n3A_3876 : vector<16xi1>, vector<16xf32>
        %broadcast_in_dim3A_3882 = arith.constant 2 : i32
        %broadcast_in_dim3A_3883 = vector.broadcast %broadcast_in_dim3A_3882 : i32 to vector<16xi32>
        %select_n3A_3884 = arith.select %gt3A_3880, %broadcast_in_dim3A_3883, %select_n3A_3879 : vector<16xi1>, vector<16xi32>
        %gt3A_3885 = arith.cmpf ogt, %add3A_3856, %select_n3A_3881 : vector<16xf32>
        %select_n3A_3886 = arith.select %gt3A_3885, %add3A_3856, %select_n3A_3881 : vector<16xi1>, vector<16xf32>
        %broadcast_in_dim3A_3887 = arith.constant 3 : i32
        %broadcast_in_dim3A_3888 = vector.broadcast %broadcast_in_dim3A_3887 : i32 to vector<16xi32>
        %select_n3A_3889 = arith.select %gt3A_3885, %broadcast_in_dim3A_3888, %select_n3A_3884 : vector<16xi1>, vector<16xi32>
        %gt3A_3890 = arith.cmpf ogt, %add3A_3860, %select_n3A_3886 : vector<16xf32>
        %select_n3A_3891 = arith.select %gt3A_3890, %add3A_3860, %select_n3A_3886 : vector<16xi1>, vector<16xf32>
        %broadcast_in_dim3A_3892 = arith.constant 4 : i32
        %broadcast_in_dim3A_3893 = vector.broadcast %broadcast_in_dim3A_3892 : i32 to vector<16xi32>
        %select_n3A_3894 = arith.select %gt3A_3890, %broadcast_in_dim3A_3893, %select_n3A_3889 : vector<16xi1>, vector<16xi32>
        %gt3A_3895 = arith.cmpf ogt, %add3A_3864, %select_n3A_3891 : vector<16xf32>
        %select_n3A_3896 = arith.select %gt3A_3895, %add3A_3864, %select_n3A_3891 : vector<16xi1>, vector<16xf32>
        %broadcast_in_dim3A_3897 = arith.constant 5 : i32
        %broadcast_in_dim3A_3898 = vector.broadcast %broadcast_in_dim3A_3897 : i32 to vector<16xi32>
        %select_n3A_3899 = arith.select %gt3A_3895, %broadcast_in_dim3A_3898, %select_n3A_3894 : vector<16xi1>, vector<16xi32>
        %gt3A_3900 = arith.cmpf ogt, %add3A_3868, %select_n3A_3896 : vector<16xf32>
        %select_n3A_3901 = arith.select %gt3A_3900, %add3A_3868, %select_n3A_3896 : vector<16xi1>, vector<16xf32>
        %broadcast_in_dim3A_3902 = arith.constant 6 : i32
        %broadcast_in_dim3A_3903 = vector.broadcast %broadcast_in_dim3A_3902 : i32 to vector<16xi32>
        %select_n3A_3904 = arith.select %gt3A_3900, %broadcast_in_dim3A_3903, %select_n3A_3899 : vector<16xi1>, vector<16xi32>
        %gt3A_3905 = arith.cmpf ogt, %add3A_3872, %select_n3A_3901 : vector<16xf32>
        %select_n3A_3906 = arith.select %gt3A_3905, %add3A_3872, %select_n3A_3901 : vector<16xi1>, vector<16xf32>
        %broadcast_in_dim3A_3907 = arith.constant 7 : i32
        %broadcast_in_dim3A_3908 = vector.broadcast %broadcast_in_dim3A_3907 : i32 to vector<16xi32>
        %select_n3A_3909 = arith.select %gt3A_3905, %broadcast_in_dim3A_3908, %select_n3A_3904 : vector<16xi1>, vector<16xi32>
        %rem3A_3910 = arith.constant 16 : i32
        %rem3A_3911 = arith.remsi %add3A_3616, %rem3A_3910 : i32
        %swap3A_3912 = arith.index_cast %rem3A_3911 : i32 to index
        %swap3A_3913 = tpu.vector_load %arg9[%swap3A_3912] {strides = array<i32>} : memref<32xf32, #tpu.memory_space<vmem>>, vector<16xf32>,
        %swap3A_3914 = vector.shape_cast %swap3A_3913 : vector<16xf32> to vector<16xf32>
        %swap3A_3915 = vector.shape_cast %select_n3A_3906 : vector<16xf32> to vector<16xf32>
        tpu.vector_store %arg9[%swap3A_3912], %swap3A_3915 {strides = array<i32>} : memref<32xf32, #tpu.memory_space<vmem>>, vector<16xf32>,
        %swap3A_3916 = arith.index_cast %rem3A_3911 : i32 to index
        %swap3A_3917 = tpu.vector_load %arg10[%swap3A_3916] {strides = array<i32>} : memref<32xi32, #tpu.memory_space<vmem>>, vector<16xi32>,
        %swap3A_3918 = vector.shape_cast %swap3A_3917 : vector<16xi32> to vector<16xi32>
        %swap3A_3919 = vector.shape_cast %select_n3A_3909 : vector<16xi32> to vector<16xi32>
        tpu.vector_store %arg10[%swap3A_3916], %swap3A_3919 {strides = array<i32>} : memref<32xi32, #tpu.memory_space<vmem>>, vector<16xi32>,
        %eq3A_3920 = arith.constant 15 : i32
        %eq3A_3921 = arith.cmpi eq, %rem3A_3911, %eq3A_3920 : i32
        %convert_element_type3A_3922 = arith.extui %eq3A_3921 : i1 to i32
        %cond3A_3923 = arith.constant 0 : i32
        %cond3A_3924 = arith.cmpi ne, %convert_element_type3A_3922, %cond3A_3923 : i32
        scf.if %cond3A_3924 {
          %get3A_3925 = arith.constant 0 : index
          %get3A_3926 = tpu.vector_load %arg9[%get3A_3925] {strides = array<i32>} : memref<32xf32, #tpu.memory_space<vmem>>, vector<16xf32>,
          %get3A_3927 = vector.shape_cast %get3A_3926 : vector<16xf32> to vector<16xf32>
          %sub3A = arith.constant 15 : i32
          %sub3A_3928 = arith.subi %add3A_3616, %sub3A : i32
          %swap3A_3929 = arith.index_cast %sub3A_3928 : i32 to index
          %swap3A_3930 = tpu.vector_load %arg11[%swap3A_3929] {strides = array<i32>} : memref<64xf32, #tpu.memory_space<vmem>>, vector<16xf32>,
          %swap3A_3931 = vector.shape_cast %swap3A_3930 : vector<16xf32> to vector<16xf32>
          %swap3A_3932 = vector.shape_cast %get3A_3927 : vector<16xf32> to vector<16xf32>
          tpu.vector_store %arg11[%swap3A_3929], %swap3A_3932 {strides = array<i32>} : memref<64xf32, #tpu.memory_space<vmem>>, vector<16xf32>,
          %get3A_3933 = arith.constant 0 : index
          %get3A_3934 = tpu.vector_load %arg10[%get3A_3933] {strides = array<i32>} : memref<32xi32, #tpu.memory_space<vmem>>, vector<16xi32>,
          %get3A_3935 = vector.shape_cast %get3A_3934 : vector<16xi32> to vector<16xi32>
          %sub3A_3936 = arith.constant 15 : i32
          %sub3A_3937 = arith.subi %add3A_3616, %sub3A_3936 : i32
          %swap3A_3938 = arith.index_cast %sub3A_3937 : i32 to index
          %swap3A_3939 = tpu.vector_load %arg12[%swap3A_3938] {strides = array<i32>} : memref<64xi32, #tpu.memory_space<vmem>>, vector<16xi32>,
          %swap3A_3940 = vector.shape_cast %swap3A_3939 : vector<16xi32> to vector<16xi32>
          %swap3A_3941 = vector.shape_cast %get3A_3935 : vector<16xi32> to vector<16xi32>
          tpu.vector_store %arg12[%swap3A_3938], %swap3A_3941 {strides = array<i32>} : memref<64xi32, #tpu.memory_space<vmem>>, vector<16xi32>,
        } else {
        }
      }
      %scan3A_101 = arith.constant 16 : i32
    }
    %scan3A_79 = arith.constant 2 : i32
    %mul3A_80 = arith.constant 64 : i32
    %mul3A_81 = arith.muli %add3A, %mul3A_80 : i32
    "tpu.region"() ({
      %run_scoped3A = tpu.sem_alloc : memref<!tpu.dma_semaphore, #tpu.memory_space<semaphore_mem>>
      %dma_start3A = tpu.memref_slice %arg4[%mul3A_81] : memref<2048xf32, #tpu.memory_space<hbm>> -> memref<64xf32, #tpu.memory_space<hbm>>
      %dma_start3A_84 = tpu.memref_slice %arg4[%mul3A_81] : memref<2048xf32, #tpu.memory_space<hbm>> -> memref<64xf32, #tpu.memory_space<hbm>>
      tpu.enqueue_dma source(%arg11 : memref<64xf32, #tpu.memory_space<vmem>>) target(%dma_start3A_84 : memref<64xf32, #tpu.memory_space<hbm>>) target_semaphore(%run_scoped3A : memref<!tpu.dma_semaphore, #tpu.memory_space<semaphore_mem>>)
      %dma_wait3A = tpu.memref_slice %arg4[%mul3A_81] : memref<2048xf32, #tpu.memory_space<hbm>> -> memref<64xf32, #tpu.memory_space<hbm>>
      %dma_wait3A_85 = tpu.memref_slice %arg4[%mul3A_81] : memref<2048xf32, #tpu.memory_space<hbm>> -> memref<64xf32, #tpu.memory_space<hbm>>
      tpu.wait_dma2 semaphore(%run_scoped3A : memref<!tpu.dma_semaphore, #tpu.memory_space<semaphore_mem>>) src(%arg11 : memref<64xf32, #tpu.memory_space<vmem>>) dst(%dma_wait3A_85 : memref<64xf32, #tpu.memory_space<hbm>>)
      tpu.yield
    }) : () -> ()
    %mul3A_82 = arith.constant 64 : i32
    %mul3A_83 = arith.muli %add3A, %mul3A_82 : i32
    "tpu.region"() ({
      %run_scoped3A = tpu.sem_alloc : memref<!tpu.dma_semaphore, #tpu.memory_space<semaphore_mem>>
      %dma_start3A = tpu.memref_slice %arg5[%mul3A_83] : memref<2048xi32, #tpu.memory_space<hbm>> -> memref<64xi32, #tpu.memory_space<hbm>>
      %dma_start3A_84 = tpu.memref_slice %arg5[%mul3A_83] : memref<2048xi32, #tpu.memory_space<hbm>> -> memref<64xi32, #tpu.memory_space<hbm>>
      tpu.enqueue_dma source(%arg12 : memref<64xi32, #tpu.memory_space<vmem>>) target(%dma_start3A_84 : memref<64xi32, #tpu.memory_space<hbm>>) target_semaphore(%run_scoped3A : memref<!tpu.dma_semaphore, #tpu.memory_space<semaphore_mem>>)
      %dma_wait3A = tpu.memref_slice %arg5[%mul3A_83] : memref<2048xi32, #tpu.memory_space<hbm>> -> memref<64xi32, #tpu.memory_space<hbm>>
      %dma_wait3A_85 = tpu.memref_slice %arg5[%mul3A_83] : memref<2048xi32, #tpu.memory_space<hbm>> -> memref<64xi32, #tpu.memory_space<hbm>>
      tpu.wait_dma2 semaphore(%run_scoped3A : memref<!tpu.dma_semaphore, #tpu.memory_space<semaphore_mem>>) src(%arg12 : memref<64xi32, #tpu.memory_space<vmem>>) dst(%dma_wait3A_85 : memref<64xi32, #tpu.memory_space<hbm>>)
      tpu.yield
    }) : () -> ()
    return
  }
}

module attributes {stable_mosaic.version = 14 : i64} {
  func.func @_tc_body(%arg0: i32, %arg1: memref<3072x768xf32, #tpu.memory_space<vmem>>, %arg2: memref<768x8xf32, #tpu.memory_space<vmem>>, %arg3: memref<3072x1xf32, #tpu.memory_space<vmem>>, %arg4: memref<3072x1xi32, #tpu.memory_space<vmem>>) attributes {dimension_semantics = [#tpu.dimension_semantics<arbitrary>], iteration_bounds = array<i64: 10>, scalar_prefetch = 0 : i64, scratch_operands = 0 : i64, tpu.core_type = #tpu.core_type<tc>, window_params = [{transform_indices = @transform_0, window_bounds = array<i64: 3072, 768>}, {pipeline_mode = #tpu.pipeline_mode<synchronous>, transform_indices = @transform_1, window_bounds = array<i64: 768, 8>}, {transform_indices = @transform_2, window_bounds = array<i64: 3072, 1>}, {transform_indices = @transform_3, window_bounds = array<i64: 3072, 1>}]} {
    %get3A = arith.constant 0 : index
    %get3A_0 = arith.constant 0 : index
    %get3A_1 = vector.load %arg1[%get3A, %get3A_0] : memref<3072x768xf32, #tpu.memory_space<vmem>>, vector<3072x768xf32>
    %get3A_2 = arith.constant 0 : index
    %get3A_3 = arith.constant 0 : index
    %get3A_4 = vector.load %arg2[%get3A_2, %get3A_3] : memref<768x8xf32, #tpu.memory_space<vmem>>, vector<768x8xf32>
    %dot_general3A = arith.constant dense<0.000000e+00> : vector<3072x8xf32>
    %dot_general3A_5 = tpu.matmul %get3A_1, %get3A_4, %dot_general3A {dimension_numbers = #tpu.dot_dimension_numbers<[1], [0], [0], [1], [0, 0, 1, 1], [], []>, transpose_lhs_hint = false} : vector<3072x768xf32>, vector<768x8xf32>, vector<3072x8xf32> -> vector<3072x8xf32>
    %reduce_max3A = arith.constant dense<0xFF800000> : vector<3072xf32>
    %reduce_max3A_6 = vector.multi_reduction <maximumf>, %dot_general3A_5, %reduce_max3A [1] : vector<3072x8xf32> to vector<3072xf32>
    %broadcast_in_dim3A = vector.shape_cast %reduce_max3A_6 : vector<3072xf32> to vector<3072x1xf32>
    %iota3A = tpu.iota {dimensions = array<i32: 1>} : vector<3072x8xi32>
    %eq3A = vector.broadcast %broadcast_in_dim3A : vector<3072x1xf32> to vector<3072x8xf32>
    %eq3A_7 = arith.cmpf oeq, %dot_general3A_5, %eq3A : vector<3072x8xf32>
    %jit3A = arith.constant 8 : i32
    %broadcast_in_dim3A_8 = vector.broadcast %jit3A : i32 to vector<3072x8xi32>
    %select_n3A = arith.select %eq3A_7, %iota3A, %broadcast_in_dim3A_8 : vector<3072x8xi1>, vector<3072x8xi32>
    %reduce_min3A = arith.constant dense<2147483647> : vector<3072xi32>
    %reduce_min3A_9 = vector.multi_reduction <minsi>, %select_n3A, %reduce_min3A [1] : vector<3072x8xi32> to vector<3072xi32>
    %broadcast_in_dim3A_10 = vector.shape_cast %reduce_min3A_9 : vector<3072xi32> to vector<3072x1xi32>
    %swap3A = arith.constant 0 : index
    %swap3A_11 = arith.constant 0 : index
    %swap3A_12 = vector.load %arg3[%swap3A, %swap3A_11] : memref<3072x1xf32, #tpu.memory_space<vmem>>, vector<3072x1xf32>
    tpu.vector_store %arg3[%swap3A, %swap3A_11], %broadcast_in_dim3A {strides = array<i32>} : memref<3072x1xf32, #tpu.memory_space<vmem>>, vector<3072x1xf32>,
    %swap3A_13 = arith.constant 0 : index
    %swap3A_14 = arith.constant 0 : index
    %swap3A_15 = vector.load %arg4[%swap3A_13, %swap3A_14] : memref<3072x1xi32, #tpu.memory_space<vmem>>, vector<3072x1xi32>
    tpu.vector_store %arg4[%swap3A_13, %swap3A_14], %broadcast_in_dim3A_10 {strides = array<i32>} : memref<3072x1xi32, #tpu.memory_space<vmem>>, vector<3072x1xi32>,
    return
  }
  func.func @transform_0(%arg0: i32) -> (i32, i32) {
    %c0_i32 = arith.constant 0 : i32
    %c0_i32_0 = arith.constant 0 : i32
    return %arg0, %c0_i32 : i32, i32
  }
  func.func @transform_1(%arg0: i32) -> (i32, i32) {
    %c0_i32 = arith.constant 0 : i32
    %c0_i32_0 = arith.constant 0 : i32
    %c0_i32_1 = arith.constant 0 : i32
    return %c0_i32, %c0_i32_0 : i32, i32
  }
  func.func @transform_2(%arg0: i32) -> (i32, i32) {
    %c0_i32 = arith.constant 0 : i32
    %c0_i32_0 = arith.constant 0 : i32
    return %arg0, %c0_i32 : i32, i32
  }
  func.func @transform_3(%arg0: i32) -> (i32, i32) {
    %c0_i32 = arith.constant 0 : i32
    %c0_i32_0 = arith.constant 0 : i32
    return %arg0, %c0_i32 : i32, i32
  }
}

</mosaic_0001>

<sc_bundles>
// kernel: kernel.4.cloned.1.call-start
scs
__scs_entry_jumppad:
0x0: {  	(pc) =	sbr.rel $0x88, $3  }
0x1: {  	(tag) =	ssettag $0x0;
	lr =	simm.s32 $0x1  }
0x2: {  	[smem:$0x3F9F] =	sst lr;
	_ =	strace $0xD0000000  }
0x3: {  	_ = 	snop  }
0x4: {  	_ = 	snop  }
0x5: {  	_ = 	snop  }
0x6: {  	_ = 	snop  }
0x7: {  	_ = 	snop  }
__scs_overlays_trampoline_lowered:
0x8: {  	[smem:$0x3FAE] =	sst s0  }
0x9: {  	[smem:$0x3FAF] =	sst s1  }
0xa: {  	[smem:$0x3FB0] =	sst s2  }
0xb: {  	[smem:$0x3FB1] =	sst s3  }
0xc: {  	[smem:$0x3FB2] =	sst s4  }
0xd: {  	[smem:$0x3FB3] =	sst s5  }
0xe: {  	[smem:$0x3FB4] =	sst s6  }
0xf: {  	[smem:$0x3FB5] =	sst s7  }
0x10: {  	[smem:$0x3FB6] =	sst s8  }
0x11: {  	[smem:$0x3FB7] =	sst s9;
	s0 =	simm.s32 @!p0 $0x0  }
0x12: {  	s1 =	sld [smem:$0x3F9D];
	s0 =	simm.s32 @p0 $0x1  }
0x13: {  	[smem:$0x3FB8] =	sst s0;
	s0 =	simm.s32 @!p1 $0x0  }
0x14: {  	s2 =	sld [smem:$0x3F9C];
	s0 =	simm.s32 @p1 $0x1  }
0x15: {  	[smem:$0x3FB9] =	sst s0;
	s0 =	simm.s32 @!p2 $0x0  }
0x16: {  	s3 =	sld [smem:$0x3FDB];
	s0 =	simm.s32 @p2 $0x1  }
0x17: {  	s4 =	simm.s32 $0x1BF5;
	[smem:$0x3FBB] =	sst s0  }
0x18: {  	s0 =	sld [smem:$0x3F9E];
	_ =	swait.ge [sflag:s4], $0x0  }
0x19: {  	s7 =	sld [smem:$0x3F9F]  }
0x1a: {  	s8 =	sadd.s32 $0xFFFFE003, lr  }
0x1b: {  	s9 =	sadd.s32 $0xFFFFFEF7, lr;
	s5 =	simm.s32 $0xFFFFFFFF;
	p2 =	slt.u32 s8, $0xFFFFF086  }
0x1c: {  	p1 =	slt.u32 s9, $0xF7A;
	s5 =	simm.s32 @!p2 $0x0  }
0x1d: {  	s5 =	simm.s32 @p1 $0x1;
	p0 =	seq.s32 s7, s2  }
0x1e: {  	s7 =	smul.u32 @!p0 $0xF7A, s2;
	p2 =	seq.s32 @!p0 s5, $0x0  }
0x1f: {  	s9 =	smul.u32 $0xF7A, s1;
	s8 =	simm.s32 @!p0 $0x1BF5;
	p2 =	por !p2, p0  }
0x20: {  	[sflag:s8] =	ssyncset.s32 @!p0 $0xFFFFF086;
	s6 =	sadd.s32 @!p0 s3, s7;
	s7 =	simm.s32 @!p0 $0x108  }
0x21: {  	s3 =	sadd.s32 s3, s9;
	s6 =	sadd.s32 @!p0 $0x88, s6;
	s7 =	simm.s32 @p2 $0x1082  }
0x22: {  	[simem:s7], [sflag:s8] =	dma.local @!p0 [hbm:s6], $0xF7A  }
0x23: {  	s9 =	sor.u32 $0xD0000000, s2;
	s6 =	simm.s32 $0x108;
	_ =	swait.ge @!p0 [sflag:s8], $0x0  }
0x24: {  	s3 =	sadd.s32 $0x88, s3;
	s6 =	simm.s32 @!p1 $0x1082;
	[sflag:s4] =	ssyncset.s32 $0xFFFFF086  }
0x25: {  	[simem:s6], [sflag:s4] =	dma.local [hbm:s3], $0xF7A  }
0x26: {  	[smem:$0x3F9F] =	sst s1;
	(tag) =	ssettag s2;
	_ =	strace s9  }
0x27: {  	s1 =	sld [smem:$0x3FAF]  }
0x28: {  	s2 =	sld [smem:$0x3FB0]  }
0x29: {  	s4 =	sld [smem:$0x3FB2]  }
0x2a: {  	p0 =	seq.s32 s5, $0x0;
	s5 =	sld [smem:$0x3FB3]  }
0x2b: {  	s6 =	sld [smem:$0x3FB4]  }
0x2c: {  	s7 =	sld [smem:$0x3FB5]  }
0x2d: {  	s3 =	simm.s32 $0x108;
	s8 =	sld [smem:$0x3FB6]  }
0x2e: {  	s3 =	simm.s32 @!p0 $0x1082;
	s9 =	sld [smem:$0x3FB7]  }
0x2f: {  	lr =	sadd.s32 s0, s3;
	s0 =	sld [smem:$0x3FAE]  }
0x30: {  	s3 =	sld [smem:$0x3FB1]  }
0x31: {  	[smem:$0x3FBA] =	sst s10  }
0x32: {  	s10 =	sld [smem:$0x3FB8];
	_ =	sdelay $0x3  }
0x33: {  	p0 =	seq.s32 s10, $0x1;
	s10 =	sld [smem:$0x3FBA];
	_ =	sdelay $0x3  }
0x34: {  	[smem:$0x3FBA] =	sst s10  }
0x35: {  	s10 =	sld [smem:$0x3FB9];
	_ =	sdelay $0x3  }
0x36: {  	p1 =	seq.s32 s10, $0x1;
	s10 =	sld [smem:$0x3FBA];
	_ =	sdelay $0x3  }
0x37: {  	[smem:$0x3FBA] =	sst s10  }
0x38: {  	s10 =	sld [smem:$0x3FBB]  }
0x39: {  	_ = 	snop;
	(pc) =	sbr.ind lr, $3  }
0x3a: {  	_ = 	snop  }
0x3b: {  	_ = 	snop  }
0x3c: {  	p2 =	seq.s32 s10, $0x1;
	s10 =	sld [smem:$0x3FBA]  }
0x3d: {  	_ =	shalt  }
0x3e: {  	_ =	shalt  }
0x3f: {  	_ =	shalt  }
0x40: {  	_ =	shalt  }
0x41: {  	_ =	shalt  }
0x42: {  	_ =	shalt  }
0x43: {  	_ =	shalt  }
0x44: {  	_ =	shalt  }
0x45: {  	_ =	shalt  }
0x46: {  	_ =	shalt  }
0x47: {  	_ =	shalt  }
0x48: {  	_ =	shalt  }
0x49: {  	_ =	shalt  }
0x4a: {  	_ =	shalt  }
0x4b: {  	_ =	shalt  }
0x4c: {  	_ =	shalt  }
0x4d: {  	_ =	shalt  }
0x4e: {  	_ =	shalt  }
0x4f: {  	_ =	shalt  }
0x50: {  	_ =	shalt  }
0x51: {  	_ =	shalt  }
0x52: {  	_ =	shalt  }
0x53: {  	_ =	shalt  }
0x54: {  	_ =	shalt  }
0x55: {  	_ =	shalt  }
0x56: {  	_ =	shalt  }
0x57: {  	_ =	shalt  }
0x58: {  	_ =	shalt  }
0x59: {  	_ =	shalt  }
0x5a: {  	_ =	shalt  }
0x5b: {  	_ =	shalt  }
0x5c: {  	_ =	shalt  }
0x5d: {  	_ =	shalt  }
0x5e: {  	_ =	shalt  }
0x5f: {  	_ =	shalt  }
0x60: {  	_ =	shalt  }
0x61: {  	_ =	shalt  }
0x62: {  	_ =	shalt  }
0x63: {  	_ =	shalt  }
0x64: {  	_ =	shalt  }
0x65: {  	_ =	shalt  }
0x66: {  	_ =	shalt  }
0x67: {  	_ =	shalt  }
0x68: {  	_ =	shalt  }
0x69: {  	_ =	shalt  }
0x6a: {  	_ =	shalt  }
0x6b: {  	_ =	shalt  }
0x6c: {  	_ =	shalt  }
0x6d: {  	_ =	shalt  }
0x6e: {  	_ =	shalt  }
0x6f: {  	_ =	shalt  }
0x70: {  	_ =	shalt  }
0x71: {  	_ =	shalt  }
0x72: {  	_ =	shalt  }
0x73: {  	_ =	shalt  }
0x74: {  	_ =	shalt  }
0x75: {  	_ =	shalt  }
0x76: {  	_ =	shalt  }
0x77: {  	_ =	shalt  }
0x78: {  	_ =	shalt  }
0x79: {  	_ =	shalt  }
0x7a: {  	_ =	shalt  }
0x7b: {  	_ =	shalt  }
0x7c: {  	_ =	shalt  }
0x7d: {  	_ =	shalt  }
0x7e: {  	_ =	shalt  }
0x7f: {  	_ =	shalt  }
0x80: {  	_ =	shalt  }
0x81: {  	_ =	shalt  }
0x82: {  	_ =	shalt  }
0x83: {  	_ =	shalt  }
0x84: {  	_ =	shalt  }
0x85: {  	_ =	shalt  }
0x86: {  	_ =	shalt  }
0x87: {  	_ =	shalt  }
.Lfunc_end0:
.L_simem_size_0:
called_computation_lowered:
.L_overlay_start_0:
0x88: {  	s2 =	sld [smem:$0x3FD9]  }
0x89: {  	s3 =	sld [smem:$0x3FFE];
	_ =	sdelay $0x1  }
0x8a: {  	s1 =	srdreg.scid  }
0x8b: {  	s0 =	sand.u32 $0x1, s1  }
0x8c: {  	s14 =	sshll.u32 s0, $0xA;
	s2 =	sadd.s32 s3, s2  }
0x8d: {  	s2 =	sadd.s32 s2, s14  }
0x8e: {  	[smem:$0x3FC6] =	sst s2  }
0x8f: {  	_ = 	snop  }
0x90: {  	s2 =	sld [smem:$0x3FD0];
	_ =	sdelay $0x2  }
0x91: {  	s15 =	simm.s32 $0xA;
	s4 =	simm.s32 $0x10  }
0x92: {  	[smem:s4], [sflag:s15] =	dma.local [hbm:s2], $0x1  }
0x93: {  	_ =	swait.eq [sflag:s15], $0x1  }
0x94: {  	[sflag:s15] =	ssyncset.done $0x0  }
0x95: {  	s16 =	sld [smem:$0x10];
	[sflag:s15] =	ssyncadd.s32 $0xFFFFFFFF  }
0x96: {  	s17 =	sld [smem:$0x11];
	(tm) =	ssettm $0x1  }
0x97: {  	s18 =	sld [smem:$0x3FFB];
	_ =	sdelay $0x3  }
0x98: {  	_ =	strace s18  }
0x99: {  	s4 =	sld [smem:$0x3FFC];
	_ =	sdelay $0x3  }
0x9a: {  	_ =	strace s4  }
0x9b: {  	s4 =	sld [smem:$0x3FFD];
	_ =	sdelay $0x3  }
0x9c: {  	_ =	strace s4  }
0x9d: {  	_ =	strace $0x8FFFFFFF  }
0x9e: {  	s19 =	sld [smem:$0x3FDB];
	_ =	sdelay $0x1  }
0x9f: {  	s5 =	simm.s32 $_scs_section_size  }
0xa0: {  	s6 =	simm.s32 $_size__tile_overlayer_lowered;
	s7 =	simm.s32 $_tile_overlayer_lowered  }
0xa1: {  	s22 =	simm.s32 $0x1BFF;
	s21 =	sshll.u32 s7, $0x1;
	s4 =	sadd.s32 s5, s19  }
0xa2: {  	s8 =	simm.s32 $0x0;
	s20 =	sshll.u32 s6, $0x1;
	s6 =	sadd.s32 s21, s4  }
0xa3: {  	[timem:s8], [sflag:s22] =	dma.local [hbm:s6], s20  }
0xa4: {  	_ =	swait.ge [sflag:s22], s20  }
0xa5: {  	s5 =	ssub.s32 $0x0, s20;
	[sflag:s22] =	ssyncset.done $0x0  }
0xa6: {  	[sflag:s22] =	ssyncadd.s32 s5;
	_ =	sdelay $0x1  }
0xa7: {  	s23 =	simm.s32 $0x1B8B  }
0xa8: {  	_ =	swait.ge [sflag:s23], $0x1  }
0xa9: {  	[sflag:s23] =	ssyncset.done $0x0  }
0xaa: {  	s25 =	simm.s32 $0x1B8E;
	s24 =	sld [smem:$0x3FFE];
	[sflag:s23] =	ssyncadd.s32 $0xFFFFFFFF  }
0xab: {  	s26 =	simm.s32 $execute0_lowered;
	[smem:$0x3FD2] =	sst s25  }
0xac: {  	s6 =	sshll.u32 s26, $0x1;
	_ =	strace $0x80000046;
	[dreg:$0x1] =	wrdreg $0xFFFFFFFF  }
0xad: {  	s28 =	simm.s32 $_size_execute0_lowered;
	s4 =	sadd.s32 s4, s6;
	[dreg:$0x0] =	wrdreg $0x0  }
0xae: {  	s6 =	sshll.u32 s28, $0x1;
	[dreg:$0x2] =	wrdreg s4  }
0xaf: {  	[dreg:$0x3] =	wrdreg s6  }
0xb0: {  	[dreg:$0x4] =	wrdreg $0xC0  }
0xb1: {  	_ =	task [dreg:s8], $0x5FFFF  }
0xb2: {  	[dreg:$0x1] =	wrdreg $0xFFFFFFFF  }
0xb3: {  	[dreg:$0x0] =	wrdreg $0x60  }
0xb4: {  	[dreg:$0x2] =	wrdreg s24  }
0xb5: {  	[dreg:$0x3] =	wrdreg s17  }
0xb6: {  	[dreg:$0x4] =	wrdreg s16  }
0xb7: {  	[dreg:$0x5] =	wrdreg $0x9  }
0xb8: {  	_ =	task.clear_ibuf [dreg:s8], $0x6FFFF;
	_ =	strace $0x90000046  }
0xb9: {  	s29 =	simm.s32 $0x9;
	_ =	strace $0x80000048  }
0xba: {  	_ =	swait.ge [sflag:s29], $0x1  }
0xbb: {  	[sflag:s29] =	ssyncadd.s32 $0xFFFFFFFF  }
0xbc: {  	_ =	strace $0x90000048  }
0xbd: {  	_ =	sfence  }
0xbe: {  	s30 =	sld [smem:$0x0];
	_ =	sdelay $0x2  }
0xbf: {  	s31 =	sshll.u32 s1, $0xD;
	s1 =	sshrl.u32 s1, $0x2  }
0xc0: {  	s3 =	sand.u32 $0x4000, s31;
	s1 =	sadd.s32 s1, s30  }
0xc1: {  	s0 =	sor.u32 s3, s0;
	s1 =	sshll.u32 s1, $0x11  }
0xc2: {  	s0 =	sor.u32 s1, s0  }
0xc3: {  	s0 =	sadd.s32 $0x8F2B, s0  }
0xc4: {  	[sflag:s0] =	ssyncadd.remote.s32 $0x1  }
0xc5: {  	_ =	sfence.sel $0xFFFF  }
0xc6: {  	[dreg:$0x0] =	wrdreg $0xFFFFFFFF;
	(pc) =	sbr.abs _section_cstart, $3  }
0xc7: {  	[dreg:$0x1] =	wrdreg $0xFFFFFFFF  }
0xc8: {  	_ =	task.clear_ibuf [dreg:s8], $0x2FFFF;
	_ =	strace $0x9FFFFFFF  }
0xc9: {  	(tm) =	ssettm $0x7FFFFFFF  }
tec
execute0_lowered:
.L_overlay_start_1:
0x0: {  	(tag) =	ssettag $0x1  }
0x1: {  	s6 =	rddreg [dreg:$0x0]  }
0x2: {  	s2 =	rddreg [dreg:$0x1]  }
0x3: {  	s7 =	rddreg [dreg:$0x2];
	s3 =	srdreg.scid  }
0x4: {  	s0 =	rddreg [dreg:$0x3];
	s1 =	stileid.u32  }
0x5: {  	s11 =	simm.s32 $0x7A00;
	s12 =	simm.s32 $0x7A80;
	s13 =	simm.s32 $0x0  }
0x6: {  	s5 =	sand.u32 $0x1, s3;
	s3 =	simm.s32 $0x0;
	s4 =	sshll.u32 s1, $0x7  }
0x7: {  	s8 =	sshll.u32 s5, $0x6;
	[smem:$0x7FF] =	sst s3;
	s9 =	ssub.s32 $0x2, s5  }
0x8: {  	s5 =	sadd.s32 $0xC00, s6;
	s4 =	sor.u32 s8, s4;
	s10 =	sshrl.u32 s9, $0x1  }
0x9: {  	_ =	strace $0x80000047;
	s8 =	sshrl.u32 s4, $0x3;
	s9 =	ssub.s32 s9, s10  }
0xa: {  	s10 =	simm.s32 $0x1;
	s6 =	sadd.s32 s8, s6;
	s7 =	sadd.s32 s7, s8  }
0xb: {  	s8 =	smax.u32 s9, $0x1;
	s9 =	simm.s32 $0x6000;
	s6 =	sadd.s32 $0x300C00, s6  }
.LBB2_1:
0xc: {  	[tilespmem:s9], [sflag:$0x1] =	stream.linear.gather [hbm4b:s2+s3], $0x1800, $0x38;
	[tilespmem:$0x7B00] =	vst v63  }
0xd: {  	_ =	swait.ge [sflag:s10], $0x1800  }
0xe: {  	[sflag:s10] =	ssyncset.done $0x0  }
0xf: {  	s14 =	simm.s32 $0x0;
	s15 =	simm.s32 $0x40;
	[sflag:s10] =	ssyncadd.s32 $0xFFFFE800  }
.LBB2_2:
0x10: {  	p0 =	sne.s32 s15, $0x5FC0;
	v0 =	vld [tilespmem:s14+$0x6000];
	_ =	sdelay $0x4  }
0x11: {  	v1 =	vmul.f32 $6.553700000e+04, v0;
	_ =	sdelay $0x1  }
.Ltmp0:
0x12: {  	v0 =	vsub.f32 v1, v0;
	(pc) =	sbr.rel @p0 .LBB2_2-.Ltmp0, $3  }
0x13: {  	_ = 	snop  }
0x14: {  	v0 =	vsub.f32 v1, v0;
	_ =	sdelay $0x1  }
0x15: {  	[tilespmem:s14+$0x6000] =	vst v0;
	s14 =	sshra.s32 s15, $0x2;
	s15 =	sadd.s32 $0x40, s15  }
0x16: {  	v0 =	vld [tilespmem:s14+$0x6000];
	_ =	sdelay $0x4  }
0x17: {  	v1 =	vmul.f32 $6.553700000e+04, v0;
	_ =	sdelay $0x1  }
0x18: {  	v0 =	vsub.f32 v1, v0;
	_ =	sdelay $0x1  }
0x19: {  	v0 =	vsub.f32 v1, v0;
	_ =	sdelay $0x1  }
0x1a: {  	v63 =	vimm.f32 $0.0e+00;
	[tilespmem:s14+$0x6000] =	vst v0  }
0x1b: {  	[tilespmem:$0x7800] =	vst v63  }
0x1c: {  	[tilespmem:$0x7810] =	vst v63  }
0x1d: {  	[tilespmem:$0x7820] =	vst v63  }
0x1e: {  	[tilespmem:$0x7830] =	vst v63  }
0x1f: {  	[tilespmem:$0x7840] =	vst v63  }
0x20: {  	[tilespmem:$0x7850] =	vst v63  }
0x21: {  	[tilespmem:$0x7860] =	vst v63  }
0x22: {  	[tilespmem:$0x7870] =	vst v63  }
0x23: {  	[tilespmem:$0x7880] =	vst v63  }
0x24: {  	[tilespmem:$0x7890] =	vst v63  }
0x25: {  	[tilespmem:$0x78A0] =	vst v63  }
0x26: {  	[tilespmem:$0x78B0] =	vst v63  }
0x27: {  	[tilespmem:$0x78C0] =	vst v63  }
0x28: {  	[tilespmem:$0x78D0] =	vst v63  }
0x29: {  	[tilespmem:$0x78E0] =	vst v63  }
0x2a: {  	p1 =	por $0x1, $0x1;
	s15 =	simm.s32 $0x0;
	s14 =	simm.s32 $0x0;
	[tilespmem:$0x78F0] =	vst v63  }
.LBB2_4:
0x2b: {  	s16 =	sor.u32 s4, s15  }
0x2c: {  	s16 =	smul.u32 $0x300, s16;
	_ =	sdelay $0x1  }
0x2d: {  	s16 =	sshrl.u32 s16, $0x3  }
0x2e: {  	s16 =	sadd.s32 s5, s16  }
0x2f: {  	s16 =	sadd.s32 $0x2D0000, s16  }
0x30: {  	[tilespmem:s14], [sflag:$0x1] =	stream.linear.gather [hbm4b:s16+s14], $0x6000, $0x38;
	[tilespmem:$0x7B00] =	vst v63  }
0x31: {  	_ =	swait.ge [sflag:s10], $0x6000  }
0x32: {  	p0 =	por p1, p1;
	[sflag:s10] =	ssyncset.done $0x0  }
0x33: {  	s17 =	simm.s32 $0x40;
	s16 =	simm.s32 $0x0;
	[sflag:s10] =	ssyncadd.s32 $0xFFFFA000  }
.LBB2_5:
0x34: {  	p1 =	sne.s32 s17, $0x17FC0;
	v0 =	vld [tilespmem:s16+$0x0];
	_ =	sdelay $0x4  }
0x35: {  	v1 =	vmul.f32 $6.553700000e+04, v0;
	_ =	sdelay $0x1  }
.Ltmp1:
0x36: {  	v0 =	vsub.f32 v1, v0;
	(pc) =	sbr.rel @p1 .LBB2_5-.Ltmp1, $3  }
0x37: {  	_ = 	snop  }
0x38: {  	v0 =	vsub.f32 v1, v0;
	_ =	sdelay $0x1  }
0x39: {  	[tilespmem:s16+$0x0] =	vst v0;
	s16 =	sshra.s32 s17, $0x2;
	s17 =	sadd.s32 $0x40, s17  }
0x3a: {  	v0 =	vld [tilespmem:s16+$0x0];
	_ =	sdelay $0x4  }
0x3b: {  	v1 =	vmul.f32 $6.553700000e+04, v0;
	_ =	sdelay $0x1  }
0x3c: {  	v0 =	vsub.f32 v1, v0;
	_ =	sdelay $0x1  }
0x3d: {  	s15 =	sshll.u32 s15, $0x2;
	v0 =	vsub.f32 v1, v0  }
0x3e: {  	s18 =	simm.s32 $0x300;
	s17 =	sshra.s32 s15, $0x2  }
0x3f: {  	s15 =	sadd.s32 $0x79F2, s17;
	[tilespmem:s16+$0x0] =	vst v0;
	s16 =	sadd.s32 $0x7A72, s17;
	s17 =	simm.s32 $0x0  }
.LBB2_7:
0x40: {  	v3 =	vld [tilespmem:s18+$0xFFFFFD00]  }
0x41: {  	v0 =	vld [tilespmem:s18+$0x0]  }
0x42: {  	v23 =	vld [tilespmem:$0x6000]  }
0x43: {  	v24 =	vld [tilespmem:$0x6300]  }
0x44: {  	v26 =	vld [tilespmem:$0x6600]  }
0x45: {  	v29 =	vld [tilespmem:$0x6900]  }
0x46: {  	v49 =	vld [tilespmem:$0x6C00]  }
0x47: {  	v27 =	vld [tilespmem:$0x6F00]  }
0x48: {  	v33 =	vld [tilespmem:$0x7200]  }
0x49: {  	v37 =	vld [tilespmem:$0x7500];
	[tilespmem:$0x1E5F0] =	vst v0  }
0x4a: {  	v22 =	vld [tilespmem:s18+$0xFFFFFD10];
	[tilespmem:$0x1F660] =	vst v23  }
0x4b: {  	v8 =	vld [tilespmem:s18+$0x10];
	[tilespmem:$0x1F620] =	vst v24  }
0x4c: {  	v25 =	vld [tilespmem:$0x6010];
	[tilespmem:$0x1F250] =	vst v26  }
0x4d: {  	v28 =	vld [tilespmem:$0x6310];
	[tilespmem:$0x1F1B0] =	vst v29  }
0x4e: {  	v35 =	vld [tilespmem:$0x6610];
	[tilespmem:$0x1EB80] =	vst v49  }
0x4f: {  	v47 =	vld [tilespmem:$0x6910];
	[tilespmem:$0x1EB20] =	vst v27  }
0x50: {  	v50 =	vld [tilespmem:$0x6C10];
	[tilespmem:$0x1E630] =	vst v33  }
0x51: {  	v31 =	vld [tilespmem:$0x6F10];
	[tilespmem:$0x1E600] =	vst v37  }
0x52: {  	v32 =	vld [tilespmem:$0x7210];
	[tilespmem:$0x1E610] =	vst v8  }
0x53: {  	v34 =	vld [tilespmem:$0x7510];
	[tilespmem:$0x1F690] =	vst v25  }
0x54: {  	v21 =	vld [tilespmem:s18+$0xFFFFFD20];
	[tilespmem:$0x1F650] =	vst v28  }
0x55: {  	v9 =	vld [tilespmem:s18+$0x20];
	[tilespmem:$0x1F270] =	vst v35  }
0x56: {  	v30 =	vld [tilespmem:$0x6020];
	[tilespmem:$0x1F1D0] =	vst v47  }
0x57: {  	v36 =	vld [tilespmem:$0x6320];
	[tilespmem:$0x1EBD0] =	vst v50  }
0x58: {  	v52 =	vld [tilespmem:$0x6620];
	[tilespmem:$0x1EB30] =	vst v31  }
0x59: {  	v53 =	vld [tilespmem:$0x6920];
	[tilespmem:$0x1E660] =	vst v32  }
0x5a: {  	v38 =	vld [tilespmem:$0x6C20];
	[tilespmem:$0x1E620] =	vst v34  }
0x5b: {  	v39 =	vld [tilespmem:$0x6F20];
	[tilespmem:$0x1E640] =	vst v9  }
0x5c: {  	v40 =	vld [tilespmem:$0x7220];
	[tilespmem:$0x1F6C0] =	vst v30  }
0x5d: {  	v41 =	vld [tilespmem:$0x7520];
	[tilespmem:$0x1F680] =	vst v36  }
0x5e: {  	v6 =	vld [tilespmem:s18+$0xFFFFFD30];
	[tilespmem:$0x1F2B0] =	vst v52  }
0x5f: {  	v10 =	vld [tilespmem:s18+$0x30];
	[tilespmem:$0x1F200] =	vst v53  }
0x60: {  	v42 =	vld [tilespmem:$0x6030];
	[tilespmem:$0x1EBF0] =	vst v38  }
0x61: {  	v43 =	vld [tilespmem:$0x6330];
	[tilespmem:$0x1EB70] =	vst v39  }
0x62: {  	v44 =	vld [tilespmem:$0x6630];
	[tilespmem:$0x1E690] =	vst v40  }
0x63: {  	v46 =	vld [tilespmem:$0x6930];
	[tilespmem:$0x1E650] =	vst v41  }
0x64: {  	v45 =	vld [tilespmem:$0x6C30];
	[tilespmem:$0x1E670] =	vst v10  }
0x65: {  	v48 =	vld [tilespmem:$0x6F30];
	[tilespmem:$0x1F6F0] =	vst v42  }
0x66: {  	v51 =	vld [tilespmem:$0x7230];
	[tilespmem:$0x1F6B0] =	vst v43  }
0x67: {  	v57 =	vld [tilespmem:$0x7530];
	[tilespmem:$0x1F2D0] =	vst v44  }
0x68: {  	v11 =	vld [tilespmem:s18+$0x40];
	[tilespmem:$0x1F230] =	vst v46  }
0x69: {  	v54 =	vld [tilespmem:$0x6040];
	[tilespmem:$0x1EC40] =	vst v45  }
0x6a: {  	v56 =	vld [tilespmem:$0x6340];
	[tilespmem:$0x1EBB0] =	vst v48  }
0x6b: {  	v55 =	vld [tilespmem:$0x6640];
	[tilespmem:$0x1E6C0] =	vst v51  }
0x6c: {  	v58 =	vld [tilespmem:$0x6940];
	[tilespmem:$0x1E680] =	vst v57  }
0x6d: {  	v59 =	vld [tilespmem:$0x6C40];
	[tilespmem:$0x1E6A0] =	vst v11  }
0x6e: {  	v60 =	vld [tilespmem:$0x6F40];
	[tilespmem:$0x1F720] =	vst v54  }
0x6f: {  	v61 =	vld [tilespmem:$0x7240];
	[tilespmem:$0x1F6E0] =	vst v56  }
0x70: {  	v12 =	vld [tilespmem:$0x7540];
	[tilespmem:$0x1F310] =	vst v55  }
0x71: {  	v13 =	vld [tilespmem:s18+$0x50];
	[tilespmem:$0x1F260] =	vst v58  }
0x72: {  	v62 =	vld [tilespmem:$0x6050];
	[tilespmem:$0x1EC60] =	vst v59  }
0x73: {  	v63 =	vld [tilespmem:$0x6350];
	[tilespmem:$0x1EBE0] =	vst v60  }
0x74: {  	v14 =	vld [tilespmem:$0x6650];
	[tilespmem:$0x1E6F0] =	vst v61  }
0x75: {  	v15 =	vld [tilespmem:$0x6950];
	[tilespmem:$0x1E6B0] =	vst v12  }
0x76: {  	v16 =	vld [tilespmem:$0x6C50];
	[tilespmem:$0x1E6D0] =	vst v13  }
0x77: {  	v17 =	vld [tilespmem:$0x6F50];
	[tilespmem:$0x1F750] =	vst v62  }
0x78: {  	v18 =	vld [tilespmem:$0x7250];
	[tilespmem:$0x1F710] =	vst v63  }
0x79: {  	v19 =	vld [tilespmem:$0x7550];
	[tilespmem:$0x1F330] =	vst v14  }
0x7a: {  	v4 =	vld [tilespmem:s18+$0x60];
	[tilespmem:$0x1F290] =	vst v15  }
0x7b: {  	v5 =	vld [tilespmem:$0x6060];
	[tilespmem:$0x1ECB0] =	vst v16  }
0x7c: {  	v7 =	vld [tilespmem:$0x6360];
	[tilespmem:$0x1EC20] =	vst v17  }
0x7d: {  	[tilespmem:$0x1E720] =	vst v18;
	v9 =	vld [tilespmem:$0x6660]  }
0x7e: {  	[tilespmem:$0x1E6E0] =	vst v19;
	v10 =	vld [tilespmem:$0x6960]  }
0x7f: {  	[tilespmem:$0x1E700] =	vst v4;
	v11 =	vld [tilespmem:$0x6C60]  }
0x80: {  	[tilespmem:$0x1F780] =	vst v5;
	v12 =	vld [tilespmem:$0x6F60]  }
0x81: {  	[tilespmem:$0x1F740] =	vst v7;
	v13 =	vld [tilespmem:$0x7260]  }
0x82: {  	v14 =	vld [tilespmem:$0x7560];
	[tilespmem:$0x1F370] =	vst v9  }
0x83: {  	v15 =	vld [tilespmem:s18+$0x70];
	[tilespmem:$0x1F2C0] =	vst v10  }
0x84: {  	v16 =	vld [tilespmem:$0x6070];
	[tilespmem:$0x1ECD0] =	vst v11  }
0x85: {  	v17 =	vld [tilespmem:$0x6370];
	[tilespmem:$0x1EC50] =	vst v12  }
0x86: {  	v18 =	vld [tilespmem:$0x6670];
	[tilespmem:$0x1E750] =	vst v13  }
0x87: {  	v4 =	vld [tilespmem:$0x6970];
	[tilespmem:$0x1E710] =	vst v14  }
0x88: {  	v5 =	vld [tilespmem:$0x6C70];
	[tilespmem:$0x1E730] =	vst v15  }
0x89: {  	v7 =	vld [tilespmem:$0x6F70];
	[tilespmem:$0x1F7B0] =	vst v16  }
0x8a: {  	[tilespmem:$0x1F770] =	vst v17;
	v9 =	vld [tilespmem:$0x7270]  }
0x8b: {  	[tilespmem:$0x1F390] =	vst v18;
	v10 =	vld [tilespmem:$0x7570]  }
0x8c: {  	[tilespmem:$0x1F2F0] =	vst v4;
	v12 =	vld [tilespmem:s18+$0x80]  }
0x8d: {  	[tilespmem:$0x1ED20] =	vst v5;
	v13 =	vld [tilespmem:$0x6080]  }
0x8e: {  	[tilespmem:$0x1EC90] =	vst v7;
	v14 =	vld [tilespmem:$0x6380]  }
0x8f: {  	v15 =	vld [tilespmem:$0x6680];
	[tilespmem:$0x1E780] =	vst v9  }
0x90: {  	v16 =	vld [tilespmem:$0x6980];
	[tilespmem:$0x1E740] =	vst v10  }
0x91: {  	v17 =	vld [tilespmem:$0x6C80];
	[tilespmem:$0x1E760] =	vst v12  }
0x92: {  	v4 =	vld [tilespmem:$0x6F80];
	[tilespmem:$0x1F7E0] =	vst v13  }
0x93: {  	v20 =	vld [tilespmem:s18+$0xFFFFFD40];
	[tilespmem:$0x1F7A0] =	vst v14  }
0x94: {  	v8 =	vld [tilespmem:s18+$0xFFFFFD50];
	[tilespmem:$0x1F3D0] =	vst v15  }
0x95: {  	v19 =	vld [tilespmem:s18+$0xFFFFFD60];
	[tilespmem:$0x1F320] =	vst v16  }
0x96: {  	v11 =	vld [tilespmem:s18+$0xFFFFFD70];
	[tilespmem:$0x1ED40] =	vst v17  }
0x97: {  	v18 =	vld [tilespmem:s18+$0xFFFFFD80];
	[tilespmem:$0x1ECC0] =	vst v4  }
0x98: {  	v0 =	vld [tilespmem:$0x7280];
	_ =	sdelay $0x4  }
0x99: {  	[tilespmem:$0x1E7B0] =	vst v0;
	v0 =	vld [tilespmem:s18+$0x130];
	_ =	sdelay $0x3  }
0x9a: {  	v4 =	vld [tilespmem:$0x7590]  }
0x9b: {  	[tilespmem:$0x1E970] =	vst v0;
	v0 =	vld [tilespmem:$0x6130];
	_ =	sdelay $0x1  }
0x9c: {  	v5 =	vld [tilespmem:$0x7580]  }
0x9d: {  	v17 =	vld [tilespmem:s18+$0xFFFFFD90]  }
0x9e: {  	[tilespmem:$0x1E7A0] =	vst v4;
	v4 =	vld [tilespmem:$0x75A0]  }
0x9f: {  	[tilespmem:$0x1F9F0] =	vst v0;
	v0 =	vld [tilespmem:$0x6430]  }
0xa0: {  	v7 =	vld [tilespmem:s18+$0x90]  }
0xa1: {  	v9 =	vld [tilespmem:$0x6090]  }
0xa2: {  	v10 =	vld [tilespmem:$0x6390]  }
0xa3: {  	[tilespmem:$0x1E7D0] =	vst v4;
	v4 =	vld [tilespmem:$0x72B0]  }
0xa4: {  	[tilespmem:$0x1F9B0] =	vst v0;
	v0 =	vld [tilespmem:$0x6730]  }
0xa5: {  	v12 =	vld [tilespmem:$0x6690]  }
0xa6: {  	v13 =	vld [tilespmem:$0x6990]  }
0xa7: {  	v14 =	vld [tilespmem:$0x6C90]  }
0xa8: {  	[tilespmem:$0x1E840] =	vst v4;
	v4 =	vld [tilespmem:$0x6CC0]  }
0xa9: {  	[tilespmem:$0x1F5D0] =	vst v0;
	v0 =	vld [tilespmem:$0x6A30]  }
0xaa: {  	v15 =	vld [tilespmem:$0x6F90]  }
0xab: {  	v16 =	vld [tilespmem:$0x7290]  }
0xac: {  	v2 =	vld [tilespmem:s18+$0xFFFFFE40]  }
0xad: {  	[tilespmem:$0x1EE20] =	vst v4;
	v4 =	vld [tilespmem:$0x63D0]  }
0xae: {  	[tilespmem:$0x1F530] =	vst v0;
	v0 =	vld [tilespmem:$0x6D30]  }
0xaf: {  	v1 =	vld [tilespmem:s18+$0xFFFFFE50]  }
0xb0: {  	[tilespmem:$0x1E7E0] =	vst v16;
	v16 =	vld [tilespmem:s18+$0xFFFFFDA0]  }
0xb1: {  	[tilespmem:$0x1E770] =	vst v5;
	v5 =	vld [tilespmem:s18+$0xA0]  }
0xb2: {  	[tilespmem:$0x1F890] =	vst v4;
	v4 =	vld [tilespmem:$0x75D0]  }
0xb3: {  	[tilespmem:$0x1EFA0] =	vst v0;
	v0 =	vld [tilespmem:$0x7030]  }
0xb4: {  	[tilespmem:$0x1E790] =	vst v7;
	v7 =	vld [tilespmem:$0x60A0]  }
0xb5: {  	[tilespmem:$0x1F810] =	vst v9;
	v9 =	vld [tilespmem:$0x63A0]  }
0xb6: {  	[tilespmem:$0x1F7D0] =	vst v10;
	v10 =	vld [tilespmem:$0x66A0]  }
0xb7: {  	[tilespmem:$0x1E860] =	vst v4;
	v4 =	vld [tilespmem:$0x69E0]  }
0xb8: {  	[tilespmem:$0x1EF10] =	vst v0;
	v0 =	vld [tilespmem:$0x7330]  }
0xb9: {  	[tilespmem:$0x1F3F0] =	vst v12;
	v12 =	vld [tilespmem:$0x69A0]  }
0xba: {  	[tilespmem:$0x1ED00] =	vst v15;
	v15 =	vld [tilespmem:$0x72A0]  }
0xbb: {  	[tilespmem:$0x1F350] =	vst v13;
	v13 =	vld [tilespmem:$0x6CA0]  }
0xbc: {  	[tilespmem:$0x1F440] =	vst v4;
	v4 =	vld [tilespmem:s18+$0xF0]  }
0xbd: {  	[tilespmem:$0x1E9C0] =	vst v0;
	v0 =	vld [tilespmem:$0x7630]  }
0xbe: {  	[tilespmem:$0x1ED90] =	vst v14;
	v14 =	vld [tilespmem:$0x6FA0]  }
0xbf: {  	[tilespmem:$0x1E810] =	vst v15;
	v15 =	vld [tilespmem:s18+$0xFFFFFDB0]  }
0xc0: {  	[tilespmem:$0x1E7C0] =	vst v5;
	v5 =	vld [tilespmem:s18+$0xB0]  }
0xc1: {  	[tilespmem:$0x1E8B0] =	vst v4;
	v4 =	vld [tilespmem:$0x69F0]  }
0xc2: {  	[tilespmem:$0x1E980] =	vst v0;
	v0 =	vld [tilespmem:s18+$0x140]  }
0xc3: {  	[tilespmem:$0x1F840] =	vst v7;
	v7 =	vld [tilespmem:$0x60B0]  }
0xc4: {  	[tilespmem:$0x1F800] =	vst v9;
	v9 =	vld [tilespmem:$0x63B0]  }
0xc5: {  	[tilespmem:$0x1F430] =	vst v10;
	v10 =	vld [tilespmem:$0x66B0]  }
0xc6: {  	[tilespmem:$0x1F470] =	vst v4;
	v4 =	vld [tilespmem:$0x75F0]  }
0xc7: {  	[tilespmem:$0x1E9A0] =	vst v0;
	v0 =	vld [tilespmem:$0x6140]  }
0xc8: {  	[tilespmem:$0x1F380] =	vst v12;
	v12 =	vld [tilespmem:$0x69B0]  }
0xc9: {  	[tilespmem:$0x1ED30] =	vst v14;
	v14 =	vld [tilespmem:$0x6FB0]  }
0xca: {  	[tilespmem:$0x1EDB0] =	vst v13;
	v13 =	vld [tilespmem:$0x6CB0]  }
0xcb: {  	[tilespmem:$0x1E8C0] =	vst v4;
	v4 =	vld [tilespmem:$0x6400]  }
0xcc: {  	[tilespmem:$0x1FA20] =	vst v0;
	v0 =	vld [tilespmem:$0x6440]  }
0xcd: {  	[tilespmem:$0x1E7F0] =	vst v5;
	v5 =	vld [tilespmem:$0x75B0]  }
0xce: {  	[tilespmem:$0x1ED70] =	vst v14;
	v14 =	vld [tilespmem:s18+$0xFFFFFDC0]  }
0xcf: {  	[tilespmem:$0x1F870] =	vst v7;
	v7 =	vld [tilespmem:s18+$0xC0]  }
0xd0: {  	[tilespmem:$0x1F920] =	vst v4;
	v4 =	vld [tilespmem:$0x6D00]  }
0xd1: {  	[tilespmem:$0x1F9E0] =	vst v0;
	v0 =	vld [tilespmem:$0x6740]  }
0xd2: {  	[tilespmem:$0x1F830] =	vst v9;
	v9 =	vld [tilespmem:$0x60C0]  }
0xd3: {  	[tilespmem:$0x1F450] =	vst v10;
	v10 =	vld [tilespmem:$0x63C0]  }
0xd4: {  	[tilespmem:$0x1E800] =	vst v5;
	v5 =	vld [tilespmem:$0x6FC0]  }
0xd5: {  	[tilespmem:$0x1EEE0] =	vst v4;
	v4 =	vld [tilespmem:$0x7600]  }
0xd6: {  	[tilespmem:$0x1F610] =	vst v0;
	v0 =	vld [tilespmem:$0x6A40]  }
0xd7: {  	[tilespmem:$0x1F3B0] =	vst v12;
	v12 =	vld [tilespmem:$0x66C0]  }
0xd8: {  	[tilespmem:$0x1EE00] =	vst v13;
	v13 =	vld [tilespmem:$0x69C0]  }
0xd9: {  	[tilespmem:$0x1EDA0] =	vst v5;
	v5 =	vld [tilespmem:$0x66D0]  }
0xda: {  	[tilespmem:$0x1E8F0] =	vst v4;
	v4 =	vld [tilespmem:$0x6110]  }
0xdb: {  	[tilespmem:$0x1F560] =	vst v0;
	v0 =	vld [tilespmem:$0x6D40]  }
0xdc: {  	[tilespmem:$0x1E820] =	vst v7;
	v7 =	vld [tilespmem:$0x72C0]  }
0xdd: {  	[tilespmem:$0x1F8A0] =	vst v9;
	v9 =	vld [tilespmem:$0x75C0]  }
0xde: {  	[tilespmem:$0x1F4B0] =	vst v5;
	v5 =	vld [tilespmem:s18+$0xE0]  }
0xdf: {  	[tilespmem:$0x1F990] =	vst v4;
	v4 =	vld [tilespmem:$0x6710]  }
0xe0: {  	[tilespmem:$0x1EFC0] =	vst v0;
	v0 =	vld [tilespmem:$0x7040]  }
0xe1: {  	[tilespmem:$0x1F3E0] =	vst v13;
	v13 =	vld [tilespmem:s18+$0xFFFFFDD0]  }
0xe2: {  	[tilespmem:$0x1F860] =	vst v10;
	v10 =	vld [tilespmem:s18+$0xD0]  }
0xe3: {  	[tilespmem:$0x1E880] =	vst v5;
	v5 =	vld [tilespmem:$0x6CE0]  }
0xe4: {  	[tilespmem:$0x1F570] =	vst v4;
	v4 =	vld [tilespmem:$0x6D10]  }
0xe5: {  	[tilespmem:$0x1EF40] =	vst v0;
	v0 =	vld [tilespmem:$0x7340]  }
0xe6: {  	[tilespmem:$0x1F490] =	vst v12;
	v12 =	vld [tilespmem:$0x60D0]  }
0xe7: {  	[tilespmem:$0x1E870] =	vst v7;
	v7 =	vld [tilespmem:$0x69D0]  }
0xe8: {  	[tilespmem:$0x1EE80] =	vst v5;
	v5 =	vld [tilespmem:$0x60F0]  }
0xe9: {  	[tilespmem:$0x1EF30] =	vst v4;
	v4 =	vld [tilespmem:$0x7310]  }
0xea: {  	[tilespmem:$0x1E9F0] =	vst v0;
	v0 =	vld [tilespmem:$0x7640]  }
0xeb: {  	[tilespmem:$0x1E830] =	vst v9;
	v9 =	vld [tilespmem:$0x6CD0]  }
0xec: {  	[tilespmem:$0x1F8D0] =	vst v12;
	v12 =	vld [tilespmem:$0x72D0]  }
0xed: {  	[tilespmem:$0x1F930] =	vst v5;
	v5 =	vld [tilespmem:$0x6CF0]  }
0xee: {  	[tilespmem:$0x1E960] =	vst v4;
	v4 =	vld [tilespmem:s18+$0x120]  }
0xef: {  	[tilespmem:$0x1E9B0] =	vst v0;
	v0 =	vld [tilespmem:s18+$0x150]  }
0xf0: {  	[tilespmem:$0x1E850] =	vst v10;
	v10 =	vld [tilespmem:$0x6FD0]  }
0xf1: {  	[tilespmem:$0x1E8A0] =	vst v12;
	v12 =	vld [tilespmem:s18+$0xFFFFFDE0]  }
0xf2: {  	[tilespmem:$0x1EEC0] =	vst v5;
	v5 =	vld [tilespmem:s18+$0x100]  }
0xf3: {  	[tilespmem:$0x1E940] =	vst v4;
	v4 =	vld [tilespmem:$0x6120]  }
0xf4: {  	[tilespmem:$0x1E9D0] =	vst v0;
	v0 =	vld [tilespmem:$0x6150]  }
0xf5: {  	[tilespmem:$0x1F410] =	vst v7;
	v7 =	vld [tilespmem:$0x60E0]  }
0xf6: {  	[tilespmem:$0x1EE60] =	vst v9;
	v9 =	vld [tilespmem:$0x63E0]  }
0xf7: {  	[tilespmem:$0x1E8E0] =	vst v5;
	v5 =	vld [tilespmem:$0x6700]  }
0xf8: {  	[tilespmem:$0x1F9C0] =	vst v4;
	v4 =	vld [tilespmem:$0x6420]  }
0xf9: {  	[tilespmem:$0x1FA50] =	vst v0;
	v0 =	vld [tilespmem:$0x6450]  }
0xfa: {  	[tilespmem:$0x1EDE0] =	vst v10;
	v10 =	vld [tilespmem:$0x66E0]  }
0xfb: {  	[tilespmem:$0x1F900] =	vst v7;
	v7 =	vld [tilespmem:$0x6FE0]  }
0xfc: {  	[tilespmem:$0x1F550] =	vst v5;
	v5 =	vld [tilespmem:$0x7000]  }
0xfd: {  	[tilespmem:$0x1F980] =	vst v4;
	v4 =	vld [tilespmem:$0x6720]  }
0xfe: {  	[tilespmem:$0x1FA10] =	vst v0;
	v0 =	vld [tilespmem:$0x6750]  }
0xff: {  	[tilespmem:$0x1F8C0] =	vst v9;
	v9 =	vld [tilespmem:$0x72E0]  }
0x100: {  	[tilespmem:$0x1EE10] =	vst v7;
	v7 =	vld [tilespmem:$0x63F0]  }
0x101: {  	[tilespmem:$0x1EE70] =	vst v5;
	v5 =	vld [tilespmem:s18+$0x110]  }
0x102: {  	[tilespmem:$0x1F5B0] =	vst v4;
	v4 =	vld [tilespmem:$0x6A20]  }
0x103: {  	[tilespmem:$0x1F630] =	vst v0;
	v0 =	vld [tilespmem:$0x6A50]  }
0x104: {  	[tilespmem:$0x1F4F0] =	vst v10;
	v10 =	vld [tilespmem:$0x75E0]  }
0x105: {  	[tilespmem:$0x1F8F0] =	vst v7;
	v7 =	vld [tilespmem:$0x6FF0]  }
0x106: {  	[tilespmem:$0x1E910] =	vst v5;
	v5 =	vld [tilespmem:$0x6410]  }
0x107: {  	[tilespmem:$0x1F500] =	vst v4;
	v4 =	vld [tilespmem:$0x6D20]  }
0x108: {  	[tilespmem:$0x1F590] =	vst v0;
	v0 =	vmul.f32 v23, v3;
	v23 =	vld [tilespmem:$0x6D50]  }
0x109: {  	[tilespmem:$0x1E890] =	vst v10;
	v10 =	vld [tilespmem:s18+$0xFFFFFDF0]  }
0x10a: {  	[tilespmem:$0x1EE50] =	vst v7;
	v7 =	vld [tilespmem:$0x6100]  }
0x10b: {  	[tilespmem:$0x1F950] =	vst v5;
	v5 =	vld [tilespmem:$0x6A10]  }
0x10c: {  	[tilespmem:$0x1EF50] =	vst v4;
	v4 =	vld [tilespmem:$0x7020]  }
0x10d: {  	[tilespmem:$0x1F010] =	vst v23;
	v23 =	vmul.f32 v24, v3;
	v24 =	vld [tilespmem:$0x7050]  }
0x10e: {  	[tilespmem:$0x1E8D0] =	vst v9;
	v9 =	vld [tilespmem:$0x66F0]  }
0x10f: {  	[tilespmem:$0x1F960] =	vst v7;
	v7 =	vld [tilespmem:$0x6A00]  }
0x110: {  	[tilespmem:$0x1F4D0] =	vst v5;
	v5 =	vld [tilespmem:$0x7010]  }
0x111: {  	[tilespmem:$0x1EED0] =	vst v4;
	v4 =	vld [tilespmem:$0x7320]  }
0x112: {  	[tilespmem:$0x1EF80] =	vst v24;
	v24 =	vmul.f32 v25, v22;
	v25 =	vld [tilespmem:$0x7350]  }
0x113: {  	[tilespmem:$0x1F510] =	vst v9;
	v9 =	vld [tilespmem:$0x72F0]  }
0x114: {  	[tilespmem:$0x1F4A0] =	vst v7;
	v7 =	vld [tilespmem:$0x7300]  }
0x115: {  	[tilespmem:$0x1EEA0] =	vst v5;
	v5 =	vld [tilespmem:$0x7610]  }
0x116: {  	[tilespmem:$0x1E990] =	vst v4;
	v4 =	vld [tilespmem:$0x7620]  }
0x117: {  	[tilespmem:$0x1EA20] =	vst v25;
	v25 =	vmul.f32 v26, v3;
	v26 =	vmul.f32 v28, v22;
	v28 =	vld [tilespmem:$0x7650]  }
0x118: {  	[tilespmem:$0x1E900] =	vst v9;
	v9 =	vld [tilespmem:s18+$0xFFFFFE00];
	v23 =	vadd.f32 $0.0e+00, v23  }
0x119: {  	[tilespmem:$0x1E930] =	vst v7;
	v7 =	vld [tilespmem:s18+$0xFFFFFE10]  }
0x11a: {  	[tilespmem:$0x1E920] =	vst v5;
	v23 =	vadd.f32 v26, v23;
	v26 =	vmul.f32 v49, v3;
	v49 =	vld [tilespmem:s18+$0x160]  }
0x11b: {  	v5 =	vld [tilespmem:s18+$0xFFFFFE20];
	v0 =	vadd.f32 $0.0e+00, v0;
	[tilespmem:$0x1E950] =	vst v4  }
0x11c: {  	v4 =	vld [tilespmem:s18+$0xFFFFFE30];
	[tilespmem:$0x1E9E0] =	vst v28;
	v28 =	vmul.f32 v29, v3  }
0x11d: {  	v24 =	vadd.f32 v24, v0;
	v0 =	vld [tilespmem:s18+$0xFFFFFE60];
	v25 =	vadd.f32 $0.0e+00, v25;
	v29 =	vmul.f32 v35, v22  }
0x11e: {  	v35 =	vmul.f32 v47, v22;
	v47 =	vmul.f32 v27, v3;
	v27 =	vld [tilespmem:$0x6460];
	v28 =	vadd.f32 $0.0e+00, v28  }
0x11f: {  	[tilespmem:$0x1EA00] =	vst v49;
	v49 =	vld [tilespmem:$0x6160];
	v25 =	vadd.f32 v29, v25;
	v29 =	vmul.f32 v33, v3  }
0x120: {  	v3 =	vmul.f32 v37, v3;
	v33 =	vld [tilespmem:$0x6D60];
	v37 =	vmul.f32 v30, v21;
	v28 =	vadd.f32 v35, v28  }
0x121: {  	v30 =	vld [tilespmem:$0x7060];
	v35 =	vadd.f32 $0.0e+00, v47;
	v29 =	vadd.f32 $0.0e+00, v29;
	v47 =	vmul.f32 v31, v22  }
0x122: {  	v31 =	vmul.f32 v32, v22;
	v32 =	vld [tilespmem:$0x7360];
	v24 =	vadd.f32 v37, v24;
	v37 =	vmul.f32 v38, v21  }
0x123: {  	v38 =	vmul.f32 v39, v21;
	v39 =	vmul.f32 v40, v21;
	v40 =	vld [tilespmem:s18+$0x170]  }
0x124: {  	[tilespmem:$0x1FA40] =	vst v27;
	v27 =	vld [tilespmem:$0x6A60];
	v29 =	vadd.f32 v31, v29;
	v31 =	vmul.f32 v36, v21  }
0x125: {  	v36 =	vmul.f32 v53, v21;
	v53 =	vmul.f32 v54, v20;
	v54 =	vld [tilespmem:$0x7370]  }
0x126: {  	[tilespmem:$0x1FA80] =	vst v49;
	v49 =	vmul.f32 v50, v22;
	v50 =	vld [tilespmem:$0x6760]  }
0x127: {  	v22 =	vmul.f32 v34, v22;
	v34 =	vld [tilespmem:$0x7660]  }
0x128: {  	[tilespmem:$0x1EFB0] =	vst v30;
	v30 =	vld [tilespmem:$0x6170]  }
0x129: {  	[tilespmem:$0x1F030] =	vst v33;
	v33 =	vmul.f32 v52, v21;
	v52 =	vld [tilespmem:$0x7070]  }
0x12a: {  	v28 =	vadd.f32 v36, v28;
	v36 =	vld [tilespmem:$0x6770]  }
0x12b: {  	v35 =	vadd.f32 v47, v35;
	v29 =	vadd.f32 v39, v29;
	v39 =	vld [tilespmem:$0x6A70]  }
0x12c: {  	v3 =	vadd.f32 $0.0e+00, v3;
	v23 =	vadd.f32 v31, v23;
	v31 =	vmul.f32 v42, v6;
	v42 =	vld [tilespmem:$0x6D70]  }
0x12d: {  	v26 =	vadd.f32 $0.0e+00, v26;
	v35 =	vadd.f32 v38, v35;
	v38 =	vmul.f32 v45, v6;
	v45 =	vld [tilespmem:$0x1E780]  }
0x12e: {  	v22 =	vadd.f32 v22, v3;
	v3 =	vld [tilespmem:s18+$0xFFFFFE70]  }
0x12f: {  	v21 =	vmul.f32 v41, v21;
	v41 =	vmul.f32 v48, v6;
	v26 =	vadd.f32 v49, v26;
	[tilespmem:$0x1EA50] =	vst v32;
	v32 =	vld [tilespmem:$0x6470]  }
0x130: {  	v49 =	vadd.f32 v33, v25;
	v33 =	vmul.f32 v43, v6;
	v43 =	vmul.f32 v51, v6;
	v51 =	vld [tilespmem:s18+$0x190]  }
0x131: {  	v24 =	vadd.f32 v31, v24;
	v31 =	vmul.f32 v58, v20;
	v58 =	vld [tilespmem:$0x6D80]  }
0x132: {  	v35 =	vadd.f32 v41, v35;
	v41 =	vmul.f32 v63, v8;
	v63 =	vld [tilespmem:$0x7080]  }
0x133: {  	[tilespmem:$0x1F5C0] =	vst v27;
	v27 =	vld [tilespmem:$0x1F390]  }
0x134: {  	v21 =	vadd.f32 v21, v22;
	v22 =	vadd.f32 v33, v23;
	v33 =	vld [tilespmem:s18+$0x180];
	[tilespmem:$0x1EA10] =	vst v34  }
0x135: {  	v26 =	vadd.f32 v37, v26;
	v37 =	vmul.f32 v46, v6;
	[tilespmem:$0x1FAB0] =	vst v30;
	v34 =	vmul.f32 v44, v6;
	v30 =	vld [tilespmem:$0x7670]  }
0x136: {  	v6 =	vmul.f32 v57, v6;
	v57 =	vmul.f32 v55, v20;
	v55 =	vld [tilespmem:$0x1F290]  }
0x137: {  	v44 =	vld [tilespmem:$0x1EC90]  }
0x138: {  	v28 =	vadd.f32 v37, v28;
	v37 =	vld [tilespmem:$0x6180]  }
0x139: {  	v56 =	vmul.f32 v56, v20;
	v26 =	vadd.f32 v38, v26;
	v38 =	vld [tilespmem:$0x1E6B0]  }
0x13a: {  	[tilespmem:$0x1F070] =	vst v42;
	v42 =	vld [tilespmem:$0x6780]  }
0x13b: {  	v22 =	vadd.f32 v56, v22;
	v56 =	vld [tilespmem:$0x1ECB0]  }
0x13c: {  	[tilespmem:$0x1F6D0] =	vst v36;
	v36 =	vmul.f32 v61, v20;
	v61 =	vld [tilespmem:$0x1E720]  }
0x13d: {  	v46 =	vmul.f32 v45, v11;
	v45 =	vld [tilespmem:$0x1F3F0]  }
0x13e: {  	v21 =	vadd.f32 v6, v21;
	v6 =	vld [tilespmem:s18+$0xFFFFFE80]  }
0x13f: {  	[tilespmem:$0x1EA30] =	vst v40;
	v40 =	vadd.f32 v34, v49;
	v49 =	vadd.f32 v53, v24;
	v53 =	vld [tilespmem:$0x1F330]  }
0x140: {  	[tilespmem:$0x1FA70] =	vst v32;
	v32 =	vmul.f32 v59, v20;
	v59 =	vld [tilespmem:$0x1EC20]  }
0x141: {  	v29 =	vadd.f32 v43, v29;
	v24 =	vld [tilespmem:$0x1F770]  }
0x142: {  	v28 =	vadd.f32 v31, v28;
	v31 =	vld [tilespmem:$0x1E6E0]  }
0x143: {  	v29 =	vadd.f32 v36, v29;
	v36 =	vld [tilespmem:$0x1F740]  }
0x144: {  	[tilespmem:$0x1F020] =	vst v63;
	v63 =	vld [tilespmem:$0x6790]  }
0x145: {  	v23 =	vadd.f32 v57, v40;
	v40 =	vld [tilespmem:$0x6480]  }
0x146: {  	v34 =	vmul.f32 v60, v20;
	v26 =	vadd.f32 v32, v26;
	v32 =	vld [tilespmem:$0x7380]  }
0x147: {  	[tilespmem:$0x1EA60] =	vst v33;
	v33 =	vld [tilespmem:$0x1F780]  }
0x148: {  	v35 =	vadd.f32 v34, v35;
	v34 =	vld [tilespmem:$0x7680]  }
0x149: {  	[tilespmem:$0x1EA40] =	vst v30;
	v30 =	vld [tilespmem:$0x6A80]  }
0x14a: {  	v20 =	vmul.f32 v38, v20;
	v38 =	vld [tilespmem:$0x1F370]  }
0x14b: {  	[tilespmem:$0x1F730] =	vst v42;
	v42 =	vld [tilespmem:$0x1ECD0]  }
0x14c: {  	v57 =	vmul.f32 v56, v8;
	v56 =	vld [tilespmem:$0x6190]  }
0x14d: {  	[tilespmem:$0x1F600] =	vst v39;
	v39 =	vmul.f32 v62, v8;
	v62 =	vmul.f32 v61, v8;
	v61 =	vld [tilespmem:$0x1F7B0]  }
0x14e: {  	v60 =	vmul.f32 v59, v8;
	v59 =	vld [tilespmem:$0x6490]  }
0x14f: {  	v25 =	vmul.f32 v24, v11;
	v24 =	vld [tilespmem:s18+$0x1A0]  }
0x150: {  	[tilespmem:$0x1EA80] =	vst v54;
	v54 =	vmul.f32 v53, v8;
	v53 =	vld [tilespmem:$0x1F930]  }
0x151: {  	v43 =	vadd.f32 v39, v49;
	v26 =	vadd.f32 v57, v26;
	v57 =	vld [tilespmem:$0x1E750]  }
0x152: {  	v49 =	vadd.f32 v41, v22;
	v22 =	vmul.f32 v55, v8;
	v8 =	vmul.f32 v31, v8;
	v31 =	vld [tilespmem:$0x1ED40]  }
0x153: {  	[tilespmem:$0x1FAA0] =	vst v40;
	v40 =	vld [tilespmem:$0x1F2C0]  }
0x154: {  	v23 =	vadd.f32 v54, v23;
	v54 =	vld [tilespmem:$0x1EC50]  }
0x155: {  	v20 =	vadd.f32 v20, v21;
	v35 =	vadd.f32 v60, v35;
	v60 =	vld [tilespmem:$0x1E710]  }
0x156: {  	[tilespmem:$0x1FAE0] =	vst v37;
	v28 =	vadd.f32 v22, v28;
	v37 =	vmul.f32 v36, v19;
	v22 =	vmul.f32 v33, v19;
	v33 =	vld [tilespmem:$0x1ECC0]  }
0x157: {  	v20 =	vadd.f32 v8, v20;
	v8 =	vld [tilespmem:s18+$0xFFFFFE90]  }
0x158: {  	v47 =	vadd.f32 v37, v49;
	v37 =	vld [tilespmem:$0x6A90]  }
0x159: {  	v21 =	vadd.f32 v22, v43;
	v22 =	vld [tilespmem:$0x1F490]  }
0x15a: {  	[tilespmem:$0x1FAD0] =	vst v59;
	v59 =	vld [tilespmem:$0x7690]  }
0x15b: {  	v39 =	vmul.f32 v38, v19;
	v47 =	vadd.f32 v25, v47;
	v25 =	vld [tilespmem:$0x1F320]  }
0x15c: {  	v43 =	vmul.f32 v42, v19;
	[tilespmem:$0x1EAC0] =	vst v24;
	v24 =	vld [tilespmem:$0x1F870]  }
0x15d: {  	v23 =	vadd.f32 v39, v23;
	v39 =	vld [tilespmem:$0x1F2F0]  }
0x15e: {  	v29 =	vadd.f32 v62, v29;
	v62 =	vmul.f32 v61, v11;
	v26 =	vadd.f32 v43, v26;
	v43 =	vld [tilespmem:$0x7090]  }
0x15f: {  	[tilespmem:$0x1F090] =	vst v58;
	v58 =	vmul.f32 v57, v19;
	v57 =	vld [tilespmem:$0x1F7E0]  }
0x160: {  	v38 =	vadd.f32 v62, v21;
	v62 =	vld [tilespmem:$0x1F3D0]  }
0x161: {  	[tilespmem:$0x1EAB0] =	vst v32;
	v32 =	vmul.f32 v31, v18;
	v31 =	vld [tilespmem:$0x76A0]  }
0x162: {  	v41 =	vmul.f32 v40, v19;
	v40 =	vld [tilespmem:$0x6D90]  }
0x163: {  	v55 =	vmul.f32 v54, v19;
	v54 =	vld [tilespmem:$0x7390]  }
0x164: {  	v36 =	vmul.f32 v27, v11;
	v19 =	vmul.f32 v60, v19;
	v60 =	vld [tilespmem:$0x1F7A0]  }
0x165: {  	[tilespmem:$0x1EA70] =	vst v34;
	v34 =	vmul.f32 v33, v18;
	v33 =	vld [tilespmem:$0x1F840]  }
0x166: {  	v23 =	vadd.f32 v36, v23;
	v36 =	vld [tilespmem:$0x1E7B0]  }
0x167: {  	v28 =	vadd.f32 v41, v28;
	v41 =	vld [tilespmem:$0x1ED20]  }
0x168: {  	v35 =	vadd.f32 v55, v35;
	v55 =	vld [tilespmem:$0x1E740]  }
0x169: {  	v29 =	vadd.f32 v58, v29;
	[tilespmem:$0x1EAA0] =	vst v59;
	v59 =	vld [tilespmem:$0x61A0]  }
0x16a: {  	v27 =	vmul.f32 v25, v18;
	v25 =	vld [tilespmem:$0x73A0]  }
0x16b: {  	v29 =	vadd.f32 v46, v29;
	v46 =	vmul.f32 v45, v17;
	v45 =	vld [tilespmem:$0x1EDB0]  }
0x16c: {  	v21 =	vmul.f32 v39, v11;
	v39 =	vld [tilespmem:$0x1E770]  }
0x16d: {  	[tilespmem:$0x1F050] =	vst v43;
	v43 =	vld [tilespmem:$0x6AA0]  }
0x16e: {  	v58 =	vmul.f32 v57, v18;
	v57 =	vld [tilespmem:$0x1ED90]  }
0x16f: {  	[tilespmem:$0x1F790] =	vst v63;
	v63 =	vmul.f32 v62, v18;
	v62 =	vld [tilespmem:$0x1ED00]  }
0x170: {  	[tilespmem:$0x1F0C0] =	vst v40;
	v40 =	vld [tilespmem:$0x67A0]  }
0x171: {  	v61 =	vmul.f32 v60, v18;
	v60 =	vld [tilespmem:$0x70A0]  }
0x172: {  	[tilespmem:$0x1EAE0] =	vst v54;
	v54 =	vld [tilespmem:s18+$0x1D0]  }
0x173: {  	v19 =	vadd.f32 v19, v20;
	v20 =	vadd.f32 v58, v38;
	v38 =	vld [tilespmem:$0x64A0]  }
0x174: {  	v28 =	vadd.f32 v21, v28;
	v21 =	vmul.f32 v44, v11;
	v44 =	vld [tilespmem:$0x1F7D0]  }
0x175: {  	[tilespmem:$0x1F6A0] =	vst v37;
	v37 =	vmul.f32 v36, v18;
	v36 =	vld [tilespmem:$0x1F800]  }
0x176: {  	[tilespmem:$0x1FB10] =	vst v56;
	v42 =	vmul.f32 v41, v11;
	v56 =	vmul.f32 v55, v11;
	v11 =	vld [tilespmem:s18+$0xFFFFFEA0]  }
0x177: {  	v41 =	vld [tilespmem:$0x1F810]  }
0x178: {  	v23 =	vadd.f32 v63, v23;
	v55 =	vld [tilespmem:$0x6DA0]  }
0x179: {  	v28 =	vadd.f32 v27, v28;
	v27 =	vld [tilespmem:$0x1E7E0]  }
0x17a: {  	v47 =	vadd.f32 v61, v47;
	v61 =	vadd.f32 v46, v23;
	v23 =	vld [tilespmem:s18+$0xFFFFFEB0]  }
0x17b: {  	v35 =	vadd.f32 v21, v35;
	v21 =	vld [tilespmem:$0x6DB0]  }
0x17c: {  	[tilespmem:$0x1EB10] =	vst v25;
	v25 =	vmul.f32 v24, v15;
	v24 =	vmul.f32 v22, v14;
	v22 =	vld [tilespmem:$0x1F410]  }
0x17d: {  	v19 =	vadd.f32 v56, v19;
	v56 =	vld [tilespmem:$0x1F350]  }
0x17e: {  	v58 =	vmul.f32 v57, v17;
	v57 =	vld [tilespmem:$0x1ED30]  }
0x17f: {  	v63 =	vmul.f32 v62, v17;
	v62 =	vld [tilespmem:$0x67B0]  }
0x180: {  	[tilespmem:$0x1F7F0] =	vst v40;
	v40 =	vld [tilespmem:s18+$0x1B0]  }
0x181: {  	v26 =	vadd.f32 v42, v26;
	[tilespmem:$0x1F080] =	vst v60;
	v60 =	vld [tilespmem:$0x1E810]  }
0x182: {  	v35 =	vadd.f32 v34, v35;
	v34 =	vmul.f32 v33, v16;
	v33 =	vld [tilespmem:$0x1F830]  }
0x183: {  	v18 =	vmul.f32 v39, v18;
	v26 =	vadd.f32 v32, v26;
	v32 =	vld [tilespmem:$0x1E7A0]  }
0x184: {  	[tilespmem:$0x1FB00] =	vst v38;
	v38 =	vld [tilespmem:$0x1F430]  }
0x185: {  	v18 =	vadd.f32 v18, v19;
	v19 =	vmul.f32 v44, v17;
	v44 =	vld [tilespmem:$0x61B0]  }
0x186: {  	v29 =	vadd.f32 v37, v29;
	v37 =	vmul.f32 v36, v16;
	v36 =	vld [tilespmem:$0x1F450]  }
0x187: {  	v42 =	vmul.f32 v41, v17;
	v35 =	vadd.f32 v63, v35;
	v63 =	vld [tilespmem:$0x1E7D0]  }
0x188: {  	[tilespmem:$0x1F0E0] =	vst v55;
	v55 =	vld [tilespmem:$0x1F8C0]  }
0x189: {  	v46 =	vmul.f32 v45, v16;
	v26 =	vadd.f32 v58, v26;
	v49 =	vadd.f32 v42, v20;
	v42 =	vld [tilespmem:$0x1F380]  }
0x18a: {  	v19 =	vadd.f32 v19, v47;
	v20 =	vmul.f32 v56, v17;
	v56 =	vld [tilespmem:$0x64B0]  }
0x18b: {  	v26 =	vadd.f32 v46, v26;
	v46 =	vld [tilespmem:$0x6AB0]  }
0x18c: {  	v58 =	vmul.f32 v57, v16;
	v19 =	vadd.f32 v37, v19;
	v37 =	vld [tilespmem:$0x1F3B0]  }
0x18d: {  	v39 =	vmul.f32 v38, v16;
	v38 =	vld [tilespmem:$0x1EE00]  }
0x18e: {  	v35 =	vadd.f32 v58, v35;
	v58 =	vld [tilespmem:$0x76B0]  }
0x18f: {  	v28 =	vadd.f32 v20, v28;
	v20 =	vmul.f32 v27, v17;
	v27 =	vld [tilespmem:$0x1F3E0]  }
0x190: {  	v17 =	vmul.f32 v32, v17;
	v32 =	vld [tilespmem:$0x1EE20]  }
0x191: {  	[tilespmem:$0x1FB70] =	vst v44;
	v44 =	vld [tilespmem:$0x1F8D0]  }
0x192: {  	v47 =	vadd.f32 v39, v61;
	v39 =	vld [tilespmem:$0x70B0]  }
0x193: {  	v41 =	vadd.f32 v34, v49;
	v34 =	vmul.f32 v33, v15;
	v61 =	vmul.f32 v60, v16;
	v60 =	vld [tilespmem:$0x1E800]  }
0x194: {  	v29 =	vadd.f32 v20, v29;
	v20 =	vld [tilespmem:$0x1F860]  }
0x195: {  	v49 =	vadd.f32 v34, v19;
	v34 =	vld [tilespmem:$0x64C0]  }
0x196: {  	v17 =	vadd.f32 v17, v18;
	v18 =	vmul.f32 v36, v15;
	v36 =	vld [tilespmem:$0x1EDA0]  }
0x197: {  	[tilespmem:$0x1F700] =	vst v43;
	v43 =	vmul.f32 v42, v16;
	v42 =	vld [tilespmem:$0x1ED70]  }
0x198: {  	[tilespmem:$0x1FB30] =	vst v56;
	v56 =	vld [tilespmem:$0x1E840]  }
0x199: {  	v16 =	vmul.f32 v63, v16;
	v63 =	vld [tilespmem:s18+$0x1C0]  }
0x19a: {  	v29 =	vadd.f32 v61, v29;
	v61 =	vld [tilespmem:$0x1F8A0]  }
0x19b: {  	v16 =	vadd.f32 v16, v17;
	v17 =	vadd.f32 v25, v41;
	v41 =	vld [tilespmem:$0x73B0]  }
0x19c: {  	v25 =	vld [tilespmem:$0x61C0]  }
0x19d: {  	[tilespmem:$0x1EAF0] =	vst v40;
	v40 =	vmul.f32 v38, v15;
	v38 =	vld [tilespmem:$0x67C0]  }
0x19e: {  	v18 =	vadd.f32 v18, v47;
	v45 =	vmul.f32 v44, v13;
	v44 =	vld [tilespmem:$0x1F900]  }
0x19f: {  	[tilespmem:$0x1EAD0] =	vst v31;
	v31 =	vmul.f32 v27, v14;
	v27 =	vld [tilespmem:$0x1E8D0]  }
0x1a0: {  	v18 =	vadd.f32 v24, v18;
	v24 =	vld [tilespmem:$0x73C0]  }
0x1a1: {  	[tilespmem:$0x1F670] =	vst v50;
	v50 =	vadd.f32 v40, v26;
	v26 =	vld [tilespmem:s18+$0xFFFFFEC0]  }
0x1a2: {  	v40 =	vld [tilespmem:$0x1E870]  }
0x1a3: {  	v19 =	vmul.f32 v37, v15;
	v37 =	vmul.f32 v36, v14;
	v36 =	vld [tilespmem:$0x1EE60]  }
0x1a4: {  	[tilespmem:$0x1FB60] =	vst v34;
	v34 =	vld [tilespmem:s18+$0x1E0]  }
0x1a5: {  	v28 =	vadd.f32 v43, v28;
	v43 =	vmul.f32 v42, v15;
	v42 =	vld [tilespmem:$0x6AC0]  }
0x1a6: {  	v57 =	vmul.f32 v56, v15;
	v56 =	vld [tilespmem:$0x6DC0]  }
0x1a7: {  	v15 =	vmul.f32 v60, v15;
	v60 =	vld [tilespmem:$0x1F4B0]  }
0x1a8: {  	v35 =	vadd.f32 v43, v35;
	v43 =	vld [tilespmem:$0x1E830]  }
0x1a9: {  	[tilespmem:$0x1F850] =	vst v62;
	v28 =	vadd.f32 v19, v28;
	v29 =	vadd.f32 v57, v29;
	v57 =	vld [tilespmem:$0x1F890]  }
0x1aa: {  	v62 =	vmul.f32 v61, v14;
	[tilespmem:$0x1F8B0] =	vst v38;
	v38 =	vld [tilespmem:$0x1EDE0]  }
0x1ab: {  	v28 =	vadd.f32 v31, v28;
	v31 =	vmul.f32 v27, v12;
	v27 =	vld [tilespmem:$0x1E900]  }
0x1ac: {  	v17 =	vadd.f32 v62, v17;
	v62 =	vld [tilespmem:$0x70C0]  }
0x1ad: {  	[tilespmem:$0x1EBC0] =	vst v24;
	v24 =	vld [tilespmem:$0x1EE10]  }
0x1ae: {  	v35 =	vadd.f32 v37, v35;
	v37 =	vld [tilespmem:$0x76C0]  }
0x1af: {  	[tilespmem:$0x1EB40] =	vst v63;
	v61 =	vmul.f32 v60, v13;
	v60 =	vld [tilespmem:$0x1F440]  }
0x1b0: {  	[tilespmem:$0x1EB60] =	vst v41;
	v41 =	vmul.f32 v40, v14;
	v63 =	vadd.f32 v45, v17;
	v17 =	vmul.f32 v22, v13;
	v22 =	vld [tilespmem:$0x67D0]  }
0x1b1: {  	[tilespmem:$0x1F130] =	vst v56;
	v56 =	vmul.f32 v55, v12;
	v55 =	vld [tilespmem:$0x1F8F0]  }
0x1b2: {  	[tilespmem:$0x1EFF0] =	vst v52;
	v29 =	vadd.f32 v41, v29;
	v41 =	vld [tilespmem:$0x1E8A0]  }
0x1b3: {  	[tilespmem:$0x1EA90] =	vst v51;
	v33 =	vmul.f32 v32, v14;
	v17 =	vadd.f32 v17, v28;
	v28 =	vld [tilespmem:s18+$0xFFFFFED0]  }
0x1b4: {  	[tilespmem:$0x1F640] =	vst v30;
	v15 =	vadd.f32 v15, v16;
	v16 =	vmul.f32 v20, v14;
	v14 =	vmul.f32 v43, v14;
	v43 =	vld [tilespmem:$0x1E860]  }
0x1b5: {  	[tilespmem:$0x1EB00] =	vst v58;
	v58 =	vmul.f32 v57, v13;
	v57 =	vld [tilespmem:$0x1F4F0]  }
0x1b6: {  	[tilespmem:$0x1FBA0] =	vst v25;
	v25 =	vadd.f32 v61, v18;
	v18 =	vmul.f32 v36, v13;
	v36 =	vld [tilespmem:$0x6DD0]  }
0x1b7: {  	[tilespmem:$0x1FB40] =	vst v59;
	v40 =	vmul.f32 v38, v13;
	v38 =	vld [tilespmem:$0x70D0]  }
0x1b8: {  	v16 =	vadd.f32 v16, v49;
	[tilespmem:$0x1F0D0] =	vst v62;
	v62 =	vld [tilespmem:$0x1EE80]  }
0x1b9: {  	[tilespmem:$0x1EB90] =	vst v54;
	v35 =	vadd.f32 v40, v35;
	v40 =	vld [tilespmem:$0x61D0]  }
0x1ba: {  	[tilespmem:$0x1F7C0] =	vst v42;
	v16 =	vadd.f32 v58, v16;
	v58 =	vld [tilespmem:$0x64D0]  }
0x1bb: {  	[tilespmem:$0x1EB50] =	vst v37;
	v37 =	vld [tilespmem:$0x1F960];
	v42 =	vmul.f32 v41, v13  }
0x1bc: {  	[tilespmem:$0x1F110] =	vst v21;
	v61 =	vmul.f32 v60, v12;
	v60 =	vld [tilespmem:$0x1F470]  }
0x1bd: {  	[tilespmem:$0x1F760] =	vst v46;
	v29 =	vadd.f32 v42, v29;
	v42 =	vld [tilespmem:$0x1E890]  }
0x1be: {  	[tilespmem:$0x1F910] =	vst v22;
	v22 =	vld [tilespmem:$0x76D0]  }
0x1bf: {  	[tilespmem:$0x1F0A0] =	vst v39;
	v45 =	vmul.f32 v44, v12;
	v14 =	vadd.f32 v14, v15;
	v41 =	vld [tilespmem:$0x6AD0];
	v13 =	vmul.f32 v43, v13  }
0x1c0: {  	[tilespmem:$0x1EC00] =	vst v34;
	v16 =	vadd.f32 v56, v16;
	v56 =	vld [tilespmem:$0x1F510];
	v15 =	vmul.f32 v57, v12  }
0x1c1: {  	v13 =	vadd.f32 v13, v14;
	v14 =	vadd.f32 v45, v63;
	[tilespmem:$0x1FB90] =	vst v58;
	v63 =	vmul.f32 v62, v12;
	v58 =	vld [tilespmem:$0x73D0]  }
0x1c2: {  	[tilespmem:$0x1F160] =	vst v36;
	v15 =	vadd.f32 v15, v25;
	v25 =	vmul.f32 v24, v12;
	v24 =	vld [tilespmem:$0x1EE50];
	v12 =	vmul.f32 v42, v12  }
0x1c3: {  	[tilespmem:$0x1F0F0] =	vst v38;
	v42 =	vld [tilespmem:$0x61E0]  }
0x1c4: {  	[tilespmem:$0x1FBD0] =	vst v40;
	v12 =	vadd.f32 v12, v13;
	v13 =	vmul.f32 v55, v10;
	v55 =	vld [tilespmem:$0x64E0]  }
0x1c5: {  	v62 =	vld [tilespmem:$0x1EEC0];
	[tilespmem:$0x1EBA0] =	vst v22  }
0x1c6: {  	v45 =	vld [tilespmem:$0x1F550];
	v43 =	vadd.f32 v31, v29;
	v31 =	vmul.f32 v27, v10;
	[tilespmem:$0x1F820] =	vst v41  }
0x1c7: {  	v29 =	vld [tilespmem:s18+$0xFFFFFEE0];
	v35 =	vadd.f32 v25, v35;
	[tilespmem:$0x1EC30] =	vst v58;
	v13 =	vadd.f32 v13, v16;
	v16 =	vmul.f32 v24, v10  }
0x1c8: {  	v57 =	vmul.f32 v56, v10;
	v49 =	vadd.f32 v31, v43;
	v43 =	vld [tilespmem:$0x1F920];
	[tilespmem:$0x1FC00] =	vst v42  }
0x1c9: {  	v17 =	vadd.f32 v61, v17;
	v61 =	vmul.f32 v60, v10;
	v16 =	vadd.f32 v16, v35;
	v35 =	vld [tilespmem:$0x1E8C0];
	[tilespmem:$0x1FBC0] =	vst v55  }
0x1ca: {  	v47 =	vadd.f32 v33, v50;
	v15 =	vadd.f32 v57, v15;
	v57 =	vld [tilespmem:$0x1F4A0]  }
0x1cb: {  	v25 =	vadd.f32 v61, v17;
	v17 =	vld [tilespmem:$0x67E0]  }
0x1cc: {  	v47 =	vadd.f32 v18, v47;
	v58 =	vld [tilespmem:$0x1EEE0]  }
0x1cd: {  	v61 =	vld [tilespmem:$0x6AE0]  }
0x1ce: {  	v47 =	vadd.f32 v63, v47;
	v63 =	vmul.f32 v62, v10;
	v62 =	vld [tilespmem:$0x1EE70]  }
0x1cf: {  	v54 =	vmul.f32 v53, v10;
	v20 =	vld [tilespmem:$0x1E930]  }
0x1d0: {  	v24 =	vld [tilespmem:$0x6DE0]  }
0x1d1: {  	v14 =	vadd.f32 v54, v14;
	v41 =	vmul.f32 v37, v9;
	v27 =	vld [tilespmem:$0x1F990]  }
0x1d2: {  	v37 =	vld [tilespmem:$0x70E0]  }
0x1d3: {  	v56 =	vadd.f32 v41, v14;
	v41 =	vld [tilespmem:$0x1F950]  }
0x1d4: {  	v42 =	vld [tilespmem:$0x73E0]  }
0x1d5: {  	v32 =	vld [tilespmem:$0x1F9C0]  }
0x1d6: {  	v34 =	vld [tilespmem:$0x64F0]  }
0x1d7: {  	v48 =	vmul.f32 v45, v9;
	v45 =	vld [tilespmem:$0x1EF50]  }
0x1d8: {  	v52 =	vld [tilespmem:$0x1EED0]  }
0x1d9: {  	v53 =	vld [tilespmem:$0x1E990]  }
0x1da: {  	v55 =	vld [tilespmem:$0x1E950]  }
0x1db: {  	v19 =	vld [tilespmem:$0x1F530]  }
0x1dc: {  	v18 =	vld [tilespmem:$0x1EFC0]  }
0x1dd: {  	v51 =	vld [tilespmem:$0x7720]  }
0x1de: {  	v10 =	vmul.f32 v35, v10;
	v35 =	vld [tilespmem:s18+$0xFFFFFEF0]  }
0x1df: {  	v14 =	vmul.f32 v57, v9;
	v57 =	vld [tilespmem:$0x1F570]  }
0x1e0: {  	v60 =	vmul.f32 v58, v9;
	v58 =	vld [tilespmem:$0x76E0]  }
0x1e1: {  	v47 =	vadd.f32 v63, v47;
	v63 =	vmul.f32 v62, v9;
	v62 =	vld [tilespmem:$0x1EF30]  }
0x1e2: {  	v22 =	vmul.f32 v20, v9;
	v20 =	vld [tilespmem:$0x1EEA0]  }
0x1e3: {  	v31 =	vmul.f32 v27, v7;
	v27 =	vld [tilespmem:$0x1E920]  }
0x1e4: {  	[tilespmem:$0x1F120] =	vst v37;
	v37 =	vld [tilespmem:$0x1F980]  }
0x1e5: {  	v15 =	vadd.f32 v48, v15;
	v48 =	vmul.f32 v45, v5;
	v45 =	vld [tilespmem:$0x70F0]  }
0x1e6: {  	v33 =	vmul.f32 v32, v5;
	v32 =	vld [tilespmem:s18+$0x200]  }
0x1e7: {  	v14 =	vadd.f32 v14, v25;
	v25 =	vld [tilespmem:$0x1E8F0]  }
0x1e8: {  	v47 =	vadd.f32 v60, v47;
	v60 =	vld [tilespmem:$0x1F4D0]  }
0x1e9: {  	v44 =	vmul.f32 v43, v9;
	v49 =	vadd.f32 v22, v49;
	v22 =	vld [tilespmem:$0x1E960]  }
0x1ea: {  	v43 =	vadd.f32 v31, v56;
	v31 =	vld [tilespmem:$0x61F0]  }
0x1eb: {  	v13 =	vadd.f32 v44, v13;
	v50 =	vadd.f32 v63, v16;
	v16 =	vmul.f32 v41, v7;
	v41 =	vld [tilespmem:$0x1F5B0]  }
0x1ec: {  	v56 =	vld [tilespmem:$0x1F9F0]  }
0x1ed: {  	v13 =	vadd.f32 v16, v13;
	v16 =	vld [tilespmem:$0x1EF80]  }
0x1ee: {  	v10 =	vadd.f32 v10, v12;
	v12 =	vmul.f32 v57, v7;
	v57 =	vld [tilespmem:$0x73F0]  }
0x1ef: {  	[tilespmem:$0x1EC10] =	vst v58;
	v63 =	vmul.f32 v62, v7;
	v58 =	vld [tilespmem:$0x1F9B0];
	v9 =	vmul.f32 v25, v9  }
0x1f0: {  	[tilespmem:$0x1F880] =	vst v61;
	v61 =	vmul.f32 v60, v7;
	v12 =	vadd.f32 v12, v15;
	v15 =	vmul.f32 v20, v7;
	v25 =	vld [tilespmem:s18+$0x1F0]  }
0x1f1: {  	[tilespmem:$0x1F180] =	vst v24;
	v24 =	vmul.f32 v22, v7;
	v7 =	vmul.f32 v27, v7;
	v27 =	vld [tilespmem:$0x6AF0]  }
0x1f2: {  	[tilespmem:$0x1FC30] =	vst v31;
	v31 =	vld [tilespmem:$0x6DF0]  }
0x1f3: {  	v47 =	vadd.f32 v63, v47;
	v63 =	vld [tilespmem:$0x76F0]  }
0x1f4: {  	v22 =	vld [tilespmem:$0x1EFA0]  }
0x1f5: {  	v20 =	vmul.f32 v19, v4;
	v19 =	vmul.f32 v18, v2;
	v18 =	vld [tilespmem:$0x6E10]  }
0x1f6: {  	v9 =	vadd.f32 v9, v10;
	v10 =	vadd.f32 v33, v43;
	v43 =	vld [tilespmem:$0x1F500]  }
0x1f7: {  	[tilespmem:$0x1ECA0] =	vst v42;
	v42 =	vmul.f32 v41, v5;
	v14 =	vadd.f32 v61, v14;
	v61 =	vld [tilespmem:$0x1F5D0]  }
0x1f8: {  	v33 =	vld [tilespmem:$0x1EF10]  }
0x1f9: {  	v12 =	vadd.f32 v42, v12;
	v42 =	vld [tilespmem:$0x1E980]  }
0x1fa: {  	[tilespmem:$0x1ED10] =	vst v57;
	v57 =	vld [tilespmem:$0x6800]  }
0x1fb: {  	v54 =	vmul.f32 v53, v5;
	v49 =	vadd.f32 v24, v49;
	v60 =	vmul.f32 v58, v4;
	v58 =	vld [tilespmem:$0x1F610]  }
0x1fc: {  	v7 =	vadd.f32 v7, v9;
	v9 =	vmul.f32 v37, v5;
	v37 =	vld [tilespmem:$0x1E9C0]  }
0x1fd: {  	v49 =	vadd.f32 v54, v49;
	v54 =	vld [tilespmem:$0x6500]  }
0x1fe: {  	[tilespmem:$0x1EC70] =	vst v25;
	v25 =	vld [tilespmem:$0x67F0]  }
0x1ff: {  	v24 =	vmul.f32 v22, v4;
	v22 =	vld [tilespmem:$0x1EF40]  }
0x200: {  	v62 =	vmul.f32 v61, v4;
	v61 =	vld [tilespmem:$0x6200]  }
0x201: {  	v47 =	vadd.f32 v48, v47;
	v44 =	vmul.f32 v43, v5;
	v43 =	vld [tilespmem:$0x1FA20]  }
0x202: {  	v9 =	vadd.f32 v9, v13;
	v13 =	vmul.f32 v52, v5;
	v5 =	vmul.f32 v55, v5;
	v55 =	vld [tilespmem:$0x1F9E0]  }
0x203: {  	v47 =	vadd.f32 v24, v47;
	v24 =	vld [tilespmem:$0x1E9F0]  }
0x204: {  	[tilespmem:$0x1FBF0] =	vst v34;
	v34 =	vmul.f32 v33, v4;
	v33 =	vld [tilespmem:$0x1E9B0]  }
0x205: {  	v9 =	vadd.f32 v60, v9;
	v60 =	vld [tilespmem:$0x6B00]  }
0x206: {  	[tilespmem:$0x1FA30] =	vst v57;
	v57 =	vld [tilespmem:$0x1F590]  }
0x207: {  	v7 =	vadd.f32 v5, v7;
	v5 =	vld [tilespmem:s18+$0xFFFFFF00]  }
0x208: {  	v15 =	vadd.f32 v15, v50;
	v12 =	vadd.f32 v62, v12;
	v62 =	vld [tilespmem:$0x1F560]  }
0x209: {  	v41 =	vmul.f32 v37, v4;
	v37 =	vld [tilespmem:$0x1FA50]  }
0x20a: {  	v13 =	vadd.f32 v13, v15;
	v15 =	vmul.f32 v56, v4;
	v4 =	vmul.f32 v42, v4;
	v42 =	vld [tilespmem:$0x1FA10]  }
0x20b: {  	v47 =	vadd.f32 v19, v47;
	v19 =	vld [tilespmem:$0x6810]  }
0x20c: {  	[tilespmem:$0x1FC20] =	vst v54;
	v54 =	vld [tilespmem:$0x6B10]  }
0x20d: {  	v14 =	vadd.f32 v44, v14;
	v13 =	vadd.f32 v34, v13;
	v34 =	vld [tilespmem:$0x7400]  }
0x20e: {  	v10 =	vadd.f32 v15, v10;
	v15 =	vld [tilespmem:$0x7120]  }
0x20f: {  	v14 =	vadd.f32 v20, v14;
	v20 =	vld [tilespmem:$0x6E00]  }
0x210: {  	v49 =	vadd.f32 v41, v49;
	v41 =	vld [tilespmem:$0x7700]  }
0x211: {  	[tilespmem:$0x1ECE0] =	vst v32;
	v32 =	vmul.f32 v24, v2;
	v24 =	vld [tilespmem:$0x1EA20]  }
0x212: {  	v56 =	vmul.f32 v55, v2;
	v55 =	vld [tilespmem:$0x1F5C0]  }
0x213: {  	v44 =	vmul.f32 v43, v2;
	[tilespmem:$0x1F940] =	vst v60;
	v60 =	vld [tilespmem:$0x1F010]  }
0x214: {  	v9 =	vadd.f32 v56, v9;
	v56 =	vld [tilespmem:$0x7100]  }
0x215: {  	v4 =	vadd.f32 v4, v7;
	v7 =	vadd.f32 v44, v10;
	v44 =	vld [tilespmem:$0x1F630]  }
0x216: {  	v43 =	vmul.f32 v42, v1;
	v42 =	vld [tilespmem:$0x1FA40]  }
0x217: {  	[tilespmem:$0x1EC80] =	vst v63;
	v10 =	vmul.f32 v58, v2;
	v58 =	vmul.f32 v57, v1;
	v57 =	vld [tilespmem:$0x1F030]  }
0x218: {  	v63 =	vmul.f32 v62, v2;
	[tilespmem:$0x1F9A0] =	vst v54;
	v54 =	vld [tilespmem:$0x1F6A0]  }
0x219: {  	[tilespmem:$0x1ED80] =	vst v34;
	v34 =	vld [tilespmem:$0x1E9E0]  }
0x21a: {  	v50 =	vadd.f32 v63, v14;
	v63 =	vld [tilespmem:s18+$0x210]  }
0x21b: {  	[tilespmem:$0x1F1C0] =	vst v20;
	v20 =	vld [tilespmem:$0x6210]  }
0x21c: {  	v10 =	vadd.f32 v10, v12;
	v12 =	vmul.f32 v22, v2;
	v2 =	vmul.f32 v33, v2;
	v33 =	vld [tilespmem:$0x6510]  }
0x21d: {  	v14 =	vmul.f32 v37, v1;
	v37 =	vld [tilespmem:$0x1FA80]  }
0x21e: {  	v4 =	vadd.f32 v2, v4;
	v2 =	vld [tilespmem:s18+$0xFFFFFF10]  }
0x21f: {  	v62 =	vmul.f32 v60, v1;
	v60 =	vld [tilespmem:$0x1EFB0]  }
0x220: {  	v12 =	vadd.f32 v12, v13;
	v13 =	vadd.f32 v32, v49;
	v32 =	vmul.f32 v24, v1;
	v24 =	vld [tilespmem:$0x1FAB0]  }
0x221: {  	v7 =	vadd.f32 v14, v7;
	v14 =	vld [tilespmem:$0x6B20]  }
0x222: {  	v48 =	vmul.f32 v44, v1;
	v44 =	vld [tilespmem:$0x1F670]  }
0x223: {  	[tilespmem:$0x1F970] =	vst v17;
	v17 =	vmul.f32 v16, v1;
	v9 =	vadd.f32 v43, v9;
	v43 =	vmul.f32 v42, v0;
	v42 =	vld [tilespmem:$0x7410]  }
0x224: {  	v50 =	vadd.f32 v58, v50;
	v58 =	vmul.f32 v57, v0;
	v57 =	vld [tilespmem:$0x1F600]  }
0x225: {  	v12 =	vadd.f32 v17, v12;
	v17 =	vld [tilespmem:$0x1EA10]  }
0x226: {  	v1 =	vmul.f32 v34, v1;
	v34 =	vld [tilespmem:$0x1FA70]  }
0x227: {  	[tilespmem:$0x1ECF0] =	vst v41;
	v41 =	vmul.f32 v37, v0;
	v37 =	vld [tilespmem:$0x7110]  }
0x228: {  	[tilespmem:$0x1ED50] =	vst v63;
	v63 =	vld [tilespmem:$0x1EA50]  }
0x229: {  	[tilespmem:$0x1FC50] =	vst v33;
	v33 =	vld [tilespmem:$0x7710]  }
0x22a: {  	v9 =	vadd.f32 v43, v9;
	v43 =	vld [tilespmem:$0x1F6D0]  }
0x22b: {  	v1 =	vadd.f32 v1, v4;
	v4 =	vadd.f32 v41, v7;
	v7 =	vmul.f32 v55, v0;
	v55 =	vld [tilespmem:s18+$0x220]  }
0x22c: {  	v47 =	vadd.f32 v62, v47;
	v13 =	vadd.f32 v32, v13;
	v32 =	vmul.f32 v24, v3;
	v24 =	vld [tilespmem:$0x1EA80]  }
0x22d: {  	v62 =	vmul.f32 v60, v0;
	v60 =	vld [tilespmem:$0x6520]  }
0x22e: {  	v47 =	vadd.f32 v58, v47;
	v58 =	vmul.f32 v57, v3;
	v57 =	vld [tilespmem:$0x6E20]  }
0x22f: {  	v12 =	vadd.f32 v62, v12;
	v62 =	vld [tilespmem:$0x6220]  }
0x230: {  	v22 =	vmul.f32 v17, v0;
	v17 =	vld [tilespmem:$0x1EFF0]  }
0x231: {  	v41 =	vmul.f32 v34, v3;
	v34 =	vld [tilespmem:$0x1FAE0]  }
0x232: {  	v10 =	vadd.f32 v48, v10;
	v48 =	vmul.f32 v44, v0;
	v16 =	vmul.f32 v63, v0;
	v0 =	vld [tilespmem:s18+$0xFFFFFF20]  }
0x233: {  	v63 =	vld [tilespmem:$0x1F070]  }
0x234: {  	[tilespmem:$0x1ED60] =	vst v33;
	v33 =	vld [tilespmem:$0x1EA40]  }
0x235: {  	v7 =	vadd.f32 v7, v50;
	v44 =	vmul.f32 v43, v3;
	v43 =	vld [tilespmem:$0x1F730]  }
0x236: {  	v10 =	vadd.f32 v48, v10;
	v48 =	vld [tilespmem:s18+$0x230]  }
0x237: {  	v7 =	vadd.f32 v58, v7;
	v58 =	vld [tilespmem:$0x6820]  }
0x238: {  	v9 =	vadd.f32 v41, v9;
	v41 =	vld [tilespmem:$0x1FAA0]  }
0x239: {  	[tilespmem:$0x1EDC0] =	vst v55;
	v55 =	vld [tilespmem:$0x1F090]  }
0x23a: {  	v10 =	vadd.f32 v44, v10;
	v44 =	vmul.f32 v30, v6;
	v30 =	vld [tilespmem:$0x1EA70]  }
0x23b: {  	v4 =	vadd.f32 v32, v4;
	v50 =	vadd.f32 v16, v13;
	v32 =	vmul.f32 v24, v3;
	v13 =	vld [tilespmem:$0x1F050]  }
0x23c: {  	v1 =	vadd.f32 v22, v1;
	v22 =	vmul.f32 v17, v3;
	v17 =	vld [tilespmem:$0x7420]  }
0x23d: {  	v49 =	vadd.f32 v32, v50;
	v32 =	vld [tilespmem:$0x1FB10]  }
0x23e: {  	v50 =	vmul.f32 v34, v6;
	v34 =	vld [tilespmem:$0x1FAD0]  }
0x23f: {  	v16 =	vmul.f32 v63, v3;
	v52 =	vmul.f32 v43, v6;
	v43 =	vld [tilespmem:$0x1F790]  }
0x240: {  	[tilespmem:$0x1EE30] =	vst v48;
	v48 =	vld [tilespmem:$0x1F0E0]  }
0x241: {  	v47 =	vadd.f32 v16, v47;
	v16 =	vld [tilespmem:$0x1F020]  }
0x242: {  	v3 =	vmul.f32 v33, v3;
	v12 =	vadd.f32 v22, v12;
	v22 =	vld [tilespmem:$0x1EAB0]  }
0x243: {  	v63 =	vmul.f32 v55, v6;
	v55 =	vld [tilespmem:$0x1F0C0]  }
0x244: {  	v3 =	vadd.f32 v3, v1;
	v1 =	vmul.f32 v41, v6;
	[tilespmem:$0x1E5D0] =	vst v17;
	v17 =	vld [tilespmem:$0x6530]  }
0x245: {  	v33 =	vmul.f32 v32, v8;
	v32 =	vld [tilespmem:$0x6830]  }
0x246: {  	v9 =	vadd.f32 v1, v9;
	v41 =	vmul.f32 v34, v8;
	v1 =	vmul.f32 v16, v6;
	v16 =	vld [tilespmem:$0x1EAE0]  }
0x247: {  	v7 =	vadd.f32 v44, v7;
	v4 =	vadd.f32 v50, v4;
	v44 =	vmul.f32 v43, v8;
	v43 =	vld [tilespmem:$0x1F7F0]  }
0x248: {  	v10 =	vadd.f32 v52, v10;
	v9 =	vadd.f32 v41, v9;
	v41 =	vld [tilespmem:$0x1FB00]  }
0x249: {  	v24 =	vmul.f32 v22, v6;
	v4 =	vadd.f32 v33, v4;
	v33 =	vld [tilespmem:$0x6E30]  }
0x24a: {  	v47 =	vadd.f32 v63, v47;
	v6 =	vmul.f32 v30, v6;
	v10 =	vadd.f32 v44, v10;
	v44 =	vld [tilespmem:$0x1F700]  }
0x24b: {  	v63 =	vmul.f32 v55, v8;
	v55 =	vld [tilespmem:$0x1F080];
	v49 =	vadd.f32 v24, v49;
	v22 =	vmul.f32 v16, v8  }
0x24c: {  	v30 =	vmul.f32 v59, v11;
	v24 =	vld [tilespmem:$0x1EAA0]  }
0x24d: {  	v3 =	vadd.f32 v6, v3;
	v6 =	vmul.f32 v54, v8;
	v49 =	vadd.f32 v22, v49;
	v22 =	vld [tilespmem:$0x1EAD0]  }
0x24e: {  	v59 =	vld [tilespmem:$0x6B30];
	v52 =	vadd.f32 v1, v12  }
0x24f: {  	v4 =	vadd.f32 v30, v4;
	v30 =	vld [tilespmem:$0x1FB70];
	v6 =	vadd.f32 v6, v7;
	v7 =	vmul.f32 v13, v8  }
0x250: {  	v1 =	vld [tilespmem:s18+$0xFFFFFF30];
	v47 =	vadd.f32 v63, v47  }
0x251: {  	v13 =	vld [tilespmem:$0x1EB10];
	v50 =	vmul.f32 v44, v11;
	v63 =	vmul.f32 v55, v11;
	v7 =	vadd.f32 v7, v52  }
0x252: {  	v8 =	vmul.f32 v24, v8;
	v24 =	vmul.f32 v22, v11;
	v22 =	vld [tilespmem:$0x1F850]  }
0x253: {  	v7 =	vadd.f32 v63, v7;
	v63 =	vld [tilespmem:s18+$0x240]  }
0x254: {  	v12 =	vld [tilespmem:$0x6230];
	v6 =	vadd.f32 v50, v6;
	v34 =	vmul.f32 v30, v23;
	v30 =	vmul.f32 v46, v23  }
0x255: {  	v54 =	vld [tilespmem:$0x7130];
	v8 =	vadd.f32 v8, v3;
	v3 =	vmul.f32 v43, v11  }
0x256: {  	v16 =	vmul.f32 v13, v11;
	v13 =	vld [tilespmem:$0x1FB30];
	v6 =	vadd.f32 v30, v6  }
0x257: {  	v30 =	vld [tilespmem:$0x1FBA0];
	v10 =	vadd.f32 v3, v10;
	v8 =	vadd.f32 v24, v8;
	v24 =	vmul.f32 v22, v23  }
0x258: {  	[tilespmem:$0x1EE90] =	vst v63;
	v63 =	vld [tilespmem:$0x1EB60]  }
0x259: {  	v52 =	vmul.f32 v41, v11;
	v10 =	vadd.f32 v24, v10;
	v24 =	vld [tilespmem:$0x1EB00]  }
0x25a: {  	v44 =	vld [tilespmem:$0x7730]  }
0x25b: {  	v39 =	vmul.f32 v39, v23;
	v55 =	vld [tilespmem:$0x1F0D0];
	v9 =	vadd.f32 v52, v9  }
0x25c: {  	v41 =	vld [tilespmem:$0x6240];
	v4 =	vadd.f32 v34, v4;
	v49 =	vadd.f32 v16, v49;
	v16 =	vmul.f32 v13, v23  }
0x25d: {  	v46 =	vld [tilespmem:$0x6B40];
	v34 =	vmul.f32 v21, v23;
	v7 =	vadd.f32 v39, v7;
	v50 =	vmul.f32 v30, v26  }
0x25e: {  	v39 =	vld [tilespmem:$0x1F8B0];
	v9 =	vadd.f32 v16, v9;
	v16 =	vmul.f32 v63, v23;
	v23 =	vmul.f32 v24, v23  }
0x25f: {  	v43 =	vld [tilespmem:$0x7430]  }
0x260: {  	v8 =	vadd.f32 v23, v8;
	v23 =	vadd.f32 v50, v4;
	v50 =	vld [tilespmem:$0x1F7C0]  }
0x261: {  	v52 =	vmul.f32 v48, v11;
	v48 =	vld [tilespmem:$0x6E40]  }
0x262: {  	v21 =	vld [tilespmem:$0x1EBC0]  }
0x263: {  	v3 =	vld [tilespmem:s18+$0xFFFFFF40];
	v53 =	vmul.f32 v39, v26  }
0x264: {  	v47 =	vadd.f32 v52, v47;
	v11 =	vld [tilespmem:$0x6840]  }
0x265: {  	v4 =	vmul.f32 v50, v26;
	v50 =	vadd.f32 v53, v10;
	v53 =	vld [tilespmem:$0x7740]  }
0x266: {  	v47 =	vadd.f32 v34, v47;
	v34 =	vld [tilespmem:$0x1FB60]  }
0x267: {  	v13 =	vld [tilespmem:$0x6540]  }
0x268: {  	v30 =	vld [tilespmem:$0x7440]  }
0x269: {  	v39 =	vmul.f32 v40, v28;
	v40 =	vld [tilespmem:s18+$0x250]  }
0x26a: {  	[tilespmem:$0x1E5E0] =	vst v53;
	v53 =	vld [tilespmem:$0x1FB90]  }
0x26b: {  	v52 =	vmul.f32 v34, v26;
	v34 =	vld [tilespmem:$0x1EB50]  }
0x26c: {  	v22 =	vmul.f32 v21, v26;
	v21 =	vmul.f32 v38, v28;
	v38 =	vld [tilespmem:$0x6B50]  }
0x26d: {  	v63 =	vmul.f32 v55, v26;
	v55 =	vld [tilespmem:$0x1F910];
	v49 =	vadd.f32 v16, v49  }
0x26e: {  	v9 =	vadd.f32 v52, v9;
	v52 =	vld [tilespmem:$0x1F130]  }
0x26f: {  	v7 =	vadd.f32 v63, v7;
	v49 =	vadd.f32 v22, v49;
	v22 =	vld [tilespmem:$0x1EC30];
	v63 =	vmul.f32 v53, v28  }
0x270: {  	v16 =	vld [tilespmem:$0x7140]  }
0x271: {  	v9 =	vadd.f32 v63, v9;
	v63 =	vld [tilespmem:$0x1F820]  }
0x272: {  	[tilespmem:$0x1EEF0] =	vst v40;
	v40 =	vld [tilespmem:$0x6550]  }
0x273: {  	v7 =	vadd.f32 v21, v7;
	v21 =	vld [tilespmem:$0x1F180]  }
0x274: {  	v24 =	vmul.f32 v22, v28;
	v22 =	vld [tilespmem:$0x7450]  }
0x275: {  	v23 =	vadd.f32 v39, v23;
	v39 =	vld [tilespmem:$0x1EBA0]  }
0x276: {  	v10 =	vmul.f32 v52, v26;
	v52 =	vmul.f32 v63, v28;
	v63 =	vld [tilespmem:$0x1F970]  }
0x277: {  	v26 =	vmul.f32 v34, v26;
	v34 =	vld [tilespmem:$0x6250]  }
0x278: {  	v53 =	vld [tilespmem:$0x1FC00]  }
0x279: {  	v6 =	vadd.f32 v4, v6;
	v4 =	vld [tilespmem:s18+$0xFFFFFF50];
	v8 =	vadd.f32 v26, v8;
	v26 =	vmul.f32 v55, v28  }
0x27a: {  	v47 =	vadd.f32 v10, v47;
	v10 =	vmul.f32 v36, v28;
	v36 =	vld [tilespmem:$0x6850]  }
0x27b: {  	v26 =	vadd.f32 v26, v50;
	v50 =	vmul.f32 v63, v29;
	v63 =	vld [tilespmem:s18+$0x260]  }
0x27c: {  	v55 =	vld [tilespmem:$0x1FBC0];
	v47 =	vadd.f32 v10, v47;
	v52 =	vadd.f32 v52, v6;
	v6 =	vmul.f32 v39, v28  }
0x27d: {  	v10 =	vld [tilespmem:$0x1F880];
	v28 =	vadd.f32 v24, v49;
	v49 =	vmul.f32 v53, v29;
	v53 =	vmul.f32 v21, v29  }
0x27e: {  	v26 =	vadd.f32 v50, v26;
	v50 =	vld [tilespmem:$0x1F120]  }
0x27f: {  	v47 =	vadd.f32 v53, v47;
	v53 =	vld [tilespmem:$0x1ECA0]  }
0x280: {  	[tilespmem:$0x1EF60] =	vst v63;
	v63 =	vld [tilespmem:$0x1FC30]  }
0x281: {  	v39 =	vld [tilespmem:$0x6E50];
	v8 =	vadd.f32 v6, v8;
	v6 =	vmul.f32 v55, v29  }
0x282: {  	v24 =	vld [tilespmem:$0x7150];
	v23 =	vadd.f32 v49, v23;
	v49 =	vmul.f32 v10, v29  }
0x283: {  	v55 =	vadd.f32 v6, v9;
	v9 =	vld [tilespmem:$0x1FBF0];
	v50 =	vmul.f32 v50, v29  }
0x284: {  	v49 =	vadd.f32 v49, v52;
	v52 =	vmul.f32 v53, v29;
	v53 =	vld [tilespmem:$0x1EC10]  }
0x285: {  	v21 =	vld [tilespmem:$0x7750];
	v7 =	vadd.f32 v50, v7;
	v50 =	vmul.f32 v63, v35;
	v63 =	vmul.f32 v25, v35  }
0x286: {  	v10 =	vld [tilespmem:$0x6260]  }
0x287: {  	v26 =	vadd.f32 v63, v26;
	v63 =	vld [tilespmem:$0x1ED10]  }
0x288: {  	v6 =	vld [tilespmem:s18+$0xFFFFFF60];
	v28 =	vadd.f32 v52, v28;
	v52 =	vmul.f32 v9, v35  }
0x289: {  	[tilespmem:$0x1F8E0] =	vst v27;
	v9 =	vmul.f32 v27, v35;
	v27 =	vld [tilespmem:$0x6860];
	v29 =	vmul.f32 v53, v29  }
0x28a: {  	v53 =	vld [tilespmem:$0x1F940];
	v23 =	vadd.f32 v50, v23;
	v50 =	vadd.f32 v52, v55;
	v52 =	vmul.f32 v31, v35  }
0x28b: {  	[tilespmem:$0x1F9D0] =	vst v25;
	v25 =	vld [tilespmem:$0x6560];
	v8 =	vadd.f32 v29, v8;
	v29 =	vadd.f32 v9, v49  }
0x28c: {  	v47 =	vadd.f32 v52, v47;
	v52 =	vmul.f32 v61, v5;
	v9 =	vmul.f32 v63, v35;
	v63 =	vld [tilespmem:$0x1EC80]  }
0x28d: {  	[tilespmem:$0x1F140] =	vst v45;
	v49 =	vmul.f32 v45, v35;
	v45 =	vld [tilespmem:$0x6E60]  }
0x28e: {  	v23 =	vadd.f32 v52, v23;
	v52 =	vld [tilespmem:$0x1FA30]  }
0x28f: {  	v55 =	vld [tilespmem:$0x1F1C0]  }
0x290: {  	[tilespmem:$0x1F1A0] =	vst v31;
	v31 =	vld [tilespmem:$0x6B60]  }
0x291: {  	v28 =	vadd.f32 v9, v28;
	v9 =	vld [tilespmem:$0x1FC20];
	v35 =	vmul.f32 v63, v35  }
0x292: {  	[tilespmem:$0x1FC60] =	vst v61;
	v61 =	vld [tilespmem:$0x7160]  }
0x293: {  	v63 =	vld [tilespmem:$0x7760];
	v35 =	vadd.f32 v35, v8;
	v8 =	vmul.f32 v52, v5;
	v52 =	vmul.f32 v53, v5  }
0x294: {  	[tilespmem:$0x1F170] =	vst v56;
	v53 =	vmul.f32 v55, v5;
	v55 =	vmul.f32 v56, v5;
	v56 =	vld [tilespmem:$0x1ED80]  }
0x295: {  	v26 =	vadd.f32 v8, v26;
	v8 =	vld [tilespmem:s18+$0x270]  }
0x296: {  	[tilespmem:$0x1F1F0] =	vst v18;
	v49 =	vadd.f32 v49, v7;
	v7 =	vmul.f32 v9, v5;
	v9 =	vld [tilespmem:$0x7460]  }
0x297: {  	[tilespmem:$0x1FA90] =	vst v19;
	v47 =	vadd.f32 v53, v47;
	v53 =	vld [tilespmem:$0x1ECF0]  }
0x298: {  	[tilespmem:$0x1F1E0] =	vst v15;
	v50 =	vadd.f32 v7, v50;
	v7 =	vld [tilespmem:s18+$0xFFFFFF70]  }
0x299: {  	[tilespmem:$0x1FC90] =	vst v20;
	v49 =	vadd.f32 v55, v49;
	v55 =	vld [tilespmem:$0x1FC50];
	v56 =	vmul.f32 v56, v5  }
0x29a: {  	[tilespmem:$0x1EFD0] =	vst v8;
	v8 =	vld [tilespmem:$0x6270]  }
0x29b: {  	[tilespmem:$0x1FA00] =	vst v14;
	v28 =	vadd.f32 v56, v28;
	v56 =	vmul.f32 v20, v2;
	v20 =	vld [tilespmem:$0x6570]  }
0x29c: {  	[tilespmem:$0x1EDF0] =	vst v42;
	v5 =	vmul.f32 v53, v5;
	v53 =	vmul.f32 v19, v2;
	v19 =	vld [tilespmem:$0x6870]  }
0x29d: {  	[tilespmem:$0x1F190] =	vst v37;
	v23 =	vadd.f32 v56, v23;
	v56 =	vld [tilespmem:$0x1F9A0]  }
0x29e: {  	[tilespmem:$0x1FC80] =	vst v60;
	v5 =	vadd.f32 v5, v35;
	v35 =	vmul.f32 v55, v2;
	v55 =	vmul.f32 v18, v2;
	v18 =	vld [tilespmem:$0x6B70]  }
0x29f: {  	[tilespmem:$0x1F210] =	vst v57;
	v26 =	vadd.f32 v53, v26;
	v53 =	vld [tilespmem:$0x74C0]  }
0x2a0: {  	[tilespmem:$0x1FCC0] =	vst v62;
	v35 =	vadd.f32 v35, v50;
	v47 =	vadd.f32 v55, v47;
	v55 =	vld [tilespmem:$0x1ED60];
	v50 =	vmul.f32 v62, v0  }
0x2a1: {  	[tilespmem:$0x1FCB0] =	vst v17;
	v62 =	vmul.f32 v57, v0;
	v57 =	vmul.f32 v17, v1;
	v17 =	vld [tilespmem:$0x6B80]  }
0x2a2: {  	[tilespmem:$0x1FAF0] =	vst v58;
	v29 =	vadd.f32 v52, v29;
	v23 =	vadd.f32 v50, v23;
	v50 =	vmul.f32 v15, v0;
	v15 =	vld [tilespmem:$0x6580]  }
0x2a3: {  	[tilespmem:$0x1FCF0] =	vst v12;
	v47 =	vadd.f32 v62, v47;
	v62 =	vmul.f32 v12, v1;
	v12 =	vld [tilespmem:$0x6880];
	v52 =	vmul.f32 v56, v2  }
0x2a4: {  	[tilespmem:$0x1FB50] =	vst v32;
	v56 =	vmul.f32 v37, v2;
	v37 =	vld [tilespmem:$0x6E70]  }
0x2a5: {  	[tilespmem:$0x1F240] =	vst v33;
	v29 =	vadd.f32 v52, v29;
	v52 =	vmul.f32 v42, v2;
	v42 =	vld [tilespmem:$0x7170]  }
0x2a6: {  	[tilespmem:$0x1FA60] =	vst v59;
	v49 =	vadd.f32 v56, v49;
	v2 =	vmul.f32 v55, v2;
	v55 =	vld [tilespmem:$0x7470];
	v56 =	vmul.f32 v58, v0  }
0x2a7: {  	[tilespmem:$0x1F220] =	vst v54;
	v58 =	vmul.f32 v14, v0;
	v14 =	vld [tilespmem:$0x6280]  }
0x2a8: {  	[tilespmem:$0x1EE40] =	vst v44;
	v28 =	vadd.f32 v52, v28;
	v52 =	vmul.f32 v60, v0;
	v26 =	vadd.f32 v56, v26;
	v56 =	vld [tilespmem:$0x1E5D0]  }
0x2a9: {  	[tilespmem:$0x1FD20] =	vst v41;
	v60 =	vld [tilespmem:$0x7770]  }
0x2aa: {  	[tilespmem:$0x1FAC0] =	vst v46;
	v5 =	vadd.f32 v2, v5;
	v2 =	vld [tilespmem:s18+$0xFFFFFF80];
	v35 =	vadd.f32 v52, v35  }
0x2ab: {  	[tilespmem:$0x1EEB0] =	vst v43;
	v49 =	vadd.f32 v50, v49;
	v50 =	vld [tilespmem:s18+$0xFFFFFF90]  }
0x2ac: {  	[tilespmem:$0x1F2A0] =	vst v48;
	v52 =	vld [tilespmem:s18+$0xFFFFFFC0];
	v35 =	vadd.f32 v57, v35;
	v57 =	vmul.f32 v33, v1  }
0x2ad: {  	[tilespmem:$0x1FBB0] =	vst v11;
	v29 =	vadd.f32 v58, v29;
	v33 =	vld [tilespmem:$0x7180];
	v58 =	vmul.f32 v56, v0;
	v0 =	vmul.f32 v51, v0  }
0x2ae: {  	[tilespmem:$0x1FCE0] =	vst v13;
	v47 =	vadd.f32 v57, v47;
	v57 =	vmul.f32 v11, v3;
	v11 =	vld [tilespmem:$0x6290]  }
0x2af: {  	[tilespmem:$0x1EF20] =	vst v30;
	v28 =	vadd.f32 v58, v28;
	v0 =	vadd.f32 v0, v5;
	v58 =	vmul.f32 v32, v1;
	v32 =	vld [tilespmem:$0x6E80]  }
0x2b0: {  	[tilespmem:$0x1FB20] =	vst v38;
	v5 =	vadd.f32 v62, v23;
	v62 =	vmul.f32 v59, v1;
	v59 =	vmul.f32 v43, v1;
	v43 =	vld [tilespmem:$0x7480]  }
0x2b1: {  	[tilespmem:$0x1F280] =	vst v16;
	v23 =	vadd.f32 v58, v26;
	v58 =	vmul.f32 v54, v1;
	v1 =	vmul.f32 v44, v1;
	v44 =	vld [tilespmem:$0x7780]  }
0x2b2: {  	[tilespmem:$0x1FD10] =	vst v40;
	v29 =	vadd.f32 v62, v29;
	v62 =	vmul.f32 v41, v3;
	v41 =	vmul.f32 v13, v3;
	v13 =	vld [tilespmem:$0x6590]  }
0x2b3: {  	[tilespmem:$0x1EF90] =	vst v22;
	v28 =	vadd.f32 v59, v28;
	v59 =	vmul.f32 v48, v3;
	v48 =	vld [tilespmem:$0x1E5E0]  }
0x2b4: {  	[tilespmem:$0x1FD50] =	vst v34;
	v54 =	vld [tilespmem:$0x77B0]  }
0x2b5: {  	[tilespmem:$0x1FC10] =	vst v36;
	v5 =	vadd.f32 v62, v5;
	v62 =	vmul.f32 v16, v3;
	v16 =	vld [tilespmem:$0x6890]  }
0x2b6: {  	[tilespmem:$0x1F300] =	vst v39;
	v0 =	vadd.f32 v1, v0;
	v1 =	vadd.f32 v41, v35;
	v41 =	vmul.f32 v30, v3;
	v30 =	vld [tilespmem:$0x6B90]  }
0x2b7: {  	[tilespmem:$0x1F2E0] =	vst v24;
	v26 =	vadd.f32 v58, v49;
	v58 =	vmul.f32 v46, v3;
	v46 =	vmul.f32 v34, v4;
	v34 =	vld [tilespmem:$0x6E90]  }
0x2b8: {  	[tilespmem:$0x1EF00] =	vst v21;
	v47 =	vadd.f32 v59, v47;
	v59 =	vmul.f32 v38, v4;
	v38 =	vld [tilespmem:$0x7490]  }
0x2b9: {  	[tilespmem:$0x1FD80] =	vst v10;
	v49 =	vmul.f32 v22, v4;
	v22 =	vld [tilespmem:$0x68A0]  }
0x2ba: {  	[tilespmem:$0x1FB80] =	vst v31;
	v23 =	vadd.f32 v57, v23;
	v57 =	vmul.f32 v40, v4;
	v40 =	vmul.f32 v31, v6;
	v31 =	vld [tilespmem:$0x71A0]  }
0x2bb: {  	[tilespmem:$0x1F060] =	vst v55;
	v55 =	vmul.f32 v55, v7;
	v29 =	vadd.f32 v58, v29;
	v58 =	vmul.f32 v36, v4;
	v36 =	vld [tilespmem:$0x7190]  }
0x2bc: {  	[tilespmem:$0x1FC70] =	vst v27;
	v26 =	vadd.f32 v62, v26;
	v28 =	vadd.f32 v41, v28;
	v62 =	vmul.f32 v39, v4;
	v39 =	vld [tilespmem:$0x7790]  }
0x2bd: {  	[tilespmem:$0x1FD40] =	vst v25;
	v1 =	vadd.f32 v57, v1;
	v41 =	vmul.f32 v24, v4;
	v57 =	vmul.f32 v10, v6;
	v10 =	vld [tilespmem:$0x62A0]  }
0x2be: {  	[tilespmem:$0x1F360] =	vst v45;
	v4 =	vmul.f32 v21, v4;
	v21 =	vld [tilespmem:$0x65A0];
	v3 =	vmul.f32 v48, v3;
	v23 =	vadd.f32 v58, v23  }
0x2bf: {  	[tilespmem:$0x1EF70] =	vst v63;
	v24 =	vld [tilespmem:$0x6BA0];
	v35 =	vadd.f32 v62, v47;
	v26 =	vadd.f32 v41, v26;
	v62 =	vmul.f32 v27, v6  }
0x2c0: {  	[tilespmem:$0x1FD70] =	vst v20;
	v58 =	vld [tilespmem:s18+$0xFFFFFFA0];
	v41 =	vmul.f32 v45, v6;
	v45 =	vmul.f32 v61, v6;
	v0 =	vadd.f32 v3, v0  }
0x2c1: {  	[tilespmem:$0x1FCD0] =	vst v19;
	v27 =	vld [tilespmem:$0x6EA0];
	v3 =	vadd.f32 v46, v5;
	v5 =	vadd.f32 v59, v29;
	v59 =	vmul.f32 v25, v6  }
0x2c2: {  	[tilespmem:$0x1F420] =	vst v32;
	v46 =	vmul.f32 v9, v6;
	v6 =	vmul.f32 v63, v6;
	v29 =	vld [tilespmem:$0x71B0]  }
0x2c3: {  	[tilespmem:$0x1FDD0] =	vst v13;
	v63 =	vmul.f32 v32, v2;
	v32 =	vmul.f32 v13, v50;
	v13 =	vld [tilespmem:$0x68C0]  }
0x2c4: {  	[tilespmem:$0x1FBE0] =	vst v18;
	v28 =	vadd.f32 v49, v28;
	v49 =	vadd.f32 v41, v35;
	v41 =	vmul.f32 v19, v7;
	v19 =	vld [tilespmem:$0x65B0]  }
0x2c5: {  	[tilespmem:$0x1FC40] =	vst v17;
	v47 =	vmul.f32 v42, v7;
	v35 =	vmul.f32 v20, v7;
	v20 =	vld [tilespmem:$0x6BB0];
	v0 =	vadd.f32 v4, v0  }
0x2c6: {  	[tilespmem:$0x1FDA0] =	vst v15;
	v25 =	vmul.f32 v8, v7;
	v1 =	vadd.f32 v59, v1;
	v5 =	vadd.f32 v40, v5;
	v40 =	vld [tilespmem:$0x74A0]  }
0x2c7: {  	[tilespmem:$0x1FDE0] =	vst v14;
	v4 =	vadd.f32 v62, v23;
	v23 =	vadd.f32 v45, v26;
	v59 =	vld [tilespmem:$0x77A0];
	v45 =	vmul.f32 v18, v7  }
0x2c8: {  	[tilespmem:$0x1EFE0] =	vst v60;
	v26 =	vadd.f32 v46, v28;
	v46 =	vmul.f32 v37, v7;
	v18 =	vld [tilespmem:$0x62B0];
	v7 =	vmul.f32 v60, v7  }
0x2c9: {  	[tilespmem:$0x1F0B0] =	vst v43;
	v3 =	vadd.f32 v57, v3;
	v57 =	vmul.f32 v14, v2;
	v14 =	vld [tilespmem:$0x68B0];
	v60 =	vmul.f32 v15, v2  }
0x2ca: {  	[tilespmem:$0x1F460] =	vst v36;
	v15 =	vmul.f32 v43, v2;
	v43 =	vmul.f32 v36, v50;
	v36 =	vld [tilespmem:$0x68D0]  }
0x2cb: {  	[tilespmem:$0x1FE10] =	vst v11;
	v62 =	vmul.f32 v17, v2;
	v17 =	vmul.f32 v11, v50;
	v11 =	vld [tilespmem:s18+$0xFFFFFFF0]  }
0x2cc: {  	[tilespmem:$0x1FDB0] =	vst v8;
	v8 =	vadd.f32 v6, v0;
	v0 =	vld [tilespmem:s18+$0xFFFFFFB0]  }
0x2cd: {  	[tilespmem:$0x1F340] =	vst v61;
	v61 =	vmul.f32 v12, v2;
	v1 =	vadd.f32 v35, v1;
	v35 =	vld [tilespmem:$0x6EB0]  }
0x2ce: {  	[tilespmem:$0x1FD30] =	vst v12;
	v12 =	vmul.f32 v33, v2;
	v6 =	vadd.f32 v47, v23;
	v26 =	vadd.f32 v55, v26;
	v55 =	vld [tilespmem:$0x74B0]  }
0x2cf: {  	v3 =	vadd.f32 v25, v3;
	v25 =	vld [tilespmem:$0x6BC0]  }
0x2d0: {  	v6 =	vadd.f32 v12, v6;
	v12 =	vld [tilespmem:$0x62C0]  }
0x2d1: {  	v5 =	vadd.f32 v45, v5;
	v28 =	vadd.f32 v15, v26;
	v15 =	vld [tilespmem:$0x65C0]  }
0x2d2: {  	[tilespmem:$0x1F3A0] =	vst v42;
	v49 =	vadd.f32 v46, v49;
	v26 =	vld [tilespmem:$0x6EC0]  }
0x2d3: {  	[tilespmem:$0x1FE00] =	vst v21;
	v5 =	vadd.f32 v62, v5;
	v62 =	vmul.f32 v21, v58;
	v21 =	vld [tilespmem:$0x71C0]  }
0x2d4: {  	[tilespmem:$0x1F400] =	vst v33;
	v33 =	vmul.f32 v16, v50;
	v42 =	vmul.f32 v34, v50;
	v23 =	vadd.f32 v63, v49;
	v49 =	vld [tilespmem:$0x77C0]  }
0x2d5: {  	[tilespmem:$0x1F3C0] =	vst v37;
	v2 =	vmul.f32 v44, v2;
	v45 =	vmul.f32 v39, v50;
	v63 =	vmov v39;
	v39 =	vld [tilespmem:$0x6BD0]  }
0x2d6: {  	[tilespmem:$0x1F040] =	vst v44;
	v44 =	vmul.f32 v38, v50;
	v4 =	vadd.f32 v41, v4;
	v3 =	vadd.f32 v57, v3;
	v57 =	vld [tilespmem:$0x71D0]  }
0x2d7: {  	[tilespmem:$0x1FD90] =	vst v16;
	v41 =	vmul.f32 v30, v50;
	v7 =	vadd.f32 v7, v8;
	v1 =	vadd.f32 v60, v1;
	v60 =	vld [tilespmem:$0x74D0]  }
0x2d8: {  	[tilespmem:$0x1F100] =	vst v38;
	v16 =	vmul.f32 v22, v58;
	v4 =	vadd.f32 v61, v4;
	v61 =	vadd.f32 v42, v23;
	v42 =	vld [tilespmem:$0x65D0]  }
0x2d9: {  	[tilespmem:$0x1FDF0] =	vst v22;
	v22 =	vmul.f32 v27, v58;
	v2 =	vadd.f32 v2, v7;
	v3 =	vadd.f32 v17, v3;
	v23 =	vld [tilespmem:$0x77E0]  }
0x2da: {  	v37 =	vadd.f32 v32, v1;
	v4 =	vadd.f32 v33, v4;
	[tilespmem:$0x1F540] =	vst v35;
	v38 =	vmul.f32 v35, v0;
	v35 =	vld [tilespmem:$0x68E0]  }
0x2db: {  	[tilespmem:$0x1F4E0] =	vst v27;
	v46 =	vmul.f32 v10, v58;
	v6 =	vadd.f32 v43, v6;
	v27 =	vadd.f32 v22, v61;
	v61 =	vld [tilespmem:s18+$0xFFFFFFD0]  }
0x2dc: {  	[tilespmem:$0x1FD00] =	vst v24;
	v17 =	vmul.f32 v24, v58;
	v24 =	vmul.f32 v31, v58;
	v4 =	vadd.f32 v16, v4;
	v16 =	vld [tilespmem:$0x62D0]  }
0x2dd: {  	v1 =	vadd.f32 v44, v28;
	v28 =	vmul.f32 v40, v58;
	v3 =	vadd.f32 v46, v3;
	v46 =	vld [tilespmem:$0x6ED0]  }
0x2de: {  	[tilespmem:$0x1FCA0] =	vst v30;
	v5 =	vadd.f32 v41, v5;
	v30 =	vadd.f32 v24, v6;
	v24 =	vld [tilespmem:$0x77D0]  }
0x2df: {  	[tilespmem:$0x1F4C0] =	vst v31;
	v31 =	vmul.f32 v59, v58;
	v33 =	vadd.f32 v28, v1;
	v28 =	vld [tilespmem:s18+$0xFFFFFFE0]  }
0x2e0: {  	[tilespmem:$0x1F000] =	vst v9;
	v32 =	vmul.f32 v18, v0;
	v47 =	vadd.f32 v45, v2;
	v5 =	vadd.f32 v17, v5;
	v17 =	vld [tilespmem:$0x1E7B0]  }
0x2e1: {  	v45 =	vmul.f32 v55, v0;
	[tilespmem:$0x1FE60] =	vst v15;
	v58 =	vmul.f32 v15, v52;
	v15 =	vld [tilespmem:$0x1E720]  }
0x2e2: {  	[tilespmem:$0x1F150] =	vst v40;
	v40 =	vmul.f32 v19, v0;
	v41 =	vmul.f32 v14, v0;
	v9 =	vadd.f32 v31, v47;
	v31 =	vld [tilespmem:$0x62E0]  }
0x2e3: {  	[tilespmem:$0x1F480] =	vst v34;
	v34 =	vmul.f32 v20, v0;
	v8 =	vadd.f32 v62, v37;
	v1 =	vadd.f32 v45, v33;
	v33 =	vld [tilespmem:$0x65E0]  }
0x2e4: {  	v44 =	vmul.f32 v29, v0;
	v47 =	vadd.f32 v38, v27;
	v27 =	vmul.f32 v26, v52;
	v45 =	vld [tilespmem:$0x6EE0]  }
0x2e5: {  	[tilespmem:$0x1FE30] =	vst v19;
	v19 =	vmul.f32 v13, v52;
	v50 =	vadd.f32 v40, v8;
	v37 =	vadd.f32 v41, v4;
	v38 =	vld [tilespmem:$0x1E660]  }
0x2e6: {  	[tilespmem:$0x1EDD0] =	vst v51;
	v0 =	vmul.f32 v54, v0;
	v43 =	vadd.f32 v34, v5;
	v5 =	vadd.f32 v27, v47;
	v47 =	vld [tilespmem:$0x71E0]  }
0x2e7: {  	[tilespmem:$0x1FE40] =	vst v10;
	v10 =	vadd.f32 v44, v30;
	v30 =	vmul.f32 v53, v52;
	v2 =	vadd.f32 v58, v50;
	v58 =	vld [tilespmem:$0x74E0]  }
0x2e8: {  	[tilespmem:$0x1F520] =	vst v29;
	v29 =	vmul.f32 v21, v52;
	v6 =	vadd.f32 v19, v37;
	v37 =	vld [tilespmem:s18+$0x280]  }
0x2e9: {  	[tilespmem:$0x1FDC0] =	vst v25;
	v62 =	vadd.f32 v0, v9;
	v0 =	vadd.f32 v30, v1;
	v30 =	vld [tilespmem:$0x1E640]  }
0x2ea: {  	v25 =	vmul.f32 v25, v52;
	[tilespmem:$0x1F5A0] =	vst v26;
	v7 =	vadd.f32 v29, v10;
	v29 =	vld [tilespmem:$0x1E670]  }
0x2eb: {  	v51 =	vmul.f32 v12, v52;
	v3 =	vadd.f32 v32, v3;
	[tilespmem:$0x1FE90] =	vst v42;
	v40 =	vmul.f32 v42, v61;
	v42 =	vld [tilespmem:$0x6BE0]  }
0x2ec: {  	v32 =	vmul.f32 v49, v52;
	[tilespmem:$0x1FF10] =	vst v35;
	v26 =	vmul.f32 v35, v28;
	v35 =	vld [tilespmem:s18+$0x2A0]  }
0x2ed: {  	[tilespmem:$0x1FFD0] =	vst v23;
	v3 =	vadd.f32 v51, v3;
	v8 =	vadd.f32 v25, v43;
	v50 =	vmul.f32 v23, v28;
	v23 =	vld [tilespmem:$0x6BF0]  }
0x2ee: {  	v34 =	vmul.f32 v16, v61;
	v43 =	vmul.f32 v39, v61;
	v9 =	vadd.f32 v32, v62;
	v32 =	vld [tilespmem:$0x1E5F0]  }
0x2ef: {  	[tilespmem:$0x1F5F0] =	vst v46;
	v44 =	vmul.f32 v46, v61;
	v46 =	vmul.f32 v57, v61;
	v62 =	vld [tilespmem:$0x68F0]  }
0x2f0: {  	[tilespmem:$0x1FD60] =	vst v20;
	v1 =	vadd.f32 v34, v3;
	v3 =	vadd.f32 v43, v8;
	v43 =	vld [tilespmem:$0x1E600]  }
0x2f1: {  	[tilespmem:$0x1F5E0] =	vst v57;
	v7 =	vadd.f32 v46, v7;
	v46 =	vld [tilespmem:$0x65F0]  }
0x2f2: {  	[tilespmem:$0x1FF50] =	vst v24;
	v57 =	vmul.f32 v60, v61;
	v34 =	vld [tilespmem:s18+$0x290]  }
0x2f3: {  	v41 =	vmul.f32 v36, v61;
	[tilespmem:$0x1FEF0] =	vst v31;
	v22 =	vmul.f32 v31, v28;
	v31 =	vld [tilespmem:$0x1E610]  }
0x2f4: {  	v20 =	vmul.f32 v24, v61;
	[tilespmem:$0x1FEE0] =	vst v33;
	v24 =	vadd.f32 v57, v0;
	v57 =	vld [tilespmem:$0x1E620]  }
0x2f5: {  	[tilespmem:$0x1FF60] =	vst v45;
	v6 =	vadd.f32 v41, v6;
	v25 =	vmul.f32 v33, v28;
	v33 =	vld [tilespmem:s18+$0x2B0]  }
0x2f6: {  	v5 =	vadd.f32 v44, v5;
	v41 =	vmul.f32 v45, v28;
	v9 =	vadd.f32 v20, v9;
	v20 =	vld [tilespmem:$0x1E650];
	[tilespmem:$0x1FF70] =	vst v47  }
0x2f7: {  	[tilespmem:$0x1FFC0] =	vst v58;
	v45 =	vmul.f32 v47, v28;
	v47 =	vmul.f32 v58, v28;
	v58 =	vld [tilespmem:$0x1E630]  }
0x2f8: {  	v61 =	vadd.f32 v41, v5;
	v41 =	vld [tilespmem:$0x1E680]  }
0x2f9: {  	v19 =	vadd.f32 v26, v6;
	v26 =	vld [tilespmem:$0x1E6F0]  }
0x2fa: {  	v2 =	vadd.f32 v40, v2;
	[tilespmem:$0x1FF30] =	vst v42;
	v40 =	vmul.f32 v42, v28;
	v42 =	vld [tilespmem:$0x62F0]  }
0x2fb: {  	[tilespmem:$0x1FE50] =	vst v14;
	v14 =	vadd.f32 v50, v9;
	v50 =	vld [tilespmem:s18+$0x2C0]  }
0x2fc: {  	v28 =	vld [tilespmem:$0x1E6D0]  }
0x2fd: {  	[tilespmem:$0x1FE80] =	vst v13;
	v13 =	vadd.f32 v47, v24;
	v24 =	vld [tilespmem:$0x1E6E0]  }
0x2fe: {  	v47 =	vld [tilespmem:$0x1E710]  }
0x2ff: {  	v10 =	vadd.f32 v40, v3;
	[tilespmem:$0x1FF20] =	vst v46;
	v40 =	vmul.f32 v46, v11;
	v46 =	vld [tilespmem:$0x6EF0]  }
0x300: {  	[tilespmem:$0x1FE20] =	vst v39;
	v44 =	vmul.f32 v43, v32;
	v0 =	vmul.f32 v57, v31;
	v57 =	vld [tilespmem:$0x1E6B0]  }
0x301: {  	[tilespmem:$0x1FF80] =	vst v23;
	v23 =	vmul.f32 v23, v11;
	v39 =	vmul.f32 v38, v31;
	v38 =	vld [tilespmem:s18+$0x2D0]  }
0x302: {  	[tilespmem:$0x1FED0] =	vst v36;
	v8 =	vadd.f32 v25, v2;
	v51 =	vadd.f32 $0.0e+00, v44;
	v44 =	vld [tilespmem:$0x1E690]  }
0x303: {  	[tilespmem:$0x1F580] =	vst v21;
	v6 =	vadd.f32 v23, v10;
	v23 =	vld [tilespmem:$0x1E750]  }
0x304: {  	[tilespmem:$0x1FF90] =	vst v60;
	v60 =	vmul.f32 v58, v32;
	v8 =	vadd.f32 v40, v8;
	v40 =	vld [tilespmem:$0x1E7C0]  }
0x305: {  	v27 =	vadd.f32 v22, v1;
	[tilespmem:$0x1FF00] =	vst v42;
	v22 =	vmul.f32 v42, v11;
	v42 =	vmul.f32 v41, v29;
	v41 =	vld [tilespmem:$0x1E770]  }
0x306: {  	[tilespmem:$0x1FEC0] =	vst v16;
	v52 =	vadd.f32 v45, v7;
	v21 =	vmul.f32 v20, v30;
	v16 =	vmul.f32 v15, v28;
	v15 =	vld [tilespmem:$0x1E7A0]  }
0x307: {  	[tilespmem:$0x1FF40] =	vst v62;
	v7 =	vadd.f32 v0, v51;
	v36 =	vadd.f32 $0.0e+00, v60;
	v60 =	vmul.f32 v62, v11;
	v62 =	vld [tilespmem:$0x71F0]  }
0x308: {  	v9 =	vadd.f32 v22, v27;
	v27 =	vld [tilespmem:$0x1E6A0]  }
0x309: {  	v7 =	vadd.f32 v21, v7;
	v21 =	vld [tilespmem:$0x1E6C0]  }
0x30a: {  	v43 =	vadd.f32 v39, v36;
	v39 =	vld [tilespmem:$0x74F0]  }
0x30b: {  	[tilespmem:$0x1FEA0] =	vst v12;
	v12 =	vadd.f32 v60, v19;
	v19 =	vld [tilespmem:$0x1E7D0];
	v45 =	vmul.f32 v44, v30  }
0x30c: {  	v51 =	vadd.f32 v42, v7;
	v42 =	vld [tilespmem:$0x1E760]  }
0x30d: {  	v2 =	vadd.f32 v45, v43;
	v43 =	vld [tilespmem:s18+$0x2E0]  }
0x30e: {  	v36 =	vmul.f32 v26, v27;
	v26 =	vld [tilespmem:$0x1E700]  }
0x30f: {  	v58 =	vmul.f32 v57, v27;
	v22 =	vmul.f32 v21, v29;
	v21 =	vld [tilespmem:$0x1E740]  }
0x310: {  	v57 =	vmul.f32 v46, v11;
	[tilespmem:$0x1FFE0] =	vst v39;
	v45 =	vmul.f32 v39, v11;
	v39 =	vld [tilespmem:$0x1E7F0]  }
0x311: {  	v3 =	vadd.f32 v58, v51;
	v58 =	vld [tilespmem:$0x77F0]  }
0x312: {  	v25 =	vmul.f32 v24, v28;
	v7 =	vadd.f32 v57, v61;
	v57 =	vld [tilespmem:$0x1E780]  }
0x313: {  	[tilespmem:$0x1FE70] =	vst v18;
	v44 =	vmul.f32 v41, v42;
	v41 =	vld [tilespmem:$0x1E790]  }
0x314: {  	[tilespmem:$0x1FFA0] =	vst v46;
	v3 =	vadd.f32 v25, v3;
	v25 =	vld [tilespmem:$0x1E730]  }
0x315: {  	v20 =	vmul.f32 v62, v11;
	v1 =	vadd.f32 v22, v2;
	v51 =	vmul.f32 v47, v26;
	v47 =	vld [tilespmem:s18+$0x2F0];
	[tilespmem:$0x7800] =	vst v9  }
0x316: {  	[tilespmem:$0x7820] =	vst v8;
	v24 =	vmul.f32 v23, v26;
	v23 =	vld [tilespmem:$0x1E800]  }
0x317: {  	v5 =	vadd.f32 v20, v52;
	v2 =	vadd.f32 v36, v1;
	[tilespmem:$0x7840] =	vst v12;
	v36 =	vld [tilespmem:$0x7808]  }
0x318: {  	[tilespmem:$0x7880] =	vst v7;
	v46 =	vld [tilespmem:$0x7828]  }
0x319: {  	[tilespmem:$0x78A0] =	vst v5;
	v18 =	vld [tilespmem:$0x7888]  }
0x31a: {  	[tilespmem:$0x1FFF0] =	vst v58;
	v3 =	vadd.f32 v51, v3;
	v51 =	vmul.f32 v58, v11;
	v58 =	vld [tilespmem:$0x7848]  }
0x31b: {  	v13 =	vadd.f32 v45, v13;
	[tilespmem:$0x7860] =	vst v6;
	v20 =	vld [tilespmem:$0x78A8]  }
0x31c: {  	[tilespmem:$0x1FFB0] =	vst v62;
	v1 =	vadd.f32 v16, v2;
	v16 =	vld [tilespmem:$0x7868];
	v2 =	vadd.f32 v51, v14  }
0x31d: {  	[tilespmem:$0x78C0] =	vst v13;
	v22 =	vmul.f32 v21, v25;
	v21 =	vld [tilespmem:$0x1E7E0];
	v9 =	vadd.f32 v36, v9  }
0x31e: {  	v11 =	vmul.f32 v57, v25;
	v57 =	vld [tilespmem:$0x1E810];
	v0 =	vadd.f32 v46, v8;
	[tilespmem:$0x78E0] =	vst v2  }
0x31f: {  	v3 =	vadd.f32 v22, v3;
	v22 =	vld [tilespmem:$0x78C8];
	v4 =	vadd.f32 v58, v12;
	[tilespmem:$0x7800] =	vst v9  }
0x320: {  	v1 =	vadd.f32 v24, v1;
	v24 =	vld [tilespmem:$0x78E8];
	[tilespmem:$0x7820] =	vst v0  }
0x321: {  	v58 =	vld [tilespmem:$0x7804];
	[tilespmem:$0x7840] =	vst v4  }
0x322: {  	v36 =	vld [tilespmem:$0x1E820]  }
0x323: {  	v10 =	vmul.f32 v15, v41;
	v6 =	vadd.f32 v16, v6;
	v16 =	vld [tilespmem:$0x1E830]  }
0x324: {  	v1 =	vadd.f32 v11, v1;
	v11 =	vmul.f32 v17, v42;
	v3 =	vadd.f32 v44, v3;
	v17 =	vld [tilespmem:$0x7824]  }
0x325: {  	v7 =	vadd.f32 v18, v7;
	v18 =	vld [tilespmem:$0x1E840]  }
0x326: {  	v3 =	vadd.f32 v10, v3;
	v10 =	vmul.f32 v19, v40;
	v19 =	vld [tilespmem:$0x7844]  }
0x327: {  	v45 =	vld [tilespmem:$0x1E850]  }
0x328: {  	v5 =	vadd.f32 v20, v5;
	[tilespmem:$0x7860] =	vst v6;
	v20 =	vld [tilespmem:$0x1E860]  }
0x329: {  	v8 =	vmul.f32 v21, v41;
	v21 =	vld [tilespmem:$0x7864]  }
0x32a: {  	[tilespmem:$0x78A0] =	vst v5;
	v46 =	vld [tilespmem:$0x1E880]  }
0x32b: {  	v44 =	vld [tilespmem:$0x78A4]  }
0x32c: {  	v15 =	vld [tilespmem:$0x1E8A0]  }
0x32d: {  	v51 =	vld [tilespmem:$0x1E8B0]  }
0x32e: {  	v60 =	vld [tilespmem:$0x1E910]  }
0x32f: {  	v62 =	vld [tilespmem:$0x1E940]  }
0x330: {  	v1 =	vadd.f32 v11, v1;
	v52 =	vld [tilespmem:$0x1EA30]  }
0x331: {  	v11 =	vadd.f32 v22, v13;
	v22 =	vld [tilespmem:$0x1E870]  }
0x332: {  	[tilespmem:$0x7880] =	vst v7;
	v1 =	vadd.f32 v8, v1;
	v8 =	vmul.f32 v57, v40;
	v57 =	vld [tilespmem:$0x1E8E0]  }
0x333: {  	v3 =	vadd.f32 v10, v3;
	v10 =	vmul.f32 v23, v39;
	v23 =	vld [tilespmem:$0x7884]  }
0x334: {  	v2 =	vadd.f32 v24, v2;
	v24 =	vld [tilespmem:$0x1E890];
	[tilespmem:$0x78C0] =	vst v11  }
0x335: {  	v3 =	vadd.f32 v10, v3;
	v10 =	vmul.f32 v16, v36;
	v16 =	vld [tilespmem:$0x78C4]  }
0x336: {  	[tilespmem:$0x78E0] =	vst v2;
	v0 =	vadd.f32 v17, v0;
	v17 =	vld [tilespmem:$0x1E8C0]  }
0x337: {  	v1 =	vadd.f32 v8, v1;
	v8 =	vmul.f32 v18, v39;
	v18 =	vld [tilespmem:$0x78E4]  }
0x338: {  	v9 =	vadd.f32 v58, v9;
	v4 =	vadd.f32 v19, v4;
	v19 =	vld [tilespmem:$0x1E8D0]  }
0x339: {  	v6 =	vadd.f32 v21, v6;
	v21 =	vld [tilespmem:$0x1E8F0]  }
0x33a: {  	v5 =	vadd.f32 v44, v5;
	v44 =	vld [tilespmem:$0x1E920];
	[tilespmem:$0x7800] =	vst v9  }
0x33b: {  	v3 =	vadd.f32 v10, v3;
	v10 =	vmul.f32 v20, v45;
	v20 =	vld [tilespmem:$0x7802]  }
0x33c: {  	[tilespmem:$0x7820] =	vst v0;
	v7 =	vadd.f32 v23, v7;
	v23 =	vld [tilespmem:$0x1E900]  }
0x33d: {  	v1 =	vadd.f32 v8, v1;
	v8 =	vmul.f32 v22, v36;
	[tilespmem:$0x7860] =	vst v6;
	v22 =	vld [tilespmem:$0x7822]  }
0x33e: {  	[tilespmem:$0x7840] =	vst v4;
	v58 =	vld [tilespmem:$0x7862]  }
0x33f: {  	v3 =	vadd.f32 v10, v3;
	v10 =	vmul.f32 v24, v46;
	v24 =	vld [tilespmem:$0x7842]  }
0x340: {  	v11 =	vadd.f32 v16, v11;
	v16 =	vld [tilespmem:$0x1E930]  }
0x341: {  	v1 =	vadd.f32 v8, v1;
	v8 =	vmul.f32 v15, v45;
	[tilespmem:$0x7880] =	vst v7;
	v2 =	vadd.f32 v18, v2;
	v18 =	vld [tilespmem:$0x1E950]  }
0x342: {  	[tilespmem:$0x78A0] =	vst v5;
	v3 =	vadd.f32 v10, v3;
	v10 =	vmul.f32 v17, v51;
	v17 =	vld [tilespmem:$0x7882]  }
0x343: {  	v1 =	vadd.f32 v8, v1;
	v8 =	vmul.f32 v19, v46;
	v19 =	vld [tilespmem:$0x78A2]  }
0x344: {  	v9 =	vadd.f32 v20, v9;
	v20 =	vld [tilespmem:$0x1E9E0]  }
0x345: {  	[tilespmem:$0x78C0] =	vst v11;
	v0 =	vadd.f32 v22, v0;
	v22 =	vld [tilespmem:$0x1E960]  }
0x346: {  	v12 =	vld [tilespmem:$0x78C2]  }
0x347: {  	[tilespmem:$0x78E0] =	vst v2;
	v1 =	vadd.f32 v8, v1;
	v8 =	vmul.f32 v23, v51;
	v23 =	vld [tilespmem:$0x1E980]  }
0x348: {  	v61 =	vld [tilespmem:$0x78E2]  }
0x349: {  	v3 =	vadd.f32 v10, v3;
	v10 =	vmul.f32 v21, v57;
	v21 =	vld [tilespmem:$0x1E9F0]  }
0x34a: {  	v4 =	vadd.f32 v24, v4;
	v24 =	vld [tilespmem:$0x1E970]  }
0x34b: {  	[tilespmem:$0x7800] =	vst v9;
	v3 =	vadd.f32 v10, v3;
	v10 =	vmul.f32 v44, v60;
	v44 =	vld [tilespmem:$0x1E990]  }
0x34c: {  	v6 =	vadd.f32 v58, v6;
	v58 =	vld [tilespmem:$0x7801]  }
0x34d: {  	v1 =	vadd.f32 v8, v1;
	v8 =	vmul.f32 v16, v57;
	[tilespmem:$0x7820] =	vst v0;
	v16 =	vld [tilespmem:$0x1E9B0]  }
0x34e: {  	v7 =	vadd.f32 v17, v7;
	v17 =	vld [tilespmem:$0x7821]  }
0x34f: {  	[tilespmem:$0x7840] =	vst v4;
	v3 =	vadd.f32 v10, v3;
	v10 =	vmul.f32 v18, v62;
	v18 =	vld [tilespmem:$0x1E9C0]  }
0x350: {  	v5 =	vadd.f32 v19, v5;
	v19 =	vld [tilespmem:$0x7841]  }
0x351: {  	[tilespmem:$0x7860] =	vst v6;
	v1 =	vadd.f32 v8, v1;
	v8 =	vmul.f32 v22, v60;
	v22 =	vld [tilespmem:$0x1E9D0]  }
0x352: {  	v2 =	vadd.f32 v61, v2;
	v61 =	vld [tilespmem:$0x7861]  }
0x353: {  	v11 =	vadd.f32 v12, v11;
	v12 =	vld [tilespmem:$0x1EAB0]  }
0x354: {  	v3 =	vadd.f32 v10, v3;
	v10 =	vmul.f32 v23, v24;
	v23 =	vld [tilespmem:$0x1E9A0]  }
0x355: {  	v1 =	vadd.f32 v8, v1;
	v8 =	vmul.f32 v44, v62;
	v44 =	vld [tilespmem:$0x1EA10]  }
0x356: {  	v9 =	vadd.f32 v58, v9;
	v58 =	vld [tilespmem:$0x1EA20]  }
0x357: {  	v0 =	vadd.f32 v17, v0;
	v17 =	vld [tilespmem:$0x1EA50];
	v1 =	vadd.f32 v8, v1;
	v8 =	vmul.f32 v18, v24  }
0x358: {  	v18 =	vld [tilespmem:$0x1EA70]  }
0x359: {  	v1 =	vadd.f32 v8, v1;
	v8 =	vmul.f32 v21, v23;
	v21 =	vld [tilespmem:$0x1EA00]  }
0x35a: {  	v3 =	vadd.f32 v10, v3;
	v4 =	vadd.f32 v19, v4;
	v19 =	vld [tilespmem:$0x1EA80];
	v10 =	vmul.f32 v16, v23  }
0x35b: {  	v6 =	vadd.f32 v61, v6;
	v61 =	vld [tilespmem:$0x1EAA0]  }
0x35c: {  	v16 =	vld [tilespmem:$0x1EA40];
	v3 =	vadd.f32 v10, v3;
	v10 =	vmul.f32 v20, v22  }
0x35d: {  	[tilespmem:$0x78C0] =	vst v11;
	v1 =	vadd.f32 v8, v1;
	v8 =	vmul.f32 v58, v22;
	v20 =	vld [tilespmem:$0x1EA60]  }
0x35e: {  	[tilespmem:$0x78A0] =	vst v5;
	v58 =	vld [tilespmem:$0x78C1];
	v3 =	vadd.f32 v10, v3;
	v10 =	vmul.f32 v44, v21  }
0x35f: {  	v1 =	vadd.f32 v8, v1;
	v8 =	vmul.f32 v17, v21;
	v44 =	vld [tilespmem:$0x78A1]  }
0x360: {  	vm0 =	vgt.f32 v0, v9;
	v17 =	vld [tilespmem:$0x1EAE0];
	v3 =	vadd.f32 v10, v3  }
0x361: {  	v10 =	vmul.f32 v16, v52;
	v1 =	vadd.f32 v8, v1;
	v8 =	vmul.f32 v19, v52;
	v19 =	vld [tilespmem:$0x1EA90]  }
0x362: {  	v0 =	vsel vm0, v0, v9;
	v9 =	vmul.f32 v18, v20;
	v18 =	vld [tilespmem:$0x1EAC0]  }
0x363: {  	[tilespmem:$0x7880] =	vst v7;
	vm1 =	vgt.f32 v4, v0;
	v16 =	vld [tilespmem:$0x1EAD0];
	v3 =	vadd.f32 v10, v3  }
0x364: {  	v13 =	vld [tilespmem:$0x7881];
	v0 =	vsel vm1, v4, v0;
	v4 =	vadd.f32 v58, v11  }
0x365: {  	[tilespmem:$0x78E0] =	vst v2;
	v58 =	vld [tilespmem:$0x1EB10];
	v1 =	vadd.f32 v8, v1;
	v3 =	vadd.f32 v9, v3;
	v9 =	vmul.f32 v12, v20  }
0x366: {  	v14 =	vld [tilespmem:$0x78E1];
	v8 =	vmul.f32 v61, v19  }
0x367: {  	v5 =	vadd.f32 v44, v5;
	v44 =	vld [tilespmem:$0x1EB00];
	v1 =	vadd.f32 v9, v1  }
0x368: {  	v61 =	vld [tilespmem:$0x1EB20];
	v9 =	vmul.f32 v17, v19;
	v3 =	vadd.f32 v8, v3;
	v8 =	vmul.f32 v16, v18  }
0x369: {  	v17 =	vld [tilespmem:$0x1EAF0]  }
0x36a: {  	v16 =	vld [tilespmem:$0x1EB30];
	v1 =	vadd.f32 v9, v1;
	v3 =	vadd.f32 v8, v3;
	v8 =	vmul.f32 v58, v18  }
0x36b: {  	v7 =	vadd.f32 v13, v7;
	vm2 =	vgt.f32 v6, v0  }
0x36c: {  	v0 =	vsel vm2, v6, v0;
	v13 =	vadd.f32 v8, v1;
	v1 =	vld [tilespmem:$0x1EB60]  }
0x36d: {  	vm3 =	vgt.f32 v7, v0;
	v11 =	vld [tilespmem:$0x1EB80];
	v9 =	vmul.f32 v61, v32  }
0x36e: {  	v2 =	vadd.f32 v14, v2;
	v0 =	vsel vm3, v7, v0;
	v10 =	vld [tilespmem:$0x1EB70]  }
0x36f: {  	v61 =	vld [tilespmem:$0x1EB50];
	v7 =	vmul.f32 v44, v17;
	v14 =	vadd.f32 $0.0e+00, v9;
	v44 =	vmul.f32 v16, v31  }
0x370: {  	v16 =	vld [tilespmem:$0x1EB40]  }
0x371: {  	v9 =	vadd.f32 v44, v14;
	v14 =	vld [tilespmem:$0x1EBC0];
	v8 =	vmul.f32 v1, v17  }
0x372: {  	v44 =	vld [tilespmem:$0x1EBD0]  }
0x373: {  	vm4 =	vgt.f32 v5, v0;
	v12 =	vadd.f32 v7, v3;
	v3 =	vadd.f32 v8, v13;
	v13 =	vld [tilespmem:$0x1EBB0]  }
0x374: {  	v0 =	vsel vm4, v5, v0  }
0x375: {  	v15 =	vld [tilespmem:$0x1EB90];
	v5 =	vmul.f32 v11, v32;
	vm5 =	vgt.f32 v4, v0;
	v7 =	vmul.f32 v61, v16  }
0x376: {  	v58 =	vsel vm5, v4, v0;
	v4 =	vmul.f32 v10, v30;
	v10 =	vld [tilespmem:$0x1EBF0]  }
0x377: {  	[tilespmem:$0x1FEB0] =	vst v2;
	v5 =	vadd.f32 $0.0e+00, v5;
	v2 =	vadd.f32 v7, v12;
	v12 =	vld [tilespmem:$0x1EBA0];
	v61 =	vmul.f32 v44, v31  }
0x378: {  	v0 =	vadd.f32 v4, v9;
	v7 =	vmul.f32 v14, v16;
	v14 =	vld [tilespmem:$0x1EC00];
	v6 =	vmul.f32 v13, v29  }
0x379: {  	v5 =	vadd.f32 v61, v5;
	v61 =	vld [tilespmem:$0x1EC30]  }
0x37a: {  	v0 =	vadd.f32 v6, v0;
	v6 =	vld [tilespmem:$0x1EBE0]  }
0x37b: {  	v13 =	vld [tilespmem:$0x1EC10]  }
0x37c: {  	v4 =	vmul.f32 v12, v15;
	v12 =	vld [tilespmem:$0x1EC60]  }
0x37d: {  	v11 =	vmul.f32 v10, v30;
	v44 =	vld [tilespmem:$0x1EC20]  }
0x37e: {  	v3 =	vadd.f32 v7, v3  }
0x37f: {  	v5 =	vadd.f32 v11, v5;
	v11 =	vld [tilespmem:$0x1EC50];
	v9 =	vmul.f32 v6, v27;
	v6 =	vmul.f32 v61, v15  }
0x380: {  	v2 =	vadd.f32 v4, v2;
	v4 =	vmul.f32 v13, v14;
	v13 =	vld [tilespmem:$0x1EC80]  }
0x381: {  	v3 =	vadd.f32 v6, v3;
	v6 =	vmul.f32 v12, v27;
	v12 =	vld [tilespmem:$0x1EC70]  }
0x382: {  	v7 =	vmul.f32 v44, v28;
	v0 =	vadd.f32 v9, v0  }
0x383: {  	v1 =	vld [tilespmem:$0x1EC40]  }
0x384: {  	v2 =	vadd.f32 v4, v2;
	v4 =	vmul.f32 v11, v26;
	v0 =	vadd.f32 v7, v0;
	_ =	sdelay $0x1  }
0x385: {  	v0 =	vadd.f32 v4, v0;
	v4 =	vmul.f32 v13, v12;
	v13 =	vld [tilespmem:$0x1ECC0];
	_ =	sdelay $0x1  }
0x386: {  	v8 =	vmul.f32 v1, v29;
	v1 =	vld [tilespmem:$0x1ECB0]  }
0x387: {  	v61 =	vld [tilespmem:$0x1ECA0]  }
0x388: {  	v44 =	vld [tilespmem:$0x1EC90]  }
0x389: {  	v10 =	vmov v42;
	v2 =	vadd.f32 v4, v2;
	v4 =	vmul.f32 v13, v42;
	v42 =	vld [tilespmem:$0x1ECD0]  }
0x38a: {  	v5 =	vadd.f32 v8, v5;
	_ =	sdelay $0x1  }
0x38b: {  	v8 =	vmul.f32 v1, v28;
	v1 =	vld [tilespmem:$0x1ED00];
	v5 =	vadd.f32 v6, v5;
	v6 =	vmul.f32 v61, v14  }
0x38c: {  	v7 =	vmul.f32 v44, v25;
	v44 =	vld [tilespmem:$0x1ECF0]  }
0x38d: {  	v3 =	vadd.f32 v6, v3;
	v6 =	vmul.f32 v42, v26;
	v42 =	vld [tilespmem:$0x1ECE0]  }
0x38e: {  	v9 =	vld [tilespmem:$0x1ED10];
	_ =	sdelay $0x2  }
0x38f: {  	v5 =	vadd.f32 v8, v5;
	v13 =	vld [tilespmem:$0x1ED20]  }
0x390: {  	v11 =	vmov v41;
	v0 =	vadd.f32 v7, v0;
	v61 =	vmul.f32 v44, v42;
	v44 =	vld [tilespmem:$0x1ED30]  }
0x391: {  	v7 =	vmul.f32 v1, v41;
	v41 =	vmovc v12;
	v5 =	vadd.f32 v6, v5;
	v6 =	vmul.f32 v9, v12;
	v12 =	vld [tilespmem:$0x1ED70]  }
0x392: {  	v1 =	vld [tilespmem:$0x1ED40];
	_ =	sdelay $0x1  }
0x393: {  	v0 =	vadd.f32 v4, v0;
	v9 =	vld [tilespmem:$0x1ED60]  }
0x394: {  	v2 =	vadd.f32 v61, v2;
	v61 =	vmov v40;
	v4 =	vmul.f32 v44, v40;
	v40 =	vld [tilespmem:$0x1ED50]  }
0x395: {  	v0 =	vadd.f32 v7, v0;
	v8 =	vmul.f32 v13, v25;
	v13 =	vmovc v39;
	v7 =	vmul.f32 v12, v39;
	v39 =	vld [tilespmem:$0x1ED80]  }
0x396: {  	v3 =	vadd.f32 v6, v3;
	v6 =	vmul.f32 v1, v10;
	v1 =	vld [tilespmem:$0x1EDA0];
	_ =	sdelay $0x1  }
0x397: {  	v5 =	vadd.f32 v8, v5  }
0x398: {  	v44 =	vld [tilespmem:$0x1ED90];
	v0 =	vadd.f32 v4, v0;
	v4 =	vmul.f32 v9, v40  }
0x399: {  	v5 =	vadd.f32 v6, v5;
	v6 =	vmul.f32 v39, v42;
	v39 =	vmov v42;
	v42 =	vld [tilespmem:$0x1EDC0]  }
0x39a: {  	v12 =	vmov v36;
	v2 =	vadd.f32 v4, v2;
	v4 =	vmul.f32 v1, v36;
	v36 =	vld [tilespmem:$0x1EDD0]  }
0x39b: {  	v9 =	vld [tilespmem:$0x1EDB0];
	_ =	sdelay $0x3  }
0x39c: {  	v8 =	vmul.f32 v44, v11;
	v44 =	vmul.f32 v36, v42;
	v36 =	vld [tilespmem:$0x1EDF0]  }
0x39d: {  	v3 =	vadd.f32 v6, v3;
	v6 =	vmul.f32 v9, v61;
	v9 =	vld [tilespmem:$0x1EDE0]  }
0x39e: {  	v2 =	vadd.f32 v44, v2;
	v44 =	vld [tilespmem:$0x1EE10]  }
0x39f: {  	v5 =	vadd.f32 v8, v5;
	_ =	sdelay $0x1  }
0x3a0: {  	v0 =	vadd.f32 v7, v0;
	v5 =	vadd.f32 v6, v5;
	v6 =	vmul.f32 v36, v40;
	v36 =	vmovc v40;
	v40 =	vld [tilespmem:$0x1EE00]  }
0x3a1: {  	v7 =	vmul.f32 v9, v45;
	v9 =	vld [tilespmem:$0x1EE40]  }
0x3a2: {  	v0 =	vadd.f32 v4, v0;
	v4 =	vmul.f32 v44, v46;
	v44 =	vld [tilespmem:$0x1EE30];
	_ =	sdelay $0x1  }
0x3a3: {  	v1 =	vld [tilespmem:$0x1EE20]  }
0x3a4: {  	v0 =	vadd.f32 v7, v0;
	v8 =	vmul.f32 v40, v13;
	v40 =	vld [tilespmem:$0x1EE50];
	_ =	sdelay $0x1  }
0x3a5: {  	v0 =	vadd.f32 v4, v0;
	v4 =	vmul.f32 v9, v44;
	v9 =	vld [tilespmem:$0x1EE70];
	_ =	sdelay $0x1  }
0x3a6: {  	v3 =	vadd.f32 v6, v3;
	v6 =	vmul.f32 v1, v12;
	v1 =	vld [tilespmem:$0x1EE60]  }
0x3a7: {  	v56 =	vmul.f32 v56, v42;
	v7 =	vmul.f32 v40, v51;
	v40 =	vmov v42;
	v42 =	vld [tilespmem:$0x1EE80];
	_ =	sdelay $0x1  }
0x3a8: {  	v2 =	vadd.f32 v4, v2;
	v0 =	vadd.f32 v7, v0;
	v4 =	vmul.f32 v9, v57  }
0x3a9: {  	v5 =	vadd.f32 v8, v5  }
0x3aa: {  	v8 =	vmul.f32 v1, v45;
	v1 =	vadd.f32 v4, v0;
	v0 =	vld [tilespmem:$0x1EE90]  }
0x3ab: {  	v5 =	vadd.f32 v6, v5;
	v6 =	vmul.f32 v42, v46;
	v42 =	vld [tilespmem:$0x1EEB0];
	_ =	sdelay $0x2  }
0x3ac: {  	v5 =	vadd.f32 v8, v5  }
0x3ad: {  	v3 =	vadd.f32 v56, v3;
	v9 =	vld [tilespmem:$0x1EEA0]  }
0x3ae: {  	v5 =	vadd.f32 v6, v5;
	v56 =	vmul.f32 v48, v0;
	v6 =	vmul.f32 v42, v44;
	v42 =	vmovc v44;
	v44 =	vld [tilespmem:$0x1EEC0]  }
0x3af: {  	v48 =	vld [tilespmem:$0x1EED0]  }
0x3b0: {  	v2 =	vadd.f32 v56, v2;
	v56 =	vld [tilespmem:$0x1EEE0];
	_ =	sdelay $0x1  }
0x3b1: {  	v7 =	vmul.f32 v9, v60;
	v9 =	vld [tilespmem:$0x1EF00]  }
0x3b2: {  	v8 =	vmul.f32 v44, v51;
	v44 =	vld [tilespmem:$0x1EF10]  }
0x3b3: {  	v4 =	vmul.f32 v48, v62;
	v48 =	vld [tilespmem:$0x1EEF0]  }
0x3b4: {  	v3 =	vadd.f32 v6, v3;
	v6 =	vmul.f32 v56, v57;
	v56 =	vld [tilespmem:$0x1EF20]  }
0x3b5: {  	v1 =	vadd.f32 v7, v1;
	_ =	sdelay $0x1  }
0x3b6: {  	v1 =	vadd.f32 v4, v1;
	v5 =	vadd.f32 v8, v5;
	v7 =	vmul.f32 v44, v24  }
0x3b7: {  	v4 =	vmul.f32 v9, v48;
	v9 =	vld [tilespmem:$0x1EF50]  }
0x3b8: {  	v5 =	vadd.f32 v6, v5;
	v6 =	vmul.f32 v56, v0;
	v56 =	vadd.f32 v7, v1;
	v1 =	vld [tilespmem:$0x1EF40];
	_ =	sdelay $0x1  }
0x3b9: {  	v44 =	vmov v0;
	v0 =	vld [tilespmem:$0x1EF30];
	_ =	sdelay $0x1  }
0x3ba: {  	v2 =	vadd.f32 v4, v2  }
0x3bb: {  	v3 =	vadd.f32 v6, v3;
	v6 =	vmul.f32 v9, v62;
	v9 =	vld [tilespmem:$0x1EF60];
	v4 =	vmul.f32 v1, v23  }
0x3bc: {  	v1 =	vld [tilespmem:$0x1EF80]  }
0x3bd: {  	v8 =	vmul.f32 v0, v60;
	v0 =	vadd.f32 v4, v56;
	v56 =	vld [tilespmem:$0x1EF70];
	_ =	sdelay $0x3  }
0x3be: {  	v7 =	vmul.f32 v1, v22;
	v1 =	vld [tilespmem:$0x1EFA0]  }
0x3bf: {  	v4 =	vmul.f32 v56, v9;
	v56 =	vld [tilespmem:$0x1EF90];
	_ =	sdelay $0x2  }
0x3c0: {  	v5 =	vadd.f32 v8, v5  }
0x3c1: {  	v8 =	vmul.f32 v1, v24;
	v1 =	vld [tilespmem:$0x1EFC0]  }
0x3c2: {  	v5 =	vadd.f32 v6, v5;
	v6 =	vmul.f32 v56, v48;
	v56 =	vld [tilespmem:$0x1EFB0];
	_ =	sdelay $0x2  }
0x3c3: {  	v5 =	vadd.f32 v8, v5;
	v8 =	vld [tilespmem:$0x1EFE0]  }
0x3c4: {  	v3 =	vadd.f32 v6, v3;
	v6 =	vmul.f32 v1, v23;
	v1 =	vld [tilespmem:$0x1EFF0]  }
0x3c5: {  	v2 =	vadd.f32 v4, v2;
	v4 =	vmul.f32 v56, v21;
	v56 =	vld [tilespmem:$0x1EFD0];
	_ =	sdelay $0x2  }
0x3c6: {  	v0 =	vadd.f32 v7, v0  }
0x3c7: {  	v7 =	vmul.f32 v1, v52;
	v1 =	vld [tilespmem:$0x1F010]  }
0x3c8: {  	v0 =	vadd.f32 v4, v0;
	v4 =	vmul.f32 v8, v56;
	v8 =	vld [tilespmem:$0x1F000];
	_ =	sdelay $0x4  }
0x3c9: {  	v5 =	vadd.f32 v6, v5;
	v6 =	vmul.f32 v8, v9;
	v8 =	vmul.f32 v1, v22;
	v1 =	vld [tilespmem:$0x1F020];
	_ =	sdelay $0x4  }
0x3ca: {  	v2 =	vadd.f32 v4, v2;
	v4 =	vmul.f32 v1, v20;
	v1 =	vld [tilespmem:$0x1F030];
	_ =	sdelay $0x3  }
0x3cb: {  	v5 =	vadd.f32 v8, v5;
	v8 =	vld [tilespmem:$0x1F040]  }
0x3cc: {  	v3 =	vadd.f32 v6, v3;
	v6 =	vmul.f32 v1, v21;
	v1 =	vld [tilespmem:$0x1F050];
	_ =	sdelay $0x1  }
0x3cd: {  	v0 =	vadd.f32 v7, v0;
	_ =	sdelay $0x1  }
0x3ce: {  	v0 =	vadd.f32 v4, v0;
	v4 =	vmul.f32 v8, v37;
	v8 =	vld [tilespmem:$0x1F060]  }
0x3cf: {  	v7 =	vmul.f32 v1, v19;
	v1 =	vld [tilespmem:$0x1F070];
	_ =	sdelay $0x4  }
0x3d0: {  	v5 =	vadd.f32 v6, v5;
	v6 =	vmul.f32 v8, v56;
	v8 =	vmul.f32 v1, v52;
	v1 =	vld [tilespmem:$0x1F080];
	_ =	sdelay $0x4  }
0x3d1: {  	v2 =	vadd.f32 v4, v2;
	v0 =	vadd.f32 v7, v0;
	v4 =	vmul.f32 v1, v18;
	v1 =	vld [tilespmem:$0x1F090];
	_ =	sdelay $0x1  }
0x3d2: {  	v0 =	vadd.f32 v4, v0;
	v4 =	vmul.f32 v63, v34;
	v63 =	vld [tilespmem:$0x1F0B0];
	_ =	sdelay $0x2  }
0x3d3: {  	v3 =	vadd.f32 v6, v3;
	v5 =	vadd.f32 v8, v5;
	v8 =	vld [tilespmem:$0x1F0A0];
	v6 =	vmul.f32 v1, v20  }
0x3d4: {  	v1 =	vld [tilespmem:$0x1F0C0]  }
0x3d5: {  	v5 =	vadd.f32 v6, v5;
	v6 =	vmul.f32 v63, v37;
	v63 =	vld [tilespmem:$0x1F0D0];
	_ =	sdelay $0x2  }
0x3d6: {  	v7 =	vmul.f32 v8, v17  }
0x3d7: {  	v8 =	vmul.f32 v1, v19  }
0x3d8: {  	v2 =	vadd.f32 v4, v2;
	v0 =	vadd.f32 v7, v0;
	v1 =	vld [tilespmem:$0x1F0E0];
	v4 =	vmul.f32 v63, v16  }
0x3d9: {  	v5 =	vadd.f32 v8, v5;
	v8 =	vld [tilespmem:$0x1F110]  }
0x3da: {  	v0 =	vadd.f32 v4, v0;
	v4 =	vmul.f32 v59, v35;
	v59 =	vld [tilespmem:$0x1F0F0];
	_ =	sdelay $0x2  }
0x3db: {  	v3 =	vadd.f32 v6, v3;
	v6 =	vmul.f32 v1, v18;
	_ =	sdelay $0x1  }
0x3dc: {  	v5 =	vadd.f32 v6, v5;
	v8 =	vmul.f32 v8, v17;
	v63 =	vmul.f32 v59, v15;
	v59 =	vld [tilespmem:$0x1F120];
	_ =	sdelay $0x1  }
0x3dd: {  	v5 =	vadd.f32 v8, v5;
	v8 =	vld [tilespmem:$0x1F140];
	_ =	sdelay $0x2  }
0x3de: {  	v6 =	vld [tilespmem:$0x1F100];
	v0 =	vadd.f32 v63, v0;
	v63 =	vmul.f32 v59, v14  }
0x3df: {  	v1 =	vld [tilespmem:$0x1F130]  }
0x3e0: {  	v7 =	vmul.f32 v8, v41;
	v59 =	vld [tilespmem:$0x1F160];
	v0 =	vadd.f32 v63, v0  }
0x3e1: {  	v2 =	vadd.f32 v4, v2;
	v4 =	vmul.f32 v54, v33;
	v54 =	vld [tilespmem:$0x1F150]  }
0x3e2: {  	v0 =	vadd.f32 v7, v0;
	v7 =	vld [tilespmem:$0x1F170]  }
0x3e3: {  	v6 =	vmul.f32 v6, v34;
	_ =	sdelay $0x1  }
0x3e4: {  	v3 =	vadd.f32 v6, v3;
	v6 =	vmul.f32 v1, v16;
	v63 =	vmul.f32 v59, v15;
	v59 =	vld [tilespmem:$0x1F180];
	_ =	sdelay $0x1  }
0x3e5: {  	v5 =	vadd.f32 v6, v5;
	v6 =	vmul.f32 v54, v35;
	v54 =	vmul.f32 v7, v39;
	_ =	sdelay $0x1  }
0x3e6: {  	v0 =	vadd.f32 v54, v0;
	v54 =	vld [tilespmem:$0x1F190]  }
0x3e7: {  	v5 =	vadd.f32 v63, v5;
	v63 =	vmul.f32 v59, v14;
	v59 =	vld [tilespmem:$0x1F1A0];
	_ =	sdelay $0x1  }
0x3e8: {  	v2 =	vadd.f32 v4, v2  }
0x3e9: {  	v4 =	vmul.f32 v49, v50;
	v49 =	vmul.f32 v55, v33;
	v3 =	vadd.f32 v6, v3  }
0x3ea: {  	v5 =	vadd.f32 v63, v5;
	v55 =	vmul.f32 v54, v36  }
0x3eb: {  	v63 =	vmul.f32 v59, v41;
	v59 =	vadd.f32 v4, v2;
	v2 =	vadd.f32 v49, v3;
	v49 =	vld [tilespmem:$0x1F1B0]  }
0x3ec: {  	v0 =	vadd.f32 v55, v0;
	v55 =	vld [tilespmem:$0x1F1C0];
	_ =	sdelay $0x3  }
0x3ed: {  	v3 =	vmul.f32 v49, v32;
	v49 =	vmul.f32 v53, v50;
	v53 =	vld [tilespmem:$0x1F1D0]  }
0x3ee: {  	v54 =	vadd.f32 v63, v5;
	v63 =	vmul.f32 v55, v39;
	_ =	sdelay $0x1  }
0x3ef: {  	v4 =	vadd.f32 v63, v54;
	v54 =	vld [tilespmem:$0x1F1E0]  }
0x3f0: {  	v55 =	vld [tilespmem:$0x1F1F0]  }
0x3f1: {  	v7 =	vmul.f32 v53, v31;
	v53 =	vld [tilespmem:$0x1F200];
	_ =	sdelay $0x2  }
0x3f2: {  	v3 =	vadd.f32 $0.0e+00, v3;
	v5 =	vmul.f32 v54, v40;
	v54 =	vld [tilespmem:$0x1F210]  }
0x3f3: {  	v63 =	vmul.f32 v55, v36  }
0x3f4: {  	v55 =	vadd.f32 v49, v2;
	v49 =	vadd.f32 v7, v3;
	v3 =	vmul.f32 v53, v30;
	v53 =	vld [tilespmem:$0x1F230]  }
0x3f5: {  	v8 =	vld [tilespmem:$0x1F220]  }
0x3f6: {  	v1 =	vld [tilespmem:$0x1F250]  }
0x3f7: {  	v4 =	vadd.f32 v63, v4;
	v63 =	vmul.f32 v54, v40;
	v54 =	vld [tilespmem:$0x1F240];
	_ =	sdelay $0x1  }
0x3f8: {  	v6 =	vmul.f32 v53, v29;
	v53 =	vld [tilespmem:$0x1F270];
	_ =	sdelay $0x1  }
0x3f9: {  	v0 =	vadd.f32 v5, v0;
	v2 =	vadd.f32 v3, v49;
	v49 =	vmul.f32 v8, v42  }
0x3fa: {  	v7 =	vmul.f32 v1, v32;
	v4 =	vadd.f32 v63, v4;
	v63 =	vmul.f32 v54, v42;
	v54 =	vld [tilespmem:$0x1F280]  }
0x3fb: {  	v0 =	vadd.f32 v49, v0  }
0x3fc: {  	v1 =	vld [tilespmem:$0x1F290];
	v49 =	vadd.f32 $0.0e+00, v7;
	v2 =	vadd.f32 v6, v2;
	v6 =	vmul.f32 v53, v31  }
0x3fd: {  	v8 =	vld [tilespmem:$0x1F260]  }
0x3fe: {  	v5 =	vadd.f32 v6, v49;
	v49 =	vld [tilespmem:$0x1F2A0]  }
0x3ff: {  	v4 =	vadd.f32 v63, v4;
	v63 =	vmul.f32 v54, v44;
	v54 =	vld [tilespmem:$0x1F2B0];
	_ =	sdelay $0x2  }
0x400: {  	v7 =	vmul.f32 v1, v28;
	v1 =	vld [tilespmem:$0x1F2D0]  }
0x401: {  	v53 =	vmul.f32 v49, v44;
	v0 =	vadd.f32 v63, v0;
	v63 =	vld [tilespmem:$0x1F2C0]  }
0x402: {  	v3 =	vmul.f32 v8, v27;
	v8 =	vmul.f32 v54, v30;
	v54 =	vld [tilespmem:$0x1F300]  }
0x403: {  	v4 =	vadd.f32 v53, v4;
	v53 =	vld [tilespmem:$0x1F2F0]  }
0x404: {  	v5 =	vadd.f32 v8, v5;
	v8 =	vld [tilespmem:$0x1F2E0]  }
0x405: {  	v6 =	vmul.f32 v1, v29;
	v1 =	vld [tilespmem:$0x1F310];
	_ =	sdelay $0x1  }
0x406: {  	v2 =	vadd.f32 v3, v2;
	v3 =	vmul.f32 v63, v26;
	v63 =	vmul.f32 v54, v48;
	v54 =	vld [tilespmem:$0x1F340];
	_ =	sdelay $0x1  }
0x407: {  	v2 =	vadd.f32 v7, v2;
	v7 =	vmul.f32 v53, v25;
	v53 =	vld [tilespmem:$0x1F330];
	v49 =	vmul.f32 v8, v48  }
0x408: {  	v8 =	vmul.f32 v1, v27;
	v1 =	vld [tilespmem:$0x1F350]  }
0x409: {  	v0 =	vadd.f32 v49, v0;
	v49 =	vld [tilespmem:$0x1F320]  }
0x40a: {  	v2 =	vadd.f32 v3, v2;
	v4 =	vadd.f32 v63, v4;
	v63 =	vmul.f32 v54, v9;
	v54 =	vld [tilespmem:$0x1F370]  }
0x40b: {  	v5 =	vadd.f32 v6, v5  }
0x40c: {  	v2 =	vadd.f32 v7, v2  }
0x40d: {  	v5 =	vadd.f32 v8, v5;
	v6 =	vmul.f32 v53, v28;
	v7 =	vmul.f32 v1, v11;
	v1 =	vld [tilespmem:$0x1F390]  }
0x40e: {  	v3 =	vmul.f32 v49, v10;
	v49 =	vld [tilespmem:$0x1F360]  }
0x40f: {  	v5 =	vadd.f32 v6, v5;
	v0 =	vadd.f32 v63, v0;
	v63 =	vld [tilespmem:$0x1F380];
	v8 =	vmul.f32 v54, v26  }
0x410: {  	v54 =	vld [tilespmem:$0x1F3C0]  }
0x411: {  	v5 =	vadd.f32 v8, v5;
	v8 =	vld [tilespmem:$0x1F3A0]  }
0x412: {  	v6 =	vmul.f32 v1, v25;
	v1 =	vld [tilespmem:$0x1F3D0]  }
0x413: {  	v53 =	vmul.f32 v49, v9;
	_ =	sdelay $0x1  }
0x414: {  	v2 =	vadd.f32 v3, v2;
	v3 =	vmul.f32 v63, v61;
	v4 =	vadd.f32 v53, v4;
	v53 =	vld [tilespmem:$0x1F3B0]  }
0x415: {  	v63 =	vmul.f32 v54, v56;
	v54 =	vld [tilespmem:$0x1F400];
	v49 =	vmul.f32 v8, v56  }
0x416: {  	v8 =	vmul.f32 v1, v10;
	v1 =	vld [tilespmem:$0x1F410]  }
0x417: {  	v2 =	vadd.f32 v7, v2;
	v0 =	vadd.f32 v49, v0;
	v49 =	vld [tilespmem:$0x1F3E0];
	_ =	sdelay $0x1  }
0x418: {  	v2 =	vadd.f32 v3, v2;
	v7 =	vmul.f32 v53, v13;
	v53 =	vld [tilespmem:$0x1F3F0]  }
0x419: {  	v4 =	vadd.f32 v63, v4;
	v63 =	vmul.f32 v54, v37;
	v54 =	vld [tilespmem:$0x1F430]  }
0x41a: {  	v2 =	vadd.f32 v7, v2;
	v7 =	vmul.f32 v1, v45;
	v1 =	vld [tilespmem:$0x1F450]  }
0x41b: {  	v5 =	vadd.f32 v6, v5;
	v3 =	vmul.f32 v49, v12;
	v49 =	vld [tilespmem:$0x1F420];
	_ =	sdelay $0x1  }
0x41c: {  	v5 =	vadd.f32 v8, v5;
	v6 =	vmul.f32 v53, v11  }
0x41d: {  	v0 =	vadd.f32 v63, v0;
	v63 =	vld [tilespmem:$0x1F440]  }
0x41e: {  	v8 =	vmul.f32 v54, v61;
	v54 =	vld [tilespmem:$0x1F480];
	v5 =	vadd.f32 v6, v5  }
0x41f: {  	v6 =	vmul.f32 v1, v13;
	v1 =	vld [tilespmem:$0x1F490];
	v53 =	vmul.f32 v49, v37  }
0x420: {  	v5 =	vadd.f32 v8, v5;
	v8 =	vld [tilespmem:$0x1F460]  }
0x421: {  	v4 =	vadd.f32 v53, v4;
	v53 =	vld [tilespmem:$0x1F470];
	_ =	sdelay $0x1  }
0x422: {  	v2 =	vadd.f32 v3, v2;
	v3 =	vmul.f32 v63, v46;
	v63 =	vmul.f32 v54, v34;
	v54 =	vld [tilespmem:$0x1F4C0];
	_ =	sdelay $0x1  }
0x423: {  	v49 =	vmul.f32 v8, v34;
	v8 =	vmul.f32 v1, v12;
	v1 =	vld [tilespmem:$0x1F4D0]  }
0x424: {  	v2 =	vadd.f32 v7, v2;
	v7 =	vmul.f32 v53, v51;
	v53 =	vld [tilespmem:$0x1F4B0]  }
0x425: {  	v0 =	vadd.f32 v49, v0;
	v49 =	vld [tilespmem:$0x1F4A0]  }
0x426: {  	v5 =	vadd.f32 v6, v5;
	v4 =	vadd.f32 v63, v4;
	v63 =	vmul.f32 v54, v35;
	v54 =	vld [tilespmem:$0x1F4F0]  }
0x427: {  	v2 =	vadd.f32 v3, v2  }
0x428: {  	v5 =	vadd.f32 v8, v5;
	v0 =	vadd.f32 v63, v0;
	v63 =	vld [tilespmem:$0x1F500]  }
0x429: {  	v2 =	vadd.f32 v7, v2;
	v7 =	vmul.f32 v1, v60;
	v1 =	vld [tilespmem:$0x1F510];
	v6 =	vmul.f32 v53, v45  }
0x42a: {  	v3 =	vmul.f32 v49, v57;
	v49 =	vld [tilespmem:$0x1F4E0]  }
0x42b: {  	v8 =	vmul.f32 v54, v46;
	v54 =	vld [tilespmem:$0x1F540];
	v5 =	vadd.f32 v6, v5;
	_ =	sdelay $0x1  }
0x42c: {  	v5 =	vadd.f32 v8, v5;
	v8 =	vld [tilespmem:$0x1F520]  }
0x42d: {  	v6 =	vmul.f32 v1, v51;
	v1 =	vld [tilespmem:$0x1F550]  }
0x42e: {  	v53 =	vmul.f32 v49, v35  }
0x42f: {  	v2 =	vadd.f32 v3, v2;
	v3 =	vmul.f32 v63, v62;
	v63 =	vmul.f32 v54, v33;
	v54 =	vld [tilespmem:$0x1F580]  }
0x430: {  	v4 =	vadd.f32 v53, v4;
	v53 =	vld [tilespmem:$0x1F530]  }
0x431: {  	v49 =	vmul.f32 v8, v33  }
0x432: {  	v8 =	vmul.f32 v1, v57;
	v1 =	vld [tilespmem:$0x1F590]  }
0x433: {  	v2 =	vadd.f32 v7, v2;
	v0 =	vadd.f32 v49, v0;
	v49 =	vld [tilespmem:$0x1F560]  }
0x434: {  	v4 =	vadd.f32 v63, v4;
	v63 =	vmul.f32 v54, v50;
	v54 =	vld [tilespmem:$0x1F5B0]  }
0x435: {  	v2 =	vadd.f32 v3, v2;
	v7 =	vmul.f32 v53, v24;
	v53 =	vld [tilespmem:$0x1F570]  }
0x436: {  	v0 =	vadd.f32 v63, v0;
	v63 =	vld [tilespmem:$0x1F5C0]  }
0x437: {  	v2 =	vadd.f32 v7, v2;
	v7 =	vmul.f32 v1, v22;
	v1 =	vld [tilespmem:$0x1F5D0]  }
0x438: {  	v5 =	vadd.f32 v6, v5;
	v3 =	vmul.f32 v49, v23;
	v49 =	vld [tilespmem:$0x1F5A0];
	_ =	sdelay $0x1  }
0x439: {  	v5 =	vadd.f32 v8, v5;
	v6 =	vmul.f32 v53, v60  }
0x43a: {  	v8 =	vmul.f32 v54, v62  }
0x43b: {  	v2 =	vadd.f32 v3, v2;
	v3 =	vmul.f32 v63, v21;
	v63 =	vld [tilespmem:$0x1F600];
	v5 =	vadd.f32 v6, v5  }
0x43c: {  	v6 =	vmul.f32 v1, v24;
	v1 =	vld [tilespmem:$0x1F610];
	v53 =	vmul.f32 v49, v50  }
0x43d: {  	v5 =	vadd.f32 v8, v5;
	v8 =	vld [tilespmem:$0x1F5E0]  }
0x43e: {  	v4 =	vadd.f32 v53, v4;
	v53 =	vld [tilespmem:$0x1F5F0];
	_ =	sdelay $0x2  }
0x43f: {  	v5 =	vadd.f32 v6, v5;
	v6 =	vmul.f32 v63, v52;
	v63 =	vld [tilespmem:$0x1F640]  }
0x440: {  	v49 =	vmul.f32 v8, v38  }
0x441: {  	v8 =	vmul.f32 v1, v23;
	v1 =	vld [tilespmem:$0x1F650];
	v54 =	vmul.f32 v53, v38  }
0x442: {  	v2 =	vadd.f32 v7, v2;
	v7 =	vld [tilespmem:$0x1F620]  }
0x443: {  	v53 =	vadd.f32 v54, v4;
	v54 =	vld [tilespmem:$0x1F630]  }
0x444: {  	v2 =	vadd.f32 v3, v2;
	v3 =	vadd.f32 v8, v5;
	v5 =	vmul.f32 v63, v20;
	v63 =	vld [tilespmem:$0x1F680]  }
0x445: {  	v8 =	vld [tilespmem:$0x1F660]  }
0x446: {  	v2 =	vadd.f32 v6, v2;
	v6 =	vmul.f32 v1, v31;
	v1 =	vld [tilespmem:$0x1F690]  }
0x447: {  	v49 =	vadd.f32 v49, v0;
	v0 =	vmul.f32 v7, v32  }
0x448: {  	v4 =	vmul.f32 v54, v22;
	v54 =	vld [tilespmem:$0x1F670]  }
0x449: {  	v0 =	vadd.f32 $0.0e+00, v0;
	v2 =	vadd.f32 v5, v2;
	v5 =	vmul.f32 v63, v30;
	v63 =	vld [tilespmem:$0x1F6C0]  }
0x44a: {  	v3 =	vadd.f32 v4, v3;
	v4 =	vmul.f32 v8, v32;
	v32 =	vld [tilespmem:$0x1F6A0]  }
0x44b: {  	v0 =	vadd.f32 v6, v0;
	v6 =	vmul.f32 v1, v31;
	v1 =	vld [tilespmem:$0x1F6D0]  }
0x44c: {  	v31 =	vld [tilespmem:$0x1F6F0];
	v4 =	vadd.f32 $0.0e+00, v4  }
0x44d: {  	v7 =	vmul.f32 v54, v21;
	v54 =	vld [tilespmem:$0x1F6B0]  }
0x44e: {  	v4 =	vadd.f32 v6, v4;
	v6 =	vmul.f32 v63, v30;
	v30 =	vld [tilespmem:$0x1F6E0]  }
0x44f: {  	v63 =	vld [tilespmem:$0x1F720]  }
0x450: {  	v0 =	vadd.f32 v5, v0;
	v5 =	vmul.f32 v32, v19;
	v32 =	vld [tilespmem:$0x1F700]  }
0x451: {  	v8 =	vmul.f32 v1, v52;
	v1 =	vld [tilespmem:$0x1F730]  }
0x452: {  	v4 =	vadd.f32 v6, v4;
	v6 =	vmul.f32 v31, v29;
	v31 =	vld [tilespmem:$0x1F770]  }
0x453: {  	v3 =	vadd.f32 v7, v3;
	v7 =	vmul.f32 v54, v29;
	v54 =	vld [tilespmem:$0x1F710]  }
0x454: {  	v2 =	vadd.f32 v5, v2;
	v29 =	vld [tilespmem:$0x1F750]  }
0x455: {  	v4 =	vadd.f32 v6, v4;
	v5 =	vmul.f32 v30, v27;
	v6 =	vmul.f32 v63, v27;
	v27 =	vld [tilespmem:$0x1F740]  }
0x456: {  	v30 =	vld [tilespmem:$0x1F760]  }
0x457: {  	v63 =	vld [tilespmem:$0x1F7A0];
	v0 =	vadd.f32 v7, v0  }
0x458: {  	v3 =	vadd.f32 v8, v3;
	v8 =	vmul.f32 v1, v20;
	v1 =	vld [tilespmem:$0x1F7B0]  }
0x459: {  	v0 =	vadd.f32 v5, v0;
	v5 =	vmul.f32 v32, v18;
	v32 =	vld [tilespmem:$0x1F780]  }
0x45a: {  	v7 =	vmul.f32 v54, v28;
	v54 =	vld [tilespmem:$0x1F790]  }
0x45b: {  	v4 =	vadd.f32 v6, v4;
	v6 =	vmul.f32 v29, v28;
	v28 =	vld [tilespmem:$0x1F7F0]  }
0x45c: {  	v29 =	vld [tilespmem:$0x1F800]  }
0x45d: {  	v2 =	vadd.f32 v5, v2;
	v5 =	vmul.f32 v27, v26;
	v27 =	vld [tilespmem:$0x1F7E0]  }
0x45e: {  	v0 =	vadd.f32 v7, v0;
	v7 =	vmul.f32 v31, v25;
	v31 =	vld [tilespmem:$0x1F820]  }
0x45f: {  	v4 =	vadd.f32 v6, v4;
	v6 =	vmul.f32 v32, v26;
	v26 =	vld [tilespmem:$0x1F7D0]  }
0x460: {  	v0 =	vadd.f32 v5, v0;
	v5 =	vmul.f32 v30, v17;
	v30 =	vld [tilespmem:$0x1F810]  }
0x461: {  	v32 =	vld [tilespmem:$0x1F830]  }
0x462: {  	v3 =	vadd.f32 v8, v3;
	v8 =	vmul.f32 v54, v19;
	v54 =	vld [tilespmem:$0x1F840]  }
0x463: {  	v4 =	vadd.f32 v6, v4;
	v6 =	vmul.f32 v1, v25;
	v25 =	vld [tilespmem:$0x1F7C0]  }
0x464: {  	v2 =	vadd.f32 v5, v2;
	v5 =	vmul.f32 v63, v10;
	v63 =	vld [tilespmem:$0x1F860]  }
0x465: {  	v1 =	vld [tilespmem:$0x1F870]  }
0x466: {  	v3 =	vadd.f32 v8, v3;
	v8 =	vmul.f32 v28, v18;
	v28 =	vld [tilespmem:$0x1F8E0]  }
0x467: {  	v4 =	vadd.f32 v6, v4;
	v6 =	vmul.f32 v27, v10;
	v10 =	vld [tilespmem:$0x1F880]  }
0x468: {  	v27 =	vld [tilespmem:$0x1F8D0]  }
0x469: {  	v0 =	vadd.f32 v7, v0;
	v7 =	vmul.f32 v26, v11;
	v26 =	vld [tilespmem:$0x1F8C0]  }
0x46a: {  	v4 =	vadd.f32 v6, v4;
	v6 =	vmul.f32 v30, v11;
	v11 =	vld [tilespmem:$0x1F890]  }
0x46b: {  	v0 =	vadd.f32 v5, v0;
	v30 =	vld [tilespmem:$0x1F900]  }
0x46c: {  	v5 =	vmul.f32 v25, v16;
	v25 =	vld [tilespmem:$0x1F8B0]  }
0x46d: {  	v0 =	vadd.f32 v7, v0;
	v7 =	vmul.f32 v32, v13;
	v32 =	vld [tilespmem:$0x1F920]  }
0x46e: {  	v4 =	vadd.f32 v6, v4;
	v6 =	vmul.f32 v54, v61;
	v54 =	vld [tilespmem:$0x1F960]  }
0x46f: {  	v2 =	vadd.f32 v5, v2;
	v5 =	vmul.f32 v29, v61;
	v61 =	vld [tilespmem:$0x1F850]  }
0x470: {  	v29 =	vld [tilespmem:$0x1F8F0]  }
0x471: {  	v4 =	vadd.f32 v6, v4;
	v6 =	vmul.f32 v1, v13;
	v13 =	vld [tilespmem:$0x1F8A0]  }
0x472: {  	v1 =	vld [tilespmem:$0x1F990];
	v0 =	vadd.f32 v5, v0;
	v5 =	vmul.f32 v31, v15  }
0x473: {  	v31 =	vld [tilespmem:$0x1F910]  }
0x474: {  	v2 =	vadd.f32 v5, v2;
	v5 =	vmul.f32 v63, v12;
	v63 =	vld [tilespmem:$0x1F980]  }
0x475: {  	v0 =	vadd.f32 v7, v0;
	v7 =	vmul.f32 v11, v45;
	v11 =	vld [tilespmem:$0x1F9C0]  }
0x476: {  	v3 =	vadd.f32 v8, v3;
	v8 =	vmul.f32 v61, v17;
	v61 =	vld [tilespmem:$0x1F970]  }
0x477: {  	v0 =	vadd.f32 v5, v0;
	v5 =	vmul.f32 v10, v14;
	v10 =	vld [tilespmem:$0x1F9B0]  }
0x478: {  	v4 =	vadd.f32 v6, v4;
	v6 =	vmul.f32 v13, v12;
	v12 =	vld [tilespmem:$0x1F9D0]  }
0x479: {  	v13 =	vld [tilespmem:$0x1F9E0]  }
0x47a: {  	v3 =	vadd.f32 v8, v3;
	v8 =	vmul.f32 v25, v16;
	v25 =	vld [tilespmem:$0x1F9F0]  }
0x47b: {  	v4 =	vadd.f32 v6, v4;
	v6 =	vmul.f32 v27, v45;
	v45 =	vld [tilespmem:$0x1F930]  }
0x47c: {  	v2 =	vadd.f32 v5, v2;
	v5 =	vmul.f32 v26, v46;
	v26 =	vld [tilespmem:$0x1FA00]  }
0x47d: {  	v27 =	vld [tilespmem:$0x1FA10]  }
0x47e: {  	v0 =	vadd.f32 v7, v0;
	v7 =	vmul.f32 v29, v51;
	v29 =	vld [tilespmem:$0x1FA30]  }
0x47f: {  	v3 =	vadd.f32 v8, v3;
	v8 =	vmul.f32 v31, v15;
	v31 =	vld [tilespmem:$0x1FA50]  }
0x480: {  	v4 =	vadd.f32 v6, v4;
	v6 =	vmul.f32 v30, v46;
	v46 =	vld [tilespmem:$0x1F940]  }
0x481: {  	v0 =	vadd.f32 v5, v0;
	v5 =	vmul.f32 v28, v41;
	v28 =	vld [tilespmem:$0x1FA20]  }
0x482: {  	v30 =	vld [tilespmem:$0x1FA40]  }
0x483: {  	v3 =	vadd.f32 v8, v3;
	v8 =	vmul.f32 v61, v14;
	v61 =	vld [tilespmem:$0x1FAD0]  }
0x484: {  	v2 =	vadd.f32 v5, v2;
	v5 =	vmul.f32 v32, v57;
	v32 =	vld [tilespmem:$0x1FA60]  }
0x485: {  	v4 =	vadd.f32 v6, v4;
	v6 =	vmul.f32 v45, v51;
	v51 =	vld [tilespmem:$0x1F950]  }
0x486: {  	v0 =	vadd.f32 v7, v0;
	v3 =	vadd.f32 v8, v3;
	v8 =	vld [tilespmem:$0x1F9A0]  }
0x487: {  	v45 =	vld [tilespmem:$0x1FA70]  }
0x488: {  	v0 =	vadd.f32 v5, v0;
	v5 =	vmul.f32 v46, v39;
	v46 =	vld [tilespmem:$0x1FA80]  }
0x489: {  	v4 =	vadd.f32 v6, v4;
	v6 =	vmul.f32 v54, v57;
	v54 =	vld [tilespmem:$0x1FAA0]  }
0x48a: {  	v57 =	vld [tilespmem:$0x1FAB0]  }
0x48b: {  	v2 =	vadd.f32 v5, v2;
	v5 =	vmul.f32 v63, v62;
	v63 =	vld [tilespmem:$0x1FAF0]  }
0x48c: {  	v4 =	vadd.f32 v6, v4;
	v6 =	vmul.f32 v1, v60;
	v1 =	vld [tilespmem:$0x1FB00]  }
0x48d: {  	v7 =	vmul.f32 v51, v60;
	v51 =	vld [tilespmem:$0x1FA90]  }
0x48e: {  	v60 =	vld [tilespmem:$0x1FAC0]  }
0x48f: {  	v4 =	vadd.f32 v6, v4;
	v6 =	vmul.f32 v11, v62;
	v62 =	vld [tilespmem:$0x1FAE0]  }
0x490: {  	v11 =	vld [tilespmem:$0x1FB20]  }
0x491: {  	v0 =	vadd.f32 v7, v0;
	v7 =	vmul.f32 v10, v24;
	v10 =	vld [tilespmem:$0x1FB10]  }
0x492: {  	v4 =	vadd.f32 v6, v4;
	v6 =	vmul.f32 v25, v24;
	v24 =	vld [tilespmem:$0x1FBA0]  }
0x493: {  	v25 =	vld [tilespmem:$0x1FBB0]  }
0x494: {  	v0 =	vadd.f32 v5, v0;
	v5 =	vmul.f32 v8, v36;
	v8 =	vmul.f32 v12, v41;
	v12 =	vld [tilespmem:$0x1FB30]  }
0x495: {  	v4 =	vadd.f32 v6, v4;
	v6 =	vmul.f32 v28, v23;
	v28 =	vld [tilespmem:$0x1FBE0]  }
0x496: {  	v2 =	vadd.f32 v5, v2;
	v5 =	vmul.f32 v13, v23;
	v13 =	vld [tilespmem:$0x1FB40]  }
0x497: {  	v23 =	vld [tilespmem:$0x1FB90]  }
0x498: {  	v0 =	vadd.f32 v7, v0;
	v7 =	vmul.f32 v27, v22;
	v27 =	vld [tilespmem:$0x1FBD0]  }
0x499: {  	v3 =	vadd.f32 v8, v3;
	v8 =	vmul.f32 v29, v39;
	v29 =	vld [tilespmem:$0x1FBF0]  }
0x49a: {  	v4 =	vadd.f32 v6, v4;
	v6 =	vmul.f32 v31, v22;
	v22 =	vld [tilespmem:$0x1FB80]  }
0x49b: {  	v31 =	vld [tilespmem:$0x1FC10]  }
0x49c: {  	v0 =	vadd.f32 v5, v0;
	v5 =	vmul.f32 v26, v40;
	v3 =	vadd.f32 v8, v3;
	v26 =	vld [tilespmem:$0x1FBC0]  }
0x49d: {  	v8 =	vmul.f32 v51, v36;
	v51 =	vld [tilespmem:$0x1FC30];
	v4 =	vadd.f32 v6, v4;
	v6 =	vmul.f32 v46, v21  }
0x49e: {  	v2 =	vadd.f32 v5, v2;
	v0 =	vadd.f32 v7, v0;
	v5 =	vmul.f32 v30, v21;
	v21 =	vld [tilespmem:$0x1FB70]  }
0x49f: {  	v30 =	vld [tilespmem:$0x1FC00];
	v4 =	vadd.f32 v6, v4;
	v6 =	vmul.f32 v57, v52  }
0x4a0: {  	v7 =	vmul.f32 v45, v52;
	v45 =	vld [tilespmem:$0x1FC20];
	v0 =	vadd.f32 v5, v0  }
0x4a1: {  	v5 =	vmul.f32 v32, v42;
	v4 =	vadd.f32 v6, v4;
	v6 =	vmul.f32 v62, v20;
	v62 =	vld [tilespmem:$0x1FC60]  }
0x4a2: {  	v52 =	vmul.f32 v51, v41;
	v51 =	vld [tilespmem:$0x1FD60]  }
0x4a3: {  	v2 =	vadd.f32 v5, v2;
	v0 =	vadd.f32 v7, v0;
	v5 =	vmul.f32 v54, v20;
	v20 =	vld [tilespmem:$0x1FB60]  }
0x4a4: {  	v7 =	vmul.f32 v61, v19;
	v54 =	vld [tilespmem:$0x1FC40]  }
0x4a5: {  	v4 =	vadd.f32 v6, v4;
	v6 =	vmul.f32 v10, v19;
	v19 =	vld [tilespmem:$0x1FB50];
	v0 =	vadd.f32 v5, v0  }
0x4a6: {  	v3 =	vadd.f32 v8, v3;
	v8 =	vmul.f32 v63, v40;
	v5 =	vmul.f32 v60, v44;
	v60 =	vld [tilespmem:$0x1FC50]  }
0x4a7: {  	v4 =	vadd.f32 v6, v4;
	v0 =	vadd.f32 v7, v0;
	v7 =	vmul.f32 v12, v17;
	v12 =	vld [tilespmem:$0x1FC70]  }
0x4a8: {  	v6 =	vmul.f32 v13, v18;
	v2 =	vadd.f32 v5, v2;
	v5 =	vmul.f32 v1, v18;
	v18 =	vld [tilespmem:$0x1FCA0]  }
0x4a9: {  	v46 =	vmul.f32 v45, v39;
	v63 =	vmul.f32 v62, v39;
	v39 =	vld [tilespmem:$0x1FD20]  }
0x4aa: {  	v62 =	vld [tilespmem:$0x1FD90];
	v4 =	vadd.f32 v6, v4;
	v6 =	vmul.f32 v21, v17  }
0x4ab: {  	v57 =	vmul.f32 v54, v37;
	v54 =	vld [tilespmem:$0x1FD70];
	v0 =	vadd.f32 v5, v0  }
0x4ac: {  	v5 =	vmul.f32 v11, v48;
	v4 =	vadd.f32 v6, v4;
	v6 =	vmul.f32 v24, v16;
	v24 =	vld [tilespmem:$0x1FCD0]  }
0x4ad: {  	v3 =	vadd.f32 v8, v3;
	v61 =	vmul.f32 v60, v36;
	v60 =	vld [tilespmem:$0x1FD80]  }
0x4ae: {  	v8 =	vmul.f32 v19, v42;
	v2 =	vadd.f32 v5, v2;
	v5 =	vmul.f32 v20, v16;
	v16 =	vld [tilespmem:$0x1FC90]  }
0x4af: {  	v20 =	vld [tilespmem:$0x1FCB0]  }
0x4b0: {  	v0 =	vadd.f32 v7, v0;
	v3 =	vadd.f32 v8, v3;
	v13 =	vmul.f32 v12, v9;
	v12 =	vld [tilespmem:$0x1FDA0]  }
0x4b1: {  	v4 =	vadd.f32 v6, v4;
	v6 =	vmul.f32 v27, v15;
	v19 =	vmul.f32 v18, v34;
	v18 =	vld [tilespmem:$0x1FDD0]  }
0x4b2: {  	v8 =	vmul.f32 v25, v44;
	v0 =	vadd.f32 v5, v0;
	v5 =	vmul.f32 v22, v9;
	v22 =	vld [tilespmem:$0x1FCC0]  }
0x4b3: {  	v32 =	vmul.f32 v31, v48;
	v4 =	vadd.f32 v6, v4;
	v6 =	vmul.f32 v30, v14;
	v30 =	vld [tilespmem:$0x1FD00]  }
0x4b4: {  	v3 =	vadd.f32 v8, v3;
	v2 =	vadd.f32 v5, v2;
	v5 =	vmul.f32 v26, v14;
	v14 =	vld [tilespmem:$0x1FC80]  }
0x4b5: {  	v7 =	vmul.f32 v23, v15;
	v26 =	vld [tilespmem:$0x1FCE0]  }
0x4b6: {  	v3 =	vadd.f32 v32, v3;
	v32 =	vld [tilespmem:$0x1FD10]  }
0x4b7: {  	v0 =	vadd.f32 v7, v0;
	v7 =	vmul.f32 v29, v41;
	v41 =	vld [tilespmem:$0x1FD30]  }
0x4b8: {  	v25 =	vmul.f32 v24, v56;
	v24 =	vld [tilespmem:$0x1FE00]  }
0x4b9: {  	v4 =	vadd.f32 v6, v4;
	v17 =	vmul.f32 v16, v36;
	v16 =	vld [tilespmem:$0x1FDC0]  }
0x4ba: {  	v21 =	vmul.f32 v20, v42;
	v20 =	vld [tilespmem:$0x1FDE0];
	v0 =	vadd.f32 v5, v0  }
0x4bb: {  	v5 =	vmul.f32 v28, v56;
	v3 =	vadd.f32 v13, v3;
	v28 =	vld [tilespmem:$0x1FCF0];
	v4 =	vadd.f32 v52, v4  }
0x4bc: {  	v13 =	vmul.f32 v12, v37;
	v23 =	vmul.f32 v22, v40;
	v22 =	vld [tilespmem:$0x1FDF0];
	v0 =	vadd.f32 v7, v0  }
0x4bd: {  	v52 =	vmul.f32 v51, v33;
	v51 =	vld [tilespmem:$0x1FEB0];
	v2 =	vadd.f32 v5, v2;
	v4 =	vadd.f32 v63, v4  }
0x4be: {  	v31 =	vmul.f32 v30, v35;
	v30 =	vld [tilespmem:$0x1FE30];
	v15 =	vmul.f32 v14, v40;
	v0 =	vadd.f32 v46, v0  }
0x4bf: {  	v27 =	vmul.f32 v26, v44;
	v40 =	vmul.f32 v39, v44;
	v44 =	vld [tilespmem:$0x1FD40];
	v4 =	vadd.f32 v17, v4  }
0x4c0: {  	v3 =	vadd.f32 v25, v3;
	v36 =	vmul.f32 v32, v48;
	v46 =	vld [tilespmem:$0x1FD50];
	v0 =	vadd.f32 v61, v0  }
0x4c1: {  	v63 =	vmul.f32 v62, v34;
	v14 =	vld [tilespmem:$0x1FDB0];
	v29 =	vmul.f32 v28, v42;
	v4 =	vadd.f32 v23, v4  }
0x4c2: {  	v25 =	vmul.f32 v24, v35;
	v26 =	vld [tilespmem:$0x1FE10];
	v2 =	vadd.f32 v57, v2;
	v0 =	vadd.f32 v15, v0  }
0x4c3: {  	v32 =	vld [tilespmem:$0x1FE40];
	v57 =	vmul.f32 v54, v56;
	v42 =	vmul.f32 v41, v37;
	v4 =	vadd.f32 v29, v4  }
0x4c4: {  	v62 =	vld [tilespmem:$0x1FF20];
	v17 =	vmul.f32 v16, v50;
	v2 =	vadd.f32 v19, v2;
	v0 =	vadd.f32 v21, v0  }
0x4c5: {  	v54 =	vld [tilespmem:$0x1FEC0];
	v61 =	vmul.f32 v60, v9;
	v48 =	vmul.f32 v46, v48;
	v4 =	vadd.f32 v40, v4  }
0x4c6: {  	v28 =	vld [tilespmem:$0x1FE20];
	v19 =	vmul.f32 v18, v34;
	vm6 =	vgt.f32 v51, v58;
	v0 =	vadd.f32 v27, v0  }
0x4c7: {  	v16 =	vld [tilespmem:$0x1FF40];
	v3 =	vadd.f32 v42, v3;
	v23 =	vmul.f32 v22, v35;
	v4 =	vadd.f32 v48, v4  }
0x4c8: {  	v60 =	vld [tilespmem:$0x1FF00];
	v1 =	vsel vm6, v51, v58;
	v45 =	vmul.f32 v44, v9;
	v0 =	vadd.f32 v36, v0  }
0x4c9: {  	v42 =	vld [tilespmem:$0x1FE80];
	v2 =	vadd.f32 v31, v2;
	v15 =	vmul.f32 v14, v56;
	v4 =	vadd.f32 v61, v4  }
0x4ca: {  	v22 =	vld [tilespmem:$0x1FF90];
	v31 =	vmul.f32 v30, v33;
	v14 =	vimm.s32 $0x0;
	v0 =	vadd.f32 v45, v0  }
0x4cb: {  	v3 =	vadd.f32 v63, v3;
	v21 =	vmul.f32 v20, v37;
	v37 =	vld [tilespmem:$0x1FE60];
	v4 =	vadd.f32 v15, v4  }
0x4cc: {  	v6 =	vmul.f32 v54, v38;
	v2 =	vadd.f32 v52, v2;
	v40 =	vld [tilespmem:$0x1FE70];
	v0 =	vadd.f32 v57, v0  }
0x4cd: {  	v27 =	vmul.f32 v26, v34;
	v34 =	vmul.f32 v32, v35;
	v35 =	vld [tilespmem:$0x1FE50];
	v4 =	vadd.f32 v21, v4  }
0x4ce: {  	v29 =	vmul.f32 v28, v38;
	v52 =	vsel vm0, $0x1, v14;
	v48 =	vld [tilespmem:$0x1FEA0];
	v0 =	vadd.f32 v13, v0  }
0x4cf: {  	v56 =	vld [tilespmem:$0x1FED0];
	v3 =	vadd.f32 v23, v3;
	v5 =	vsel vm1, $0x2, v52;
	v4 =	vadd.f32 v27, v4  }
0x4d0: {  	v18 =	vld [tilespmem:$0x1FF60];
	v2 =	vadd.f32 v17, v2;
	v44 =	vmul.f32 v42, v50;
	v0 =	vadd.f32 v19, v0  }
0x4d1: {  	v5 =	vsel vm2, $0x3, v5;
	v41 =	vmul.f32 v40, v33;
	v45 =	vld [tilespmem:$0x1FE90];
	v4 =	vadd.f32 v34, v4  }
0x4d2: {  	v58 =	vld [tilespmem:$0x1FEF0];
	v9 =	vmul.f32 v22, v38;
	v39 =	vmul.f32 v37, v50;
	v0 =	vadd.f32 v25, v0  }
0x4d3: {  	v36 =	vmul.f32 v35, v33;
	v50 =	vmul.f32 v48, v50;
	v57 =	vld [tilespmem:$0x1FEE0];
	v4 =	vadd.f32 v41, v4  }
0x4d4: {  	v30 =	vld [tilespmem:$0x1FFE0];
	v7 =	vmul.f32 v56, v38;
	v2 =	vadd.f32 v29, v2;
	v0 =	vadd.f32 v31, v0  }
0x4d5: {  	v5 =	vsel vm3, $0x4, v5;
	v61 =	vld [tilespmem:$0x1FF10];
	v3 =	vadd.f32 v36, v3;
	v4 =	vadd.f32 v50, v4  }
0x4d6: {  	v5 =	vsel vm4, $0x5, v5;
	v15 =	vld [tilespmem:$0x1FF30];
	v46 =	vmul.f32 v45, v38;
	v0 =	vadd.f32 v39, v0  }
0x4d7: {  	v20 =	vld [tilespmem:$0x1FF80];
	v3 =	vadd.f32 v44, v3;
	v4 =	vadd.f32 v6, v4;
	v6 =	vmul.f32 v58, v43  }
0x4d8: {  	v23 =	vld [tilespmem:$0x1FFA0];
	v5 =	vsel vm5, $0x6, v5;
	v8 =	vmul.f32 v57, v43;
	v0 =	vadd.f32 v46, v0  }
0x4d9: {  	v19 =	vld [tilespmem:$0x1FF70];
	v3 =	vadd.f32 v7, v3;
	v4 =	vadd.f32 v6, v4;
	v6 =	vmul.f32 v60, v47  }
0x4da: {  	s19 =	sand.u32 $0xE, s17;
	v26 =	vld [tilespmem:$0x1FFC0];
	v7 =	vmul.f32 v61, v43;
	v0 =	vadd.f32 v8, v0;
	v8 =	vmul.f32 v62, v47  }
0x4db: {  	[tilespmem:s19+$0x7900] =	vst v1;
	v13 =	vsel vm6, $0x7, v5;
	v5 =	vmul.f32 v15, v43;
	v25 =	vld [tilespmem:$0x1FFB0];
	v63 =	vadd.f32 v6, v4  }
0x4dc: {  	v17 =	vld [tilespmem:$0x1FF50];
	[tilespmem:s19+$0x7980] =	vst v13;
	v3 =	vadd.f32 v7, v3;
	v4 =	vmul.f32 v16, v47;
	v0 =	vadd.f32 v8, v0  }
0x4dd: {  	v28 =	vld [tilespmem:$0x1FFD0];
	v9 =	vadd.f32 v9, v55;
	v2 =	vadd.f32 v5, v2;
	v6 =	vmul.f32 v18, v43;
	[tilespmem:$0x7800] =	vst v63  }
0x4de: {  	v7 =	vmul.f32 v19, v43;
	v8 =	vmul.f32 v20, v47;
	v3 =	vadd.f32 v4, v3;
	[tilespmem:$0x7820] =	vst v0;
	v21 =	vld [tilespmem:$0x7808]  }
0x4df: {  	v10 =	vmul.f32 v23, v47;
	v12 =	vmul.f32 v26, v43;
	v6 =	vadd.f32 v6, v53;
	v24 =	vld [tilespmem:$0x7828]  }
0x4e0: {  	v33 =	vld [tilespmem:$0x1FFF0];
	v7 =	vadd.f32 v7, v49;
	v2 =	vadd.f32 v8, v2;
	v8 =	vmul.f32 v25, v47;
	[tilespmem:$0x7840] =	vst v3  }
0x4e1: {  	v5 =	vmul.f32 v17, v38;
	v6 =	vadd.f32 v10, v6;
	v27 =	vld [tilespmem:$0x7848]  }
0x4e2: {  	v29 =	vadd.f32 v12, v9;
	v9 =	vmul.f32 v30, v47;
	v7 =	vadd.f32 v8, v7;
	[tilespmem:$0x7860] =	vst v2  }
0x4e3: {  	v13 =	vmul.f32 v28, v43;
	v5 =	vadd.f32 v5, v59;
	[tilespmem:$0x7880] =	vst v6;
	v31 =	vld [tilespmem:$0x7868];
	v1 =	vadd.f32 v21, v63  }
0x4e4: {  	[tilespmem:$0x78A0] =	vst v7;
	v32 =	vld [tilespmem:$0x7888];
	v0 =	vadd.f32 v24, v0  }
0x4e5: {  	v12 =	vmul.f32 v33, v47;
	v5 =	vadd.f32 v13, v5;
	v8 =	vadd.f32 v9, v29;
	v34 =	vld [tilespmem:$0x78A8];
	[tilespmem:$0x7800] =	vst v1  }
0x4e6: {  	v3 =	vadd.f32 v27, v3;
	[tilespmem:$0x7820] =	vst v0;
	v35 =	vld [tilespmem:$0x7804]  }
0x4e7: {  	v5 =	vadd.f32 v12, v5;
	[tilespmem:$0x78C0] =	vst v8;
	v36 =	vld [tilespmem:$0x7824]  }
0x4e8: {  	v37 =	vld [tilespmem:$0x78C8];
	v2 =	vadd.f32 v31, v2;
	[tilespmem:$0x7840] =	vst v3  }
0x4e9: {  	[tilespmem:$0x78E0] =	vst v5;
	v6 =	vadd.f32 v32, v6;
	v38 =	vld [tilespmem:$0x7844]  }
0x4ea: {  	v39 =	vld [tilespmem:$0x78E8];
	[tilespmem:$0x7860] =	vst v2;
	v7 =	vadd.f32 v34, v7  }
0x4eb: {  	[tilespmem:$0x7880] =	vst v6;
	v40 =	vld [tilespmem:$0x7864];
	v1 =	vadd.f32 v35, v1  }
0x4ec: {  	[tilespmem:$0x78A0] =	vst v7;
	v41 =	vld [tilespmem:$0x7884];
	v0 =	vadd.f32 v36, v0  }
0x4ed: {  	v4 =	vadd.f32 v37, v8;
	v42 =	vld [tilespmem:$0x78A4];
	[tilespmem:$0x7800] =	vst v1  }
0x4ee: {  	v3 =	vadd.f32 v38, v3;
	[tilespmem:$0x7820] =	vst v0;
	v43 =	vld [tilespmem:$0x7802]  }
0x4ef: {  	v5 =	vadd.f32 v39, v5;
	[tilespmem:$0x78C0] =	vst v4;
	v44 =	vld [tilespmem:$0x7822]  }
0x4f0: {  	v45 =	vld [tilespmem:$0x78C4];
	v2 =	vadd.f32 v40, v2;
	[tilespmem:$0x7840] =	vst v3  }
0x4f1: {  	[tilespmem:$0x78E0] =	vst v5;
	v6 =	vadd.f32 v41, v6;
	v46 =	vld [tilespmem:$0x7842]  }
0x4f2: {  	v47 =	vld [tilespmem:$0x78E4];
	[tilespmem:$0x7860] =	vst v2;
	v7 =	vadd.f32 v42, v7  }
0x4f3: {  	[tilespmem:$0x7880] =	vst v6;
	v48 =	vld [tilespmem:$0x7862];
	v1 =	vadd.f32 v43, v1  }
0x4f4: {  	[tilespmem:$0x78A0] =	vst v7;
	v49 =	vld [tilespmem:$0x7882];
	v0 =	vadd.f32 v44, v0  }
0x4f5: {  	v4 =	vadd.f32 v45, v4;
	v50 =	vld [tilespmem:$0x78A2];
	[tilespmem:$0x7800] =	vst v1  }
0x4f6: {  	v3 =	vadd.f32 v46, v3;
	[tilespmem:$0x7820] =	vst v0;
	v51 =	vld [tilespmem:$0x7801]  }
0x4f7: {  	v5 =	vadd.f32 v47, v5;
	[tilespmem:$0x78C0] =	vst v4;
	v52 =	vld [tilespmem:$0x7821]  }
0x4f8: {  	v53 =	vld [tilespmem:$0x78C2];
	v2 =	vadd.f32 v48, v2;
	[tilespmem:$0x7840] =	vst v3  }
0x4f9: {  	[tilespmem:$0x78E0] =	vst v5;
	v54 =	vld [tilespmem:$0x7841]  }
0x4fa: {  	v55 =	vld [tilespmem:$0x78E2];
	v6 =	vadd.f32 v49, v6;
	[tilespmem:$0x7860] =	vst v2  }
0x4fb: {  	v7 =	vadd.f32 v50, v7;
	v56 =	vld [tilespmem:$0x7861]  }
0x4fc: {  	[tilespmem:$0x7880] =	vst v6;
	v1 =	vadd.f32 v51, v1;
	v0 =	vadd.f32 v52, v0  }
0x4fd: {  	v57 =	vld [tilespmem:$0x7881]  }
0x4fe: {  	v4 =	vadd.f32 v53, v4;
	[tilespmem:$0x78A0] =	vst v7;
	v3 =	vadd.f32 v54, v3;
	vm9 =	vgt.f32 v0, v1  }
0x4ff: {  	v58 =	vld [tilespmem:$0x78A1];
	v0 =	vsel vm9, v0, v1  }
0x500: {  	v5 =	vadd.f32 v55, v5;
	[tilespmem:$0x78C0] =	vst v4;
	v2 =	vadd.f32 v56, v2;
	vm10 =	vgt.f32 v3, v0  }
0x501: {  	v59 =	vld [tilespmem:$0x78C1];
	v0 =	vsel vm10, v3, v0  }
0x502: {  	[tilespmem:$0x78E0] =	vst v5;
	v6 =	vadd.f32 v57, v6;
	vm11 =	vgt.f32 v2, v0  }
0x503: {  	v60 =	vld [tilespmem:$0x78E1];
	v0 =	vsel vm11, v2, v0  }
0x504: {  	v1 =	vadd.f32 v58, v7;
	vm12 =	vgt.f32 v6, v0  }
0x505: {  	v0 =	vsel vm12, v6, v0  }
0x506: {  	v61 =	vsel vm9, $0x1, v14;
	v3 =	vadd.f32 v59, v4;
	vm13 =	vgt.f32 v1, v0  }
0x507: {  	v62 =	vsel vm10, $0x2, v61;
	v0 =	vsel vm13, v1, v0  }
0x508: {  	v2 =	vadd.f32 v60, v5;
	v1 =	vsel vm11, $0x3, v62;
	vm14 =	vgt.f32 v3, v0  }
0x509: {  	v1 =	vsel vm12, $0x4, v1;
	v0 =	vsel vm14, v3, v0  }
0x50a: {  	v1 =	vsel vm13, $0x5, v1;
	vm15 =	vgt.f32 v2, v0  }
0x50b: {  	v1 =	vsel vm14, $0x6, v1;
	v0 =	vsel vm15, v2, v0  }
0x50c: {  	v63 =	vsel vm15, $0x7, v1;
	[tilespmem:s19+$0x7901] =	vst v0  }
0x50d: {  	p1 =	sne.s32 s19, $0xE;
	[tilespmem:s19+$0x7981] =	vst v63  }
0x50e: {  	v0 =	vld @!p1 [tilespmem:$0x7900];
	_ =	sdelay $0x4  }
0x50f: {  	[tilespmem:s15+$0x0] =	vst @!p1 v0  }
0x510: {  	v0 =	vld @!p1 [tilespmem:$0x7980];
	_ =	sdelay $0x3  }
0x511: {  	s17 =	sadd.s32 $0x2, s17  }
0x512: {  	[tilespmem:s16+$0x0] =	vst @!p1 v0;
	p1 =	sne.s32 s17, $0x20  }
.Ltmp2:
0x513: {  	_ = 	snop;
	(pc) =	sbr.rel @p1 .LBB2_7-.Ltmp2, $2  }
0x514: {  	_ =	sdelay $0x2  }
0x515: {  	s18 =	sadd.s32 $0x600, s18;
	s15 =	sadd.s32 $0x2, s15;
	s16 =	sadd.s32 $0x2, s16  }
.Ltmp3:
0x516: {  	(pc) =	sbr.rel @p0 .LBB2_4-.Ltmp3, $2  }
0x517: {  	_ =	sdelay $0x2  }
0x518: {  	s15 =	simm.s32 $0x20;
	p1 =	por $0x0, $0x0  }
0x519: {  	[hbm4b:s6+s3] =	stream.linear.scatter [tilespmem:s11], [sflag:$0x1], $0x40, $0x38;
	[tilespmem:$0x7B00] =	vst v63  }
0x51a: {  	s13 =	sadd.s32 $0x1, s13;
	_ =	swait.ge [sflag:s10], $0x40  }
0x51b: {  	p0 =	sne.s32 s13, s8;
	[sflag:s10] =	ssyncset.done $0x0  }
.Ltmp4:
0x51c: {  	[sflag:s10] =	ssyncadd.s32 $0xFFFFFFC0;
	(pc) =	sbr.rel @p0 .LBB2_1-.Ltmp4, $4  }
0x51d: {  	[hbm4b:s7+s3] =	stream.linear.scatter [tilespmem:s12], [sflag:$0x1], $0x40, $0x38;
	[tilespmem:$0x7B00] =	vst v63  }
0x51e: {  	_ =	swait.ge [sflag:s10], $0x40  }
0x51f: {  	[sflag:s10] =	ssyncset.done $0x0  }
0x520: {  	[sflag:s10] =	ssyncadd.s32 $0xFFFFFFC0  }
0x521: {  	_ =	sfence.sel $0x180000  }
0x522: {  	[bflag:$0x0] =	sbarrier.arrive $0xFFFF  }
0x523: {  	p0 =	sne.s32 s1, $0x0;
	_ =	strace $0x90000047  }
0x524: {  	s0 =	sadd.s32 @!p0 $0x100000, s0;
	[bflag:$0x2] =	sbarrier.arrive $0xFFFF  }
0x525: {  	[sflag:s0] =	ssyncadd.tile.s32 @!p0 $0x1;
	_ =	shalt  }
.Lfunc_end2:
_tile_overlayer_lowered:
.L_overlay_start_2:
0x526: {  	(tag) =	ssettag $0x2  }
0x527: {  	s0 =	rddreg [dreg:$0x0];
	s2 =	stileid.u32  }
0x528: {  	s1 =	rddreg [dreg:$0x1];
	p0 =	sne.s32 s2, $0x0  }
0x529: {  	s3 =	rddreg [dreg:$0x2];
	[bflag:$0x3] =	sbarrier.arrive $0xFFFF;
	s2 =	simm.s32 @!p0 $0x1C01  }
0x52a: {  	[timem:s3], [sflag:s2] =	dma.local @!p0 [hbm:s0], s1  }
0x52b: {  	s0 =	simm.s32 @!p0 $0x1  }
0x52c: {  	_ =	swait.ge @!p0 [sflag:s0], s1  }
0x52d: {  	s1 =	ssub.s32 @!p0 $0x0, s1;
	[sflag:s0] =	ssyncset.done @!p0 $0x0  }
0x52e: {  	[sflag:s0] =	ssyncadd.s32 @!p0 s1  }
0x52f: {  	[bflag:$0x3] =	sbarrier.arrive $0xFFFF  }
0x530: {  	_ =	shalt  }

</sc_bundles>
